<compile_context>
chip_gen: v7x
topology: tpu7x:2x2x1
jax: 0.10.2.dev20260603
libtpu: 0.0.44.dev20260713+nightly
codegen_flags: <defaults>
</compile_context>

<pallas_src>
import functools

import jax
import jax.numpy as jnp
from jax import lax
from jax.experimental import pallas as pl
from jax.experimental.pallas import tpu as pltpu
from jax.experimental.pallas import tpu_sc as plsc

N_HEADS = 12
N_KV_HEADS = 4
N_EMBD = 768
N_EXPERTS = 8
EPS = 1e-06
HD = N_EMBD // N_HEADS
N_REP = N_HEADS // N_KV_HEADS
KV_D = N_KV_HEADS * HD
S = 2048
ST = 256
NT = S // ST


def _rms(x, w):
    return x * jax.lax.rsqrt(jnp.mean(x * x, axis=-1, keepdims=True) + EPS) * w


def _k1_body(x_ref, nw_ref, wq_ref, wk_ref, wv_ref, q_ref, k_ref, v_ref):
    h = _rms(x_ref[...], nw_ref[0])
    q_ref[...] = jnp.dot(h, wq_ref[...],
                         preferred_element_type=jnp.float32) * (1.0 / HD ** 0.5)
    k_ref[...] = jnp.dot(h, wk_ref[...], preferred_element_type=jnp.float32)
    v_ref[...] = jnp.dot(h, wv_ref[...], preferred_element_type=jnp.float32)


def _k23_body(prev_ref, q_ref, k_ref, v_ref, x_ref, wo_ref, fw_ref, gw_ref,
              h2_ref, self_ref, *, i):
    del prev_ref
    j_step = pl.program_id(0)
    KL = (2 * i + 2) * ST
    t_glob = 2 * i + j_step
    rows = t_glob * ST + jax.lax.broadcasted_iota(jnp.int32, (ST, KL), 0)
    cols = jax.lax.broadcasted_iota(jnp.int32, (ST, KL), 1)
    causal = cols <= rows
    ao = []
    for h in range(N_HEADS):
        q = q_ref[:, h * HD:(h + 1) * HD]
        kv = (h // N_REP) * HD
        k = k_ref[:, kv:kv + HD]
        s = jax.lax.dot_general(q, k, (((1,), (1,)), ((), ())),
                                preferred_element_type=jnp.float32)
        s = jnp.where(causal, s, -1e30)
        m = jnp.max(s, axis=-1, keepdims=True)
        p = jnp.exp(s - m)
        rl = 1.0 / jnp.sum(p, axis=-1, keepdims=True)
        ao.append(jnp.dot(p, v_ref[:, kv:kv + HD],
                          preferred_element_type=jnp.float32) * rl)
    aot = jnp.concatenate(ao, axis=1)
    h2 = jnp.dot(aot, wo_ref[...],
                 preferred_element_type=jnp.float32) + x_ref[...]
    h2_ref[...] = h2
    xn = _rms(h2, fw_ref[0])
    logits = jnp.dot(xn, gw_ref[...], preferred_element_type=jnp.float32)
    jj = jax.lax.broadcasted_iota(jnp.int32, logits.shape, 1)
    logits = jnp.where(jj < N_EXPERTS, logits, -1e30)
    mx = jnp.max(logits, axis=-1, keepdims=True)
    self_ref[0, 0] = jnp.min(jnp.where(logits == mx, jj, 2 ** 30),
                             axis=-1).astype(jnp.int32)



NC, NS, L = 2, 16, 16
NW = NC * NS
TPW = S // NW
TT = 128
NTT = S // TT


def _sc_hist_body(sel_hbm, hist_hbm, sel_v, hist_mine):
    w = lax.axis_index("s") * NC + lax.axis_index("c")
    base = w * TPW
    iota = lax.iota(jnp.int32, L)
    pltpu.sync_copy(sel_hbm.at[pl.ds(base, TPW)], sel_v)
    one = jnp.full((L,), 1, jnp.int32)
    onehot = [one - jnp.minimum(jnp.abs(iota - e), one)
              for e in range(N_EXPERTS)]
    hist = jnp.zeros((L,), jnp.int32)
    for c in range(TPW // L):
        s = sel_v[pl.ds(c * L, L)]
        for e in range(N_EXPERTS):
            ind = one - jnp.minimum(jnp.abs(s - e), one)
            hist = hist + onehot[e] * jnp.sum(ind)
    hist_mine[...] = hist
    pltpu.sync_copy(hist_mine, hist_hbm.at[w])


def _sc_route_body(sel_hbm, h2_hbm, hist_hbm, h2s_hbm, pos_hbm, off_hbm,
                   sel_v, pos_v, tmp_v, hist_all, rows_v, sem):
    w = lax.axis_index("s") * NC + lax.axis_index("c")
    base = w * TPW
    iota = lax.iota(jnp.int32, L)

    pltpu.sync_copy(sel_hbm.at[pl.ds(base, TPW)], sel_v)
    pltpu.sync_copy(hist_hbm, hist_all)

    one = jnp.full((L,), 1, jnp.int32)
    onehot = [one - jnp.minimum(jnp.abs(iota - e), one)
              for e in range(N_EXPERTS)]

    totals = jnp.zeros((L,), jnp.int32)
    prefw = jnp.zeros((L,), jnp.int32)
    for wp in range(NW):
        row = hist_all[wp]
        totals = totals + row
        lt = jnp.minimum(jnp.maximum(w - wp, 0), 1)
        prefw = prefw + row * lt
    excl = plsc.cumsum(totals) - totals
    offw = excl + prefw

    @pl.when(w == 0)
    def _():
        tmp_v[...] = excl
        pltpu.sync_copy(tmp_v, off_hbm)

    running = offw
    for c in range(TPW // L):
        s = sel_v[pl.ds(c * L, L)]
        pos_c = jnp.zeros((L,), jnp.int32)
        for e in range(N_EXPERTS):
            ind = one - jnp.minimum(jnp.abs(s - e), one)
            mc = plsc.cumsum(ind)
            start = jnp.sum(running * onehot[e])
            pos_c = pos_c + ind * (start + mc - 1)
            running = running + onehot[e] * jnp.sum(ind)
        pos_v[pl.ds(c * L, L)] = pos_c
    pltpu.sync_copy(pos_v, pos_hbm.at[pl.ds(base, TPW)])

    pltpu.sync_copy(h2_hbm.at[pl.ds(base, TPW)], rows_v)
    pltpu.async_copy(rows_v, h2s_hbm.at[pos_v], sem).wait()


def _sc_unsort_body(os_hbm, pos_hbm, out_hbm, idx_v, rows_v, sem):
    w = lax.axis_index("s") * NC + lax.axis_index("c")
    base = w * TPW
    pltpu.sync_copy(pos_hbm.at[pl.ds(base, TPW)], idx_v)
    pltpu.async_copy(os_hbm.at[idx_v], rows_v, sem).wait()
    pltpu.sync_copy(rows_v, out_hbm.at[pl.ds(base, TPW)])


def _sc_route(sel, h2):
    mesh = plsc.VectorSubcoreMesh(core_axis_name="c", subcore_axis_name="s")
    hist = pl.kernel(
        _sc_hist_body,
        out_type=jax.ShapeDtypeStruct((NW, L), jnp.int32),
        mesh=mesh,
        scratch_types=[
            pltpu.VMEM((TPW,), jnp.int32),
            pltpu.VMEM((L,), jnp.int32),
        ],
        compiler_params=pltpu.CompilerParams(needs_layout_passes=False),
    )(sel)
    f = pl.kernel(
        _sc_route_body,
        out_type=[
            jax.ShapeDtypeStruct((S, N_EMBD), jnp.float32),
            jax.ShapeDtypeStruct((S,), jnp.int32),
            jax.ShapeDtypeStruct((L,), jnp.int32),
        ],
        mesh=mesh,
        scratch_types=[
            pltpu.VMEM((TPW,), jnp.int32),
            pltpu.VMEM((TPW,), jnp.int32),
            pltpu.VMEM((L,), jnp.int32),
            pltpu.VMEM((NW, L), jnp.int32),
            pltpu.VMEM((TPW, N_EMBD), jnp.float32),
            pltpu.SemaphoreType.DMA,
        ],
        compiler_params=pltpu.CompilerParams(needs_layout_passes=False),
    )
    return f(sel, h2, hist)


def _sc_unsort(out_sorted, pos):
    mesh = plsc.VectorSubcoreMesh(core_axis_name="c", subcore_axis_name="s")
    f = pl.kernel(
        _sc_unsort_body,
        out_type=jax.ShapeDtypeStruct((S, N_EMBD), jnp.float32),
        mesh=mesh,
        scratch_types=[
            pltpu.VMEM((TPW,), jnp.int32),
            pltpu.VMEM((TPW, N_EMBD), jnp.float32),
            pltpu.SemaphoreType.DMA,
        ],
        compiler_params=pltpu.CompilerParams(needs_layout_passes=False),
    )
    return f(out_sorted, pos)


def _k4_body(off_ref, h2s_ref, w_ref, fw_ref, out_ref):
    e = pl.program_id(0)
    t = pl.program_id(1)
    t0 = t * TT
    start = off_ref[e]
    end = off_ref[e + 1]

    @pl.when(jnp.logical_and(start < t0 + TT, end > t0))
    def _():
        rows = h2s_ref[pl.ds(t0, TT), :]
        xn = _rms(rows, fw_ref[0])
        y = jnp.dot(xn, w_ref[0], preferred_element_type=jnp.float32)
        rid = t0 + jax.lax.broadcasted_iota(jnp.int32, (TT, 1), 0)
        mask = jnp.logical_and(rid >= start, rid < end)
        prev = out_ref[pl.ds(t0, TT), :]
        out_ref[pl.ds(t0, TT), :] = jnp.where(mask, rows + y, prev)


def kernel(x, attn_norm_w, wq, wk, wv, wo, ffn_norm_w, gate_w, expert_w):
    B, S_, C = x.shape
    x2 = x.reshape(S_, C)
    nw = attn_norm_w.reshape(1, C)
    fw = ffn_norm_w.reshape(1, C)
    gwp = jnp.pad(gate_w, ((0, 0), (0, 128 - N_EXPERTS)))

    q, k, v = pl.pallas_call(
        _k1_body,
        grid=(NT,),
        in_specs=[
            pl.BlockSpec((ST, C), lambda t: (t, 0)),
            pl.BlockSpec((1, C), lambda t: (0, 0)),
            pl.BlockSpec((C, C), lambda t: (0, 0)),
            pl.BlockSpec((C, KV_D), lambda t: (0, 0)),
            pl.BlockSpec((C, KV_D), lambda t: (0, 0)),
        ],
        out_specs=[
            pl.BlockSpec((ST, C), lambda t: (t, 0)),
            pl.BlockSpec((ST, KV_D), lambda t: (t, 0)),
            pl.BlockSpec((ST, KV_D), lambda t: (t, 0)),
        ],
        out_shape=[
            jax.ShapeDtypeStruct((S_, C), jnp.float32),
            jax.ShapeDtypeStruct((S_, KV_D), jnp.float32),
            jax.ShapeDtypeStruct((S_, KV_D), jnp.float32),
        ],
    )(x2, nw, wq, wk, wv)

    h2 = jnp.zeros((S_, C), jnp.float32)
    sel_parts = []
    for i in range(NT // 2):
        KL = (2 * i + 2) * ST
        h2, sel_i = pl.pallas_call(
            functools.partial(_k23_body, i=i),
            grid=(2,),
            in_specs=[
                pl.BlockSpec((8, 128), lambda j: (0, 0)),
                pl.BlockSpec((ST, C), lambda j, i=i: (2 * i + j, 0)),
                pl.BlockSpec((KL, KV_D), lambda j: (0, 0)),
                pl.BlockSpec((KL, KV_D), lambda j: (0, 0)),
                pl.BlockSpec((ST, C), lambda j, i=i: (2 * i + j, 0)),
                pl.BlockSpec((C, C), lambda j: (0, 0)),
                pl.BlockSpec((1, C), lambda j: (0, 0)),
                pl.BlockSpec((C, 128), lambda j: (0, 0)),
            ],
            out_specs=[
                pl.BlockSpec((ST, C), lambda j, i=i: (2 * i + j, 0)),
                pl.BlockSpec((1, 1, ST), lambda j: (j, 0, 0)),
            ],
            out_shape=[
                jax.ShapeDtypeStruct((S_, C), jnp.float32),
                jax.ShapeDtypeStruct((2, 1, ST), jnp.int32),
            ],
            input_output_aliases={0: 0},
        )(h2, q, k, v, x2, wo, fw, gwp)
        sel_parts.append(sel_i)

    sel = jnp.concatenate(sel_parts, axis=0).reshape(S_)
    h2s, pos, off = _sc_route(sel, h2)

    out_sorted = pl.pallas_call(
        _k4_body,
        grid_spec=pltpu.PrefetchScalarGridSpec(
            num_scalar_prefetch=1,
            grid=(N_EXPERTS, NTT),
            in_specs=[
                pl.BlockSpec((S_, C), lambda e, t, off_r: (0, 0)),
                pl.BlockSpec((1, C, C), lambda e, t, off_r: (e, 0, 0)),
                pl.BlockSpec((1, C), lambda e, t, off_r: (0, 0)),
            ],
            out_specs=pl.BlockSpec((S_, C), lambda e, t, off_r: (0, 0)),
        ),
        out_shape=jax.ShapeDtypeStruct((S_, C), jnp.float32),
    )(off, h2s, expert_w, fw)

    out = _sc_unsort(out_sorted, pos)

    return out.reshape(B, S_, C)

# --- scband reference (transcript-rebuilt; emitter-appended) ---
"""Pipeline reference for scband-transformer-block-72722386255908 (READ-ONLY COPY).

The authoritative reference and input builder live on the scoring server;
editing this copy changes nothing except your own understanding.
"""

import jax, jax.numpy as jnp
import numpy as np

N_HEADS = 12
N_KV_HEADS = 4
N_EMBD = 768
BLOCK = 2048
N_EXPERTS = 8
TOP_K = 1
EPS = 1e-06
B, S = 1, 2048


def setup_inputs(seed: int = 0) -> dict:
    key = jax.random.key(seed)
    ks = jax.random.split(key, 8)
    hd = N_EMBD // N_HEADS
    d = {}
    d["x"] = jax.random.normal(ks[0], (B, S, N_EMBD), dtype=jnp.float32)
    d["attn_norm_w"] = jnp.ones((N_EMBD,), dtype=jnp.float32)
    d["wq"] = jax.random.normal(ks[1], (N_EMBD, N_EMBD), dtype=jnp.float32) * 0.02
    d["wk"] = jax.random.normal(ks[2], (N_EMBD, N_KV_HEADS * hd), dtype=jnp.float32) * 0.02
    d["wv"] = jax.random.normal(ks[3], (N_EMBD, N_KV_HEADS * hd), dtype=jnp.float32) * 0.02
    d["wo"] = jax.random.normal(ks[4], (N_EMBD, N_EMBD), dtype=jnp.float32) * 0.02
    d["ffn_norm_w"] = jnp.ones((N_EMBD,), dtype=jnp.float32)
    d["gate_w"] = jax.random.normal(ks[5], (N_EMBD, N_EXPERTS), dtype=jnp.float32) * 0.02
    d["expert_w"] = jax.random.normal(ks[6], (N_EXPERTS, N_EMBD, N_EMBD), dtype=jnp.float32) * 0.02
    return d


def _rmsnorm(x, w):
    return x * jax.lax.rsqrt(jnp.mean(x * x, axis=-1, keepdims=True) + EPS) * w


def reference(x, attn_norm_w, wq, wk, wv, wo, ffn_norm_w, gate_w, expert_w):
    B_, S_, C = x.shape
    hd = C // N_HEADS
    n_rep = N_HEADS // N_KV_HEADS
    # --- attention branch ---
    h = _rmsnorm(x, attn_norm_w)
    xq = h @ wq
    xk = h @ wk
    xv = h @ wv
    xq = xq.reshape(B_, S_, N_HEADS, hd).transpose(0, 2, 1, 3)
    xk = xk.reshape(B_, S_, N_KV_HEADS, hd)
    xv = xv.reshape(B_, S_, N_KV_HEADS, hd)
    xk = jnp.repeat(xk, n_rep, axis=2).transpose(0, 2, 1, 3)
    xv = jnp.repeat(xv, n_rep, axis=2).transpose(0, 2, 1, 3)
    attn = (xq @ xk.transpose(0, 1, 3, 2)) * (1.0 / hd ** 0.5)
    mask = jnp.tril(jnp.ones((S_, S_), dtype=jnp.float32))[None, None, :, :]
    attn = jnp.where(mask == 0, jnp.float32(-jnp.inf), attn)
    attn = jax.nn.softmax(attn, axis=-1)
    out = (attn @ xv).transpose(0, 2, 1, 3).reshape(B_, S_, C)
    r = out @ wo
    h2 = x + r
    # --- MoE feed-forward branch ---
    flat = _rmsnorm(h2, ffn_norm_w).reshape(B_ * S_, C)
    gate_logits = flat @ gate_w
    weights, selected = jax.lax.top_k(gate_logits, TOP_K)
    weights = jax.nn.softmax(weights.astype(jnp.float32), axis=1).astype(flat.dtype)
    results = jnp.zeros_like(flat)
    for i in range(N_EXPERTS):
        m = (selected == i).astype(flat.dtype)          # [N, top_k]
        wt = jnp.sum(weights * m, axis=1)               # [N]
        results = results + wt[:, None] * (flat @ expert_w[i])
    out2 = h2 + results.reshape(B_, S_, C)
    return out2

if __name__ == "__main__":
    import jax
    _d = setup_inputs()
    print(jax.jit(kernel)(*tuple(_d.values())))

</pallas_src>

<mosaic_0001>
#map = affine_map<(d0, d1) -> (0, 0)>
#map1 = affine_map<(d0, d1) -> (0)>
module attributes {stable_mosaic.version = 14 : i64} {
  func.func @_sc_unsort_body(%arg0: i32, %arg1: i32, %arg2: memref<2048x768xf32, #tpu.memory_space<hbm>>, %arg3: memref<2048xi32, #tpu.memory_space<hbm>>, %arg4: memref<2048x768xf32, #tpu.memory_space<hbm>>, %arg5: memref<64xi32, #tpu.memory_space<vmem>>, %arg6: memref<64x768xf32, #tpu.memory_space<vmem>>, %arg7: memref<!tpu.dma_semaphore, #tpu.memory_space<semaphore_mem>>) attributes {dimension_semantics = [#tpu.dimension_semantics<core_parallel>, #tpu.dimension_semantics<subcore_parallel>], iteration_bounds = array<i64: 2, 16>, scalar_prefetch = 0 : i64, scratch_operands = 3 : i64, tpu.core_type = #tpu.core_type<sc_vector_subcore>, window_params = [{transform_indices = #map}, {transform_indices = #map1}, {transform_indices = #map}]} {
    %mul3A = arith.constant 2 : i32
    %mul3A_0 = arith.muli %arg1, %mul3A : i32
    %add3A = arith.addi %mul3A_0, %arg0 : i32
    %mul3A_1 = arith.constant 64 : i32
    %mul3A_2 = arith.muli %add3A, %mul3A_1 : i32
    "tpu.region"() ({
      %run_scoped3A = tpu.sem_alloc : memref<!tpu.dma_semaphore, #tpu.memory_space<semaphore_mem>>
      %dma_start3A_7 = tpu.memref_slice %arg3[%mul3A_2] : memref<2048xi32, #tpu.memory_space<hbm>> -> memref<64xi32, #tpu.memory_space<hbm>>
      %dma_start3A_8 = tpu.memref_slice %arg3[%mul3A_2] : memref<2048xi32, #tpu.memory_space<hbm>> -> memref<64xi32, #tpu.memory_space<hbm>>
      tpu.enqueue_dma source(%dma_start3A_8 : memref<64xi32, #tpu.memory_space<hbm>>) target(%arg5 : memref<64xi32, #tpu.memory_space<vmem>>) target_semaphore(%run_scoped3A : memref<!tpu.dma_semaphore, #tpu.memory_space<semaphore_mem>>)
      %dma_wait3A_9 = tpu.memref_slice %arg3[%mul3A_2] : memref<2048xi32, #tpu.memory_space<hbm>> -> memref<64xi32, #tpu.memory_space<hbm>>
      %dma_wait3A_10 = tpu.memref_slice %arg3[%mul3A_2] : memref<2048xi32, #tpu.memory_space<hbm>> -> memref<64xi32, #tpu.memory_space<hbm>>
      tpu.wait_dma2 semaphore(%run_scoped3A : memref<!tpu.dma_semaphore, #tpu.memory_space<semaphore_mem>>) src(%dma_wait3A_10 : memref<64xi32, #tpu.memory_space<hbm>>) dst(%arg5 : memref<64xi32, #tpu.memory_space<vmem>>)
      tpu.yield
    }) : () -> ()
    %dma_start3A = arith.constant 0 : i32
    %dma_start3A_3 = arith.constant 0 : i32
    %dma_start3A_4 = tpu.memref_slice %arg2[%dma_start3A, %dma_start3A_3] : memref<2048x768xf32, #tpu.memory_space<hbm>> -> memref<2048x768xf32, #tpu.memory_space<hbm>>
    tpu.enqueue_indirect_dma source(%dma_start3A_4 : memref<2048x768xf32, #tpu.memory_space<hbm>>) target(%arg6 : memref<64x768xf32, #tpu.memory_space<vmem>>) offsets(%arg5 : memref<64xi32, #tpu.memory_space<vmem>>) semaphore(%arg7 : memref<!tpu.dma_semaphore, #tpu.memory_space<semaphore_mem>>)
    %dma_wait3A = arith.constant 0 : i32
    %dma_wait3A_5 = arith.constant 0 : i32
    %dma_wait3A_6 = tpu.memref_slice %arg2[%dma_wait3A, %dma_wait3A_5] : memref<2048x768xf32, #tpu.memory_space<hbm>> -> memref<2048x768xf32, #tpu.memory_space<hbm>>
    tpu.wait_indirect_dma semaphore(%arg7 : memref<!tpu.dma_semaphore, #tpu.memory_space<semaphore_mem>>) src(%dma_wait3A_6 : memref<2048x768xf32, #tpu.memory_space<hbm>>) dst(%arg6 : memref<64x768xf32, #tpu.memory_space<vmem>>)
    "tpu.region"() ({
      %run_scoped3A = tpu.sem_alloc : memref<!tpu.dma_semaphore, #tpu.memory_space<semaphore_mem>>
      %dma_start3A_7 = arith.constant 0 : i32
      %dma_start3A_8 = tpu.memref_slice %arg4[%mul3A_2, %dma_start3A_7] : memref<2048x768xf32, #tpu.memory_space<hbm>> -> memref<64x768xf32, #tpu.memory_space<hbm>>
      %dma_start3A_9 = arith.constant 0 : i32
      %dma_start3A_10 = tpu.memref_slice %arg4[%mul3A_2, %dma_start3A_9] : memref<2048x768xf32, #tpu.memory_space<hbm>> -> memref<64x768xf32, #tpu.memory_space<hbm>>
      tpu.enqueue_dma source(%arg6 : memref<64x768xf32, #tpu.memory_space<vmem>>) target(%dma_start3A_10 : memref<64x768xf32, #tpu.memory_space<hbm>>) target_semaphore(%run_scoped3A : memref<!tpu.dma_semaphore, #tpu.memory_space<semaphore_mem>>)
      %dma_wait3A_11 = arith.constant 0 : i32
      %dma_wait3A_12 = tpu.memref_slice %arg4[%mul3A_2, %dma_wait3A_11] : memref<2048x768xf32, #tpu.memory_space<hbm>> -> memref<64x768xf32, #tpu.memory_space<hbm>>
      %dma_wait3A_13 = arith.constant 0 : i32
      %dma_wait3A_14 = tpu.memref_slice %arg4[%mul3A_2, %dma_wait3A_13] : memref<2048x768xf32, #tpu.memory_space<hbm>> -> memref<64x768xf32, #tpu.memory_space<hbm>>
      tpu.wait_dma2 semaphore(%run_scoped3A : memref<!tpu.dma_semaphore, #tpu.memory_space<semaphore_mem>>) src(%arg6 : memref<64x768xf32, #tpu.memory_space<vmem>>) dst(%dma_wait3A_14 : memref<64x768xf32, #tpu.memory_space<hbm>>)
      tpu.yield
    }) : () -> ()
    return
  }
}

#map = affine_map<(d0, d1) -> (0)>
#map1 = affine_map<(d0, d1) -> (0, 0)>
module attributes {stable_mosaic.version = 14 : i64} {
  func.func @_sc_hist_body(%arg0: i32, %arg1: i32, %arg2: memref<2048xi32, #tpu.memory_space<hbm>>, %arg3: memref<32x16xi32, #tpu.memory_space<hbm>>, %arg4: memref<64xi32, #tpu.memory_space<vmem>>, %arg5: memref<16xi32, #tpu.memory_space<vmem>>) attributes {dimension_semantics = [#tpu.dimension_semantics<core_parallel>, #tpu.dimension_semantics<subcore_parallel>], iteration_bounds = array<i64: 2, 16>, scalar_prefetch = 0 : i64, scratch_operands = 2 : i64, tpu.core_type = #tpu.core_type<sc_vector_subcore>, window_params = [{transform_indices = #map}, {transform_indices = #map1}]} {
    %mul3A = arith.constant 2 : i32
    %mul3A_0 = arith.muli %arg1, %mul3A : i32
    %add3A = arith.addi %mul3A_0, %arg0 : i32
    %mul3A_1 = arith.constant 64 : i32
    %mul3A_2 = arith.muli %add3A, %mul3A_1 : i32
    %iota3A = tpu.iota {dimensions = array<i32: 0>} : vector<16xi32>
    "tpu.region"() ({
      %run_scoped3A = tpu.sem_alloc : memref<!tpu.dma_semaphore, #tpu.memory_space<semaphore_mem>>
      %dma_start3A = tpu.memref_slice %arg2[%mul3A_2] : memref<2048xi32, #tpu.memory_space<hbm>> -> memref<64xi32, #tpu.memory_space<hbm>>
      %dma_start3A_474 = tpu.memref_slice %arg2[%mul3A_2] : memref<2048xi32, #tpu.memory_space<hbm>> -> memref<64xi32, #tpu.memory_space<hbm>>
      tpu.enqueue_dma source(%dma_start3A_474 : memref<64xi32, #tpu.memory_space<hbm>>) target(%arg4 : memref<64xi32, #tpu.memory_space<vmem>>) target_semaphore(%run_scoped3A : memref<!tpu.dma_semaphore, #tpu.memory_space<semaphore_mem>>)
      %dma_wait3A = tpu.memref_slice %arg2[%mul3A_2] : memref<2048xi32, #tpu.memory_space<hbm>> -> memref<64xi32, #tpu.memory_space<hbm>>
      %dma_wait3A_475 = tpu.memref_slice %arg2[%mul3A_2] : memref<2048xi32, #tpu.memory_space<hbm>> -> memref<64xi32, #tpu.memory_space<hbm>>
      tpu.wait_dma2 semaphore(%run_scoped3A : memref<!tpu.dma_semaphore, #tpu.memory_space<semaphore_mem>>) src(%dma_wait3A_475 : memref<64xi32, #tpu.memory_space<hbm>>) dst(%arg4 : memref<64xi32, #tpu.memory_space<vmem>>)
      tpu.yield
    }) : () -> ()
    %broadcast_in_dim3A = arith.constant 1 : i32
    %broadcast_in_dim3A_3 = vector.broadcast %broadcast_in_dim3A : i32 to vector<16xi32>
    %sub3A = arith.constant 0 : i32
    %sub3A_4 = vector.broadcast %sub3A : i32 to vector<16xi32>
    %sub3A_5 = arith.subi %iota3A, %sub3A_4 : vector<16xi32>
    %abs3A = math.absi %sub3A_5 : vector<16xi32>
    %min3A = arith.minsi %abs3A, %broadcast_in_dim3A_3 : vector<16xi32>
    %sub3A_6 = arith.subi %broadcast_in_dim3A_3, %min3A : vector<16xi32>
    %sub3A_7 = arith.constant 1 : i32
    %sub3A_8 = vector.broadcast %sub3A_7 : i32 to vector<16xi32>
    %sub3A_9 = arith.subi %iota3A, %sub3A_8 : vector<16xi32>
    %abs3A_10 = math.absi %sub3A_9 : vector<16xi32>
    %min3A_11 = arith.minsi %abs3A_10, %broadcast_in_dim3A_3 : vector<16xi32>
    %sub3A_12 = arith.subi %broadcast_in_dim3A_3, %min3A_11 : vector<16xi32>
    %sub3A_13 = arith.constant 2 : i32
    %sub3A_14 = vector.broadcast %sub3A_13 : i32 to vector<16xi32>
    %sub3A_15 = arith.subi %iota3A, %sub3A_14 : vector<16xi32>
    %abs3A_16 = math.absi %sub3A_15 : vector<16xi32>
    %min3A_17 = arith.minsi %abs3A_16, %broadcast_in_dim3A_3 : vector<16xi32>
    %sub3A_18 = arith.subi %broadcast_in_dim3A_3, %min3A_17 : vector<16xi32>
    %sub3A_19 = arith.constant 3 : i32
    %sub3A_20 = vector.broadcast %sub3A_19 : i32 to vector<16xi32>
    %sub3A_21 = arith.subi %iota3A, %sub3A_20 : vector<16xi32>
    %abs3A_22 = math.absi %sub3A_21 : vector<16xi32>
    %min3A_23 = arith.minsi %abs3A_22, %broadcast_in_dim3A_3 : vector<16xi32>
    %sub3A_24 = arith.subi %broadcast_in_dim3A_3, %min3A_23 : vector<16xi32>
    %sub3A_25 = arith.constant 4 : i32
    %sub3A_26 = vector.broadcast %sub3A_25 : i32 to vector<16xi32>
    %sub3A_27 = arith.subi %iota3A, %sub3A_26 : vector<16xi32>
    %abs3A_28 = math.absi %sub3A_27 : vector<16xi32>
    %min3A_29 = arith.minsi %abs3A_28, %broadcast_in_dim3A_3 : vector<16xi32>
    %sub3A_30 = arith.subi %broadcast_in_dim3A_3, %min3A_29 : vector<16xi32>
    %sub3A_31 = arith.constant 5 : i32
    %sub3A_32 = vector.broadcast %sub3A_31 : i32 to vector<16xi32>
    %sub3A_33 = arith.subi %iota3A, %sub3A_32 : vector<16xi32>
    %abs3A_34 = math.absi %sub3A_33 : vector<16xi32>
    %min3A_35 = arith.minsi %abs3A_34, %broadcast_in_dim3A_3 : vector<16xi32>
    %sub3A_36 = arith.subi %broadcast_in_dim3A_3, %min3A_35 : vector<16xi32>
    %sub3A_37 = arith.constant 6 : i32
    %sub3A_38 = vector.broadcast %sub3A_37 : i32 to vector<16xi32>
    %sub3A_39 = arith.subi %iota3A, %sub3A_38 : vector<16xi32>
    %abs3A_40 = math.absi %sub3A_39 : vector<16xi32>
    %min3A_41 = arith.minsi %abs3A_40, %broadcast_in_dim3A_3 : vector<16xi32>
    %sub3A_42 = arith.subi %broadcast_in_dim3A_3, %min3A_41 : vector<16xi32>
    %sub3A_43 = arith.constant 7 : i32
    %sub3A_44 = vector.broadcast %sub3A_43 : i32 to vector<16xi32>
    %sub3A_45 = arith.subi %iota3A, %sub3A_44 : vector<16xi32>
    %abs3A_46 = math.absi %sub3A_45 : vector<16xi32>
    %min3A_47 = arith.minsi %abs3A_46, %broadcast_in_dim3A_3 : vector<16xi32>
    %sub3A_48 = arith.subi %broadcast_in_dim3A_3, %min3A_47 : vector<16xi32>
    %broadcast_in_dim3A_49 = arith.constant 0 : i32
    %broadcast_in_dim3A_50 = vector.broadcast %broadcast_in_dim3A_49 : i32 to vector<16xi32>
    %get3A = arith.constant 0 : index
    %get3A_51 = tpu.vector_load %arg4[%get3A] {strides = array<i32>} : memref<64xi32, #tpu.memory_space<vmem>>, vector<16xi32>,
    %sub3A_52 = arith.constant 0 : i32
    %sub3A_53 = vector.broadcast %sub3A_52 : i32 to vector<16xi32>
    %sub3A_54 = arith.subi %get3A_51, %sub3A_53 : vector<16xi32>
    %abs3A_55 = math.absi %sub3A_54 : vector<16xi32>
    %min3A_56 = arith.minsi %abs3A_55, %broadcast_in_dim3A_3 : vector<16xi32>
    %sub3A_57 = arith.subi %broadcast_in_dim3A_3, %min3A_56 : vector<16xi32>
    %reduce_sum3A = arith.constant true
    %reduce_sum3A_58 = vector.broadcast %reduce_sum3A : i1 to vector<16xi1>
    %reduce_sum3A_59 = tpu.scan <sum>, %sub3A_57 masked %reduce_sum3A_58 : vector<16xi32>, vector<16xi1> -> vector<16xi32>
    %reduce_sum3A_60 = vector.extract %reduce_sum3A_59[15] : i32 from vector<16xi32>
    %mul3A_61 = vector.broadcast %reduce_sum3A_60 : i32 to vector<16xi32>
    %mul3A_62 = arith.muli %sub3A_6, %mul3A_61 : vector<16xi32>
    %add3A_63 = arith.addi %broadcast_in_dim3A_50, %mul3A_62 : vector<16xi32>
    %sub3A_64 = arith.constant 1 : i32
    %sub3A_65 = vector.broadcast %sub3A_64 : i32 to vector<16xi32>
    %sub3A_66 = arith.subi %get3A_51, %sub3A_65 : vector<16xi32>
    %abs3A_67 = math.absi %sub3A_66 : vector<16xi32>
    %min3A_68 = arith.minsi %abs3A_67, %broadcast_in_dim3A_3 : vector<16xi32>
    %sub3A_69 = arith.subi %broadcast_in_dim3A_3, %min3A_68 : vector<16xi32>
    %reduce_sum3A_70 = arith.constant true
    %reduce_sum3A_71 = vector.broadcast %reduce_sum3A_70 : i1 to vector<16xi1>
    %reduce_sum3A_72 = tpu.scan <sum>, %sub3A_69 masked %reduce_sum3A_71 : vector<16xi32>, vector<16xi1> -> vector<16xi32>
    %reduce_sum3A_73 = vector.extract %reduce_sum3A_72[15] : i32 from vector<16xi32>
    %mul3A_74 = vector.broadcast %reduce_sum3A_73 : i32 to vector<16xi32>
    %mul3A_75 = arith.muli %sub3A_12, %mul3A_74 : vector<16xi32>
    %add3A_76 = arith.addi %add3A_63, %mul3A_75 : vector<16xi32>
    %sub3A_77 = arith.constant 2 : i32
    %sub3A_78 = vector.broadcast %sub3A_77 : i32 to vector<16xi32>
    %sub3A_79 = arith.subi %get3A_51, %sub3A_78 : vector<16xi32>
    %abs3A_80 = math.absi %sub3A_79 : vector<16xi32>
    %min3A_81 = arith.minsi %abs3A_80, %broadcast_in_dim3A_3 : vector<16xi32>
    %sub3A_82 = arith.subi %broadcast_in_dim3A_3, %min3A_81 : vector<16xi32>
    %reduce_sum3A_83 = arith.constant true
    %reduce_sum3A_84 = vector.broadcast %reduce_sum3A_83 : i1 to vector<16xi1>
    %reduce_sum3A_85 = tpu.scan <sum>, %sub3A_82 masked %reduce_sum3A_84 : vector<16xi32>, vector<16xi1> -> vector<16xi32>
    %reduce_sum3A_86 = vector.extract %reduce_sum3A_85[15] : i32 from vector<16xi32>
    %mul3A_87 = vector.broadcast %reduce_sum3A_86 : i32 to vector<16xi32>
    %mul3A_88 = arith.muli %sub3A_18, %mul3A_87 : vector<16xi32>
    %add3A_89 = arith.addi %add3A_76, %mul3A_88 : vector<16xi32>
    %sub3A_90 = arith.constant 3 : i32
    %sub3A_91 = vector.broadcast %sub3A_90 : i32 to vector<16xi32>
    %sub3A_92 = arith.subi %get3A_51, %sub3A_91 : vector<16xi32>
    %abs3A_93 = math.absi %sub3A_92 : vector<16xi32>
    %min3A_94 = arith.minsi %abs3A_93, %broadcast_in_dim3A_3 : vector<16xi32>
    %sub3A_95 = arith.subi %broadcast_in_dim3A_3, %min3A_94 : vector<16xi32>
    %reduce_sum3A_96 = arith.constant true
    %reduce_sum3A_97 = vector.broadcast %reduce_sum3A_96 : i1 to vector<16xi1>
    %reduce_sum3A_98 = tpu.scan <sum>, %sub3A_95 masked %reduce_sum3A_97 : vector<16xi32>, vector<16xi1> -> vector<16xi32>
    %reduce_sum3A_99 = vector.extract %reduce_sum3A_98[15] : i32 from vector<16xi32>
    %mul3A_100 = vector.broadcast %reduce_sum3A_99 : i32 to vector<16xi32>
    %mul3A_101 = arith.muli %sub3A_24, %mul3A_100 : vector<16xi32>
    %add3A_102 = arith.addi %add3A_89, %mul3A_101 : vector<16xi32>
    %sub3A_103 = arith.constant 4 : i32
    %sub3A_104 = vector.broadcast %sub3A_103 : i32 to vector<16xi32>
    %sub3A_105 = arith.subi %get3A_51, %sub3A_104 : vector<16xi32>
    %abs3A_106 = math.absi %sub3A_105 : vector<16xi32>
    %min3A_107 = arith.minsi %abs3A_106, %broadcast_in_dim3A_3 : vector<16xi32>
    %sub3A_108 = arith.subi %broadcast_in_dim3A_3, %min3A_107 : vector<16xi32>
    %reduce_sum3A_109 = arith.constant true
    %reduce_sum3A_110 = vector.broadcast %reduce_sum3A_109 : i1 to vector<16xi1>
    %reduce_sum3A_111 = tpu.scan <sum>, %sub3A_108 masked %reduce_sum3A_110 : vector<16xi32>, vector<16xi1> -> vector<16xi32>
    %reduce_sum3A_112 = vector.extract %reduce_sum3A_111[15] : i32 from vector<16xi32>
    %mul3A_113 = vector.broadcast %reduce_sum3A_112 : i32 to vector<16xi32>
    %mul3A_114 = arith.muli %sub3A_30, %mul3A_113 : vector<16xi32>
    %add3A_115 = arith.addi %add3A_102, %mul3A_114 : vector<16xi32>
    %sub3A_116 = arith.constant 5 : i32
    %sub3A_117 = vector.broadcast %sub3A_116 : i32 to vector<16xi32>
    %sub3A_118 = arith.subi %get3A_51, %sub3A_117 : vector<16xi32>
    %abs3A_119 = math.absi %sub3A_118 : vector<16xi32>
    %min3A_120 = arith.minsi %abs3A_119, %broadcast_in_dim3A_3 : vector<16xi32>
    %sub3A_121 = arith.subi %broadcast_in_dim3A_3, %min3A_120 : vector<16xi32>
    %reduce_sum3A_122 = arith.constant true
    %reduce_sum3A_123 = vector.broadcast %reduce_sum3A_122 : i1 to vector<16xi1>
    %reduce_sum3A_124 = tpu.scan <sum>, %sub3A_121 masked %reduce_sum3A_123 : vector<16xi32>, vector<16xi1> -> vector<16xi32>
    %reduce_sum3A_125 = vector.extract %reduce_sum3A_124[15] : i32 from vector<16xi32>
    %mul3A_126 = vector.broadcast %reduce_sum3A_125 : i32 to vector<16xi32>
    %mul3A_127 = arith.muli %sub3A_36, %mul3A_126 : vector<16xi32>
    %add3A_128 = arith.addi %add3A_115, %mul3A_127 : vector<16xi32>
    %sub3A_129 = arith.constant 6 : i32
    %sub3A_130 = vector.broadcast %sub3A_129 : i32 to vector<16xi32>
    %sub3A_131 = arith.subi %get3A_51, %sub3A_130 : vector<16xi32>
    %abs3A_132 = math.absi %sub3A_131 : vector<16xi32>
    %min3A_133 = arith.minsi %abs3A_132, %broadcast_in_dim3A_3 : vector<16xi32>
    %sub3A_134 = arith.subi %broadcast_in_dim3A_3, %min3A_133 : vector<16xi32>
    %reduce_sum3A_135 = arith.constant true
    %reduce_sum3A_136 = vector.broadcast %reduce_sum3A_135 : i1 to vector<16xi1>
    %reduce_sum3A_137 = tpu.scan <sum>, %sub3A_134 masked %reduce_sum3A_136 : vector<16xi32>, vector<16xi1> -> vector<16xi32>
    %reduce_sum3A_138 = vector.extract %reduce_sum3A_137[15] : i32 from vector<16xi32>
    %mul3A_139 = vector.broadcast %reduce_sum3A_138 : i32 to vector<16xi32>
    %mul3A_140 = arith.muli %sub3A_42, %mul3A_139 : vector<16xi32>
    %add3A_141 = arith.addi %add3A_128, %mul3A_140 : vector<16xi32>
    %sub3A_142 = arith.constant 7 : i32
    %sub3A_143 = vector.broadcast %sub3A_142 : i32 to vector<16xi32>
    %sub3A_144 = arith.subi %get3A_51, %sub3A_143 : vector<16xi32>
    %abs3A_145 = math.absi %sub3A_144 : vector<16xi32>
    %min3A_146 = arith.minsi %abs3A_145, %broadcast_in_dim3A_3 : vector<16xi32>
    %sub3A_147 = arith.subi %broadcast_in_dim3A_3, %min3A_146 : vector<16xi32>
    %reduce_sum3A_148 = arith.constant true
    %reduce_sum3A_149 = vector.broadcast %reduce_sum3A_148 : i1 to vector<16xi1>
    %reduce_sum3A_150 = tpu.scan <sum>, %sub3A_147 masked %reduce_sum3A_149 : vector<16xi32>, vector<16xi1> -> vector<16xi32>
    %reduce_sum3A_151 = vector.extract %reduce_sum3A_150[15] : i32 from vector<16xi32>
    %mul3A_152 = vector.broadcast %reduce_sum3A_151 : i32 to vector<16xi32>
    %mul3A_153 = arith.muli %sub3A_48, %mul3A_152 : vector<16xi32>
    %add3A_154 = arith.addi %add3A_141, %mul3A_153 : vector<16xi32>
    %get3A_155 = arith.constant 16 : index
    %get3A_156 = tpu.vector_load %arg4[%get3A_155] {strides = array<i32>} : memref<64xi32, #tpu.memory_space<vmem>>, vector<16xi32>,
    %sub3A_157 = arith.constant 0 : i32
    %sub3A_158 = vector.broadcast %sub3A_157 : i32 to vector<16xi32>
    %sub3A_159 = arith.subi %get3A_156, %sub3A_158 : vector<16xi32>
    %abs3A_160 = math.absi %sub3A_159 : vector<16xi32>
    %min3A_161 = arith.minsi %abs3A_160, %broadcast_in_dim3A_3 : vector<16xi32>
    %sub3A_162 = arith.subi %broadcast_in_dim3A_3, %min3A_161 : vector<16xi32>
    %reduce_sum3A_163 = arith.constant true
    %reduce_sum3A_164 = vector.broadcast %reduce_sum3A_163 : i1 to vector<16xi1>
    %reduce_sum3A_165 = tpu.scan <sum>, %sub3A_162 masked %reduce_sum3A_164 : vector<16xi32>, vector<16xi1> -> vector<16xi32>
    %reduce_sum3A_166 = vector.extract %reduce_sum3A_165[15] : i32 from vector<16xi32>
    %mul3A_167 = vector.broadcast %reduce_sum3A_166 : i32 to vector<16xi32>
    %mul3A_168 = arith.muli %sub3A_6, %mul3A_167 : vector<16xi32>
    %add3A_169 = arith.addi %add3A_154, %mul3A_168 : vector<16xi32>
    %sub3A_170 = arith.constant 1 : i32
    %sub3A_171 = vector.broadcast %sub3A_170 : i32 to vector<16xi32>
    %sub3A_172 = arith.subi %get3A_156, %sub3A_171 : vector<16xi32>
    %abs3A_173 = math.absi %sub3A_172 : vector<16xi32>
    %min3A_174 = arith.minsi %abs3A_173, %broadcast_in_dim3A_3 : vector<16xi32>
    %sub3A_175 = arith.subi %broadcast_in_dim3A_3, %min3A_174 : vector<16xi32>
    %reduce_sum3A_176 = arith.constant true
    %reduce_sum3A_177 = vector.broadcast %reduce_sum3A_176 : i1 to vector<16xi1>
    %reduce_sum3A_178 = tpu.scan <sum>, %sub3A_175 masked %reduce_sum3A_177 : vector<16xi32>, vector<16xi1> -> vector<16xi32>
    %reduce_sum3A_179 = vector.extract %reduce_sum3A_178[15] : i32 from vector<16xi32>
    %mul3A_180 = vector.broadcast %reduce_sum3A_179 : i32 to vector<16xi32>
    %mul3A_181 = arith.muli %sub3A_12, %mul3A_180 : vector<16xi32>
    %add3A_182 = arith.addi %add3A_169, %mul3A_181 : vector<16xi32>
    %sub3A_183 = arith.constant 2 : i32
    %sub3A_184 = vector.broadcast %sub3A_183 : i32 to vector<16xi32>
    %sub3A_185 = arith.subi %get3A_156, %sub3A_184 : vector<16xi32>
    %abs3A_186 = math.absi %sub3A_185 : vector<16xi32>
    %min3A_187 = arith.minsi %abs3A_186, %broadcast_in_dim3A_3 : vector<16xi32>
    %sub3A_188 = arith.subi %broadcast_in_dim3A_3, %min3A_187 : vector<16xi32>
    %reduce_sum3A_189 = arith.constant true
    %reduce_sum3A_190 = vector.broadcast %reduce_sum3A_189 : i1 to vector<16xi1>
    %reduce_sum3A_191 = tpu.scan <sum>, %sub3A_188 masked %reduce_sum3A_190 : vector<16xi32>, vector<16xi1> -> vector<16xi32>
    %reduce_sum3A_192 = vector.extract %reduce_sum3A_191[15] : i32 from vector<16xi32>
    %mul3A_193 = vector.broadcast %reduce_sum3A_192 : i32 to vector<16xi32>
    %mul3A_194 = arith.muli %sub3A_18, %mul3A_193 : vector<16xi32>
    %add3A_195 = arith.addi %add3A_182, %mul3A_194 : vector<16xi32>
    %sub3A_196 = arith.constant 3 : i32
    %sub3A_197 = vector.broadcast %sub3A_196 : i32 to vector<16xi32>
    %sub3A_198 = arith.subi %get3A_156, %sub3A_197 : vector<16xi32>
    %abs3A_199 = math.absi %sub3A_198 : vector<16xi32>
    %min3A_200 = arith.minsi %abs3A_199, %broadcast_in_dim3A_3 : vector<16xi32>
    %sub3A_201 = arith.subi %broadcast_in_dim3A_3, %min3A_200 : vector<16xi32>
    %reduce_sum3A_202 = arith.constant true
    %reduce_sum3A_203 = vector.broadcast %reduce_sum3A_202 : i1 to vector<16xi1>
    %reduce_sum3A_204 = tpu.scan <sum>, %sub3A_201 masked %reduce_sum3A_203 : vector<16xi32>, vector<16xi1> -> vector<16xi32>
    %reduce_sum3A_205 = vector.extract %reduce_sum3A_204[15] : i32 from vector<16xi32>
    %mul3A_206 = vector.broadcast %reduce_sum3A_205 : i32 to vector<16xi32>
    %mul3A_207 = arith.muli %sub3A_24, %mul3A_206 : vector<16xi32>
    %add3A_208 = arith.addi %add3A_195, %mul3A_207 : vector<16xi32>
    %sub3A_209 = arith.constant 4 : i32
    %sub3A_210 = vector.broadcast %sub3A_209 : i32 to vector<16xi32>
    %sub3A_211 = arith.subi %get3A_156, %sub3A_210 : vector<16xi32>
    %abs3A_212 = math.absi %sub3A_211 : vector<16xi32>
    %min3A_213 = arith.minsi %abs3A_212, %broadcast_in_dim3A_3 : vector<16xi32>
    %sub3A_214 = arith.subi %broadcast_in_dim3A_3, %min3A_213 : vector<16xi32>
    %reduce_sum3A_215 = arith.constant true
    %reduce_sum3A_216 = vector.broadcast %reduce_sum3A_215 : i1 to vector<16xi1>
    %reduce_sum3A_217 = tpu.scan <sum>, %sub3A_214 masked %reduce_sum3A_216 : vector<16xi32>, vector<16xi1> -> vector<16xi32>
    %reduce_sum3A_218 = vector.extract %reduce_sum3A_217[15] : i32 from vector<16xi32>
    %mul3A_219 = vector.broadcast %reduce_sum3A_218 : i32 to vector<16xi32>
    %mul3A_220 = arith.muli %sub3A_30, %mul3A_219 : vector<16xi32>
    %add3A_221 = arith.addi %add3A_208, %mul3A_220 : vector<16xi32>
    %sub3A_222 = arith.constant 5 : i32
    %sub3A_223 = vector.broadcast %sub3A_222 : i32 to vector<16xi32>
    %sub3A_224 = arith.subi %get3A_156, %sub3A_223 : vector<16xi32>
    %abs3A_225 = math.absi %sub3A_224 : vector<16xi32>
    %min3A_226 = arith.minsi %abs3A_225, %broadcast_in_dim3A_3 : vector<16xi32>
    %sub3A_227 = arith.subi %broadcast_in_dim3A_3, %min3A_226 : vector<16xi32>
    %reduce_sum3A_228 = arith.constant true
    %reduce_sum3A_229 = vector.broadcast %reduce_sum3A_228 : i1 to vector<16xi1>
    %reduce_sum3A_230 = tpu.scan <sum>, %sub3A_227 masked %reduce_sum3A_229 : vector<16xi32>, vector<16xi1> -> vector<16xi32>
    %reduce_sum3A_231 = vector.extract %reduce_sum3A_230[15] : i32 from vector<16xi32>
    %mul3A_232 = vector.broadcast %reduce_sum3A_231 : i32 to vector<16xi32>
    %mul3A_233 = arith.muli %sub3A_36, %mul3A_232 : vector<16xi32>
    %add3A_234 = arith.addi %add3A_221, %mul3A_233 : vector<16xi32>
    %sub3A_235 = arith.constant 6 : i32
    %sub3A_236 = vector.broadcast %sub3A_235 : i32 to vector<16xi32>
    %sub3A_237 = arith.subi %get3A_156, %sub3A_236 : vector<16xi32>
    %abs3A_238 = math.absi %sub3A_237 : vector<16xi32>
    %min3A_239 = arith.minsi %abs3A_238, %broadcast_in_dim3A_3 : vector<16xi32>
    %sub3A_240 = arith.subi %broadcast_in_dim3A_3, %min3A_239 : vector<16xi32>
    %reduce_sum3A_241 = arith.constant true
    %reduce_sum3A_242 = vector.broadcast %reduce_sum3A_241 : i1 to vector<16xi1>
    %reduce_sum3A_243 = tpu.scan <sum>, %sub3A_240 masked %reduce_sum3A_242 : vector<16xi32>, vector<16xi1> -> vector<16xi32>
    %reduce_sum3A_244 = vector.extract %reduce_sum3A_243[15] : i32 from vector<16xi32>
    %mul3A_245 = vector.broadcast %reduce_sum3A_244 : i32 to vector<16xi32>
    %mul3A_246 = arith.muli %sub3A_42, %mul3A_245 : vector<16xi32>
    %add3A_247 = arith.addi %add3A_234, %mul3A_246 : vector<16xi32>
    %sub3A_248 = arith.constant 7 : i32
    %sub3A_249 = vector.broadcast %sub3A_248 : i32 to vector<16xi32>
    %sub3A_250 = arith.subi %get3A_156, %sub3A_249 : vector<16xi32>
    %abs3A_251 = math.absi %sub3A_250 : vector<16xi32>
    %min3A_252 = arith.minsi %abs3A_251, %broadcast_in_dim3A_3 : vector<16xi32>
    %sub3A_253 = arith.subi %broadcast_in_dim3A_3, %min3A_252 : vector<16xi32>
    %reduce_sum3A_254 = arith.constant true
    %reduce_sum3A_255 = vector.broadcast %reduce_sum3A_254 : i1 to vector<16xi1>
    %reduce_sum3A_256 = tpu.scan <sum>, %sub3A_253 masked %reduce_sum3A_255 : vector<16xi32>, vector<16xi1> -> vector<16xi32>
    %reduce_sum3A_257 = vector.extract %reduce_sum3A_256[15] : i32 from vector<16xi32>
    %mul3A_258 = vector.broadcast %reduce_sum3A_257 : i32 to vector<16xi32>
    %mul3A_259 = arith.muli %sub3A_48, %mul3A_258 : vector<16xi32>
    %add3A_260 = arith.addi %add3A_247, %mul3A_259 : vector<16xi32>
    %get3A_261 = arith.constant 32 : index
    %get3A_262 = tpu.vector_load %arg4[%get3A_261] {strides = array<i32>} : memref<64xi32, #tpu.memory_space<vmem>>, vector<16xi32>,
    %sub3A_263 = arith.constant 0 : i32
    %sub3A_264 = vector.broadcast %sub3A_263 : i32 to vector<16xi32>
    %sub3A_265 = arith.subi %get3A_262, %sub3A_264 : vector<16xi32>
    %abs3A_266 = math.absi %sub3A_265 : vector<16xi32>
    %min3A_267 = arith.minsi %abs3A_266, %broadcast_in_dim3A_3 : vector<16xi32>
    %sub3A_268 = arith.subi %broadcast_in_dim3A_3, %min3A_267 : vector<16xi32>
    %reduce_sum3A_269 = arith.constant true
    %reduce_sum3A_270 = vector.broadcast %reduce_sum3A_269 : i1 to vector<16xi1>
    %reduce_sum3A_271 = tpu.scan <sum>, %sub3A_268 masked %reduce_sum3A_270 : vector<16xi32>, vector<16xi1> -> vector<16xi32>
    %reduce_sum3A_272 = vector.extract %reduce_sum3A_271[15] : i32 from vector<16xi32>
    %mul3A_273 = vector.broadcast %reduce_sum3A_272 : i32 to vector<16xi32>
    %mul3A_274 = arith.muli %sub3A_6, %mul3A_273 : vector<16xi32>
    %add3A_275 = arith.addi %add3A_260, %mul3A_274 : vector<16xi32>
    %sub3A_276 = arith.constant 1 : i32
    %sub3A_277 = vector.broadcast %sub3A_276 : i32 to vector<16xi32>
    %sub3A_278 = arith.subi %get3A_262, %sub3A_277 : vector<16xi32>
    %abs3A_279 = math.absi %sub3A_278 : vector<16xi32>
    %min3A_280 = arith.minsi %abs3A_279, %broadcast_in_dim3A_3 : vector<16xi32>
    %sub3A_281 = arith.subi %broadcast_in_dim3A_3, %min3A_280 : vector<16xi32>
    %reduce_sum3A_282 = arith.constant true
    %reduce_sum3A_283 = vector.broadcast %reduce_sum3A_282 : i1 to vector<16xi1>
    %reduce_sum3A_284 = tpu.scan <sum>, %sub3A_281 masked %reduce_sum3A_283 : vector<16xi32>, vector<16xi1> -> vector<16xi32>
    %reduce_sum3A_285 = vector.extract %reduce_sum3A_284[15] : i32 from vector<16xi32>
    %mul3A_286 = vector.broadcast %reduce_sum3A_285 : i32 to vector<16xi32>
    %mul3A_287 = arith.muli %sub3A_12, %mul3A_286 : vector<16xi32>
    %add3A_288 = arith.addi %add3A_275, %mul3A_287 : vector<16xi32>
    %sub3A_289 = arith.constant 2 : i32
    %sub3A_290 = vector.broadcast %sub3A_289 : i32 to vector<16xi32>
    %sub3A_291 = arith.subi %get3A_262, %sub3A_290 : vector<16xi32>
    %abs3A_292 = math.absi %sub3A_291 : vector<16xi32>
    %min3A_293 = arith.minsi %abs3A_292, %broadcast_in_dim3A_3 : vector<16xi32>
    %sub3A_294 = arith.subi %broadcast_in_dim3A_3, %min3A_293 : vector<16xi32>
    %reduce_sum3A_295 = arith.constant true
    %reduce_sum3A_296 = vector.broadcast %reduce_sum3A_295 : i1 to vector<16xi1>
    %reduce_sum3A_297 = tpu.scan <sum>, %sub3A_294 masked %reduce_sum3A_296 : vector<16xi32>, vector<16xi1> -> vector<16xi32>
    %reduce_sum3A_298 = vector.extract %reduce_sum3A_297[15] : i32 from vector<16xi32>
    %mul3A_299 = vector.broadcast %reduce_sum3A_298 : i32 to vector<16xi32>
    %mul3A_300 = arith.muli %sub3A_18, %mul3A_299 : vector<16xi32>
    %add3A_301 = arith.addi %add3A_288, %mul3A_300 : vector<16xi32>
    %sub3A_302 = arith.constant 3 : i32
    %sub3A_303 = vector.broadcast %sub3A_302 : i32 to vector<16xi32>
    %sub3A_304 = arith.subi %get3A_262, %sub3A_303 : vector<16xi32>
    %abs3A_305 = math.absi %sub3A_304 : vector<16xi32>
    %min3A_306 = arith.minsi %abs3A_305, %broadcast_in_dim3A_3 : vector<16xi32>
    %sub3A_307 = arith.subi %broadcast_in_dim3A_3, %min3A_306 : vector<16xi32>
    %reduce_sum3A_308 = arith.constant true
    %reduce_sum3A_309 = vector.broadcast %reduce_sum3A_308 : i1 to vector<16xi1>
    %reduce_sum3A_310 = tpu.scan <sum>, %sub3A_307 masked %reduce_sum3A_309 : vector<16xi32>, vector<16xi1> -> vector<16xi32>
    %reduce_sum3A_311 = vector.extract %reduce_sum3A_310[15] : i32 from vector<16xi32>
    %mul3A_312 = vector.broadcast %reduce_sum3A_311 : i32 to vector<16xi32>
    %mul3A_313 = arith.muli %sub3A_24, %mul3A_312 : vector<16xi32>
    %add3A_314 = arith.addi %add3A_301, %mul3A_313 : vector<16xi32>
    %sub3A_315 = arith.constant 4 : i32
    %sub3A_316 = vector.broadcast %sub3A_315 : i32 to vector<16xi32>
    %sub3A_317 = arith.subi %get3A_262, %sub3A_316 : vector<16xi32>
    %abs3A_318 = math.absi %sub3A_317 : vector<16xi32>
    %min3A_319 = arith.minsi %abs3A_318, %broadcast_in_dim3A_3 : vector<16xi32>
    %sub3A_320 = arith.subi %broadcast_in_dim3A_3, %min3A_319 : vector<16xi32>
    %reduce_sum3A_321 = arith.constant true
    %reduce_sum3A_322 = vector.broadcast %reduce_sum3A_321 : i1 to vector<16xi1>
    %reduce_sum3A_323 = tpu.scan <sum>, %sub3A_320 masked %reduce_sum3A_322 : vector<16xi32>, vector<16xi1> -> vector<16xi32>
    %reduce_sum3A_324 = vector.extract %reduce_sum3A_323[15] : i32 from vector<16xi32>
    %mul3A_325 = vector.broadcast %reduce_sum3A_324 : i32 to vector<16xi32>
    %mul3A_326 = arith.muli %sub3A_30, %mul3A_325 : vector<16xi32>
    %add3A_327 = arith.addi %add3A_314, %mul3A_326 : vector<16xi32>
    %sub3A_328 = arith.constant 5 : i32
    %sub3A_329 = vector.broadcast %sub3A_328 : i32 to vector<16xi32>
    %sub3A_330 = arith.subi %get3A_262, %sub3A_329 : vector<16xi32>
    %abs3A_331 = math.absi %sub3A_330 : vector<16xi32>
    %min3A_332 = arith.minsi %abs3A_331, %broadcast_in_dim3A_3 : vector<16xi32>
    %sub3A_333 = arith.subi %broadcast_in_dim3A_3, %min3A_332 : vector<16xi32>
    %reduce_sum3A_334 = arith.constant true
    %reduce_sum3A_335 = vector.broadcast %reduce_sum3A_334 : i1 to vector<16xi1>
    %reduce_sum3A_336 = tpu.scan <sum>, %sub3A_333 masked %reduce_sum3A_335 : vector<16xi32>, vector<16xi1> -> vector<16xi32>
    %reduce_sum3A_337 = vector.extract %reduce_sum3A_336[15] : i32 from vector<16xi32>
    %mul3A_338 = vector.broadcast %reduce_sum3A_337 : i32 to vector<16xi32>
    %mul3A_339 = arith.muli %sub3A_36, %mul3A_338 : vector<16xi32>
    %add3A_340 = arith.addi %add3A_327, %mul3A_339 : vector<16xi32>
    %sub3A_341 = arith.constant 6 : i32
    %sub3A_342 = vector.broadcast %sub3A_341 : i32 to vector<16xi32>
    %sub3A_343 = arith.subi %get3A_262, %sub3A_342 : vector<16xi32>
    %abs3A_344 = math.absi %sub3A_343 : vector<16xi32>
    %min3A_345 = arith.minsi %abs3A_344, %broadcast_in_dim3A_3 : vector<16xi32>
    %sub3A_346 = arith.subi %broadcast_in_dim3A_3, %min3A_345 : vector<16xi32>
    %reduce_sum3A_347 = arith.constant true
    %reduce_sum3A_348 = vector.broadcast %reduce_sum3A_347 : i1 to vector<16xi1>
    %reduce_sum3A_349 = tpu.scan <sum>, %sub3A_346 masked %reduce_sum3A_348 : vector<16xi32>, vector<16xi1> -> vector<16xi32>
    %reduce_sum3A_350 = vector.extract %reduce_sum3A_349[15] : i32 from vector<16xi32>
    %mul3A_351 = vector.broadcast %reduce_sum3A_350 : i32 to vector<16xi32>
    %mul3A_352 = arith.muli %sub3A_42, %mul3A_351 : vector<16xi32>
    %add3A_353 = arith.addi %add3A_340, %mul3A_352 : vector<16xi32>
    %sub3A_354 = arith.constant 7 : i32
    %sub3A_355 = vector.broadcast %sub3A_354 : i32 to vector<16xi32>
    %sub3A_356 = arith.subi %get3A_262, %sub3A_355 : vector<16xi32>
    %abs3A_357 = math.absi %sub3A_356 : vector<16xi32>
    %min3A_358 = arith.minsi %abs3A_357, %broadcast_in_dim3A_3 : vector<16xi32>
    %sub3A_359 = arith.subi %broadcast_in_dim3A_3, %min3A_358 : vector<16xi32>
    %reduce_sum3A_360 = arith.constant true
    %reduce_sum3A_361 = vector.broadcast %reduce_sum3A_360 : i1 to vector<16xi1>
    %reduce_sum3A_362 = tpu.scan <sum>, %sub3A_359 masked %reduce_sum3A_361 : vector<16xi32>, vector<16xi1> -> vector<16xi32>
    %reduce_sum3A_363 = vector.extract %reduce_sum3A_362[15] : i32 from vector<16xi32>
    %mul3A_364 = vector.broadcast %reduce_sum3A_363 : i32 to vector<16xi32>
    %mul3A_365 = arith.muli %sub3A_48, %mul3A_364 : vector<16xi32>
    %add3A_366 = arith.addi %add3A_353, %mul3A_365 : vector<16xi32>
    %get3A_367 = arith.constant 48 : index
    %get3A_368 = tpu.vector_load %arg4[%get3A_367] {strides = array<i32>} : memref<64xi32, #tpu.memory_space<vmem>>, vector<16xi32>,
    %sub3A_369 = arith.constant 0 : i32
    %sub3A_370 = vector.broadcast %sub3A_369 : i32 to vector<16xi32>
    %sub3A_371 = arith.subi %get3A_368, %sub3A_370 : vector<16xi32>
    %abs3A_372 = math.absi %sub3A_371 : vector<16xi32>
    %min3A_373 = arith.minsi %abs3A_372, %broadcast_in_dim3A_3 : vector<16xi32>
    %sub3A_374 = arith.subi %broadcast_in_dim3A_3, %min3A_373 : vector<16xi32>
    %reduce_sum3A_375 = arith.constant true
    %reduce_sum3A_376 = vector.broadcast %reduce_sum3A_375 : i1 to vector<16xi1>
    %reduce_sum3A_377 = tpu.scan <sum>, %sub3A_374 masked %reduce_sum3A_376 : vector<16xi32>, vector<16xi1> -> vector<16xi32>
    %reduce_sum3A_378 = vector.extract %reduce_sum3A_377[15] : i32 from vector<16xi32>
    %mul3A_379 = vector.broadcast %reduce_sum3A_378 : i32 to vector<16xi32>
    %mul3A_380 = arith.muli %sub3A_6, %mul3A_379 : vector<16xi32>
    %add3A_381 = arith.addi %add3A_366, %mul3A_380 : vector<16xi32>
    %sub3A_382 = arith.constant 1 : i32
    %sub3A_383 = vector.broadcast %sub3A_382 : i32 to vector<16xi32>
    %sub3A_384 = arith.subi %get3A_368, %sub3A_383 : vector<16xi32>
    %abs3A_385 = math.absi %sub3A_384 : vector<16xi32>
    %min3A_386 = arith.minsi %abs3A_385, %broadcast_in_dim3A_3 : vector<16xi32>
    %sub3A_387 = arith.subi %broadcast_in_dim3A_3, %min3A_386 : vector<16xi32>
    %reduce_sum3A_388 = arith.constant true
    %reduce_sum3A_389 = vector.broadcast %reduce_sum3A_388 : i1 to vector<16xi1>
    %reduce_sum3A_390 = tpu.scan <sum>, %sub3A_387 masked %reduce_sum3A_389 : vector<16xi32>, vector<16xi1> -> vector<16xi32>
    %reduce_sum3A_391 = vector.extract %reduce_sum3A_390[15] : i32 from vector<16xi32>
    %mul3A_392 = vector.broadcast %reduce_sum3A_391 : i32 to vector<16xi32>
    %mul3A_393 = arith.muli %sub3A_12, %mul3A_392 : vector<16xi32>
    %add3A_394 = arith.addi %add3A_381, %mul3A_393 : vector<16xi32>
    %sub3A_395 = arith.constant 2 : i32
    %sub3A_396 = vector.broadcast %sub3A_395 : i32 to vector<16xi32>
    %sub3A_397 = arith.subi %get3A_368, %sub3A_396 : vector<16xi32>
    %abs3A_398 = math.absi %sub3A_397 : vector<16xi32>
    %min3A_399 = arith.minsi %abs3A_398, %broadcast_in_dim3A_3 : vector<16xi32>
    %sub3A_400 = arith.subi %broadcast_in_dim3A_3, %min3A_399 : vector<16xi32>
    %reduce_sum3A_401 = arith.constant true
    %reduce_sum3A_402 = vector.broadcast %reduce_sum3A_401 : i1 to vector<16xi1>
    %reduce_sum3A_403 = tpu.scan <sum>, %sub3A_400 masked %reduce_sum3A_402 : vector<16xi32>, vector<16xi1> -> vector<16xi32>
    %reduce_sum3A_404 = vector.extract %reduce_sum3A_403[15] : i32 from vector<16xi32>
    %mul3A_405 = vector.broadcast %reduce_sum3A_404 : i32 to vector<16xi32>
    %mul3A_406 = arith.muli %sub3A_18, %mul3A_405 : vector<16xi32>
    %add3A_407 = arith.addi %add3A_394, %mul3A_406 : vector<16xi32>
    %sub3A_408 = arith.constant 3 : i32
    %sub3A_409 = vector.broadcast %sub3A_408 : i32 to vector<16xi32>
    %sub3A_410 = arith.subi %get3A_368, %sub3A_409 : vector<16xi32>
    %abs3A_411 = math.absi %sub3A_410 : vector<16xi32>
    %min3A_412 = arith.minsi %abs3A_411, %broadcast_in_dim3A_3 : vector<16xi32>
    %sub3A_413 = arith.subi %broadcast_in_dim3A_3, %min3A_412 : vector<16xi32>
    %reduce_sum3A_414 = arith.constant true
    %reduce_sum3A_415 = vector.broadcast %reduce_sum3A_414 : i1 to vector<16xi1>
    %reduce_sum3A_416 = tpu.scan <sum>, %sub3A_413 masked %reduce_sum3A_415 : vector<16xi32>, vector<16xi1> -> vector<16xi32>
    %reduce_sum3A_417 = vector.extract %reduce_sum3A_416[15] : i32 from vector<16xi32>
    %mul3A_418 = vector.broadcast %reduce_sum3A_417 : i32 to vector<16xi32>
    %mul3A_419 = arith.muli %sub3A_24, %mul3A_418 : vector<16xi32>
    %add3A_420 = arith.addi %add3A_407, %mul3A_419 : vector<16xi32>
    %sub3A_421 = arith.constant 4 : i32
    %sub3A_422 = vector.broadcast %sub3A_421 : i32 to vector<16xi32>
    %sub3A_423 = arith.subi %get3A_368, %sub3A_422 : vector<16xi32>
    %abs3A_424 = math.absi %sub3A_423 : vector<16xi32>
    %min3A_425 = arith.minsi %abs3A_424, %broadcast_in_dim3A_3 : vector<16xi32>
    %sub3A_426 = arith.subi %broadcast_in_dim3A_3, %min3A_425 : vector<16xi32>
    %reduce_sum3A_427 = arith.constant true
    %reduce_sum3A_428 = vector.broadcast %reduce_sum3A_427 : i1 to vector<16xi1>
    %reduce_sum3A_429 = tpu.scan <sum>, %sub3A_426 masked %reduce_sum3A_428 : vector<16xi32>, vector<16xi1> -> vector<16xi32>
    %reduce_sum3A_430 = vector.extract %reduce_sum3A_429[15] : i32 from vector<16xi32>
    %mul3A_431 = vector.broadcast %reduce_sum3A_430 : i32 to vector<16xi32>
    %mul3A_432 = arith.muli %sub3A_30, %mul3A_431 : vector<16xi32>
    %add3A_433 = arith.addi %add3A_420, %mul3A_432 : vector<16xi32>
    %sub3A_434 = arith.constant 5 : i32
    %sub3A_435 = vector.broadcast %sub3A_434 : i32 to vector<16xi32>
    %sub3A_436 = arith.subi %get3A_368, %sub3A_435 : vector<16xi32>
    %abs3A_437 = math.absi %sub3A_436 : vector<16xi32>
    %min3A_438 = arith.minsi %abs3A_437, %broadcast_in_dim3A_3 : vector<16xi32>
    %sub3A_439 = arith.subi %broadcast_in_dim3A_3, %min3A_438 : vector<16xi32>
    %reduce_sum3A_440 = arith.constant true
    %reduce_sum3A_441 = vector.broadcast %reduce_sum3A_440 : i1 to vector<16xi1>
    %reduce_sum3A_442 = tpu.scan <sum>, %sub3A_439 masked %reduce_sum3A_441 : vector<16xi32>, vector<16xi1> -> vector<16xi32>
    %reduce_sum3A_443 = vector.extract %reduce_sum3A_442[15] : i32 from vector<16xi32>
    %mul3A_444 = vector.broadcast %reduce_sum3A_443 : i32 to vector<16xi32>
    %mul3A_445 = arith.muli %sub3A_36, %mul3A_444 : vector<16xi32>
    %add3A_446 = arith.addi %add3A_433, %mul3A_445 : vector<16xi32>
    %sub3A_447 = arith.constant 6 : i32
    %sub3A_448 = vector.broadcast %sub3A_447 : i32 to vector<16xi32>
    %sub3A_449 = arith.subi %get3A_368, %sub3A_448 : vector<16xi32>
    %abs3A_450 = math.absi %sub3A_449 : vector<16xi32>
    %min3A_451 = arith.minsi %abs3A_450, %broadcast_in_dim3A_3 : vector<16xi32>
    %sub3A_452 = arith.subi %broadcast_in_dim3A_3, %min3A_451 : vector<16xi32>
    %reduce_sum3A_453 = arith.constant true
    %reduce_sum3A_454 = vector.broadcast %reduce_sum3A_453 : i1 to vector<16xi1>
    %reduce_sum3A_455 = tpu.scan <sum>, %sub3A_452 masked %reduce_sum3A_454 : vector<16xi32>, vector<16xi1> -> vector<16xi32>
    %reduce_sum3A_456 = vector.extract %reduce_sum3A_455[15] : i32 from vector<16xi32>
    %mul3A_457 = vector.broadcast %reduce_sum3A_456 : i32 to vector<16xi32>
    %mul3A_458 = arith.muli %sub3A_42, %mul3A_457 : vector<16xi32>
    %add3A_459 = arith.addi %add3A_446, %mul3A_458 : vector<16xi32>
    %sub3A_460 = arith.constant 7 : i32
    %sub3A_461 = vector.broadcast %sub3A_460 : i32 to vector<16xi32>
    %sub3A_462 = arith.subi %get3A_368, %sub3A_461 : vector<16xi32>
    %abs3A_463 = math.absi %sub3A_462 : vector<16xi32>
    %min3A_464 = arith.minsi %abs3A_463, %broadcast_in_dim3A_3 : vector<16xi32>
    %sub3A_465 = arith.subi %broadcast_in_dim3A_3, %min3A_464 : vector<16xi32>
    %reduce_sum3A_466 = arith.constant true
    %reduce_sum3A_467 = vector.broadcast %reduce_sum3A_466 : i1 to vector<16xi1>
    %reduce_sum3A_468 = tpu.scan <sum>, %sub3A_465 masked %reduce_sum3A_467 : vector<16xi32>, vector<16xi1> -> vector<16xi32>
    %reduce_sum3A_469 = vector.extract %reduce_sum3A_468[15] : i32 from vector<16xi32>
    %mul3A_470 = vector.broadcast %reduce_sum3A_469 : i32 to vector<16xi32>
    %mul3A_471 = arith.muli %sub3A_48, %mul3A_470 : vector<16xi32>
    %add3A_472 = arith.addi %add3A_459, %mul3A_471 : vector<16xi32>
    %swap3A = arith.constant 0 : index
    %swap3A_473 = tpu.vector_load %arg5[%swap3A] {strides = array<i32>} : memref<16xi32, #tpu.memory_space<vmem>>, vector<16xi32>,
    tpu.vector_store %arg5[%swap3A], %add3A_472 {strides = array<i32>} : memref<16xi32, #tpu.memory_space<vmem>>, vector<16xi32>,
    "tpu.region"() ({
      %run_scoped3A = tpu.sem_alloc : memref<!tpu.dma_semaphore, #tpu.memory_space<semaphore_mem>>
      %dma_start3A = arith.constant 0 : i32
      %dma_start3A_474 = tpu.memref_slice %arg3[%add3A, %dma_start3A] : memref<32x16xi32, #tpu.memory_space<hbm>> -> memref<1x16xi32, #tpu.memory_space<hbm>>
      %dma_start3A_475 = tpu.memref_squeeze %dma_start3A_474 : memref<1x16xi32, #tpu.memory_space<hbm>> -> memref<16xi32, #tpu.memory_space<hbm>>
      %dma_start3A_476 = arith.constant 0 : i32
      %dma_start3A_477 = tpu.memref_slice %arg3[%add3A, %dma_start3A_476] : memref<32x16xi32, #tpu.memory_space<hbm>> -> memref<1x16xi32, #tpu.memory_space<hbm>>
      %dma_start3A_478 = tpu.memref_squeeze %dma_start3A_477 : memref<1x16xi32, #tpu.memory_space<hbm>> -> memref<16xi32, #tpu.memory_space<hbm>>
      tpu.enqueue_dma source(%arg5 : memref<16xi32, #tpu.memory_space<vmem>>) target(%dma_start3A_478 : memref<16xi32, #tpu.memory_space<hbm>>) target_semaphore(%run_scoped3A : memref<!tpu.dma_semaphore, #tpu.memory_space<semaphore_mem>>)
      %dma_wait3A = arith.constant 0 : i32
      %dma_wait3A_479 = tpu.memref_slice %arg3[%add3A, %dma_wait3A] : memref<32x16xi32, #tpu.memory_space<hbm>> -> memref<1x16xi32, #tpu.memory_space<hbm>>
      %dma_wait3A_480 = tpu.memref_squeeze %dma_wait3A_479 : memref<1x16xi32, #tpu.memory_space<hbm>> -> memref<16xi32, #tpu.memory_space<hbm>>
      %dma_wait3A_481 = arith.constant 0 : i32
      %dma_wait3A_482 = tpu.memref_slice %arg3[%add3A, %dma_wait3A_481] : memref<32x16xi32, #tpu.memory_space<hbm>> -> memref<1x16xi32, #tpu.memory_space<hbm>>
      %dma_wait3A_483 = tpu.memref_squeeze %dma_wait3A_482 : memref<1x16xi32, #tpu.memory_space<hbm>> -> memref<16xi32, #tpu.memory_space<hbm>>
      tpu.wait_dma2 semaphore(%run_scoped3A : memref<!tpu.dma_semaphore, #tpu.memory_space<semaphore_mem>>) src(%arg5 : memref<16xi32, #tpu.memory_space<vmem>>) dst(%dma_wait3A_483 : memref<16xi32, #tpu.memory_space<hbm>>)
      tpu.yield
    }) : () -> ()
    return
  }
}

#map = affine_map<(d0, d1) -> (0)>
#map1 = affine_map<(d0, d1) -> (0, 0)>
module attributes {stable_mosaic.version = 14 : i64} {
  func.func @_sc_route_body(%arg0: i32, %arg1: i32, %arg2: memref<2048xi32, #tpu.memory_space<hbm>>, %arg3: memref<2048x768xf32, #tpu.memory_space<hbm>>, %arg4: memref<32x16xi32, #tpu.memory_space<hbm>>, %arg5: memref<2048x768xf32, #tpu.memory_space<hbm>>, %arg6: memref<2048xi32, #tpu.memory_space<hbm>>, %arg7: memref<16xi32, #tpu.memory_space<hbm>>, %arg8: memref<64xi32, #tpu.memory_space<vmem>>, %arg9: memref<64xi32, #tpu.memory_space<vmem>>, %arg10: memref<16xi32, #tpu.memory_space<vmem>>, %arg11: memref<32x16xi32, #tpu.memory_space<vmem>>, %arg12: memref<64x768xf32, #tpu.memory_space<vmem>>, %arg13: memref<!tpu.dma_semaphore, #tpu.memory_space<semaphore_mem>>) attributes {dimension_semantics = [#tpu.dimension_semantics<core_parallel>, #tpu.dimension_semantics<subcore_parallel>], iteration_bounds = array<i64: 2, 16>, scalar_prefetch = 0 : i64, scratch_operands = 6 : i64, tpu.core_type = #tpu.core_type<sc_vector_subcore>, window_params = [{transform_indices = #map}, {transform_indices = #map1}, {transform_indices = #map1}, {transform_indices = #map1}, {transform_indices = #map}, {transform_indices = #map}]} {
    %mul3A = arith.constant 2 : i32
    %mul3A_0 = arith.muli %arg1, %mul3A : i32
    %add3A = arith.addi %mul3A_0, %arg0 : i32
    %mul3A_1 = arith.constant 64 : i32
    %mul3A_2 = arith.muli %add3A, %mul3A_1 : i32
    %iota3A = tpu.iota {dimensions = array<i32: 0>} : vector<16xi32>
    "tpu.region"() ({
      %run_scoped3A = tpu.sem_alloc : memref<!tpu.dma_semaphore, #tpu.memory_space<semaphore_mem>>
      %dma_start3A_1427 = tpu.memref_slice %arg2[%mul3A_2] : memref<2048xi32, #tpu.memory_space<hbm>> -> memref<64xi32, #tpu.memory_space<hbm>>
      %dma_start3A_1428 = tpu.memref_slice %arg2[%mul3A_2] : memref<2048xi32, #tpu.memory_space<hbm>> -> memref<64xi32, #tpu.memory_space<hbm>>
      tpu.enqueue_dma source(%dma_start3A_1428 : memref<64xi32, #tpu.memory_space<hbm>>) target(%arg8 : memref<64xi32, #tpu.memory_space<vmem>>) target_semaphore(%run_scoped3A : memref<!tpu.dma_semaphore, #tpu.memory_space<semaphore_mem>>)
      %dma_wait3A_1429 = tpu.memref_slice %arg2[%mul3A_2] : memref<2048xi32, #tpu.memory_space<hbm>> -> memref<64xi32, #tpu.memory_space<hbm>>
      %dma_wait3A_1430 = tpu.memref_slice %arg2[%mul3A_2] : memref<2048xi32, #tpu.memory_space<hbm>> -> memref<64xi32, #tpu.memory_space<hbm>>
      tpu.wait_dma2 semaphore(%run_scoped3A : memref<!tpu.dma_semaphore, #tpu.memory_space<semaphore_mem>>) src(%dma_wait3A_1430 : memref<64xi32, #tpu.memory_space<hbm>>) dst(%arg8 : memref<64xi32, #tpu.memory_space<vmem>>)
      tpu.yield
    }) : () -> ()
    "tpu.region"() ({
      %run_scoped3A = tpu.sem_alloc : memref<!tpu.dma_semaphore, #tpu.memory_space<semaphore_mem>>
      tpu.enqueue_dma source(%arg4 : memref<32x16xi32, #tpu.memory_space<hbm>>) target(%arg11 : memref<32x16xi32, #tpu.memory_space<vmem>>) target_semaphore(%run_scoped3A : memref<!tpu.dma_semaphore, #tpu.memory_space<semaphore_mem>>)
      tpu.wait_dma2 semaphore(%run_scoped3A : memref<!tpu.dma_semaphore, #tpu.memory_space<semaphore_mem>>) src(%arg4 : memref<32x16xi32, #tpu.memory_space<hbm>>) dst(%arg11 : memref<32x16xi32, #tpu.memory_space<vmem>>)
      tpu.yield
    }) : () -> ()
    %broadcast_in_dim3A = arith.constant 1 : i32
    %broadcast_in_dim3A_3 = vector.broadcast %broadcast_in_dim3A : i32 to vector<16xi32>
    %sub3A = arith.constant 0 : i32
    %sub3A_4 = vector.broadcast %sub3A : i32 to vector<16xi32>
    %sub3A_5 = arith.subi %iota3A, %sub3A_4 : vector<16xi32>
    %abs3A = math.absi %sub3A_5 : vector<16xi32>
    %min3A = arith.minsi %abs3A, %broadcast_in_dim3A_3 : vector<16xi32>
    %sub3A_6 = arith.subi %broadcast_in_dim3A_3, %min3A : vector<16xi32>
    %sub3A_7 = arith.constant 1 : i32
    %sub3A_8 = vector.broadcast %sub3A_7 : i32 to vector<16xi32>
    %sub3A_9 = arith.subi %iota3A, %sub3A_8 : vector<16xi32>
    %abs3A_10 = math.absi %sub3A_9 : vector<16xi32>
    %min3A_11 = arith.minsi %abs3A_10, %broadcast_in_dim3A_3 : vector<16xi32>
    %sub3A_12 = arith.subi %broadcast_in_dim3A_3, %min3A_11 : vector<16xi32>
    %sub3A_13 = arith.constant 2 : i32
    %sub3A_14 = vector.broadcast %sub3A_13 : i32 to vector<16xi32>
    %sub3A_15 = arith.subi %iota3A, %sub3A_14 : vector<16xi32>
    %abs3A_16 = math.absi %sub3A_15 : vector<16xi32>
    %min3A_17 = arith.minsi %abs3A_16, %broadcast_in_dim3A_3 : vector<16xi32>
    %sub3A_18 = arith.subi %broadcast_in_dim3A_3, %min3A_17 : vector<16xi32>
    %sub3A_19 = arith.constant 3 : i32
    %sub3A_20 = vector.broadcast %sub3A_19 : i32 to vector<16xi32>
    %sub3A_21 = arith.subi %iota3A, %sub3A_20 : vector<16xi32>
    %abs3A_22 = math.absi %sub3A_21 : vector<16xi32>
    %min3A_23 = arith.minsi %abs3A_22, %broadcast_in_dim3A_3 : vector<16xi32>
    %sub3A_24 = arith.subi %broadcast_in_dim3A_3, %min3A_23 : vector<16xi32>
    %sub3A_25 = arith.constant 4 : i32
    %sub3A_26 = vector.broadcast %sub3A_25 : i32 to vector<16xi32>
    %sub3A_27 = arith.subi %iota3A, %sub3A_26 : vector<16xi32>
    %abs3A_28 = math.absi %sub3A_27 : vector<16xi32>
    %min3A_29 = arith.minsi %abs3A_28, %broadcast_in_dim3A_3 : vector<16xi32>
    %sub3A_30 = arith.subi %broadcast_in_dim3A_3, %min3A_29 : vector<16xi32>
    %sub3A_31 = arith.constant 5 : i32
    %sub3A_32 = vector.broadcast %sub3A_31 : i32 to vector<16xi32>
    %sub3A_33 = arith.subi %iota3A, %sub3A_32 : vector<16xi32>
    %abs3A_34 = math.absi %sub3A_33 : vector<16xi32>
    %min3A_35 = arith.minsi %abs3A_34, %broadcast_in_dim3A_3 : vector<16xi32>
    %sub3A_36 = arith.subi %broadcast_in_dim3A_3, %min3A_35 : vector<16xi32>
    %sub3A_37 = arith.constant 6 : i32
    %sub3A_38 = vector.broadcast %sub3A_37 : i32 to vector<16xi32>
    %sub3A_39 = arith.subi %iota3A, %sub3A_38 : vector<16xi32>
    %abs3A_40 = math.absi %sub3A_39 : vector<16xi32>
    %min3A_41 = arith.minsi %abs3A_40, %broadcast_in_dim3A_3 : vector<16xi32>
    %sub3A_42 = arith.subi %broadcast_in_dim3A_3, %min3A_41 : vector<16xi32>
    %sub3A_43 = arith.constant 7 : i32
    %sub3A_44 = vector.broadcast %sub3A_43 : i32 to vector<16xi32>
    %sub3A_45 = arith.subi %iota3A, %sub3A_44 : vector<16xi32>
    %abs3A_46 = math.absi %sub3A_45 : vector<16xi32>
    %min3A_47 = arith.minsi %abs3A_46, %broadcast_in_dim3A_3 : vector<16xi32>
    %sub3A_48 = arith.subi %broadcast_in_dim3A_3, %min3A_47 : vector<16xi32>
    %broadcast_in_dim3A_49 = arith.constant 0 : i32
    %broadcast_in_dim3A_50 = vector.broadcast %broadcast_in_dim3A_49 : i32 to vector<16xi32>
    %broadcast_in_dim3A_51 = arith.constant 0 : i32
    %broadcast_in_dim3A_52 = vector.broadcast %broadcast_in_dim3A_51 : i32 to vector<16xi32>
    %get3A = arith.constant 0 : i32
    %get3A_53 = arith.index_cast %get3A : i32 to index
    %get3A_54 = arith.constant 0 : index
    %get3A_55 = tpu.vector_load %arg11[%get3A_53, %get3A_54] {strides = array<i32>} : memref<32x16xi32, #tpu.memory_space<vmem>>, vector<16xi32>,
    %add3A_56 = arith.addi %broadcast_in_dim3A_50, %get3A_55 : vector<16xi32>
    %sub3A_57 = arith.constant 0 : i32
    %sub3A_58 = arith.subi %add3A, %sub3A_57 : i32
    %max3A = arith.constant 0 : i32
    %max3A_59 = arith.maxsi %sub3A_58, %max3A : i32
    %min3A_60 = arith.constant 1 : i32
    %min3A_61 = arith.minsi %max3A_59, %min3A_60 : i32
    %mul3A_62 = vector.broadcast %min3A_61 : i32 to vector<16xi32>
    %mul3A_63 = arith.muli %get3A_55, %mul3A_62 : vector<16xi32>
    %add3A_64 = arith.addi %broadcast_in_dim3A_52, %mul3A_63 : vector<16xi32>
    %get3A_65 = arith.constant 1 : i32
    %get3A_66 = arith.index_cast %get3A_65 : i32 to index
    %get3A_67 = arith.constant 0 : index
    %get3A_68 = tpu.vector_load %arg11[%get3A_66, %get3A_67] {strides = array<i32>} : memref<32x16xi32, #tpu.memory_space<vmem>>, vector<16xi32>,
    %add3A_69 = arith.addi %add3A_56, %get3A_68 : vector<16xi32>
    %sub3A_70 = arith.constant 1 : i32
    %sub3A_71 = arith.subi %add3A, %sub3A_70 : i32
    %max3A_72 = arith.constant 0 : i32
    %max3A_73 = arith.maxsi %sub3A_71, %max3A_72 : i32
    %min3A_74 = arith.constant 1 : i32
    %min3A_75 = arith.minsi %max3A_73, %min3A_74 : i32
    %mul3A_76 = vector.broadcast %min3A_75 : i32 to vector<16xi32>
    %mul3A_77 = arith.muli %get3A_68, %mul3A_76 : vector<16xi32>
    %add3A_78 = arith.addi %add3A_64, %mul3A_77 : vector<16xi32>
    %get3A_79 = arith.constant 2 : i32
    %get3A_80 = arith.index_cast %get3A_79 : i32 to index
    %get3A_81 = arith.constant 0 : index
    %get3A_82 = tpu.vector_load %arg11[%get3A_80, %get3A_81] {strides = array<i32>} : memref<32x16xi32, #tpu.memory_space<vmem>>, vector<16xi32>,
    %add3A_83 = arith.addi %add3A_69, %get3A_82 : vector<16xi32>
    %sub3A_84 = arith.constant 2 : i32
    %sub3A_85 = arith.subi %add3A, %sub3A_84 : i32
    %max3A_86 = arith.constant 0 : i32
    %max3A_87 = arith.maxsi %sub3A_85, %max3A_86 : i32
    %min3A_88 = arith.constant 1 : i32
    %min3A_89 = arith.minsi %max3A_87, %min3A_88 : i32
    %mul3A_90 = vector.broadcast %min3A_89 : i32 to vector<16xi32>
    %mul3A_91 = arith.muli %get3A_82, %mul3A_90 : vector<16xi32>
    %add3A_92 = arith.addi %add3A_78, %mul3A_91 : vector<16xi32>
    %get3A_93 = arith.constant 3 : i32
    %get3A_94 = arith.index_cast %get3A_93 : i32 to index
    %get3A_95 = arith.constant 0 : index
    %get3A_96 = tpu.vector_load %arg11[%get3A_94, %get3A_95] {strides = array<i32>} : memref<32x16xi32, #tpu.memory_space<vmem>>, vector<16xi32>,
    %add3A_97 = arith.addi %add3A_83, %get3A_96 : vector<16xi32>
    %sub3A_98 = arith.constant 3 : i32
    %sub3A_99 = arith.subi %add3A, %sub3A_98 : i32
    %max3A_100 = arith.constant 0 : i32
    %max3A_101 = arith.maxsi %sub3A_99, %max3A_100 : i32
    %min3A_102 = arith.constant 1 : i32
    %min3A_103 = arith.minsi %max3A_101, %min3A_102 : i32
    %mul3A_104 = vector.broadcast %min3A_103 : i32 to vector<16xi32>
    %mul3A_105 = arith.muli %get3A_96, %mul3A_104 : vector<16xi32>
    %add3A_106 = arith.addi %add3A_92, %mul3A_105 : vector<16xi32>
    %get3A_107 = arith.constant 4 : i32
    %get3A_108 = arith.index_cast %get3A_107 : i32 to index
    %get3A_109 = arith.constant 0 : index
    %get3A_110 = tpu.vector_load %arg11[%get3A_108, %get3A_109] {strides = array<i32>} : memref<32x16xi32, #tpu.memory_space<vmem>>, vector<16xi32>,
    %add3A_111 = arith.addi %add3A_97, %get3A_110 : vector<16xi32>
    %sub3A_112 = arith.constant 4 : i32
    %sub3A_113 = arith.subi %add3A, %sub3A_112 : i32
    %max3A_114 = arith.constant 0 : i32
    %max3A_115 = arith.maxsi %sub3A_113, %max3A_114 : i32
    %min3A_116 = arith.constant 1 : i32
    %min3A_117 = arith.minsi %max3A_115, %min3A_116 : i32
    %mul3A_118 = vector.broadcast %min3A_117 : i32 to vector<16xi32>
    %mul3A_119 = arith.muli %get3A_110, %mul3A_118 : vector<16xi32>
    %add3A_120 = arith.addi %add3A_106, %mul3A_119 : vector<16xi32>
    %get3A_121 = arith.constant 5 : i32
    %get3A_122 = arith.index_cast %get3A_121 : i32 to index
    %get3A_123 = arith.constant 0 : index
    %get3A_124 = tpu.vector_load %arg11[%get3A_122, %get3A_123] {strides = array<i32>} : memref<32x16xi32, #tpu.memory_space<vmem>>, vector<16xi32>,
    %add3A_125 = arith.addi %add3A_111, %get3A_124 : vector<16xi32>
    %sub3A_126 = arith.constant 5 : i32
    %sub3A_127 = arith.subi %add3A, %sub3A_126 : i32
    %max3A_128 = arith.constant 0 : i32
    %max3A_129 = arith.maxsi %sub3A_127, %max3A_128 : i32
    %min3A_130 = arith.constant 1 : i32
    %min3A_131 = arith.minsi %max3A_129, %min3A_130 : i32
    %mul3A_132 = vector.broadcast %min3A_131 : i32 to vector<16xi32>
    %mul3A_133 = arith.muli %get3A_124, %mul3A_132 : vector<16xi32>
    %add3A_134 = arith.addi %add3A_120, %mul3A_133 : vector<16xi32>
    %get3A_135 = arith.constant 6 : i32
    %get3A_136 = arith.index_cast %get3A_135 : i32 to index
    %get3A_137 = arith.constant 0 : index
    %get3A_138 = tpu.vector_load %arg11[%get3A_136, %get3A_137] {strides = array<i32>} : memref<32x16xi32, #tpu.memory_space<vmem>>, vector<16xi32>,
    %add3A_139 = arith.addi %add3A_125, %get3A_138 : vector<16xi32>
    %sub3A_140 = arith.constant 6 : i32
    %sub3A_141 = arith.subi %add3A, %sub3A_140 : i32
    %max3A_142 = arith.constant 0 : i32
    %max3A_143 = arith.maxsi %sub3A_141, %max3A_142 : i32
    %min3A_144 = arith.constant 1 : i32
    %min3A_145 = arith.minsi %max3A_143, %min3A_144 : i32
    %mul3A_146 = vector.broadcast %min3A_145 : i32 to vector<16xi32>
    %mul3A_147 = arith.muli %get3A_138, %mul3A_146 : vector<16xi32>
    %add3A_148 = arith.addi %add3A_134, %mul3A_147 : vector<16xi32>
    %get3A_149 = arith.constant 7 : i32
    %get3A_150 = arith.index_cast %get3A_149 : i32 to index
    %get3A_151 = arith.constant 0 : index
    %get3A_152 = tpu.vector_load %arg11[%get3A_150, %get3A_151] {strides = array<i32>} : memref<32x16xi32, #tpu.memory_space<vmem>>, vector<16xi32>,
    %add3A_153 = arith.addi %add3A_139, %get3A_152 : vector<16xi32>
    %sub3A_154 = arith.constant 7 : i32
    %sub3A_155 = arith.subi %add3A, %sub3A_154 : i32
    %max3A_156 = arith.constant 0 : i32
    %max3A_157 = arith.maxsi %sub3A_155, %max3A_156 : i32
    %min3A_158 = arith.constant 1 : i32
    %min3A_159 = arith.minsi %max3A_157, %min3A_158 : i32
    %mul3A_160 = vector.broadcast %min3A_159 : i32 to vector<16xi32>
    %mul3A_161 = arith.muli %get3A_152, %mul3A_160 : vector<16xi32>
    %add3A_162 = arith.addi %add3A_148, %mul3A_161 : vector<16xi32>
    %get3A_163 = arith.constant 8 : i32
    %get3A_164 = arith.index_cast %get3A_163 : i32 to index
    %get3A_165 = arith.constant 0 : index
    %get3A_166 = tpu.vector_load %arg11[%get3A_164, %get3A_165] {strides = array<i32>} : memref<32x16xi32, #tpu.memory_space<vmem>>, vector<16xi32>,
    %add3A_167 = arith.addi %add3A_153, %get3A_166 : vector<16xi32>
    %sub3A_168 = arith.constant 8 : i32
    %sub3A_169 = arith.subi %add3A, %sub3A_168 : i32
    %max3A_170 = arith.constant 0 : i32
    %max3A_171 = arith.maxsi %sub3A_169, %max3A_170 : i32
    %min3A_172 = arith.constant 1 : i32
    %min3A_173 = arith.minsi %max3A_171, %min3A_172 : i32
    %mul3A_174 = vector.broadcast %min3A_173 : i32 to vector<16xi32>
    %mul3A_175 = arith.muli %get3A_166, %mul3A_174 : vector<16xi32>
    %add3A_176 = arith.addi %add3A_162, %mul3A_175 : vector<16xi32>
    %get3A_177 = arith.constant 9 : i32
    %get3A_178 = arith.index_cast %get3A_177 : i32 to index
    %get3A_179 = arith.constant 0 : index
    %get3A_180 = tpu.vector_load %arg11[%get3A_178, %get3A_179] {strides = array<i32>} : memref<32x16xi32, #tpu.memory_space<vmem>>, vector<16xi32>,
    %add3A_181 = arith.addi %add3A_167, %get3A_180 : vector<16xi32>
    %sub3A_182 = arith.constant 9 : i32
    %sub3A_183 = arith.subi %add3A, %sub3A_182 : i32
    %max3A_184 = arith.constant 0 : i32
    %max3A_185 = arith.maxsi %sub3A_183, %max3A_184 : i32
    %min3A_186 = arith.constant 1 : i32
    %min3A_187 = arith.minsi %max3A_185, %min3A_186 : i32
    %mul3A_188 = vector.broadcast %min3A_187 : i32 to vector<16xi32>
    %mul3A_189 = arith.muli %get3A_180, %mul3A_188 : vector<16xi32>
    %add3A_190 = arith.addi %add3A_176, %mul3A_189 : vector<16xi32>
    %get3A_191 = arith.constant 10 : i32
    %get3A_192 = arith.index_cast %get3A_191 : i32 to index
    %get3A_193 = arith.constant 0 : index
    %get3A_194 = tpu.vector_load %arg11[%get3A_192, %get3A_193] {strides = array<i32>} : memref<32x16xi32, #tpu.memory_space<vmem>>, vector<16xi32>,
    %add3A_195 = arith.addi %add3A_181, %get3A_194 : vector<16xi32>
    %sub3A_196 = arith.constant 10 : i32
    %sub3A_197 = arith.subi %add3A, %sub3A_196 : i32
    %max3A_198 = arith.constant 0 : i32
    %max3A_199 = arith.maxsi %sub3A_197, %max3A_198 : i32
    %min3A_200 = arith.constant 1 : i32
    %min3A_201 = arith.minsi %max3A_199, %min3A_200 : i32
    %mul3A_202 = vector.broadcast %min3A_201 : i32 to vector<16xi32>
    %mul3A_203 = arith.muli %get3A_194, %mul3A_202 : vector<16xi32>
    %add3A_204 = arith.addi %add3A_190, %mul3A_203 : vector<16xi32>
    %get3A_205 = arith.constant 11 : i32
    %get3A_206 = arith.index_cast %get3A_205 : i32 to index
    %get3A_207 = arith.constant 0 : index
    %get3A_208 = tpu.vector_load %arg11[%get3A_206, %get3A_207] {strides = array<i32>} : memref<32x16xi32, #tpu.memory_space<vmem>>, vector<16xi32>,
    %add3A_209 = arith.addi %add3A_195, %get3A_208 : vector<16xi32>
    %sub3A_210 = arith.constant 11 : i32
    %sub3A_211 = arith.subi %add3A, %sub3A_210 : i32
    %max3A_212 = arith.constant 0 : i32
    %max3A_213 = arith.maxsi %sub3A_211, %max3A_212 : i32
    %min3A_214 = arith.constant 1 : i32
    %min3A_215 = arith.minsi %max3A_213, %min3A_214 : i32
    %mul3A_216 = vector.broadcast %min3A_215 : i32 to vector<16xi32>
    %mul3A_217 = arith.muli %get3A_208, %mul3A_216 : vector<16xi32>
    %add3A_218 = arith.addi %add3A_204, %mul3A_217 : vector<16xi32>
    %get3A_219 = arith.constant 12 : i32
    %get3A_220 = arith.index_cast %get3A_219 : i32 to index
    %get3A_221 = arith.constant 0 : index
    %get3A_222 = tpu.vector_load %arg11[%get3A_220, %get3A_221] {strides = array<i32>} : memref<32x16xi32, #tpu.memory_space<vmem>>, vector<16xi32>,
    %add3A_223 = arith.addi %add3A_209, %get3A_222 : vector<16xi32>
    %sub3A_224 = arith.constant 12 : i32
    %sub3A_225 = arith.subi %add3A, %sub3A_224 : i32
    %max3A_226 = arith.constant 0 : i32
    %max3A_227 = arith.maxsi %sub3A_225, %max3A_226 : i32
    %min3A_228 = arith.constant 1 : i32
    %min3A_229 = arith.minsi %max3A_227, %min3A_228 : i32
    %mul3A_230 = vector.broadcast %min3A_229 : i32 to vector<16xi32>
    %mul3A_231 = arith.muli %get3A_222, %mul3A_230 : vector<16xi32>
    %add3A_232 = arith.addi %add3A_218, %mul3A_231 : vector<16xi32>
    %get3A_233 = arith.constant 13 : i32
    %get3A_234 = arith.index_cast %get3A_233 : i32 to index
    %get3A_235 = arith.constant 0 : index
    %get3A_236 = tpu.vector_load %arg11[%get3A_234, %get3A_235] {strides = array<i32>} : memref<32x16xi32, #tpu.memory_space<vmem>>, vector<16xi32>,
    %add3A_237 = arith.addi %add3A_223, %get3A_236 : vector<16xi32>
    %sub3A_238 = arith.constant 13 : i32
    %sub3A_239 = arith.subi %add3A, %sub3A_238 : i32
    %max3A_240 = arith.constant 0 : i32
    %max3A_241 = arith.maxsi %sub3A_239, %max3A_240 : i32
    %min3A_242 = arith.constant 1 : i32
    %min3A_243 = arith.minsi %max3A_241, %min3A_242 : i32
    %mul3A_244 = vector.broadcast %min3A_243 : i32 to vector<16xi32>
    %mul3A_245 = arith.muli %get3A_236, %mul3A_244 : vector<16xi32>
    %add3A_246 = arith.addi %add3A_232, %mul3A_245 : vector<16xi32>
    %get3A_247 = arith.constant 14 : i32
    %get3A_248 = arith.index_cast %get3A_247 : i32 to index
    %get3A_249 = arith.constant 0 : index
    %get3A_250 = tpu.vector_load %arg11[%get3A_248, %get3A_249] {strides = array<i32>} : memref<32x16xi32, #tpu.memory_space<vmem>>, vector<16xi32>,
    %add3A_251 = arith.addi %add3A_237, %get3A_250 : vector<16xi32>
    %sub3A_252 = arith.constant 14 : i32
    %sub3A_253 = arith.subi %add3A, %sub3A_252 : i32
    %max3A_254 = arith.constant 0 : i32
    %max3A_255 = arith.maxsi %sub3A_253, %max3A_254 : i32
    %min3A_256 = arith.constant 1 : i32
    %min3A_257 = arith.minsi %max3A_255, %min3A_256 : i32
    %mul3A_258 = vector.broadcast %min3A_257 : i32 to vector<16xi32>
    %mul3A_259 = arith.muli %get3A_250, %mul3A_258 : vector<16xi32>
    %add3A_260 = arith.addi %add3A_246, %mul3A_259 : vector<16xi32>
    %get3A_261 = arith.constant 15 : i32
    %get3A_262 = arith.index_cast %get3A_261 : i32 to index
    %get3A_263 = arith.constant 0 : index
    %get3A_264 = tpu.vector_load %arg11[%get3A_262, %get3A_263] {strides = array<i32>} : memref<32x16xi32, #tpu.memory_space<vmem>>, vector<16xi32>,
    %add3A_265 = arith.addi %add3A_251, %get3A_264 : vector<16xi32>
    %sub3A_266 = arith.constant 15 : i32
    %sub3A_267 = arith.subi %add3A, %sub3A_266 : i32
    %max3A_268 = arith.constant 0 : i32
    %max3A_269 = arith.maxsi %sub3A_267, %max3A_268 : i32
    %min3A_270 = arith.constant 1 : i32
    %min3A_271 = arith.minsi %max3A_269, %min3A_270 : i32
    %mul3A_272 = vector.broadcast %min3A_271 : i32 to vector<16xi32>
    %mul3A_273 = arith.muli %get3A_264, %mul3A_272 : vector<16xi32>
    %add3A_274 = arith.addi %add3A_260, %mul3A_273 : vector<16xi32>
    %get3A_275 = arith.constant 16 : i32
    %get3A_276 = arith.index_cast %get3A_275 : i32 to index
    %get3A_277 = arith.constant 0 : index
    %get3A_278 = tpu.vector_load %arg11[%get3A_276, %get3A_277] {strides = array<i32>} : memref<32x16xi32, #tpu.memory_space<vmem>>, vector<16xi32>,
    %add3A_279 = arith.addi %add3A_265, %get3A_278 : vector<16xi32>
    %sub3A_280 = arith.constant 16 : i32
    %sub3A_281 = arith.subi %add3A, %sub3A_280 : i32
    %max3A_282 = arith.constant 0 : i32
    %max3A_283 = arith.maxsi %sub3A_281, %max3A_282 : i32
    %min3A_284 = arith.constant 1 : i32
    %min3A_285 = arith.minsi %max3A_283, %min3A_284 : i32
    %mul3A_286 = vector.broadcast %min3A_285 : i32 to vector<16xi32>
    %mul3A_287 = arith.muli %get3A_278, %mul3A_286 : vector<16xi32>
    %add3A_288 = arith.addi %add3A_274, %mul3A_287 : vector<16xi32>
    %get3A_289 = arith.constant 17 : i32
    %get3A_290 = arith.index_cast %get3A_289 : i32 to index
    %get3A_291 = arith.constant 0 : index
    %get3A_292 = tpu.vector_load %arg11[%get3A_290, %get3A_291] {strides = array<i32>} : memref<32x16xi32, #tpu.memory_space<vmem>>, vector<16xi32>,
    %add3A_293 = arith.addi %add3A_279, %get3A_292 : vector<16xi32>
    %sub3A_294 = arith.constant 17 : i32
    %sub3A_295 = arith.subi %add3A, %sub3A_294 : i32
    %max3A_296 = arith.constant 0 : i32
    %max3A_297 = arith.maxsi %sub3A_295, %max3A_296 : i32
    %min3A_298 = arith.constant 1 : i32
    %min3A_299 = arith.minsi %max3A_297, %min3A_298 : i32
    %mul3A_300 = vector.broadcast %min3A_299 : i32 to vector<16xi32>
    %mul3A_301 = arith.muli %get3A_292, %mul3A_300 : vector<16xi32>
    %add3A_302 = arith.addi %add3A_288, %mul3A_301 : vector<16xi32>
    %get3A_303 = arith.constant 18 : i32
    %get3A_304 = arith.index_cast %get3A_303 : i32 to index
    %get3A_305 = arith.constant 0 : index
    %get3A_306 = tpu.vector_load %arg11[%get3A_304, %get3A_305] {strides = array<i32>} : memref<32x16xi32, #tpu.memory_space<vmem>>, vector<16xi32>,
    %add3A_307 = arith.addi %add3A_293, %get3A_306 : vector<16xi32>
    %sub3A_308 = arith.constant 18 : i32
    %sub3A_309 = arith.subi %add3A, %sub3A_308 : i32
    %max3A_310 = arith.constant 0 : i32
    %max3A_311 = arith.maxsi %sub3A_309, %max3A_310 : i32
    %min3A_312 = arith.constant 1 : i32
    %min3A_313 = arith.minsi %max3A_311, %min3A_312 : i32
    %mul3A_314 = vector.broadcast %min3A_313 : i32 to vector<16xi32>
    %mul3A_315 = arith.muli %get3A_306, %mul3A_314 : vector<16xi32>
    %add3A_316 = arith.addi %add3A_302, %mul3A_315 : vector<16xi32>
    %get3A_317 = arith.constant 19 : i32
    %get3A_318 = arith.index_cast %get3A_317 : i32 to index
    %get3A_319 = arith.constant 0 : index
    %get3A_320 = tpu.vector_load %arg11[%get3A_318, %get3A_319] {strides = array<i32>} : memref<32x16xi32, #tpu.memory_space<vmem>>, vector<16xi32>,
    %add3A_321 = arith.addi %add3A_307, %get3A_320 : vector<16xi32>
    %sub3A_322 = arith.constant 19 : i32
    %sub3A_323 = arith.subi %add3A, %sub3A_322 : i32
    %max3A_324 = arith.constant 0 : i32
    %max3A_325 = arith.maxsi %sub3A_323, %max3A_324 : i32
    %min3A_326 = arith.constant 1 : i32
    %min3A_327 = arith.minsi %max3A_325, %min3A_326 : i32
    %mul3A_328 = vector.broadcast %min3A_327 : i32 to vector<16xi32>
    %mul3A_329 = arith.muli %get3A_320, %mul3A_328 : vector<16xi32>
    %add3A_330 = arith.addi %add3A_316, %mul3A_329 : vector<16xi32>
    %get3A_331 = arith.constant 20 : i32
    %get3A_332 = arith.index_cast %get3A_331 : i32 to index
    %get3A_333 = arith.constant 0 : index
    %get3A_334 = tpu.vector_load %arg11[%get3A_332, %get3A_333] {strides = array<i32>} : memref<32x16xi32, #tpu.memory_space<vmem>>, vector<16xi32>,
    %add3A_335 = arith.addi %add3A_321, %get3A_334 : vector<16xi32>
    %sub3A_336 = arith.constant 20 : i32
    %sub3A_337 = arith.subi %add3A, %sub3A_336 : i32
    %max3A_338 = arith.constant 0 : i32
    %max3A_339 = arith.maxsi %sub3A_337, %max3A_338 : i32
    %min3A_340 = arith.constant 1 : i32
    %min3A_341 = arith.minsi %max3A_339, %min3A_340 : i32
    %mul3A_342 = vector.broadcast %min3A_341 : i32 to vector<16xi32>
    %mul3A_343 = arith.muli %get3A_334, %mul3A_342 : vector<16xi32>
    %add3A_344 = arith.addi %add3A_330, %mul3A_343 : vector<16xi32>
    %get3A_345 = arith.constant 21 : i32
    %get3A_346 = arith.index_cast %get3A_345 : i32 to index
    %get3A_347 = arith.constant 0 : index
    %get3A_348 = tpu.vector_load %arg11[%get3A_346, %get3A_347] {strides = array<i32>} : memref<32x16xi32, #tpu.memory_space<vmem>>, vector<16xi32>,
    %add3A_349 = arith.addi %add3A_335, %get3A_348 : vector<16xi32>
    %sub3A_350 = arith.constant 21 : i32
    %sub3A_351 = arith.subi %add3A, %sub3A_350 : i32
    %max3A_352 = arith.constant 0 : i32
    %max3A_353 = arith.maxsi %sub3A_351, %max3A_352 : i32
    %min3A_354 = arith.constant 1 : i32
    %min3A_355 = arith.minsi %max3A_353, %min3A_354 : i32
    %mul3A_356 = vector.broadcast %min3A_355 : i32 to vector<16xi32>
    %mul3A_357 = arith.muli %get3A_348, %mul3A_356 : vector<16xi32>
    %add3A_358 = arith.addi %add3A_344, %mul3A_357 : vector<16xi32>
    %get3A_359 = arith.constant 22 : i32
    %get3A_360 = arith.index_cast %get3A_359 : i32 to index
    %get3A_361 = arith.constant 0 : index
    %get3A_362 = tpu.vector_load %arg11[%get3A_360, %get3A_361] {strides = array<i32>} : memref<32x16xi32, #tpu.memory_space<vmem>>, vector<16xi32>,
    %add3A_363 = arith.addi %add3A_349, %get3A_362 : vector<16xi32>
    %sub3A_364 = arith.constant 22 : i32
    %sub3A_365 = arith.subi %add3A, %sub3A_364 : i32
    %max3A_366 = arith.constant 0 : i32
    %max3A_367 = arith.maxsi %sub3A_365, %max3A_366 : i32
    %min3A_368 = arith.constant 1 : i32
    %min3A_369 = arith.minsi %max3A_367, %min3A_368 : i32
    %mul3A_370 = vector.broadcast %min3A_369 : i32 to vector<16xi32>
    %mul3A_371 = arith.muli %get3A_362, %mul3A_370 : vector<16xi32>
    %add3A_372 = arith.addi %add3A_358, %mul3A_371 : vector<16xi32>
    %get3A_373 = arith.constant 23 : i32
    %get3A_374 = arith.index_cast %get3A_373 : i32 to index
    %get3A_375 = arith.constant 0 : index
    %get3A_376 = tpu.vector_load %arg11[%get3A_374, %get3A_375] {strides = array<i32>} : memref<32x16xi32, #tpu.memory_space<vmem>>, vector<16xi32>,
    %add3A_377 = arith.addi %add3A_363, %get3A_376 : vector<16xi32>
    %sub3A_378 = arith.constant 23 : i32
    %sub3A_379 = arith.subi %add3A, %sub3A_378 : i32
    %max3A_380 = arith.constant 0 : i32
    %max3A_381 = arith.maxsi %sub3A_379, %max3A_380 : i32
    %min3A_382 = arith.constant 1 : i32
    %min3A_383 = arith.minsi %max3A_381, %min3A_382 : i32
    %mul3A_384 = vector.broadcast %min3A_383 : i32 to vector<16xi32>
    %mul3A_385 = arith.muli %get3A_376, %mul3A_384 : vector<16xi32>
    %add3A_386 = arith.addi %add3A_372, %mul3A_385 : vector<16xi32>
    %get3A_387 = arith.constant 24 : i32
    %get3A_388 = arith.index_cast %get3A_387 : i32 to index
    %get3A_389 = arith.constant 0 : index
    %get3A_390 = tpu.vector_load %arg11[%get3A_388, %get3A_389] {strides = array<i32>} : memref<32x16xi32, #tpu.memory_space<vmem>>, vector<16xi32>,
    %add3A_391 = arith.addi %add3A_377, %get3A_390 : vector<16xi32>
    %sub3A_392 = arith.constant 24 : i32
    %sub3A_393 = arith.subi %add3A, %sub3A_392 : i32
    %max3A_394 = arith.constant 0 : i32
    %max3A_395 = arith.maxsi %sub3A_393, %max3A_394 : i32
    %min3A_396 = arith.constant 1 : i32
    %min3A_397 = arith.minsi %max3A_395, %min3A_396 : i32
    %mul3A_398 = vector.broadcast %min3A_397 : i32 to vector<16xi32>
    %mul3A_399 = arith.muli %get3A_390, %mul3A_398 : vector<16xi32>
    %add3A_400 = arith.addi %add3A_386, %mul3A_399 : vector<16xi32>
    %get3A_401 = arith.constant 25 : i32
    %get3A_402 = arith.index_cast %get3A_401 : i32 to index
    %get3A_403 = arith.constant 0 : index
    %get3A_404 = tpu.vector_load %arg11[%get3A_402, %get3A_403] {strides = array<i32>} : memref<32x16xi32, #tpu.memory_space<vmem>>, vector<16xi32>,
    %add3A_405 = arith.addi %add3A_391, %get3A_404 : vector<16xi32>
    %sub3A_406 = arith.constant 25 : i32
    %sub3A_407 = arith.subi %add3A, %sub3A_406 : i32
    %max3A_408 = arith.constant 0 : i32
    %max3A_409 = arith.maxsi %sub3A_407, %max3A_408 : i32
    %min3A_410 = arith.constant 1 : i32
    %min3A_411 = arith.minsi %max3A_409, %min3A_410 : i32
    %mul3A_412 = vector.broadcast %min3A_411 : i32 to vector<16xi32>
    %mul3A_413 = arith.muli %get3A_404, %mul3A_412 : vector<16xi32>
    %add3A_414 = arith.addi %add3A_400, %mul3A_413 : vector<16xi32>
    %get3A_415 = arith.constant 26 : i32
    %get3A_416 = arith.index_cast %get3A_415 : i32 to index
    %get3A_417 = arith.constant 0 : index
    %get3A_418 = tpu.vector_load %arg11[%get3A_416, %get3A_417] {strides = array<i32>} : memref<32x16xi32, #tpu.memory_space<vmem>>, vector<16xi32>,
    %add3A_419 = arith.addi %add3A_405, %get3A_418 : vector<16xi32>
    %sub3A_420 = arith.constant 26 : i32
    %sub3A_421 = arith.subi %add3A, %sub3A_420 : i32
    %max3A_422 = arith.constant 0 : i32
    %max3A_423 = arith.maxsi %sub3A_421, %max3A_422 : i32
    %min3A_424 = arith.constant 1 : i32
    %min3A_425 = arith.minsi %max3A_423, %min3A_424 : i32
    %mul3A_426 = vector.broadcast %min3A_425 : i32 to vector<16xi32>
    %mul3A_427 = arith.muli %get3A_418, %mul3A_426 : vector<16xi32>
    %add3A_428 = arith.addi %add3A_414, %mul3A_427 : vector<16xi32>
    %get3A_429 = arith.constant 27 : i32
    %get3A_430 = arith.index_cast %get3A_429 : i32 to index
    %get3A_431 = arith.constant 0 : index
    %get3A_432 = tpu.vector_load %arg11[%get3A_430, %get3A_431] {strides = array<i32>} : memref<32x16xi32, #tpu.memory_space<vmem>>, vector<16xi32>,
    %add3A_433 = arith.addi %add3A_419, %get3A_432 : vector<16xi32>
    %sub3A_434 = arith.constant 27 : i32
    %sub3A_435 = arith.subi %add3A, %sub3A_434 : i32
    %max3A_436 = arith.constant 0 : i32
    %max3A_437 = arith.maxsi %sub3A_435, %max3A_436 : i32
    %min3A_438 = arith.constant 1 : i32
    %min3A_439 = arith.minsi %max3A_437, %min3A_438 : i32
    %mul3A_440 = vector.broadcast %min3A_439 : i32 to vector<16xi32>
    %mul3A_441 = arith.muli %get3A_432, %mul3A_440 : vector<16xi32>
    %add3A_442 = arith.addi %add3A_428, %mul3A_441 : vector<16xi32>
    %get3A_443 = arith.constant 28 : i32
    %get3A_444 = arith.index_cast %get3A_443 : i32 to index
    %get3A_445 = arith.constant 0 : index
    %get3A_446 = tpu.vector_load %arg11[%get3A_444, %get3A_445] {strides = array<i32>} : memref<32x16xi32, #tpu.memory_space<vmem>>, vector<16xi32>,
    %add3A_447 = arith.addi %add3A_433, %get3A_446 : vector<16xi32>
    %sub3A_448 = arith.constant 28 : i32
    %sub3A_449 = arith.subi %add3A, %sub3A_448 : i32
    %max3A_450 = arith.constant 0 : i32
    %max3A_451 = arith.maxsi %sub3A_449, %max3A_450 : i32
    %min3A_452 = arith.constant 1 : i32
    %min3A_453 = arith.minsi %max3A_451, %min3A_452 : i32
    %mul3A_454 = vector.broadcast %min3A_453 : i32 to vector<16xi32>
    %mul3A_455 = arith.muli %get3A_446, %mul3A_454 : vector<16xi32>
    %add3A_456 = arith.addi %add3A_442, %mul3A_455 : vector<16xi32>
    %get3A_457 = arith.constant 29 : i32
    %get3A_458 = arith.index_cast %get3A_457 : i32 to index
    %get3A_459 = arith.constant 0 : index
    %get3A_460 = tpu.vector_load %arg11[%get3A_458, %get3A_459] {strides = array<i32>} : memref<32x16xi32, #tpu.memory_space<vmem>>, vector<16xi32>,
    %add3A_461 = arith.addi %add3A_447, %get3A_460 : vector<16xi32>
    %sub3A_462 = arith.constant 29 : i32
    %sub3A_463 = arith.subi %add3A, %sub3A_462 : i32
    %max3A_464 = arith.constant 0 : i32
    %max3A_465 = arith.maxsi %sub3A_463, %max3A_464 : i32
    %min3A_466 = arith.constant 1 : i32
    %min3A_467 = arith.minsi %max3A_465, %min3A_466 : i32
    %mul3A_468 = vector.broadcast %min3A_467 : i32 to vector<16xi32>
    %mul3A_469 = arith.muli %get3A_460, %mul3A_468 : vector<16xi32>
    %add3A_470 = arith.addi %add3A_456, %mul3A_469 : vector<16xi32>
    %get3A_471 = arith.constant 30 : i32
    %get3A_472 = arith.index_cast %get3A_471 : i32 to index
    %get3A_473 = arith.constant 0 : index
    %get3A_474 = tpu.vector_load %arg11[%get3A_472, %get3A_473] {strides = array<i32>} : memref<32x16xi32, #tpu.memory_space<vmem>>, vector<16xi32>,
    %add3A_475 = arith.addi %add3A_461, %get3A_474 : vector<16xi32>
    %sub3A_476 = arith.constant 30 : i32
    %sub3A_477 = arith.subi %add3A, %sub3A_476 : i32
    %max3A_478 = arith.constant 0 : i32
    %max3A_479 = arith.maxsi %sub3A_477, %max3A_478 : i32
    %min3A_480 = arith.constant 1 : i32
    %min3A_481 = arith.minsi %max3A_479, %min3A_480 : i32
    %mul3A_482 = vector.broadcast %min3A_481 : i32 to vector<16xi32>
    %mul3A_483 = arith.muli %get3A_474, %mul3A_482 : vector<16xi32>
    %add3A_484 = arith.addi %add3A_470, %mul3A_483 : vector<16xi32>
    %get3A_485 = arith.constant 31 : i32
    %get3A_486 = arith.index_cast %get3A_485 : i32 to index
    %get3A_487 = arith.constant 0 : index
    %get3A_488 = tpu.vector_load %arg11[%get3A_486, %get3A_487] {strides = array<i32>} : memref<32x16xi32, #tpu.memory_space<vmem>>, vector<16xi32>,
    %add3A_489 = arith.addi %add3A_475, %get3A_488 : vector<16xi32>
    %sub3A_490 = arith.constant 31 : i32
    %sub3A_491 = arith.subi %add3A, %sub3A_490 : i32
    %max3A_492 = arith.constant 0 : i32
    %max3A_493 = arith.maxsi %sub3A_491, %max3A_492 : i32
    %min3A_494 = arith.constant 1 : i32
    %min3A_495 = arith.minsi %max3A_493, %min3A_494 : i32
    %mul3A_496 = vector.broadcast %min3A_495 : i32 to vector<16xi32>
    %mul3A_497 = arith.muli %get3A_488, %mul3A_496 : vector<16xi32>
    %add3A_498 = arith.addi %add3A_484, %mul3A_497 : vector<16xi32>
    %broadcast_in_dim3A_499 = arith.constant true
    %broadcast_in_dim3A_500 = vector.broadcast %broadcast_in_dim3A_499 : i1 to vector<16xi1>
    %masked_cumsum3A = tpu.scan <sum>, %add3A_489 masked %broadcast_in_dim3A_500 : vector<16xi32>, vector<16xi1> -> vector<16xi32>
    %sub3A_501 = arith.subi %masked_cumsum3A, %add3A_489 : vector<16xi32>
    %add3A_502 = arith.addi %sub3A_501, %add3A_498 : vector<16xi32>
    %eq3A = arith.constant 0 : i32
    %eq3A_503 = arith.cmpi eq, %add3A, %eq3A : i32
    %convert_element_type3A = arith.extui %eq3A_503 : i1 to i32
    %cond3A = arith.constant 0 : i32
    %cond3A_504 = arith.cmpi ne, %convert_element_type3A, %cond3A : i32
    scf.if %cond3A_504 {
      %swap3A_1427 = arith.constant 0 : index
      %swap3A_1428 = tpu.vector_load %arg10[%swap3A_1427] {strides = array<i32>} : memref<16xi32, #tpu.memory_space<vmem>>, vector<16xi32>,
      tpu.vector_store %arg10[%swap3A_1427], %sub3A_501 {strides = array<i32>} : memref<16xi32, #tpu.memory_space<vmem>>, vector<16xi32>,
      "tpu.region"() ({
        %run_scoped3A = tpu.sem_alloc : memref<!tpu.dma_semaphore, #tpu.memory_space<semaphore_mem>>
        tpu.enqueue_dma source(%arg10 : memref<16xi32, #tpu.memory_space<vmem>>) target(%arg7 : memref<16xi32, #tpu.memory_space<hbm>>) target_semaphore(%run_scoped3A : memref<!tpu.dma_semaphore, #tpu.memory_space<semaphore_mem>>)
        tpu.wait_dma2 semaphore(%run_scoped3A : memref<!tpu.dma_semaphore, #tpu.memory_space<semaphore_mem>>) src(%arg10 : memref<16xi32, #tpu.memory_space<vmem>>) dst(%arg7 : memref<16xi32, #tpu.memory_space<hbm>>)
        tpu.yield
      }) : () -> ()
    } else {
    }
    %get3A_505 = arith.constant 0 : index
    %get3A_506 = tpu.vector_load %arg8[%get3A_505] {strides = array<i32>} : memref<64xi32, #tpu.memory_space<vmem>>, vector<16xi32>,
    %broadcast_in_dim3A_507 = arith.constant 0 : i32
    %broadcast_in_dim3A_508 = vector.broadcast %broadcast_in_dim3A_507 : i32 to vector<16xi32>
    %sub3A_509 = arith.constant 0 : i32
    %sub3A_510 = vector.broadcast %sub3A_509 : i32 to vector<16xi32>
    %sub3A_511 = arith.subi %get3A_506, %sub3A_510 : vector<16xi32>
    %abs3A_512 = math.absi %sub3A_511 : vector<16xi32>
    %min3A_513 = arith.minsi %abs3A_512, %broadcast_in_dim3A_3 : vector<16xi32>
    %sub3A_514 = arith.subi %broadcast_in_dim3A_3, %min3A_513 : vector<16xi32>
    %broadcast_in_dim3A_515 = arith.constant true
    %broadcast_in_dim3A_516 = vector.broadcast %broadcast_in_dim3A_515 : i1 to vector<16xi1>
    %masked_cumsum3A_517 = tpu.scan <sum>, %sub3A_514 masked %broadcast_in_dim3A_516 : vector<16xi32>, vector<16xi1> -> vector<16xi32>
    %mul3A_518 = arith.muli %add3A_502, %sub3A_6 : vector<16xi32>
    %reduce_sum3A = arith.constant true
    %reduce_sum3A_519 = vector.broadcast %reduce_sum3A : i1 to vector<16xi1>
    %reduce_sum3A_520 = tpu.scan <sum>, %mul3A_518 masked %reduce_sum3A_519 : vector<16xi32>, vector<16xi1> -> vector<16xi32>
    %reduce_sum3A_521 = vector.extract %reduce_sum3A_520[15] : i32 from vector<16xi32>
    %add3A_522 = vector.broadcast %reduce_sum3A_521 : i32 to vector<16xi32>
    %add3A_523 = arith.addi %add3A_522, %masked_cumsum3A_517 : vector<16xi32>
    %sub3A_524 = arith.constant 1 : i32
    %sub3A_525 = vector.broadcast %sub3A_524 : i32 to vector<16xi32>
    %sub3A_526 = arith.subi %add3A_523, %sub3A_525 : vector<16xi32>
    %mul3A_527 = arith.muli %sub3A_514, %sub3A_526 : vector<16xi32>
    %add3A_528 = arith.addi %broadcast_in_dim3A_508, %mul3A_527 : vector<16xi32>
    %reduce_sum3A_529 = arith.constant true
    %reduce_sum3A_530 = vector.broadcast %reduce_sum3A_529 : i1 to vector<16xi1>
    %reduce_sum3A_531 = tpu.scan <sum>, %sub3A_514 masked %reduce_sum3A_530 : vector<16xi32>, vector<16xi1> -> vector<16xi32>
    %reduce_sum3A_532 = vector.extract %reduce_sum3A_531[15] : i32 from vector<16xi32>
    %mul3A_533 = vector.broadcast %reduce_sum3A_532 : i32 to vector<16xi32>
    %mul3A_534 = arith.muli %sub3A_6, %mul3A_533 : vector<16xi32>
    %add3A_535 = arith.addi %add3A_502, %mul3A_534 : vector<16xi32>
    %sub3A_536 = arith.constant 1 : i32
    %sub3A_537 = vector.broadcast %sub3A_536 : i32 to vector<16xi32>
    %sub3A_538 = arith.subi %get3A_506, %sub3A_537 : vector<16xi32>
    %abs3A_539 = math.absi %sub3A_538 : vector<16xi32>
    %min3A_540 = arith.minsi %abs3A_539, %broadcast_in_dim3A_3 : vector<16xi32>
    %sub3A_541 = arith.subi %broadcast_in_dim3A_3, %min3A_540 : vector<16xi32>
    %broadcast_in_dim3A_542 = arith.constant true
    %broadcast_in_dim3A_543 = vector.broadcast %broadcast_in_dim3A_542 : i1 to vector<16xi1>
    %masked_cumsum3A_544 = tpu.scan <sum>, %sub3A_541 masked %broadcast_in_dim3A_543 : vector<16xi32>, vector<16xi1> -> vector<16xi32>
    %mul3A_545 = arith.muli %add3A_535, %sub3A_12 : vector<16xi32>
    %reduce_sum3A_546 = arith.constant true
    %reduce_sum3A_547 = vector.broadcast %reduce_sum3A_546 : i1 to vector<16xi1>
    %reduce_sum3A_548 = tpu.scan <sum>, %mul3A_545 masked %reduce_sum3A_547 : vector<16xi32>, vector<16xi1> -> vector<16xi32>
    %reduce_sum3A_549 = vector.extract %reduce_sum3A_548[15] : i32 from vector<16xi32>
    %add3A_550 = vector.broadcast %reduce_sum3A_549 : i32 to vector<16xi32>
    %add3A_551 = arith.addi %add3A_550, %masked_cumsum3A_544 : vector<16xi32>
    %sub3A_552 = arith.constant 1 : i32
    %sub3A_553 = vector.broadcast %sub3A_552 : i32 to vector<16xi32>
    %sub3A_554 = arith.subi %add3A_551, %sub3A_553 : vector<16xi32>
    %mul3A_555 = arith.muli %sub3A_541, %sub3A_554 : vector<16xi32>
    %add3A_556 = arith.addi %add3A_528, %mul3A_555 : vector<16xi32>
    %reduce_sum3A_557 = arith.constant true
    %reduce_sum3A_558 = vector.broadcast %reduce_sum3A_557 : i1 to vector<16xi1>
    %reduce_sum3A_559 = tpu.scan <sum>, %sub3A_541 masked %reduce_sum3A_558 : vector<16xi32>, vector<16xi1> -> vector<16xi32>
    %reduce_sum3A_560 = vector.extract %reduce_sum3A_559[15] : i32 from vector<16xi32>
    %mul3A_561 = vector.broadcast %reduce_sum3A_560 : i32 to vector<16xi32>
    %mul3A_562 = arith.muli %sub3A_12, %mul3A_561 : vector<16xi32>
    %add3A_563 = arith.addi %add3A_535, %mul3A_562 : vector<16xi32>
    %sub3A_564 = arith.constant 2 : i32
    %sub3A_565 = vector.broadcast %sub3A_564 : i32 to vector<16xi32>
    %sub3A_566 = arith.subi %get3A_506, %sub3A_565 : vector<16xi32>
    %abs3A_567 = math.absi %sub3A_566 : vector<16xi32>
    %min3A_568 = arith.minsi %abs3A_567, %broadcast_in_dim3A_3 : vector<16xi32>
    %sub3A_569 = arith.subi %broadcast_in_dim3A_3, %min3A_568 : vector<16xi32>
    %broadcast_in_dim3A_570 = arith.constant true
    %broadcast_in_dim3A_571 = vector.broadcast %broadcast_in_dim3A_570 : i1 to vector<16xi1>
    %masked_cumsum3A_572 = tpu.scan <sum>, %sub3A_569 masked %broadcast_in_dim3A_571 : vector<16xi32>, vector<16xi1> -> vector<16xi32>
    %mul3A_573 = arith.muli %add3A_563, %sub3A_18 : vector<16xi32>
    %reduce_sum3A_574 = arith.constant true
    %reduce_sum3A_575 = vector.broadcast %reduce_sum3A_574 : i1 to vector<16xi1>
    %reduce_sum3A_576 = tpu.scan <sum>, %mul3A_573 masked %reduce_sum3A_575 : vector<16xi32>, vector<16xi1> -> vector<16xi32>
    %reduce_sum3A_577 = vector.extract %reduce_sum3A_576[15] : i32 from vector<16xi32>
    %add3A_578 = vector.broadcast %reduce_sum3A_577 : i32 to vector<16xi32>
    %add3A_579 = arith.addi %add3A_578, %masked_cumsum3A_572 : vector<16xi32>
    %sub3A_580 = arith.constant 1 : i32
    %sub3A_581 = vector.broadcast %sub3A_580 : i32 to vector<16xi32>
    %sub3A_582 = arith.subi %add3A_579, %sub3A_581 : vector<16xi32>
    %mul3A_583 = arith.muli %sub3A_569, %sub3A_582 : vector<16xi32>
    %add3A_584 = arith.addi %add3A_556, %mul3A_583 : vector<16xi32>
    %reduce_sum3A_585 = arith.constant true
    %reduce_sum3A_586 = vector.broadcast %reduce_sum3A_585 : i1 to vector<16xi1>
    %reduce_sum3A_587 = tpu.scan <sum>, %sub3A_569 masked %reduce_sum3A_586 : vector<16xi32>, vector<16xi1> -> vector<16xi32>
    %reduce_sum3A_588 = vector.extract %reduce_sum3A_587[15] : i32 from vector<16xi32>
    %mul3A_589 = vector.broadcast %reduce_sum3A_588 : i32 to vector<16xi32>
    %mul3A_590 = arith.muli %sub3A_18, %mul3A_589 : vector<16xi32>
    %add3A_591 = arith.addi %add3A_563, %mul3A_590 : vector<16xi32>
    %sub3A_592 = arith.constant 3 : i32
    %sub3A_593 = vector.broadcast %sub3A_592 : i32 to vector<16xi32>
    %sub3A_594 = arith.subi %get3A_506, %sub3A_593 : vector<16xi32>
    %abs3A_595 = math.absi %sub3A_594 : vector<16xi32>
    %min3A_596 = arith.minsi %abs3A_595, %broadcast_in_dim3A_3 : vector<16xi32>
    %sub3A_597 = arith.subi %broadcast_in_dim3A_3, %min3A_596 : vector<16xi32>
    %broadcast_in_dim3A_598 = arith.constant true
    %broadcast_in_dim3A_599 = vector.broadcast %broadcast_in_dim3A_598 : i1 to vector<16xi1>
    %masked_cumsum3A_600 = tpu.scan <sum>, %sub3A_597 masked %broadcast_in_dim3A_599 : vector<16xi32>, vector<16xi1> -> vector<16xi32>
    %mul3A_601 = arith.muli %add3A_591, %sub3A_24 : vector<16xi32>
    %reduce_sum3A_602 = arith.constant true
    %reduce_sum3A_603 = vector.broadcast %reduce_sum3A_602 : i1 to vector<16xi1>
    %reduce_sum3A_604 = tpu.scan <sum>, %mul3A_601 masked %reduce_sum3A_603 : vector<16xi32>, vector<16xi1> -> vector<16xi32>
    %reduce_sum3A_605 = vector.extract %reduce_sum3A_604[15] : i32 from vector<16xi32>
    %add3A_606 = vector.broadcast %reduce_sum3A_605 : i32 to vector<16xi32>
    %add3A_607 = arith.addi %add3A_606, %masked_cumsum3A_600 : vector<16xi32>
    %sub3A_608 = arith.constant 1 : i32
    %sub3A_609 = vector.broadcast %sub3A_608 : i32 to vector<16xi32>
    %sub3A_610 = arith.subi %add3A_607, %sub3A_609 : vector<16xi32>
    %mul3A_611 = arith.muli %sub3A_597, %sub3A_610 : vector<16xi32>
    %add3A_612 = arith.addi %add3A_584, %mul3A_611 : vector<16xi32>
    %reduce_sum3A_613 = arith.constant true
    %reduce_sum3A_614 = vector.broadcast %reduce_sum3A_613 : i1 to vector<16xi1>
    %reduce_sum3A_615 = tpu.scan <sum>, %sub3A_597 masked %reduce_sum3A_614 : vector<16xi32>, vector<16xi1> -> vector<16xi32>
    %reduce_sum3A_616 = vector.extract %reduce_sum3A_615[15] : i32 from vector<16xi32>
    %mul3A_617 = vector.broadcast %reduce_sum3A_616 : i32 to vector<16xi32>
    %mul3A_618 = arith.muli %sub3A_24, %mul3A_617 : vector<16xi32>
    %add3A_619 = arith.addi %add3A_591, %mul3A_618 : vector<16xi32>
    %sub3A_620 = arith.constant 4 : i32
    %sub3A_621 = vector.broadcast %sub3A_620 : i32 to vector<16xi32>
    %sub3A_622 = arith.subi %get3A_506, %sub3A_621 : vector<16xi32>
    %abs3A_623 = math.absi %sub3A_622 : vector<16xi32>
    %min3A_624 = arith.minsi %abs3A_623, %broadcast_in_dim3A_3 : vector<16xi32>
    %sub3A_625 = arith.subi %broadcast_in_dim3A_3, %min3A_624 : vector<16xi32>
    %broadcast_in_dim3A_626 = arith.constant true
    %broadcast_in_dim3A_627 = vector.broadcast %broadcast_in_dim3A_626 : i1 to vector<16xi1>
    %masked_cumsum3A_628 = tpu.scan <sum>, %sub3A_625 masked %broadcast_in_dim3A_627 : vector<16xi32>, vector<16xi1> -> vector<16xi32>
    %mul3A_629 = arith.muli %add3A_619, %sub3A_30 : vector<16xi32>
    %reduce_sum3A_630 = arith.constant true
    %reduce_sum3A_631 = vector.broadcast %reduce_sum3A_630 : i1 to vector<16xi1>
    %reduce_sum3A_632 = tpu.scan <sum>, %mul3A_629 masked %reduce_sum3A_631 : vector<16xi32>, vector<16xi1> -> vector<16xi32>
    %reduce_sum3A_633 = vector.extract %reduce_sum3A_632[15] : i32 from vector<16xi32>
    %add3A_634 = vector.broadcast %reduce_sum3A_633 : i32 to vector<16xi32>
    %add3A_635 = arith.addi %add3A_634, %masked_cumsum3A_628 : vector<16xi32>
    %sub3A_636 = arith.constant 1 : i32
    %sub3A_637 = vector.broadcast %sub3A_636 : i32 to vector<16xi32>
    %sub3A_638 = arith.subi %add3A_635, %sub3A_637 : vector<16xi32>
    %mul3A_639 = arith.muli %sub3A_625, %sub3A_638 : vector<16xi32>
    %add3A_640 = arith.addi %add3A_612, %mul3A_639 : vector<16xi32>
    %reduce_sum3A_641 = arith.constant true
    %reduce_sum3A_642 = vector.broadcast %reduce_sum3A_641 : i1 to vector<16xi1>
    %reduce_sum3A_643 = tpu.scan <sum>, %sub3A_625 masked %reduce_sum3A_642 : vector<16xi32>, vector<16xi1> -> vector<16xi32>
    %reduce_sum3A_644 = vector.extract %reduce_sum3A_643[15] : i32 from vector<16xi32>
    %mul3A_645 = vector.broadcast %reduce_sum3A_644 : i32 to vector<16xi32>
    %mul3A_646 = arith.muli %sub3A_30, %mul3A_645 : vector<16xi32>
    %add3A_647 = arith.addi %add3A_619, %mul3A_646 : vector<16xi32>
    %sub3A_648 = arith.constant 5 : i32
    %sub3A_649 = vector.broadcast %sub3A_648 : i32 to vector<16xi32>
    %sub3A_650 = arith.subi %get3A_506, %sub3A_649 : vector<16xi32>
    %abs3A_651 = math.absi %sub3A_650 : vector<16xi32>
    %min3A_652 = arith.minsi %abs3A_651, %broadcast_in_dim3A_3 : vector<16xi32>
    %sub3A_653 = arith.subi %broadcast_in_dim3A_3, %min3A_652 : vector<16xi32>
    %broadcast_in_dim3A_654 = arith.constant true
    %broadcast_in_dim3A_655 = vector.broadcast %broadcast_in_dim3A_654 : i1 to vector<16xi1>
    %masked_cumsum3A_656 = tpu.scan <sum>, %sub3A_653 masked %broadcast_in_dim3A_655 : vector<16xi32>, vector<16xi1> -> vector<16xi32>
    %mul3A_657 = arith.muli %add3A_647, %sub3A_36 : vector<16xi32>
    %reduce_sum3A_658 = arith.constant true
    %reduce_sum3A_659 = vector.broadcast %reduce_sum3A_658 : i1 to vector<16xi1>
    %reduce_sum3A_660 = tpu.scan <sum>, %mul3A_657 masked %reduce_sum3A_659 : vector<16xi32>, vector<16xi1> -> vector<16xi32>
    %reduce_sum3A_661 = vector.extract %reduce_sum3A_660[15] : i32 from vector<16xi32>
    %add3A_662 = vector.broadcast %reduce_sum3A_661 : i32 to vector<16xi32>
    %add3A_663 = arith.addi %add3A_662, %masked_cumsum3A_656 : vector<16xi32>
    %sub3A_664 = arith.constant 1 : i32
    %sub3A_665 = vector.broadcast %sub3A_664 : i32 to vector<16xi32>
    %sub3A_666 = arith.subi %add3A_663, %sub3A_665 : vector<16xi32>
    %mul3A_667 = arith.muli %sub3A_653, %sub3A_666 : vector<16xi32>
    %add3A_668 = arith.addi %add3A_640, %mul3A_667 : vector<16xi32>
    %reduce_sum3A_669 = arith.constant true
    %reduce_sum3A_670 = vector.broadcast %reduce_sum3A_669 : i1 to vector<16xi1>
    %reduce_sum3A_671 = tpu.scan <sum>, %sub3A_653 masked %reduce_sum3A_670 : vector<16xi32>, vector<16xi1> -> vector<16xi32>
    %reduce_sum3A_672 = vector.extract %reduce_sum3A_671[15] : i32 from vector<16xi32>
    %mul3A_673 = vector.broadcast %reduce_sum3A_672 : i32 to vector<16xi32>
    %mul3A_674 = arith.muli %sub3A_36, %mul3A_673 : vector<16xi32>
    %add3A_675 = arith.addi %add3A_647, %mul3A_674 : vector<16xi32>
    %sub3A_676 = arith.constant 6 : i32
    %sub3A_677 = vector.broadcast %sub3A_676 : i32 to vector<16xi32>
    %sub3A_678 = arith.subi %get3A_506, %sub3A_677 : vector<16xi32>
    %abs3A_679 = math.absi %sub3A_678 : vector<16xi32>
    %min3A_680 = arith.minsi %abs3A_679, %broadcast_in_dim3A_3 : vector<16xi32>
    %sub3A_681 = arith.subi %broadcast_in_dim3A_3, %min3A_680 : vector<16xi32>
    %broadcast_in_dim3A_682 = arith.constant true
    %broadcast_in_dim3A_683 = vector.broadcast %broadcast_in_dim3A_682 : i1 to vector<16xi1>
    %masked_cumsum3A_684 = tpu.scan <sum>, %sub3A_681 masked %broadcast_in_dim3A_683 : vector<16xi32>, vector<16xi1> -> vector<16xi32>
    %mul3A_685 = arith.muli %add3A_675, %sub3A_42 : vector<16xi32>
    %reduce_sum3A_686 = arith.constant true
    %reduce_sum3A_687 = vector.broadcast %reduce_sum3A_686 : i1 to vector<16xi1>
    %reduce_sum3A_688 = tpu.scan <sum>, %mul3A_685 masked %reduce_sum3A_687 : vector<16xi32>, vector<16xi1> -> vector<16xi32>
    %reduce_sum3A_689 = vector.extract %reduce_sum3A_688[15] : i32 from vector<16xi32>
    %add3A_690 = vector.broadcast %reduce_sum3A_689 : i32 to vector<16xi32>
    %add3A_691 = arith.addi %add3A_690, %masked_cumsum3A_684 : vector<16xi32>
    %sub3A_692 = arith.constant 1 : i32
    %sub3A_693 = vector.broadcast %sub3A_692 : i32 to vector<16xi32>
    %sub3A_694 = arith.subi %add3A_691, %sub3A_693 : vector<16xi32>
    %mul3A_695 = arith.muli %sub3A_681, %sub3A_694 : vector<16xi32>
    %add3A_696 = arith.addi %add3A_668, %mul3A_695 : vector<16xi32>
    %reduce_sum3A_697 = arith.constant true
    %reduce_sum3A_698 = vector.broadcast %reduce_sum3A_697 : i1 to vector<16xi1>
    %reduce_sum3A_699 = tpu.scan <sum>, %sub3A_681 masked %reduce_sum3A_698 : vector<16xi32>, vector<16xi1> -> vector<16xi32>
    %reduce_sum3A_700 = vector.extract %reduce_sum3A_699[15] : i32 from vector<16xi32>
    %mul3A_701 = vector.broadcast %reduce_sum3A_700 : i32 to vector<16xi32>
    %mul3A_702 = arith.muli %sub3A_42, %mul3A_701 : vector<16xi32>
    %add3A_703 = arith.addi %add3A_675, %mul3A_702 : vector<16xi32>
    %sub3A_704 = arith.constant 7 : i32
    %sub3A_705 = vector.broadcast %sub3A_704 : i32 to vector<16xi32>
    %sub3A_706 = arith.subi %get3A_506, %sub3A_705 : vector<16xi32>
    %abs3A_707 = math.absi %sub3A_706 : vector<16xi32>
    %min3A_708 = arith.minsi %abs3A_707, %broadcast_in_dim3A_3 : vector<16xi32>
    %sub3A_709 = arith.subi %broadcast_in_dim3A_3, %min3A_708 : vector<16xi32>
    %broadcast_in_dim3A_710 = arith.constant true
    %broadcast_in_dim3A_711 = vector.broadcast %broadcast_in_dim3A_710 : i1 to vector<16xi1>
    %masked_cumsum3A_712 = tpu.scan <sum>, %sub3A_709 masked %broadcast_in_dim3A_711 : vector<16xi32>, vector<16xi1> -> vector<16xi32>
    %mul3A_713 = arith.muli %add3A_703, %sub3A_48 : vector<16xi32>
    %reduce_sum3A_714 = arith.constant true
    %reduce_sum3A_715 = vector.broadcast %reduce_sum3A_714 : i1 to vector<16xi1>
    %reduce_sum3A_716 = tpu.scan <sum>, %mul3A_713 masked %reduce_sum3A_715 : vector<16xi32>, vector<16xi1> -> vector<16xi32>
    %reduce_sum3A_717 = vector.extract %reduce_sum3A_716[15] : i32 from vector<16xi32>
    %add3A_718 = vector.broadcast %reduce_sum3A_717 : i32 to vector<16xi32>
    %add3A_719 = arith.addi %add3A_718, %masked_cumsum3A_712 : vector<16xi32>
    %sub3A_720 = arith.constant 1 : i32
    %sub3A_721 = vector.broadcast %sub3A_720 : i32 to vector<16xi32>
    %sub3A_722 = arith.subi %add3A_719, %sub3A_721 : vector<16xi32>
    %mul3A_723 = arith.muli %sub3A_709, %sub3A_722 : vector<16xi32>
    %add3A_724 = arith.addi %add3A_696, %mul3A_723 : vector<16xi32>
    %reduce_sum3A_725 = arith.constant true
    %reduce_sum3A_726 = vector.broadcast %reduce_sum3A_725 : i1 to vector<16xi1>
    %reduce_sum3A_727 = tpu.scan <sum>, %sub3A_709 masked %reduce_sum3A_726 : vector<16xi32>, vector<16xi1> -> vector<16xi32>
    %reduce_sum3A_728 = vector.extract %reduce_sum3A_727[15] : i32 from vector<16xi32>
    %mul3A_729 = vector.broadcast %reduce_sum3A_728 : i32 to vector<16xi32>
    %mul3A_730 = arith.muli %sub3A_48, %mul3A_729 : vector<16xi32>
    %add3A_731 = arith.addi %add3A_703, %mul3A_730 : vector<16xi32>
    %swap3A = arith.constant 0 : index
    %swap3A_732 = tpu.vector_load %arg9[%swap3A] {strides = array<i32>} : memref<64xi32, #tpu.memory_space<vmem>>, vector<16xi32>,
    tpu.vector_store %arg9[%swap3A], %add3A_724 {strides = array<i32>} : memref<64xi32, #tpu.memory_space<vmem>>, vector<16xi32>,
    %get3A_733 = arith.constant 16 : index
    %get3A_734 = tpu.vector_load %arg8[%get3A_733] {strides = array<i32>} : memref<64xi32, #tpu.memory_space<vmem>>, vector<16xi32>,
    %broadcast_in_dim3A_735 = arith.constant 0 : i32
    %broadcast_in_dim3A_736 = vector.broadcast %broadcast_in_dim3A_735 : i32 to vector<16xi32>
    %sub3A_737 = arith.constant 0 : i32
    %sub3A_738 = vector.broadcast %sub3A_737 : i32 to vector<16xi32>
    %sub3A_739 = arith.subi %get3A_734, %sub3A_738 : vector<16xi32>
    %abs3A_740 = math.absi %sub3A_739 : vector<16xi32>
    %min3A_741 = arith.minsi %abs3A_740, %broadcast_in_dim3A_3 : vector<16xi32>
    %sub3A_742 = arith.subi %broadcast_in_dim3A_3, %min3A_741 : vector<16xi32>
    %broadcast_in_dim3A_743 = arith.constant true
    %broadcast_in_dim3A_744 = vector.broadcast %broadcast_in_dim3A_743 : i1 to vector<16xi1>
    %masked_cumsum3A_745 = tpu.scan <sum>, %sub3A_742 masked %broadcast_in_dim3A_744 : vector<16xi32>, vector<16xi1> -> vector<16xi32>
    %mul3A_746 = arith.muli %add3A_731, %sub3A_6 : vector<16xi32>
    %reduce_sum3A_747 = arith.constant true
    %reduce_sum3A_748 = vector.broadcast %reduce_sum3A_747 : i1 to vector<16xi1>
    %reduce_sum3A_749 = tpu.scan <sum>, %mul3A_746 masked %reduce_sum3A_748 : vector<16xi32>, vector<16xi1> -> vector<16xi32>
    %reduce_sum3A_750 = vector.extract %reduce_sum3A_749[15] : i32 from vector<16xi32>
    %add3A_751 = vector.broadcast %reduce_sum3A_750 : i32 to vector<16xi32>
    %add3A_752 = arith.addi %add3A_751, %masked_cumsum3A_745 : vector<16xi32>
    %sub3A_753 = arith.constant 1 : i32
    %sub3A_754 = vector.broadcast %sub3A_753 : i32 to vector<16xi32>
    %sub3A_755 = arith.subi %add3A_752, %sub3A_754 : vector<16xi32>
    %mul3A_756 = arith.muli %sub3A_742, %sub3A_755 : vector<16xi32>
    %add3A_757 = arith.addi %broadcast_in_dim3A_736, %mul3A_756 : vector<16xi32>
    %reduce_sum3A_758 = arith.constant true
    %reduce_sum3A_759 = vector.broadcast %reduce_sum3A_758 : i1 to vector<16xi1>
    %reduce_sum3A_760 = tpu.scan <sum>, %sub3A_742 masked %reduce_sum3A_759 : vector<16xi32>, vector<16xi1> -> vector<16xi32>
    %reduce_sum3A_761 = vector.extract %reduce_sum3A_760[15] : i32 from vector<16xi32>
    %mul3A_762 = vector.broadcast %reduce_sum3A_761 : i32 to vector<16xi32>
    %mul3A_763 = arith.muli %sub3A_6, %mul3A_762 : vector<16xi32>
    %add3A_764 = arith.addi %add3A_731, %mul3A_763 : vector<16xi32>
    %sub3A_765 = arith.constant 1 : i32
    %sub3A_766 = vector.broadcast %sub3A_765 : i32 to vector<16xi32>
    %sub3A_767 = arith.subi %get3A_734, %sub3A_766 : vector<16xi32>
    %abs3A_768 = math.absi %sub3A_767 : vector<16xi32>
    %min3A_769 = arith.minsi %abs3A_768, %broadcast_in_dim3A_3 : vector<16xi32>
    %sub3A_770 = arith.subi %broadcast_in_dim3A_3, %min3A_769 : vector<16xi32>
    %broadcast_in_dim3A_771 = arith.constant true
    %broadcast_in_dim3A_772 = vector.broadcast %broadcast_in_dim3A_771 : i1 to vector<16xi1>
    %masked_cumsum3A_773 = tpu.scan <sum>, %sub3A_770 masked %broadcast_in_dim3A_772 : vector<16xi32>, vector<16xi1> -> vector<16xi32>
    %mul3A_774 = arith.muli %add3A_764, %sub3A_12 : vector<16xi32>
    %reduce_sum3A_775 = arith.constant true
    %reduce_sum3A_776 = vector.broadcast %reduce_sum3A_775 : i1 to vector<16xi1>
    %reduce_sum3A_777 = tpu.scan <sum>, %mul3A_774 masked %reduce_sum3A_776 : vector<16xi32>, vector<16xi1> -> vector<16xi32>
    %reduce_sum3A_778 = vector.extract %reduce_sum3A_777[15] : i32 from vector<16xi32>
    %add3A_779 = vector.broadcast %reduce_sum3A_778 : i32 to vector<16xi32>
    %add3A_780 = arith.addi %add3A_779, %masked_cumsum3A_773 : vector<16xi32>
    %sub3A_781 = arith.constant 1 : i32
    %sub3A_782 = vector.broadcast %sub3A_781 : i32 to vector<16xi32>
    %sub3A_783 = arith.subi %add3A_780, %sub3A_782 : vector<16xi32>
    %mul3A_784 = arith.muli %sub3A_770, %sub3A_783 : vector<16xi32>
    %add3A_785 = arith.addi %add3A_757, %mul3A_784 : vector<16xi32>
    %reduce_sum3A_786 = arith.constant true
    %reduce_sum3A_787 = vector.broadcast %reduce_sum3A_786 : i1 to vector<16xi1>
    %reduce_sum3A_788 = tpu.scan <sum>, %sub3A_770 masked %reduce_sum3A_787 : vector<16xi32>, vector<16xi1> -> vector<16xi32>
    %reduce_sum3A_789 = vector.extract %reduce_sum3A_788[15] : i32 from vector<16xi32>
    %mul3A_790 = vector.broadcast %reduce_sum3A_789 : i32 to vector<16xi32>
    %mul3A_791 = arith.muli %sub3A_12, %mul3A_790 : vector<16xi32>
    %add3A_792 = arith.addi %add3A_764, %mul3A_791 : vector<16xi32>
    %sub3A_793 = arith.constant 2 : i32
    %sub3A_794 = vector.broadcast %sub3A_793 : i32 to vector<16xi32>
    %sub3A_795 = arith.subi %get3A_734, %sub3A_794 : vector<16xi32>
    %abs3A_796 = math.absi %sub3A_795 : vector<16xi32>
    %min3A_797 = arith.minsi %abs3A_796, %broadcast_in_dim3A_3 : vector<16xi32>
    %sub3A_798 = arith.subi %broadcast_in_dim3A_3, %min3A_797 : vector<16xi32>
    %broadcast_in_dim3A_799 = arith.constant true
    %broadcast_in_dim3A_800 = vector.broadcast %broadcast_in_dim3A_799 : i1 to vector<16xi1>
    %masked_cumsum3A_801 = tpu.scan <sum>, %sub3A_798 masked %broadcast_in_dim3A_800 : vector<16xi32>, vector<16xi1> -> vector<16xi32>
    %mul3A_802 = arith.muli %add3A_792, %sub3A_18 : vector<16xi32>
    %reduce_sum3A_803 = arith.constant true
    %reduce_sum3A_804 = vector.broadcast %reduce_sum3A_803 : i1 to vector<16xi1>
    %reduce_sum3A_805 = tpu.scan <sum>, %mul3A_802 masked %reduce_sum3A_804 : vector<16xi32>, vector<16xi1> -> vector<16xi32>
    %reduce_sum3A_806 = vector.extract %reduce_sum3A_805[15] : i32 from vector<16xi32>
    %add3A_807 = vector.broadcast %reduce_sum3A_806 : i32 to vector<16xi32>
    %add3A_808 = arith.addi %add3A_807, %masked_cumsum3A_801 : vector<16xi32>
    %sub3A_809 = arith.constant 1 : i32
    %sub3A_810 = vector.broadcast %sub3A_809 : i32 to vector<16xi32>
    %sub3A_811 = arith.subi %add3A_808, %sub3A_810 : vector<16xi32>
    %mul3A_812 = arith.muli %sub3A_798, %sub3A_811 : vector<16xi32>
    %add3A_813 = arith.addi %add3A_785, %mul3A_812 : vector<16xi32>
    %reduce_sum3A_814 = arith.constant true
    %reduce_sum3A_815 = vector.broadcast %reduce_sum3A_814 : i1 to vector<16xi1>
    %reduce_sum3A_816 = tpu.scan <sum>, %sub3A_798 masked %reduce_sum3A_815 : vector<16xi32>, vector<16xi1> -> vector<16xi32>
    %reduce_sum3A_817 = vector.extract %reduce_sum3A_816[15] : i32 from vector<16xi32>
    %mul3A_818 = vector.broadcast %reduce_sum3A_817 : i32 to vector<16xi32>
    %mul3A_819 = arith.muli %sub3A_18, %mul3A_818 : vector<16xi32>
    %add3A_820 = arith.addi %add3A_792, %mul3A_819 : vector<16xi32>
    %sub3A_821 = arith.constant 3 : i32
    %sub3A_822 = vector.broadcast %sub3A_821 : i32 to vector<16xi32>
    %sub3A_823 = arith.subi %get3A_734, %sub3A_822 : vector<16xi32>
    %abs3A_824 = math.absi %sub3A_823 : vector<16xi32>
    %min3A_825 = arith.minsi %abs3A_824, %broadcast_in_dim3A_3 : vector<16xi32>
    %sub3A_826 = arith.subi %broadcast_in_dim3A_3, %min3A_825 : vector<16xi32>
    %broadcast_in_dim3A_827 = arith.constant true
    %broadcast_in_dim3A_828 = vector.broadcast %broadcast_in_dim3A_827 : i1 to vector<16xi1>
    %masked_cumsum3A_829 = tpu.scan <sum>, %sub3A_826 masked %broadcast_in_dim3A_828 : vector<16xi32>, vector<16xi1> -> vector<16xi32>
    %mul3A_830 = arith.muli %add3A_820, %sub3A_24 : vector<16xi32>
    %reduce_sum3A_831 = arith.constant true
    %reduce_sum3A_832 = vector.broadcast %reduce_sum3A_831 : i1 to vector<16xi1>
    %reduce_sum3A_833 = tpu.scan <sum>, %mul3A_830 masked %reduce_sum3A_832 : vector<16xi32>, vector<16xi1> -> vector<16xi32>
    %reduce_sum3A_834 = vector.extract %reduce_sum3A_833[15] : i32 from vector<16xi32>
    %add3A_835 = vector.broadcast %reduce_sum3A_834 : i32 to vector<16xi32>
    %add3A_836 = arith.addi %add3A_835, %masked_cumsum3A_829 : vector<16xi32>
    %sub3A_837 = arith.constant 1 : i32
    %sub3A_838 = vector.broadcast %sub3A_837 : i32 to vector<16xi32>
    %sub3A_839 = arith.subi %add3A_836, %sub3A_838 : vector<16xi32>
    %mul3A_840 = arith.muli %sub3A_826, %sub3A_839 : vector<16xi32>
    %add3A_841 = arith.addi %add3A_813, %mul3A_840 : vector<16xi32>
    %reduce_sum3A_842 = arith.constant true
    %reduce_sum3A_843 = vector.broadcast %reduce_sum3A_842 : i1 to vector<16xi1>
    %reduce_sum3A_844 = tpu.scan <sum>, %sub3A_826 masked %reduce_sum3A_843 : vector<16xi32>, vector<16xi1> -> vector<16xi32>
    %reduce_sum3A_845 = vector.extract %reduce_sum3A_844[15] : i32 from vector<16xi32>
    %mul3A_846 = vector.broadcast %reduce_sum3A_845 : i32 to vector<16xi32>
    %mul3A_847 = arith.muli %sub3A_24, %mul3A_846 : vector<16xi32>
    %add3A_848 = arith.addi %add3A_820, %mul3A_847 : vector<16xi32>
    %sub3A_849 = arith.constant 4 : i32
    %sub3A_850 = vector.broadcast %sub3A_849 : i32 to vector<16xi32>
    %sub3A_851 = arith.subi %get3A_734, %sub3A_850 : vector<16xi32>
    %abs3A_852 = math.absi %sub3A_851 : vector<16xi32>
    %min3A_853 = arith.minsi %abs3A_852, %broadcast_in_dim3A_3 : vector<16xi32>
    %sub3A_854 = arith.subi %broadcast_in_dim3A_3, %min3A_853 : vector<16xi32>
    %broadcast_in_dim3A_855 = arith.constant true
    %broadcast_in_dim3A_856 = vector.broadcast %broadcast_in_dim3A_855 : i1 to vector<16xi1>
    %masked_cumsum3A_857 = tpu.scan <sum>, %sub3A_854 masked %broadcast_in_dim3A_856 : vector<16xi32>, vector<16xi1> -> vector<16xi32>
    %mul3A_858 = arith.muli %add3A_848, %sub3A_30 : vector<16xi32>
    %reduce_sum3A_859 = arith.constant true
    %reduce_sum3A_860 = vector.broadcast %reduce_sum3A_859 : i1 to vector<16xi1>
    %reduce_sum3A_861 = tpu.scan <sum>, %mul3A_858 masked %reduce_sum3A_860 : vector<16xi32>, vector<16xi1> -> vector<16xi32>
    %reduce_sum3A_862 = vector.extract %reduce_sum3A_861[15] : i32 from vector<16xi32>
    %add3A_863 = vector.broadcast %reduce_sum3A_862 : i32 to vector<16xi32>
    %add3A_864 = arith.addi %add3A_863, %masked_cumsum3A_857 : vector<16xi32>
    %sub3A_865 = arith.constant 1 : i32
    %sub3A_866 = vector.broadcast %sub3A_865 : i32 to vector<16xi32>
    %sub3A_867 = arith.subi %add3A_864, %sub3A_866 : vector<16xi32>
    %mul3A_868 = arith.muli %sub3A_854, %sub3A_867 : vector<16xi32>
    %add3A_869 = arith.addi %add3A_841, %mul3A_868 : vector<16xi32>
    %reduce_sum3A_870 = arith.constant true
    %reduce_sum3A_871 = vector.broadcast %reduce_sum3A_870 : i1 to vector<16xi1>
    %reduce_sum3A_872 = tpu.scan <sum>, %sub3A_854 masked %reduce_sum3A_871 : vector<16xi32>, vector<16xi1> -> vector<16xi32>
    %reduce_sum3A_873 = vector.extract %reduce_sum3A_872[15] : i32 from vector<16xi32>
    %mul3A_874 = vector.broadcast %reduce_sum3A_873 : i32 to vector<16xi32>
    %mul3A_875 = arith.muli %sub3A_30, %mul3A_874 : vector<16xi32>
    %add3A_876 = arith.addi %add3A_848, %mul3A_875 : vector<16xi32>
    %sub3A_877 = arith.constant 5 : i32
    %sub3A_878 = vector.broadcast %sub3A_877 : i32 to vector<16xi32>
    %sub3A_879 = arith.subi %get3A_734, %sub3A_878 : vector<16xi32>
    %abs3A_880 = math.absi %sub3A_879 : vector<16xi32>
    %min3A_881 = arith.minsi %abs3A_880, %broadcast_in_dim3A_3 : vector<16xi32>
    %sub3A_882 = arith.subi %broadcast_in_dim3A_3, %min3A_881 : vector<16xi32>
    %broadcast_in_dim3A_883 = arith.constant true
    %broadcast_in_dim3A_884 = vector.broadcast %broadcast_in_dim3A_883 : i1 to vector<16xi1>
    %masked_cumsum3A_885 = tpu.scan <sum>, %sub3A_882 masked %broadcast_in_dim3A_884 : vector<16xi32>, vector<16xi1> -> vector<16xi32>
    %mul3A_886 = arith.muli %add3A_876, %sub3A_36 : vector<16xi32>
    %reduce_sum3A_887 = arith.constant true
    %reduce_sum3A_888 = vector.broadcast %reduce_sum3A_887 : i1 to vector<16xi1>
    %reduce_sum3A_889 = tpu.scan <sum>, %mul3A_886 masked %reduce_sum3A_888 : vector<16xi32>, vector<16xi1> -> vector<16xi32>
    %reduce_sum3A_890 = vector.extract %reduce_sum3A_889[15] : i32 from vector<16xi32>
    %add3A_891 = vector.broadcast %reduce_sum3A_890 : i32 to vector<16xi32>
    %add3A_892 = arith.addi %add3A_891, %masked_cumsum3A_885 : vector<16xi32>
    %sub3A_893 = arith.constant 1 : i32
    %sub3A_894 = vector.broadcast %sub3A_893 : i32 to vector<16xi32>
    %sub3A_895 = arith.subi %add3A_892, %sub3A_894 : vector<16xi32>
    %mul3A_896 = arith.muli %sub3A_882, %sub3A_895 : vector<16xi32>
    %add3A_897 = arith.addi %add3A_869, %mul3A_896 : vector<16xi32>
    %reduce_sum3A_898 = arith.constant true
    %reduce_sum3A_899 = vector.broadcast %reduce_sum3A_898 : i1 to vector<16xi1>
    %reduce_sum3A_900 = tpu.scan <sum>, %sub3A_882 masked %reduce_sum3A_899 : vector<16xi32>, vector<16xi1> -> vector<16xi32>
    %reduce_sum3A_901 = vector.extract %reduce_sum3A_900[15] : i32 from vector<16xi32>
    %mul3A_902 = vector.broadcast %reduce_sum3A_901 : i32 to vector<16xi32>
    %mul3A_903 = arith.muli %sub3A_36, %mul3A_902 : vector<16xi32>
    %add3A_904 = arith.addi %add3A_876, %mul3A_903 : vector<16xi32>
    %sub3A_905 = arith.constant 6 : i32
    %sub3A_906 = vector.broadcast %sub3A_905 : i32 to vector<16xi32>
    %sub3A_907 = arith.subi %get3A_734, %sub3A_906 : vector<16xi32>
    %abs3A_908 = math.absi %sub3A_907 : vector<16xi32>
    %min3A_909 = arith.minsi %abs3A_908, %broadcast_in_dim3A_3 : vector<16xi32>
    %sub3A_910 = arith.subi %broadcast_in_dim3A_3, %min3A_909 : vector<16xi32>
    %broadcast_in_dim3A_911 = arith.constant true
    %broadcast_in_dim3A_912 = vector.broadcast %broadcast_in_dim3A_911 : i1 to vector<16xi1>
    %masked_cumsum3A_913 = tpu.scan <sum>, %sub3A_910 masked %broadcast_in_dim3A_912 : vector<16xi32>, vector<16xi1> -> vector<16xi32>
    %mul3A_914 = arith.muli %add3A_904, %sub3A_42 : vector<16xi32>
    %reduce_sum3A_915 = arith.constant true
    %reduce_sum3A_916 = vector.broadcast %reduce_sum3A_915 : i1 to vector<16xi1>
    %reduce_sum3A_917 = tpu.scan <sum>, %mul3A_914 masked %reduce_sum3A_916 : vector<16xi32>, vector<16xi1> -> vector<16xi32>
    %reduce_sum3A_918 = vector.extract %reduce_sum3A_917[15] : i32 from vector<16xi32>
    %add3A_919 = vector.broadcast %reduce_sum3A_918 : i32 to vector<16xi32>
    %add3A_920 = arith.addi %add3A_919, %masked_cumsum3A_913 : vector<16xi32>
    %sub3A_921 = arith.constant 1 : i32
    %sub3A_922 = vector.broadcast %sub3A_921 : i32 to vector<16xi32>
    %sub3A_923 = arith.subi %add3A_920, %sub3A_922 : vector<16xi32>
    %mul3A_924 = arith.muli %sub3A_910, %sub3A_923 : vector<16xi32>
    %add3A_925 = arith.addi %add3A_897, %mul3A_924 : vector<16xi32>
    %reduce_sum3A_926 = arith.constant true
    %reduce_sum3A_927 = vector.broadcast %reduce_sum3A_926 : i1 to vector<16xi1>
    %reduce_sum3A_928 = tpu.scan <sum>, %sub3A_910 masked %reduce_sum3A_927 : vector<16xi32>, vector<16xi1> -> vector<16xi32>
    %reduce_sum3A_929 = vector.extract %reduce_sum3A_928[15] : i32 from vector<16xi32>
    %mul3A_930 = vector.broadcast %reduce_sum3A_929 : i32 to vector<16xi32>
    %mul3A_931 = arith.muli %sub3A_42, %mul3A_930 : vector<16xi32>
    %add3A_932 = arith.addi %add3A_904, %mul3A_931 : vector<16xi32>
    %sub3A_933 = arith.constant 7 : i32
    %sub3A_934 = vector.broadcast %sub3A_933 : i32 to vector<16xi32>
    %sub3A_935 = arith.subi %get3A_734, %sub3A_934 : vector<16xi32>
    %abs3A_936 = math.absi %sub3A_935 : vector<16xi32>
    %min3A_937 = arith.minsi %abs3A_936, %broadcast_in_dim3A_3 : vector<16xi32>
    %sub3A_938 = arith.subi %broadcast_in_dim3A_3, %min3A_937 : vector<16xi32>
    %broadcast_in_dim3A_939 = arith.constant true
    %broadcast_in_dim3A_940 = vector.broadcast %broadcast_in_dim3A_939 : i1 to vector<16xi1>
    %masked_cumsum3A_941 = tpu.scan <sum>, %sub3A_938 masked %broadcast_in_dim3A_940 : vector<16xi32>, vector<16xi1> -> vector<16xi32>
    %mul3A_942 = arith.muli %add3A_932, %sub3A_48 : vector<16xi32>
    %reduce_sum3A_943 = arith.constant true
    %reduce_sum3A_944 = vector.broadcast %reduce_sum3A_943 : i1 to vector<16xi1>
    %reduce_sum3A_945 = tpu.scan <sum>, %mul3A_942 masked %reduce_sum3A_944 : vector<16xi32>, vector<16xi1> -> vector<16xi32>
    %reduce_sum3A_946 = vector.extract %reduce_sum3A_945[15] : i32 from vector<16xi32>
    %add3A_947 = vector.broadcast %reduce_sum3A_946 : i32 to vector<16xi32>
    %add3A_948 = arith.addi %add3A_947, %masked_cumsum3A_941 : vector<16xi32>
    %sub3A_949 = arith.constant 1 : i32
    %sub3A_950 = vector.broadcast %sub3A_949 : i32 to vector<16xi32>
    %sub3A_951 = arith.subi %add3A_948, %sub3A_950 : vector<16xi32>
    %mul3A_952 = arith.muli %sub3A_938, %sub3A_951 : vector<16xi32>
    %add3A_953 = arith.addi %add3A_925, %mul3A_952 : vector<16xi32>
    %reduce_sum3A_954 = arith.constant true
    %reduce_sum3A_955 = vector.broadcast %reduce_sum3A_954 : i1 to vector<16xi1>
    %reduce_sum3A_956 = tpu.scan <sum>, %sub3A_938 masked %reduce_sum3A_955 : vector<16xi32>, vector<16xi1> -> vector<16xi32>
    %reduce_sum3A_957 = vector.extract %reduce_sum3A_956[15] : i32 from vector<16xi32>
    %mul3A_958 = vector.broadcast %reduce_sum3A_957 : i32 to vector<16xi32>
    %mul3A_959 = arith.muli %sub3A_48, %mul3A_958 : vector<16xi32>
    %add3A_960 = arith.addi %add3A_932, %mul3A_959 : vector<16xi32>
    %swap3A_961 = arith.constant 16 : index
    %swap3A_962 = tpu.vector_load %arg9[%swap3A_961] {strides = array<i32>} : memref<64xi32, #tpu.memory_space<vmem>>, vector<16xi32>,
    tpu.vector_store %arg9[%swap3A_961], %add3A_953 {strides = array<i32>} : memref<64xi32, #tpu.memory_space<vmem>>, vector<16xi32>,
    %get3A_963 = arith.constant 32 : index
    %get3A_964 = tpu.vector_load %arg8[%get3A_963] {strides = array<i32>} : memref<64xi32, #tpu.memory_space<vmem>>, vector<16xi32>,
    %broadcast_in_dim3A_965 = arith.constant 0 : i32
    %broadcast_in_dim3A_966 = vector.broadcast %broadcast_in_dim3A_965 : i32 to vector<16xi32>
    %sub3A_967 = arith.constant 0 : i32
    %sub3A_968 = vector.broadcast %sub3A_967 : i32 to vector<16xi32>
    %sub3A_969 = arith.subi %get3A_964, %sub3A_968 : vector<16xi32>
    %abs3A_970 = math.absi %sub3A_969 : vector<16xi32>
    %min3A_971 = arith.minsi %abs3A_970, %broadcast_in_dim3A_3 : vector<16xi32>
    %sub3A_972 = arith.subi %broadcast_in_dim3A_3, %min3A_971 : vector<16xi32>
    %broadcast_in_dim3A_973 = arith.constant true
    %broadcast_in_dim3A_974 = vector.broadcast %broadcast_in_dim3A_973 : i1 to vector<16xi1>
    %masked_cumsum3A_975 = tpu.scan <sum>, %sub3A_972 masked %broadcast_in_dim3A_974 : vector<16xi32>, vector<16xi1> -> vector<16xi32>
    %mul3A_976 = arith.muli %add3A_960, %sub3A_6 : vector<16xi32>
    %reduce_sum3A_977 = arith.constant true
    %reduce_sum3A_978 = vector.broadcast %reduce_sum3A_977 : i1 to vector<16xi1>
    %reduce_sum3A_979 = tpu.scan <sum>, %mul3A_976 masked %reduce_sum3A_978 : vector<16xi32>, vector<16xi1> -> vector<16xi32>
    %reduce_sum3A_980 = vector.extract %reduce_sum3A_979[15] : i32 from vector<16xi32>
    %add3A_981 = vector.broadcast %reduce_sum3A_980 : i32 to vector<16xi32>
    %add3A_982 = arith.addi %add3A_981, %masked_cumsum3A_975 : vector<16xi32>
    %sub3A_983 = arith.constant 1 : i32
    %sub3A_984 = vector.broadcast %sub3A_983 : i32 to vector<16xi32>
    %sub3A_985 = arith.subi %add3A_982, %sub3A_984 : vector<16xi32>
    %mul3A_986 = arith.muli %sub3A_972, %sub3A_985 : vector<16xi32>
    %add3A_987 = arith.addi %broadcast_in_dim3A_966, %mul3A_986 : vector<16xi32>
    %reduce_sum3A_988 = arith.constant true
    %reduce_sum3A_989 = vector.broadcast %reduce_sum3A_988 : i1 to vector<16xi1>
    %reduce_sum3A_990 = tpu.scan <sum>, %sub3A_972 masked %reduce_sum3A_989 : vector<16xi32>, vector<16xi1> -> vector<16xi32>
    %reduce_sum3A_991 = vector.extract %reduce_sum3A_990[15] : i32 from vector<16xi32>
    %mul3A_992 = vector.broadcast %reduce_sum3A_991 : i32 to vector<16xi32>
    %mul3A_993 = arith.muli %sub3A_6, %mul3A_992 : vector<16xi32>
    %add3A_994 = arith.addi %add3A_960, %mul3A_993 : vector<16xi32>
    %sub3A_995 = arith.constant 1 : i32
    %sub3A_996 = vector.broadcast %sub3A_995 : i32 to vector<16xi32>
    %sub3A_997 = arith.subi %get3A_964, %sub3A_996 : vector<16xi32>
    %abs3A_998 = math.absi %sub3A_997 : vector<16xi32>
    %min3A_999 = arith.minsi %abs3A_998, %broadcast_in_dim3A_3 : vector<16xi32>
    %sub3A_1000 = arith.subi %broadcast_in_dim3A_3, %min3A_999 : vector<16xi32>
    %broadcast_in_dim3A_1001 = arith.constant true
    %broadcast_in_dim3A_1002 = vector.broadcast %broadcast_in_dim3A_1001 : i1 to vector<16xi1>
    %masked_cumsum3A_1003 = tpu.scan <sum>, %sub3A_1000 masked %broadcast_in_dim3A_1002 : vector<16xi32>, vector<16xi1> -> vector<16xi32>
    %mul3A_1004 = arith.muli %add3A_994, %sub3A_12 : vector<16xi32>
    %reduce_sum3A_1005 = arith.constant true
    %reduce_sum3A_1006 = vector.broadcast %reduce_sum3A_1005 : i1 to vector<16xi1>
    %reduce_sum3A_1007 = tpu.scan <sum>, %mul3A_1004 masked %reduce_sum3A_1006 : vector<16xi32>, vector<16xi1> -> vector<16xi32>
    %reduce_sum3A_1008 = vector.extract %reduce_sum3A_1007[15] : i32 from vector<16xi32>
    %add3A_1009 = vector.broadcast %reduce_sum3A_1008 : i32 to vector<16xi32>
    %add3A_1010 = arith.addi %add3A_1009, %masked_cumsum3A_1003 : vector<16xi32>
    %sub3A_1011 = arith.constant 1 : i32
    %sub3A_1012 = vector.broadcast %sub3A_1011 : i32 to vector<16xi32>
    %sub3A_1013 = arith.subi %add3A_1010, %sub3A_1012 : vector<16xi32>
    %mul3A_1014 = arith.muli %sub3A_1000, %sub3A_1013 : vector<16xi32>
    %add3A_1015 = arith.addi %add3A_987, %mul3A_1014 : vector<16xi32>
    %reduce_sum3A_1016 = arith.constant true
    %reduce_sum3A_1017 = vector.broadcast %reduce_sum3A_1016 : i1 to vector<16xi1>
    %reduce_sum3A_1018 = tpu.scan <sum>, %sub3A_1000 masked %reduce_sum3A_1017 : vector<16xi32>, vector<16xi1> -> vector<16xi32>
    %reduce_sum3A_1019 = vector.extract %reduce_sum3A_1018[15] : i32 from vector<16xi32>
    %mul3A_1020 = vector.broadcast %reduce_sum3A_1019 : i32 to vector<16xi32>
    %mul3A_1021 = arith.muli %sub3A_12, %mul3A_1020 : vector<16xi32>
    %add3A_1022 = arith.addi %add3A_994, %mul3A_1021 : vector<16xi32>
    %sub3A_1023 = arith.constant 2 : i32
    %sub3A_1024 = vector.broadcast %sub3A_1023 : i32 to vector<16xi32>
    %sub3A_1025 = arith.subi %get3A_964, %sub3A_1024 : vector<16xi32>
    %abs3A_1026 = math.absi %sub3A_1025 : vector<16xi32>
    %min3A_1027 = arith.minsi %abs3A_1026, %broadcast_in_dim3A_3 : vector<16xi32>
    %sub3A_1028 = arith.subi %broadcast_in_dim3A_3, %min3A_1027 : vector<16xi32>
    %broadcast_in_dim3A_1029 = arith.constant true
    %broadcast_in_dim3A_1030 = vector.broadcast %broadcast_in_dim3A_1029 : i1 to vector<16xi1>
    %masked_cumsum3A_1031 = tpu.scan <sum>, %sub3A_1028 masked %broadcast_in_dim3A_1030 : vector<16xi32>, vector<16xi1> -> vector<16xi32>
    %mul3A_1032 = arith.muli %add3A_1022, %sub3A_18 : vector<16xi32>
    %reduce_sum3A_1033 = arith.constant true
    %reduce_sum3A_1034 = vector.broadcast %reduce_sum3A_1033 : i1 to vector<16xi1>
    %reduce_sum3A_1035 = tpu.scan <sum>, %mul3A_1032 masked %reduce_sum3A_1034 : vector<16xi32>, vector<16xi1> -> vector<16xi32>
    %reduce_sum3A_1036 = vector.extract %reduce_sum3A_1035[15] : i32 from vector<16xi32>
    %add3A_1037 = vector.broadcast %reduce_sum3A_1036 : i32 to vector<16xi32>
    %add3A_1038 = arith.addi %add3A_1037, %masked_cumsum3A_1031 : vector<16xi32>
    %sub3A_1039 = arith.constant 1 : i32
    %sub3A_1040 = vector.broadcast %sub3A_1039 : i32 to vector<16xi32>
    %sub3A_1041 = arith.subi %add3A_1038, %sub3A_1040 : vector<16xi32>
    %mul3A_1042 = arith.muli %sub3A_1028, %sub3A_1041 : vector<16xi32>
    %add3A_1043 = arith.addi %add3A_1015, %mul3A_1042 : vector<16xi32>
    %reduce_sum3A_1044 = arith.constant true
    %reduce_sum3A_1045 = vector.broadcast %reduce_sum3A_1044 : i1 to vector<16xi1>
    %reduce_sum3A_1046 = tpu.scan <sum>, %sub3A_1028 masked %reduce_sum3A_1045 : vector<16xi32>, vector<16xi1> -> vector<16xi32>
    %reduce_sum3A_1047 = vector.extract %reduce_sum3A_1046[15] : i32 from vector<16xi32>
    %mul3A_1048 = vector.broadcast %reduce_sum3A_1047 : i32 to vector<16xi32>
    %mul3A_1049 = arith.muli %sub3A_18, %mul3A_1048 : vector<16xi32>
    %add3A_1050 = arith.addi %add3A_1022, %mul3A_1049 : vector<16xi32>
    %sub3A_1051 = arith.constant 3 : i32
    %sub3A_1052 = vector.broadcast %sub3A_1051 : i32 to vector<16xi32>
    %sub3A_1053 = arith.subi %get3A_964, %sub3A_1052 : vector<16xi32>
    %abs3A_1054 = math.absi %sub3A_1053 : vector<16xi32>
    %min3A_1055 = arith.minsi %abs3A_1054, %broadcast_in_dim3A_3 : vector<16xi32>
    %sub3A_1056 = arith.subi %broadcast_in_dim3A_3, %min3A_1055 : vector<16xi32>
    %broadcast_in_dim3A_1057 = arith.constant true
    %broadcast_in_dim3A_1058 = vector.broadcast %broadcast_in_dim3A_1057 : i1 to vector<16xi1>
    %masked_cumsum3A_1059 = tpu.scan <sum>, %sub3A_1056 masked %broadcast_in_dim3A_1058 : vector<16xi32>, vector<16xi1> -> vector<16xi32>
    %mul3A_1060 = arith.muli %add3A_1050, %sub3A_24 : vector<16xi32>
    %reduce_sum3A_1061 = arith.constant true
    %reduce_sum3A_1062 = vector.broadcast %reduce_sum3A_1061 : i1 to vector<16xi1>
    %reduce_sum3A_1063 = tpu.scan <sum>, %mul3A_1060 masked %reduce_sum3A_1062 : vector<16xi32>, vector<16xi1> -> vector<16xi32>
    %reduce_sum3A_1064 = vector.extract %reduce_sum3A_1063[15] : i32 from vector<16xi32>
    %add3A_1065 = vector.broadcast %reduce_sum3A_1064 : i32 to vector<16xi32>
    %add3A_1066 = arith.addi %add3A_1065, %masked_cumsum3A_1059 : vector<16xi32>
    %sub3A_1067 = arith.constant 1 : i32
    %sub3A_1068 = vector.broadcast %sub3A_1067 : i32 to vector<16xi32>
    %sub3A_1069 = arith.subi %add3A_1066, %sub3A_1068 : vector<16xi32>
    %mul3A_1070 = arith.muli %sub3A_1056, %sub3A_1069 : vector<16xi32>
    %add3A_1071 = arith.addi %add3A_1043, %mul3A_1070 : vector<16xi32>
    %reduce_sum3A_1072 = arith.constant true
    %reduce_sum3A_1073 = vector.broadcast %reduce_sum3A_1072 : i1 to vector<16xi1>
    %reduce_sum3A_1074 = tpu.scan <sum>, %sub3A_1056 masked %reduce_sum3A_1073 : vector<16xi32>, vector<16xi1> -> vector<16xi32>
    %reduce_sum3A_1075 = vector.extract %reduce_sum3A_1074[15] : i32 from vector<16xi32>
    %mul3A_1076 = vector.broadcast %reduce_sum3A_1075 : i32 to vector<16xi32>
    %mul3A_1077 = arith.muli %sub3A_24, %mul3A_1076 : vector<16xi32>
    %add3A_1078 = arith.addi %add3A_1050, %mul3A_1077 : vector<16xi32>
    %sub3A_1079 = arith.constant 4 : i32
    %sub3A_1080 = vector.broadcast %sub3A_1079 : i32 to vector<16xi32>
    %sub3A_1081 = arith.subi %get3A_964, %sub3A_1080 : vector<16xi32>
    %abs3A_1082 = math.absi %sub3A_1081 : vector<16xi32>
    %min3A_1083 = arith.minsi %abs3A_1082, %broadcast_in_dim3A_3 : vector<16xi32>
    %sub3A_1084 = arith.subi %broadcast_in_dim3A_3, %min3A_1083 : vector<16xi32>
    %broadcast_in_dim3A_1085 = arith.constant true
    %broadcast_in_dim3A_1086 = vector.broadcast %broadcast_in_dim3A_1085 : i1 to vector<16xi1>
    %masked_cumsum3A_1087 = tpu.scan <sum>, %sub3A_1084 masked %broadcast_in_dim3A_1086 : vector<16xi32>, vector<16xi1> -> vector<16xi32>
    %mul3A_1088 = arith.muli %add3A_1078, %sub3A_30 : vector<16xi32>
    %reduce_sum3A_1089 = arith.constant true
    %reduce_sum3A_1090 = vector.broadcast %reduce_sum3A_1089 : i1 to vector<16xi1>
    %reduce_sum3A_1091 = tpu.scan <sum>, %mul3A_1088 masked %reduce_sum3A_1090 : vector<16xi32>, vector<16xi1> -> vector<16xi32>
    %reduce_sum3A_1092 = vector.extract %reduce_sum3A_1091[15] : i32 from vector<16xi32>
    %add3A_1093 = vector.broadcast %reduce_sum3A_1092 : i32 to vector<16xi32>
    %add3A_1094 = arith.addi %add3A_1093, %masked_cumsum3A_1087 : vector<16xi32>
    %sub3A_1095 = arith.constant 1 : i32
    %sub3A_1096 = vector.broadcast %sub3A_1095 : i32 to vector<16xi32>
    %sub3A_1097 = arith.subi %add3A_1094, %sub3A_1096 : vector<16xi32>
    %mul3A_1098 = arith.muli %sub3A_1084, %sub3A_1097 : vector<16xi32>
    %add3A_1099 = arith.addi %add3A_1071, %mul3A_1098 : vector<16xi32>
    %reduce_sum3A_1100 = arith.constant true
    %reduce_sum3A_1101 = vector.broadcast %reduce_sum3A_1100 : i1 to vector<16xi1>
    %reduce_sum3A_1102 = tpu.scan <sum>, %sub3A_1084 masked %reduce_sum3A_1101 : vector<16xi32>, vector<16xi1> -> vector<16xi32>
    %reduce_sum3A_1103 = vector.extract %reduce_sum3A_1102[15] : i32 from vector<16xi32>
    %mul3A_1104 = vector.broadcast %reduce_sum3A_1103 : i32 to vector<16xi32>
    %mul3A_1105 = arith.muli %sub3A_30, %mul3A_1104 : vector<16xi32>
    %add3A_1106 = arith.addi %add3A_1078, %mul3A_1105 : vector<16xi32>
    %sub3A_1107 = arith.constant 5 : i32
    %sub3A_1108 = vector.broadcast %sub3A_1107 : i32 to vector<16xi32>
    %sub3A_1109 = arith.subi %get3A_964, %sub3A_1108 : vector<16xi32>
    %abs3A_1110 = math.absi %sub3A_1109 : vector<16xi32>
    %min3A_1111 = arith.minsi %abs3A_1110, %broadcast_in_dim3A_3 : vector<16xi32>
    %sub3A_1112 = arith.subi %broadcast_in_dim3A_3, %min3A_1111 : vector<16xi32>
    %broadcast_in_dim3A_1113 = arith.constant true
    %broadcast_in_dim3A_1114 = vector.broadcast %broadcast_in_dim3A_1113 : i1 to vector<16xi1>
    %masked_cumsum3A_1115 = tpu.scan <sum>, %sub3A_1112 masked %broadcast_in_dim3A_1114 : vector<16xi32>, vector<16xi1> -> vector<16xi32>
    %mul3A_1116 = arith.muli %add3A_1106, %sub3A_36 : vector<16xi32>
    %reduce_sum3A_1117 = arith.constant true
    %reduce_sum3A_1118 = vector.broadcast %reduce_sum3A_1117 : i1 to vector<16xi1>
    %reduce_sum3A_1119 = tpu.scan <sum>, %mul3A_1116 masked %reduce_sum3A_1118 : vector<16xi32>, vector<16xi1> -> vector<16xi32>
    %reduce_sum3A_1120 = vector.extract %reduce_sum3A_1119[15] : i32 from vector<16xi32>
    %add3A_1121 = vector.broadcast %reduce_sum3A_1120 : i32 to vector<16xi32>
    %add3A_1122 = arith.addi %add3A_1121, %masked_cumsum3A_1115 : vector<16xi32>
    %sub3A_1123 = arith.constant 1 : i32
    %sub3A_1124 = vector.broadcast %sub3A_1123 : i32 to vector<16xi32>
    %sub3A_1125 = arith.subi %add3A_1122, %sub3A_1124 : vector<16xi32>
    %mul3A_1126 = arith.muli %sub3A_1112, %sub3A_1125 : vector<16xi32>
    %add3A_1127 = arith.addi %add3A_1099, %mul3A_1126 : vector<16xi32>
    %reduce_sum3A_1128 = arith.constant true
    %reduce_sum3A_1129 = vector.broadcast %reduce_sum3A_1128 : i1 to vector<16xi1>
    %reduce_sum3A_1130 = tpu.scan <sum>, %sub3A_1112 masked %reduce_sum3A_1129 : vector<16xi32>, vector<16xi1> -> vector<16xi32>
    %reduce_sum3A_1131 = vector.extract %reduce_sum3A_1130[15] : i32 from vector<16xi32>
    %mul3A_1132 = vector.broadcast %reduce_sum3A_1131 : i32 to vector<16xi32>
    %mul3A_1133 = arith.muli %sub3A_36, %mul3A_1132 : vector<16xi32>
    %add3A_1134 = arith.addi %add3A_1106, %mul3A_1133 : vector<16xi32>
    %sub3A_1135 = arith.constant 6 : i32
    %sub3A_1136 = vector.broadcast %sub3A_1135 : i32 to vector<16xi32>
    %sub3A_1137 = arith.subi %get3A_964, %sub3A_1136 : vector<16xi32>
    %abs3A_1138 = math.absi %sub3A_1137 : vector<16xi32>
    %min3A_1139 = arith.minsi %abs3A_1138, %broadcast_in_dim3A_3 : vector<16xi32>
    %sub3A_1140 = arith.subi %broadcast_in_dim3A_3, %min3A_1139 : vector<16xi32>
    %broadcast_in_dim3A_1141 = arith.constant true
    %broadcast_in_dim3A_1142 = vector.broadcast %broadcast_in_dim3A_1141 : i1 to vector<16xi1>
    %masked_cumsum3A_1143 = tpu.scan <sum>, %sub3A_1140 masked %broadcast_in_dim3A_1142 : vector<16xi32>, vector<16xi1> -> vector<16xi32>
    %mul3A_1144 = arith.muli %add3A_1134, %sub3A_42 : vector<16xi32>
    %reduce_sum3A_1145 = arith.constant true
    %reduce_sum3A_1146 = vector.broadcast %reduce_sum3A_1145 : i1 to vector<16xi1>
    %reduce_sum3A_1147 = tpu.scan <sum>, %mul3A_1144 masked %reduce_sum3A_1146 : vector<16xi32>, vector<16xi1> -> vector<16xi32>
    %reduce_sum3A_1148 = vector.extract %reduce_sum3A_1147[15] : i32 from vector<16xi32>
    %add3A_1149 = vector.broadcast %reduce_sum3A_1148 : i32 to vector<16xi32>
    %add3A_1150 = arith.addi %add3A_1149, %masked_cumsum3A_1143 : vector<16xi32>
    %sub3A_1151 = arith.constant 1 : i32
    %sub3A_1152 = vector.broadcast %sub3A_1151 : i32 to vector<16xi32>
    %sub3A_1153 = arith.subi %add3A_1150, %sub3A_1152 : vector<16xi32>
    %mul3A_1154 = arith.muli %sub3A_1140, %sub3A_1153 : vector<16xi32>
    %add3A_1155 = arith.addi %add3A_1127, %mul3A_1154 : vector<16xi32>
    %reduce_sum3A_1156 = arith.constant true
    %reduce_sum3A_1157 = vector.broadcast %reduce_sum3A_1156 : i1 to vector<16xi1>
    %reduce_sum3A_1158 = tpu.scan <sum>, %sub3A_1140 masked %reduce_sum3A_1157 : vector<16xi32>, vector<16xi1> -> vector<16xi32>
    %reduce_sum3A_1159 = vector.extract %reduce_sum3A_1158[15] : i32 from vector<16xi32>
    %mul3A_1160 = vector.broadcast %reduce_sum3A_1159 : i32 to vector<16xi32>
    %mul3A_1161 = arith.muli %sub3A_42, %mul3A_1160 : vector<16xi32>
    %add3A_1162 = arith.addi %add3A_1134, %mul3A_1161 : vector<16xi32>
    %sub3A_1163 = arith.constant 7 : i32
    %sub3A_1164 = vector.broadcast %sub3A_1163 : i32 to vector<16xi32>
    %sub3A_1165 = arith.subi %get3A_964, %sub3A_1164 : vector<16xi32>
    %abs3A_1166 = math.absi %sub3A_1165 : vector<16xi32>
    %min3A_1167 = arith.minsi %abs3A_1166, %broadcast_in_dim3A_3 : vector<16xi32>
    %sub3A_1168 = arith.subi %broadcast_in_dim3A_3, %min3A_1167 : vector<16xi32>
    %broadcast_in_dim3A_1169 = arith.constant true
    %broadcast_in_dim3A_1170 = vector.broadcast %broadcast_in_dim3A_1169 : i1 to vector<16xi1>
    %masked_cumsum3A_1171 = tpu.scan <sum>, %sub3A_1168 masked %broadcast_in_dim3A_1170 : vector<16xi32>, vector<16xi1> -> vector<16xi32>
    %mul3A_1172 = arith.muli %add3A_1162, %sub3A_48 : vector<16xi32>
    %reduce_sum3A_1173 = arith.constant true
    %reduce_sum3A_1174 = vector.broadcast %reduce_sum3A_1173 : i1 to vector<16xi1>
    %reduce_sum3A_1175 = tpu.scan <sum>, %mul3A_1172 masked %reduce_sum3A_1174 : vector<16xi32>, vector<16xi1> -> vector<16xi32>
    %reduce_sum3A_1176 = vector.extract %reduce_sum3A_1175[15] : i32 from vector<16xi32>
    %add3A_1177 = vector.broadcast %reduce_sum3A_1176 : i32 to vector<16xi32>
    %add3A_1178 = arith.addi %add3A_1177, %masked_cumsum3A_1171 : vector<16xi32>
    %sub3A_1179 = arith.constant 1 : i32
    %sub3A_1180 = vector.broadcast %sub3A_1179 : i32 to vector<16xi32>
    %sub3A_1181 = arith.subi %add3A_1178, %sub3A_1180 : vector<16xi32>
    %mul3A_1182 = arith.muli %sub3A_1168, %sub3A_1181 : vector<16xi32>
    %add3A_1183 = arith.addi %add3A_1155, %mul3A_1182 : vector<16xi32>
    %reduce_sum3A_1184 = arith.constant true
    %reduce_sum3A_1185 = vector.broadcast %reduce_sum3A_1184 : i1 to vector<16xi1>
    %reduce_sum3A_1186 = tpu.scan <sum>, %sub3A_1168 masked %reduce_sum3A_1185 : vector<16xi32>, vector<16xi1> -> vector<16xi32>
    %reduce_sum3A_1187 = vector.extract %reduce_sum3A_1186[15] : i32 from vector<16xi32>
    %mul3A_1188 = vector.broadcast %reduce_sum3A_1187 : i32 to vector<16xi32>
    %mul3A_1189 = arith.muli %sub3A_48, %mul3A_1188 : vector<16xi32>
    %add3A_1190 = arith.addi %add3A_1162, %mul3A_1189 : vector<16xi32>
    %swap3A_1191 = arith.constant 32 : index
    %swap3A_1192 = tpu.vector_load %arg9[%swap3A_1191] {strides = array<i32>} : memref<64xi32, #tpu.memory_space<vmem>>, vector<16xi32>,
    tpu.vector_store %arg9[%swap3A_1191], %add3A_1183 {strides = array<i32>} : memref<64xi32, #tpu.memory_space<vmem>>, vector<16xi32>,
    %get3A_1193 = arith.constant 48 : index
    %get3A_1194 = tpu.vector_load %arg8[%get3A_1193] {strides = array<i32>} : memref<64xi32, #tpu.memory_space<vmem>>, vector<16xi32>,
    %broadcast_in_dim3A_1195 = arith.constant 0 : i32
    %broadcast_in_dim3A_1196 = vector.broadcast %broadcast_in_dim3A_1195 : i32 to vector<16xi32>
    %sub3A_1197 = arith.constant 0 : i32
    %sub3A_1198 = vector.broadcast %sub3A_1197 : i32 to vector<16xi32>
    %sub3A_1199 = arith.subi %get3A_1194, %sub3A_1198 : vector<16xi32>
    %abs3A_1200 = math.absi %sub3A_1199 : vector<16xi32>
    %min3A_1201 = arith.minsi %abs3A_1200, %broadcast_in_dim3A_3 : vector<16xi32>
    %sub3A_1202 = arith.subi %broadcast_in_dim3A_3, %min3A_1201 : vector<16xi32>
    %broadcast_in_dim3A_1203 = arith.constant true
    %broadcast_in_dim3A_1204 = vector.broadcast %broadcast_in_dim3A_1203 : i1 to vector<16xi1>
    %masked_cumsum3A_1205 = tpu.scan <sum>, %sub3A_1202 masked %broadcast_in_dim3A_1204 : vector<16xi32>, vector<16xi1> -> vector<16xi32>
    %mul3A_1206 = arith.muli %add3A_1190, %sub3A_6 : vector<16xi32>
    %reduce_sum3A_1207 = arith.constant true
    %reduce_sum3A_1208 = vector.broadcast %reduce_sum3A_1207 : i1 to vector<16xi1>
    %reduce_sum3A_1209 = tpu.scan <sum>, %mul3A_1206 masked %reduce_sum3A_1208 : vector<16xi32>, vector<16xi1> -> vector<16xi32>
    %reduce_sum3A_1210 = vector.extract %reduce_sum3A_1209[15] : i32 from vector<16xi32>
    %add3A_1211 = vector.broadcast %reduce_sum3A_1210 : i32 to vector<16xi32>
    %add3A_1212 = arith.addi %add3A_1211, %masked_cumsum3A_1205 : vector<16xi32>
    %sub3A_1213 = arith.constant 1 : i32
    %sub3A_1214 = vector.broadcast %sub3A_1213 : i32 to vector<16xi32>
    %sub3A_1215 = arith.subi %add3A_1212, %sub3A_1214 : vector<16xi32>
    %mul3A_1216 = arith.muli %sub3A_1202, %sub3A_1215 : vector<16xi32>
    %add3A_1217 = arith.addi %broadcast_in_dim3A_1196, %mul3A_1216 : vector<16xi32>
    %reduce_sum3A_1218 = arith.constant true
    %reduce_sum3A_1219 = vector.broadcast %reduce_sum3A_1218 : i1 to vector<16xi1>
    %reduce_sum3A_1220 = tpu.scan <sum>, %sub3A_1202 masked %reduce_sum3A_1219 : vector<16xi32>, vector<16xi1> -> vector<16xi32>
    %reduce_sum3A_1221 = vector.extract %reduce_sum3A_1220[15] : i32 from vector<16xi32>
    %mul3A_1222 = vector.broadcast %reduce_sum3A_1221 : i32 to vector<16xi32>
    %mul3A_1223 = arith.muli %sub3A_6, %mul3A_1222 : vector<16xi32>
    %add3A_1224 = arith.addi %add3A_1190, %mul3A_1223 : vector<16xi32>
    %sub3A_1225 = arith.constant 1 : i32
    %sub3A_1226 = vector.broadcast %sub3A_1225 : i32 to vector<16xi32>
    %sub3A_1227 = arith.subi %get3A_1194, %sub3A_1226 : vector<16xi32>
    %abs3A_1228 = math.absi %sub3A_1227 : vector<16xi32>
    %min3A_1229 = arith.minsi %abs3A_1228, %broadcast_in_dim3A_3 : vector<16xi32>
    %sub3A_1230 = arith.subi %broadcast_in_dim3A_3, %min3A_1229 : vector<16xi32>
    %broadcast_in_dim3A_1231 = arith.constant true
    %broadcast_in_dim3A_1232 = vector.broadcast %broadcast_in_dim3A_1231 : i1 to vector<16xi1>
    %masked_cumsum3A_1233 = tpu.scan <sum>, %sub3A_1230 masked %broadcast_in_dim3A_1232 : vector<16xi32>, vector<16xi1> -> vector<16xi32>
    %mul3A_1234 = arith.muli %add3A_1224, %sub3A_12 : vector<16xi32>
    %reduce_sum3A_1235 = arith.constant true
    %reduce_sum3A_1236 = vector.broadcast %reduce_sum3A_1235 : i1 to vector<16xi1>
    %reduce_sum3A_1237 = tpu.scan <sum>, %mul3A_1234 masked %reduce_sum3A_1236 : vector<16xi32>, vector<16xi1> -> vector<16xi32>
    %reduce_sum3A_1238 = vector.extract %reduce_sum3A_1237[15] : i32 from vector<16xi32>
    %add3A_1239 = vector.broadcast %reduce_sum3A_1238 : i32 to vector<16xi32>
    %add3A_1240 = arith.addi %add3A_1239, %masked_cumsum3A_1233 : vector<16xi32>
    %sub3A_1241 = arith.constant 1 : i32
    %sub3A_1242 = vector.broadcast %sub3A_1241 : i32 to vector<16xi32>
    %sub3A_1243 = arith.subi %add3A_1240, %sub3A_1242 : vector<16xi32>
    %mul3A_1244 = arith.muli %sub3A_1230, %sub3A_1243 : vector<16xi32>
    %add3A_1245 = arith.addi %add3A_1217, %mul3A_1244 : vector<16xi32>
    %reduce_sum3A_1246 = arith.constant true
    %reduce_sum3A_1247 = vector.broadcast %reduce_sum3A_1246 : i1 to vector<16xi1>
    %reduce_sum3A_1248 = tpu.scan <sum>, %sub3A_1230 masked %reduce_sum3A_1247 : vector<16xi32>, vector<16xi1> -> vector<16xi32>
    %reduce_sum3A_1249 = vector.extract %reduce_sum3A_1248[15] : i32 from vector<16xi32>
    %mul3A_1250 = vector.broadcast %reduce_sum3A_1249 : i32 to vector<16xi32>
    %mul3A_1251 = arith.muli %sub3A_12, %mul3A_1250 : vector<16xi32>
    %add3A_1252 = arith.addi %add3A_1224, %mul3A_1251 : vector<16xi32>
    %sub3A_1253 = arith.constant 2 : i32
    %sub3A_1254 = vector.broadcast %sub3A_1253 : i32 to vector<16xi32>
    %sub3A_1255 = arith.subi %get3A_1194, %sub3A_1254 : vector<16xi32>
    %abs3A_1256 = math.absi %sub3A_1255 : vector<16xi32>
    %min3A_1257 = arith.minsi %abs3A_1256, %broadcast_in_dim3A_3 : vector<16xi32>
    %sub3A_1258 = arith.subi %broadcast_in_dim3A_3, %min3A_1257 : vector<16xi32>
    %broadcast_in_dim3A_1259 = arith.constant true
    %broadcast_in_dim3A_1260 = vector.broadcast %broadcast_in_dim3A_1259 : i1 to vector<16xi1>
    %masked_cumsum3A_1261 = tpu.scan <sum>, %sub3A_1258 masked %broadcast_in_dim3A_1260 : vector<16xi32>, vector<16xi1> -> vector<16xi32>
    %mul3A_1262 = arith.muli %add3A_1252, %sub3A_18 : vector<16xi32>
    %reduce_sum3A_1263 = arith.constant true
    %reduce_sum3A_1264 = vector.broadcast %reduce_sum3A_1263 : i1 to vector<16xi1>
    %reduce_sum3A_1265 = tpu.scan <sum>, %mul3A_1262 masked %reduce_sum3A_1264 : vector<16xi32>, vector<16xi1> -> vector<16xi32>
    %reduce_sum3A_1266 = vector.extract %reduce_sum3A_1265[15] : i32 from vector<16xi32>
    %add3A_1267 = vector.broadcast %reduce_sum3A_1266 : i32 to vector<16xi32>
    %add3A_1268 = arith.addi %add3A_1267, %masked_cumsum3A_1261 : vector<16xi32>
    %sub3A_1269 = arith.constant 1 : i32
    %sub3A_1270 = vector.broadcast %sub3A_1269 : i32 to vector<16xi32>
    %sub3A_1271 = arith.subi %add3A_1268, %sub3A_1270 : vector<16xi32>
    %mul3A_1272 = arith.muli %sub3A_1258, %sub3A_1271 : vector<16xi32>
    %add3A_1273 = arith.addi %add3A_1245, %mul3A_1272 : vector<16xi32>
    %reduce_sum3A_1274 = arith.constant true
    %reduce_sum3A_1275 = vector.broadcast %reduce_sum3A_1274 : i1 to vector<16xi1>
    %reduce_sum3A_1276 = tpu.scan <sum>, %sub3A_1258 masked %reduce_sum3A_1275 : vector<16xi32>, vector<16xi1> -> vector<16xi32>
    %reduce_sum3A_1277 = vector.extract %reduce_sum3A_1276[15] : i32 from vector<16xi32>
    %mul3A_1278 = vector.broadcast %reduce_sum3A_1277 : i32 to vector<16xi32>
    %mul3A_1279 = arith.muli %sub3A_18, %mul3A_1278 : vector<16xi32>
    %add3A_1280 = arith.addi %add3A_1252, %mul3A_1279 : vector<16xi32>
    %sub3A_1281 = arith.constant 3 : i32
    %sub3A_1282 = vector.broadcast %sub3A_1281 : i32 to vector<16xi32>
    %sub3A_1283 = arith.subi %get3A_1194, %sub3A_1282 : vector<16xi32>
    %abs3A_1284 = math.absi %sub3A_1283 : vector<16xi32>
    %min3A_1285 = arith.minsi %abs3A_1284, %broadcast_in_dim3A_3 : vector<16xi32>
    %sub3A_1286 = arith.subi %broadcast_in_dim3A_3, %min3A_1285 : vector<16xi32>
    %broadcast_in_dim3A_1287 = arith.constant true
    %broadcast_in_dim3A_1288 = vector.broadcast %broadcast_in_dim3A_1287 : i1 to vector<16xi1>
    %masked_cumsum3A_1289 = tpu.scan <sum>, %sub3A_1286 masked %broadcast_in_dim3A_1288 : vector<16xi32>, vector<16xi1> -> vector<16xi32>
    %mul3A_1290 = arith.muli %add3A_1280, %sub3A_24 : vector<16xi32>
    %reduce_sum3A_1291 = arith.constant true
    %reduce_sum3A_1292 = vector.broadcast %reduce_sum3A_1291 : i1 to vector<16xi1>
    %reduce_sum3A_1293 = tpu.scan <sum>, %mul3A_1290 masked %reduce_sum3A_1292 : vector<16xi32>, vector<16xi1> -> vector<16xi32>
    %reduce_sum3A_1294 = vector.extract %reduce_sum3A_1293[15] : i32 from vector<16xi32>
    %add3A_1295 = vector.broadcast %reduce_sum3A_1294 : i32 to vector<16xi32>
    %add3A_1296 = arith.addi %add3A_1295, %masked_cumsum3A_1289 : vector<16xi32>
    %sub3A_1297 = arith.constant 1 : i32
    %sub3A_1298 = vector.broadcast %sub3A_1297 : i32 to vector<16xi32>
    %sub3A_1299 = arith.subi %add3A_1296, %sub3A_1298 : vector<16xi32>
    %mul3A_1300 = arith.muli %sub3A_1286, %sub3A_1299 : vector<16xi32>
    %add3A_1301 = arith.addi %add3A_1273, %mul3A_1300 : vector<16xi32>
    %reduce_sum3A_1302 = arith.constant true
    %reduce_sum3A_1303 = vector.broadcast %reduce_sum3A_1302 : i1 to vector<16xi1>
    %reduce_sum3A_1304 = tpu.scan <sum>, %sub3A_1286 masked %reduce_sum3A_1303 : vector<16xi32>, vector<16xi1> -> vector<16xi32>
    %reduce_sum3A_1305 = vector.extract %reduce_sum3A_1304[15] : i32 from vector<16xi32>
    %mul3A_1306 = vector.broadcast %reduce_sum3A_1305 : i32 to vector<16xi32>
    %mul3A_1307 = arith.muli %sub3A_24, %mul3A_1306 : vector<16xi32>
    %add3A_1308 = arith.addi %add3A_1280, %mul3A_1307 : vector<16xi32>
    %sub3A_1309 = arith.constant 4 : i32
    %sub3A_1310 = vector.broadcast %sub3A_1309 : i32 to vector<16xi32>
    %sub3A_1311 = arith.subi %get3A_1194, %sub3A_1310 : vector<16xi32>
    %abs3A_1312 = math.absi %sub3A_1311 : vector<16xi32>
    %min3A_1313 = arith.minsi %abs3A_1312, %broadcast_in_dim3A_3 : vector<16xi32>
    %sub3A_1314 = arith.subi %broadcast_in_dim3A_3, %min3A_1313 : vector<16xi32>
    %broadcast_in_dim3A_1315 = arith.constant true
    %broadcast_in_dim3A_1316 = vector.broadcast %broadcast_in_dim3A_1315 : i1 to vector<16xi1>
    %masked_cumsum3A_1317 = tpu.scan <sum>, %sub3A_1314 masked %broadcast_in_dim3A_1316 : vector<16xi32>, vector<16xi1> -> vector<16xi32>
    %mul3A_1318 = arith.muli %add3A_1308, %sub3A_30 : vector<16xi32>
    %reduce_sum3A_1319 = arith.constant true
    %reduce_sum3A_1320 = vector.broadcast %reduce_sum3A_1319 : i1 to vector<16xi1>
    %reduce_sum3A_1321 = tpu.scan <sum>, %mul3A_1318 masked %reduce_sum3A_1320 : vector<16xi32>, vector<16xi1> -> vector<16xi32>
    %reduce_sum3A_1322 = vector.extract %reduce_sum3A_1321[15] : i32 from vector<16xi32>
    %add3A_1323 = vector.broadcast %reduce_sum3A_1322 : i32 to vector<16xi32>
    %add3A_1324 = arith.addi %add3A_1323, %masked_cumsum3A_1317 : vector<16xi32>
    %sub3A_1325 = arith.constant 1 : i32
    %sub3A_1326 = vector.broadcast %sub3A_1325 : i32 to vector<16xi32>
    %sub3A_1327 = arith.subi %add3A_1324, %sub3A_1326 : vector<16xi32>
    %mul3A_1328 = arith.muli %sub3A_1314, %sub3A_1327 : vector<16xi32>
    %add3A_1329 = arith.addi %add3A_1301, %mul3A_1328 : vector<16xi32>
    %reduce_sum3A_1330 = arith.constant true
    %reduce_sum3A_1331 = vector.broadcast %reduce_sum3A_1330 : i1 to vector<16xi1>
    %reduce_sum3A_1332 = tpu.scan <sum>, %sub3A_1314 masked %reduce_sum3A_1331 : vector<16xi32>, vector<16xi1> -> vector<16xi32>
    %reduce_sum3A_1333 = vector.extract %reduce_sum3A_1332[15] : i32 from vector<16xi32>
    %mul3A_1334 = vector.broadcast %reduce_sum3A_1333 : i32 to vector<16xi32>
    %mul3A_1335 = arith.muli %sub3A_30, %mul3A_1334 : vector<16xi32>
    %add3A_1336 = arith.addi %add3A_1308, %mul3A_1335 : vector<16xi32>
    %sub3A_1337 = arith.constant 5 : i32
    %sub3A_1338 = vector.broadcast %sub3A_1337 : i32 to vector<16xi32>
    %sub3A_1339 = arith.subi %get3A_1194, %sub3A_1338 : vector<16xi32>
    %abs3A_1340 = math.absi %sub3A_1339 : vector<16xi32>
    %min3A_1341 = arith.minsi %abs3A_1340, %broadcast_in_dim3A_3 : vector<16xi32>
    %sub3A_1342 = arith.subi %broadcast_in_dim3A_3, %min3A_1341 : vector<16xi32>
    %broadcast_in_dim3A_1343 = arith.constant true
    %broadcast_in_dim3A_1344 = vector.broadcast %broadcast_in_dim3A_1343 : i1 to vector<16xi1>
    %masked_cumsum3A_1345 = tpu.scan <sum>, %sub3A_1342 masked %broadcast_in_dim3A_1344 : vector<16xi32>, vector<16xi1> -> vector<16xi32>
    %mul3A_1346 = arith.muli %add3A_1336, %sub3A_36 : vector<16xi32>
    %reduce_sum3A_1347 = arith.constant true
    %reduce_sum3A_1348 = vector.broadcast %reduce_sum3A_1347 : i1 to vector<16xi1>
    %reduce_sum3A_1349 = tpu.scan <sum>, %mul3A_1346 masked %reduce_sum3A_1348 : vector<16xi32>, vector<16xi1> -> vector<16xi32>
    %reduce_sum3A_1350 = vector.extract %reduce_sum3A_1349[15] : i32 from vector<16xi32>
    %add3A_1351 = vector.broadcast %reduce_sum3A_1350 : i32 to vector<16xi32>
    %add3A_1352 = arith.addi %add3A_1351, %masked_cumsum3A_1345 : vector<16xi32>
    %sub3A_1353 = arith.constant 1 : i32
    %sub3A_1354 = vector.broadcast %sub3A_1353 : i32 to vector<16xi32>
    %sub3A_1355 = arith.subi %add3A_1352, %sub3A_1354 : vector<16xi32>
    %mul3A_1356 = arith.muli %sub3A_1342, %sub3A_1355 : vector<16xi32>
    %add3A_1357 = arith.addi %add3A_1329, %mul3A_1356 : vector<16xi32>
    %reduce_sum3A_1358 = arith.constant true
    %reduce_sum3A_1359 = vector.broadcast %reduce_sum3A_1358 : i1 to vector<16xi1>
    %reduce_sum3A_1360 = tpu.scan <sum>, %sub3A_1342 masked %reduce_sum3A_1359 : vector<16xi32>, vector<16xi1> -> vector<16xi32>
    %reduce_sum3A_1361 = vector.extract %reduce_sum3A_1360[15] : i32 from vector<16xi32>
    %mul3A_1362 = vector.broadcast %reduce_sum3A_1361 : i32 to vector<16xi32>
    %mul3A_1363 = arith.muli %sub3A_36, %mul3A_1362 : vector<16xi32>
    %add3A_1364 = arith.addi %add3A_1336, %mul3A_1363 : vector<16xi32>
    %sub3A_1365 = arith.constant 6 : i32
    %sub3A_1366 = vector.broadcast %sub3A_1365 : i32 to vector<16xi32>
    %sub3A_1367 = arith.subi %get3A_1194, %sub3A_1366 : vector<16xi32>
    %abs3A_1368 = math.absi %sub3A_1367 : vector<16xi32>
    %min3A_1369 = arith.minsi %abs3A_1368, %broadcast_in_dim3A_3 : vector<16xi32>
    %sub3A_1370 = arith.subi %broadcast_in_dim3A_3, %min3A_1369 : vector<16xi32>
    %broadcast_in_dim3A_1371 = arith.constant true
    %broadcast_in_dim3A_1372 = vector.broadcast %broadcast_in_dim3A_1371 : i1 to vector<16xi1>
    %masked_cumsum3A_1373 = tpu.scan <sum>, %sub3A_1370 masked %broadcast_in_dim3A_1372 : vector<16xi32>, vector<16xi1> -> vector<16xi32>
    %mul3A_1374 = arith.muli %add3A_1364, %sub3A_42 : vector<16xi32>
    %reduce_sum3A_1375 = arith.constant true
    %reduce_sum3A_1376 = vector.broadcast %reduce_sum3A_1375 : i1 to vector<16xi1>
    %reduce_sum3A_1377 = tpu.scan <sum>, %mul3A_1374 masked %reduce_sum3A_1376 : vector<16xi32>, vector<16xi1> -> vector<16xi32>
    %reduce_sum3A_1378 = vector.extract %reduce_sum3A_1377[15] : i32 from vector<16xi32>
    %add3A_1379 = vector.broadcast %reduce_sum3A_1378 : i32 to vector<16xi32>
    %add3A_1380 = arith.addi %add3A_1379, %masked_cumsum3A_1373 : vector<16xi32>
    %sub3A_1381 = arith.constant 1 : i32
    %sub3A_1382 = vector.broadcast %sub3A_1381 : i32 to vector<16xi32>
    %sub3A_1383 = arith.subi %add3A_1380, %sub3A_1382 : vector<16xi32>
    %mul3A_1384 = arith.muli %sub3A_1370, %sub3A_1383 : vector<16xi32>
    %add3A_1385 = arith.addi %add3A_1357, %mul3A_1384 : vector<16xi32>
    %reduce_sum3A_1386 = arith.constant true
    %reduce_sum3A_1387 = vector.broadcast %reduce_sum3A_1386 : i1 to vector<16xi1>
    %reduce_sum3A_1388 = tpu.scan <sum>, %sub3A_1370 masked %reduce_sum3A_1387 : vector<16xi32>, vector<16xi1> -> vector<16xi32>
    %reduce_sum3A_1389 = vector.extract %reduce_sum3A_1388[15] : i32 from vector<16xi32>
    %mul3A_1390 = vector.broadcast %reduce_sum3A_1389 : i32 to vector<16xi32>
    %mul3A_1391 = arith.muli %sub3A_42, %mul3A_1390 : vector<16xi32>
    %add3A_1392 = arith.addi %add3A_1364, %mul3A_1391 : vector<16xi32>
    %sub3A_1393 = arith.constant 7 : i32
    %sub3A_1394 = vector.broadcast %sub3A_1393 : i32 to vector<16xi32>
    %sub3A_1395 = arith.subi %get3A_1194, %sub3A_1394 : vector<16xi32>
    %abs3A_1396 = math.absi %sub3A_1395 : vector<16xi32>
    %min3A_1397 = arith.minsi %abs3A_1396, %broadcast_in_dim3A_3 : vector<16xi32>
    %sub3A_1398 = arith.subi %broadcast_in_dim3A_3, %min3A_1397 : vector<16xi32>
    %broadcast_in_dim3A_1399 = arith.constant true
    %broadcast_in_dim3A_1400 = vector.broadcast %broadcast_in_dim3A_1399 : i1 to vector<16xi1>
    %masked_cumsum3A_1401 = tpu.scan <sum>, %sub3A_1398 masked %broadcast_in_dim3A_1400 : vector<16xi32>, vector<16xi1> -> vector<16xi32>
    %mul3A_1402 = arith.muli %add3A_1392, %sub3A_48 : vector<16xi32>
    %reduce_sum3A_1403 = arith.constant true
    %reduce_sum3A_1404 = vector.broadcast %reduce_sum3A_1403 : i1 to vector<16xi1>
    %reduce_sum3A_1405 = tpu.scan <sum>, %mul3A_1402 masked %reduce_sum3A_1404 : vector<16xi32>, vector<16xi1> -> vector<16xi32>
    %reduce_sum3A_1406 = vector.extract %reduce_sum3A_1405[15] : i32 from vector<16xi32>
    %add3A_1407 = vector.broadcast %reduce_sum3A_1406 : i32 to vector<16xi32>
    %add3A_1408 = arith.addi %add3A_1407, %masked_cumsum3A_1401 : vector<16xi32>
    %sub3A_1409 = arith.constant 1 : i32
    %sub3A_1410 = vector.broadcast %sub3A_1409 : i32 to vector<16xi32>
    %sub3A_1411 = arith.subi %add3A_1408, %sub3A_1410 : vector<16xi32>
    %mul3A_1412 = arith.muli %sub3A_1398, %sub3A_1411 : vector<16xi32>
    %add3A_1413 = arith.addi %add3A_1385, %mul3A_1412 : vector<16xi32>
    %reduce_sum3A_1414 = arith.constant true
    %reduce_sum3A_1415 = vector.broadcast %reduce_sum3A_1414 : i1 to vector<16xi1>
    %reduce_sum3A_1416 = tpu.scan <sum>, %sub3A_1398 masked %reduce_sum3A_1415 : vector<16xi32>, vector<16xi1> -> vector<16xi32>
    %reduce_sum3A_1417 = vector.extract %reduce_sum3A_1416[15] : i32 from vector<16xi32>
    %mul3A_1418 = vector.broadcast %reduce_sum3A_1417 : i32 to vector<16xi32>
    %mul3A_1419 = arith.muli %sub3A_48, %mul3A_1418 : vector<16xi32>
    %add3A_1420 = arith.addi %add3A_1392, %mul3A_1419 : vector<16xi32>
    %swap3A_1421 = arith.constant 48 : index
    %swap3A_1422 = tpu.vector_load %arg9[%swap3A_1421] {strides = array<i32>} : memref<64xi32, #tpu.memory_space<vmem>>, vector<16xi32>,
    tpu.vector_store %arg9[%swap3A_1421], %add3A_1413 {strides = array<i32>} : memref<64xi32, #tpu.memory_space<vmem>>, vector<16xi32>,
    "tpu.region"() ({
      %run_scoped3A = tpu.sem_alloc : memref<!tpu.dma_semaphore, #tpu.memory_space<semaphore_mem>>
      %dma_start3A_1427 = tpu.memref_slice %arg6[%mul3A_2] : memref<2048xi32, #tpu.memory_space<hbm>> -> memref<64xi32, #tpu.memory_space<hbm>>
      %dma_start3A_1428 = tpu.memref_slice %arg6[%mul3A_2] : memref<2048xi32, #tpu.memory_space<hbm>> -> memref<64xi32, #tpu.memory_space<hbm>>
      tpu.enqueue_dma source(%arg9 : memref<64xi32, #tpu.memory_space<vmem>>) target(%dma_start3A_1428 : memref<64xi32, #tpu.memory_space<hbm>>) target_semaphore(%run_scoped3A : memref<!tpu.dma_semaphore, #tpu.memory_space<semaphore_mem>>)
      %dma_wait3A_1429 = tpu.memref_slice %arg6[%mul3A_2] : memref<2048xi32, #tpu.memory_space<hbm>> -> memref<64xi32, #tpu.memory_space<hbm>>
      %dma_wait3A_1430 = tpu.memref_slice %arg6[%mul3A_2] : memref<2048xi32, #tpu.memory_space<hbm>> -> memref<64xi32, #tpu.memory_space<hbm>>
      tpu.wait_dma2 semaphore(%run_scoped3A : memref<!tpu.dma_semaphore, #tpu.memory_space<semaphore_mem>>) src(%arg9 : memref<64xi32, #tpu.memory_space<vmem>>) dst(%dma_wait3A_1430 : memref<64xi32, #tpu.memory_space<hbm>>)
      tpu.yield
    }) : () -> ()
    "tpu.region"() ({
      %run_scoped3A = tpu.sem_alloc : memref<!tpu.dma_semaphore, #tpu.memory_space<semaphore_mem>>
      %dma_start3A_1427 = arith.constant 0 : i32
      %dma_start3A_1428 = tpu.memref_slice %arg3[%mul3A_2, %dma_start3A_1427] : memref<2048x768xf32, #tpu.memory_space<hbm>> -> memref<64x768xf32, #tpu.memory_space<hbm>>
      %dma_start3A_1429 = arith.constant 0 : i32
      %dma_start3A_1430 = tpu.memref_slice %arg3[%mul3A_2, %dma_start3A_1429] : memref<2048x768xf32, #tpu.memory_space<hbm>> -> memref<64x768xf32, #tpu.memory_space<hbm>>
      tpu.enqueue_dma source(%dma_start3A_1430 : memref<64x768xf32, #tpu.memory_space<hbm>>) target(%arg12 : memref<64x768xf32, #tpu.memory_space<vmem>>) target_semaphore(%run_scoped3A : memref<!tpu.dma_semaphore, #tpu.memory_space<semaphore_mem>>)
      %dma_wait3A_1431 = arith.constant 0 : i32
      %dma_wait3A_1432 = tpu.memref_slice %arg3[%mul3A_2, %dma_wait3A_1431] : memref<2048x768xf32, #tpu.memory_space<hbm>> -> memref<64x768xf32, #tpu.memory_space<hbm>>
      %dma_wait3A_1433 = arith.constant 0 : i32
      %dma_wait3A_1434 = tpu.memref_slice %arg3[%mul3A_2, %dma_wait3A_1433] : memref<2048x768xf32, #tpu.memory_space<hbm>> -> memref<64x768xf32, #tpu.memory_space<hbm>>
      tpu.wait_dma2 semaphore(%run_scoped3A : memref<!tpu.dma_semaphore, #tpu.memory_space<semaphore_mem>>) src(%dma_wait3A_1434 : memref<64x768xf32, #tpu.memory_space<hbm>>) dst(%arg12 : memref<64x768xf32, #tpu.memory_space<vmem>>)
      tpu.yield
    }) : () -> ()
    %dma_start3A = arith.constant 0 : i32
    %dma_start3A_1423 = arith.constant 0 : i32
    %dma_start3A_1424 = tpu.memref_slice %arg5[%dma_start3A, %dma_start3A_1423] : memref<2048x768xf32, #tpu.memory_space<hbm>> -> memref<2048x768xf32, #tpu.memory_space<hbm>>
    tpu.enqueue_indirect_dma source(%arg12 : memref<64x768xf32, #tpu.memory_space<vmem>>) target(%dma_start3A_1424 : memref<2048x768xf32, #tpu.memory_space<hbm>>) offsets(%arg9 : memref<64xi32, #tpu.memory_space<vmem>>) semaphore(%arg13 : memref<!tpu.dma_semaphore, #tpu.memory_space<semaphore_mem>>)
    %dma_wait3A = arith.constant 0 : i32
    %dma_wait3A_1425 = arith.constant 0 : i32
    %dma_wait3A_1426 = tpu.memref_slice %arg5[%dma_wait3A, %dma_wait3A_1425] : memref<2048x768xf32, #tpu.memory_space<hbm>> -> memref<2048x768xf32, #tpu.memory_space<hbm>>
    tpu.wait_indirect_dma semaphore(%arg13 : memref<!tpu.dma_semaphore, #tpu.memory_space<semaphore_mem>>) src(%arg12 : memref<64x768xf32, #tpu.memory_space<vmem>>) dst(%dma_wait3A_1426 : memref<2048x768xf32, #tpu.memory_space<hbm>>)
    return
  }
}

module attributes {stable_mosaic.version = 14 : i64} {
  func.func @_k1_body(%arg0: i32, %arg1: memref<256x768xf32, #tpu.memory_space<vmem>>, %arg2: memref<1x768xf32, #tpu.memory_space<vmem>>, %arg3: memref<768x768xf32, #tpu.memory_space<vmem>>, %arg4: memref<768x256xf32, #tpu.memory_space<vmem>>, %arg5: memref<768x256xf32, #tpu.memory_space<vmem>>, %arg6: memref<256x768xf32, #tpu.memory_space<vmem>>, %arg7: memref<256x256xf32, #tpu.memory_space<vmem>>, %arg8: memref<256x256xf32, #tpu.memory_space<vmem>>) attributes {dimension_semantics = [#tpu.dimension_semantics<arbitrary>], iteration_bounds = array<i64: 8>, scalar_prefetch = 0 : i64, scratch_operands = 0 : i64, tpu.core_type = #tpu.core_type<tc>, window_params = [{transform_indices = @transform_0, window_bounds = array<i64: 256, 768>}, {pipeline_mode = #tpu.pipeline_mode<synchronous>, transform_indices = @transform_1, window_bounds = array<i64: 1, 768>}, {pipeline_mode = #tpu.pipeline_mode<synchronous>, transform_indices = @transform_2, window_bounds = array<i64: 768, 768>}, {pipeline_mode = #tpu.pipeline_mode<synchronous>, transform_indices = @transform_3, window_bounds = array<i64: 768, 256>}, {pipeline_mode = #tpu.pipeline_mode<synchronous>, transform_indices = @transform_4, window_bounds = array<i64: 768, 256>}, {transform_indices = @transform_5, window_bounds = array<i64: 256, 768>}, {transform_indices = @transform_6, window_bounds = array<i64: 256, 256>}, {transform_indices = @transform_7, window_bounds = array<i64: 256, 256>}]} {
    %get3A = arith.constant 0 : index
    %get3A_0 = arith.constant 0 : index
    %get3A_1 = vector.load %arg1[%get3A, %get3A_0] : memref<256x768xf32, #tpu.memory_space<vmem>>, vector<256x768xf32>
    %get3A_2 = arith.constant 0 : index
    %get3A_3 = arith.constant 0 : index
    %get3A_4 = vector.load %arg2[%get3A_2, %get3A_3] : memref<1x768xf32, #tpu.memory_space<vmem>>, vector<1x768xf32>
    %get3A_5 = vector.shape_cast %get3A_4 : vector<1x768xf32> to vector<768xf32>
    %mul3A = arith.mulf %get3A_1, %get3A_1 : vector<256x768xf32>
    %reduce_sum3A = arith.constant dense<0.000000e+00> : vector<256xf32>
    %reduce_sum3A_6 = vector.multi_reduction <add>, %mul3A, %reduce_sum3A [1] : vector<256x768xf32> to vector<256xf32>
    %broadcast_in_dim3A = vector.shape_cast %reduce_sum3A_6 : vector<256xf32> to vector<256x1xf32>
    %div3A = arith.constant 7.680000e+02 : f32
    %div3A_7 = vector.broadcast %div3A : f32 to vector<256x1xf32>
    %div3A_8 = arith.divf %broadcast_in_dim3A, %div3A_7 : vector<256x1xf32>
    %add3A = arith.constant 9.99999997E-7 : f32
    %add3A_9 = vector.broadcast %add3A : f32 to vector<256x1xf32>
    %add3A_10 = arith.addf %div3A_8, %add3A_9 : vector<256x1xf32>
    %rsqrt3A = math.rsqrt %add3A_10 : vector<256x1xf32>
    %mul3A_11 = vector.broadcast %rsqrt3A : vector<256x1xf32> to vector<256x768xf32>
    %mul3A_12 = arith.mulf %get3A_1, %mul3A_11 : vector<256x768xf32>
    %broadcast_in_dim3A_13 = vector.shape_cast %get3A_5 : vector<768xf32> to vector<1x768xf32>
    %mul3A_14 = vector.broadcast %broadcast_in_dim3A_13 : vector<1x768xf32> to vector<256x768xf32>
    %mul3A_15 = arith.mulf %mul3A_12, %mul3A_14 : vector<256x768xf32>
    %get3A_16 = arith.constant 0 : index
    %get3A_17 = arith.constant 0 : index
    %get3A_18 = vector.load %arg3[%get3A_16, %get3A_17] : memref<768x768xf32, #tpu.memory_space<vmem>>, vector<768x768xf32>
    %dot_general3A = arith.constant dense<0.000000e+00> : vector<256x768xf32>
    %dot_general3A_19 = tpu.matmul %mul3A_15, %get3A_18, %dot_general3A {dimension_numbers = #tpu.dot_dimension_numbers<[1], [0], [0], [1], [0, 0, 1, 1], [], []>, transpose_lhs_hint = false} : vector<256x768xf32>, vector<768x768xf32>, vector<256x768xf32> -> vector<256x768xf32>
    %mul3A_20 = arith.constant 1.250000e-01 : f32
    %mul3A_21 = vector.broadcast %mul3A_20 : f32 to vector<256x768xf32>
    %mul3A_22 = arith.mulf %dot_general3A_19, %mul3A_21 : vector<256x768xf32>
    %swap3A = arith.constant 0 : index
    %swap3A_23 = arith.constant 0 : index
    %swap3A_24 = vector.load %arg6[%swap3A, %swap3A_23] : memref<256x768xf32, #tpu.memory_space<vmem>>, vector<256x768xf32>
    tpu.vector_store %arg6[%swap3A, %swap3A_23], %mul3A_22 {strides = array<i32>} : memref<256x768xf32, #tpu.memory_space<vmem>>, vector<256x768xf32>,
    %get3A_25 = arith.constant 0 : index
    %get3A_26 = arith.constant 0 : index
    %get3A_27 = vector.load %arg4[%get3A_25, %get3A_26] : memref<768x256xf32, #tpu.memory_space<vmem>>, vector<768x256xf32>
    %dot_general3A_28 = arith.constant dense<0.000000e+00> : vector<256x256xf32>
    %dot_general3A_29 = tpu.matmul %mul3A_15, %get3A_27, %dot_general3A_28 {dimension_numbers = #tpu.dot_dimension_numbers<[1], [0], [0], [1], [0, 0, 1, 1], [], []>, transpose_lhs_hint = false} : vector<256x768xf32>, vector<768x256xf32>, vector<256x256xf32> -> vector<256x256xf32>
    %swap3A_30 = arith.constant 0 : index
    %swap3A_31 = arith.constant 0 : index
    %swap3A_32 = vector.load %arg7[%swap3A_30, %swap3A_31] : memref<256x256xf32, #tpu.memory_space<vmem>>, vector<256x256xf32>
    tpu.vector_store %arg7[%swap3A_30, %swap3A_31], %dot_general3A_29 {strides = array<i32>} : memref<256x256xf32, #tpu.memory_space<vmem>>, vector<256x256xf32>,
    %get3A_33 = arith.constant 0 : index
    %get3A_34 = arith.constant 0 : index
    %get3A_35 = vector.load %arg5[%get3A_33, %get3A_34] : memref<768x256xf32, #tpu.memory_space<vmem>>, vector<768x256xf32>
    %dot_general3A_36 = arith.constant dense<0.000000e+00> : vector<256x256xf32>
    %dot_general3A_37 = tpu.matmul %mul3A_15, %get3A_35, %dot_general3A_36 {dimension_numbers = #tpu.dot_dimension_numbers<[1], [0], [0], [1], [0, 0, 1, 1], [], []>, transpose_lhs_hint = false} : vector<256x768xf32>, vector<768x256xf32>, vector<256x256xf32> -> vector<256x256xf32>
    %swap3A_38 = arith.constant 0 : index
    %swap3A_39 = arith.constant 0 : index
    %swap3A_40 = vector.load %arg8[%swap3A_38, %swap3A_39] : memref<256x256xf32, #tpu.memory_space<vmem>>, vector<256x256xf32>
    tpu.vector_store %arg8[%swap3A_38, %swap3A_39], %dot_general3A_37 {strides = array<i32>} : memref<256x256xf32, #tpu.memory_space<vmem>>, vector<256x256xf32>,
    return
  }
  func.func @transform_0(%arg0: i32) -> (i32, i32) {
    %c0_i32 = arith.constant 0 : i32
    %c0_i32_0 = arith.constant 0 : i32
    return %arg0, %c0_i32 : i32, i32
  }
  func.func @transform_1(%arg0: i32) -> (i32, i32) {
    %c0_i32 = arith.constant 0 : i32
    %c0_i32_0 = arith.constant 0 : i32
    %c0_i32_1 = arith.constant 0 : i32
    return %c0_i32, %c0_i32_0 : i32, i32
  }
  func.func @transform_2(%arg0: i32) -> (i32, i32) {
    %c0_i32 = arith.constant 0 : i32
    %c0_i32_0 = arith.constant 0 : i32
    %c0_i32_1 = arith.constant 0 : i32
    return %c0_i32, %c0_i32_0 : i32, i32
  }
  func.func @transform_3(%arg0: i32) -> (i32, i32) {
    %c0_i32 = arith.constant 0 : i32
    %c0_i32_0 = arith.constant 0 : i32
    %c0_i32_1 = arith.constant 0 : i32
    return %c0_i32, %c0_i32_0 : i32, i32
  }
  func.func @transform_4(%arg0: i32) -> (i32, i32) {
    %c0_i32 = arith.constant 0 : i32
    %c0_i32_0 = arith.constant 0 : i32
    %c0_i32_1 = arith.constant 0 : i32
    return %c0_i32, %c0_i32_0 : i32, i32
  }
  func.func @transform_5(%arg0: i32) -> (i32, i32) {
    %c0_i32 = arith.constant 0 : i32
    %c0_i32_0 = arith.constant 0 : i32
    return %arg0, %c0_i32 : i32, i32
  }
  func.func @transform_6(%arg0: i32) -> (i32, i32) {
    %c0_i32 = arith.constant 0 : i32
    %c0_i32_0 = arith.constant 0 : i32
    return %arg0, %c0_i32 : i32, i32
  }
  func.func @transform_7(%arg0: i32) -> (i32, i32) {
    %c0_i32 = arith.constant 0 : i32
    %c0_i32_0 = arith.constant 0 : i32
    return %arg0, %c0_i32 : i32, i32
  }
}

module attributes {stable_mosaic.version = 14 : i64} {
  func.func @_k23_body(%arg0: i32, %arg1: memref<8x128xf32, #tpu.memory_space<vmem>>, %arg2: memref<256x768xf32, #tpu.memory_space<vmem>>, %arg3: memref<512x256xf32, #tpu.memory_space<vmem>>, %arg4: memref<512x256xf32, #tpu.memory_space<vmem>>, %arg5: memref<256x768xf32, #tpu.memory_space<vmem>>, %arg6: memref<768x768xf32, #tpu.memory_space<vmem>>, %arg7: memref<1x768xf32, #tpu.memory_space<vmem>>, %arg8: memref<768x128xf32, #tpu.memory_space<vmem>>, %arg9: memref<256x768xf32, #tpu.memory_space<vmem>>, %arg10: memref<1x1x256xi32, #tpu.memory_space<vmem>>) attributes {dimension_semantics = [#tpu.dimension_semantics<arbitrary>], iteration_bounds = array<i64: 2>, scalar_prefetch = 0 : i64, scratch_operands = 0 : i64, tpu.core_type = #tpu.core_type<tc>, window_params = [{transform_indices = @transform_0, window_bounds = array<i64: 8, 128>}, {transform_indices = @transform_1, window_bounds = array<i64: 256, 768>}, {transform_indices = @transform_2, window_bounds = array<i64: 512, 256>}, {transform_indices = @transform_3, window_bounds = array<i64: 512, 256>}, {transform_indices = @transform_4, window_bounds = array<i64: 256, 768>}, {pipeline_mode = #tpu.pipeline_mode<synchronous>, transform_indices = @transform_5, window_bounds = array<i64: 768, 768>}, {pipeline_mode = #tpu.pipeline_mode<synchronous>, transform_indices = @transform_6, window_bounds = array<i64: 1, 768>}, {pipeline_mode = #tpu.pipeline_mode<synchronous>, transform_indices = @transform_7, window_bounds = array<i64: 768, 128>}, {transform_indices = @transform_8, window_bounds = array<i64: 256, 768>}, {transform_indices = @transform_9, window_bounds = array<i64: 1, 1, 256>}]} {
    %add3A = arith.constant 0 : i32
    %add3A_0 = arith.addi %add3A, %arg0 : i32
    %mul3A = arith.constant 256 : i32
    %mul3A_1 = arith.muli %add3A_0, %mul3A : i32
    %iota3A = tpu.iota {dimensions = array<i32: 0>} : vector<256x512xi32>
    %add3A_2 = vector.broadcast %mul3A_1 : i32 to vector<256x512xi32>
    %add3A_3 = arith.addi %add3A_2, %iota3A : vector<256x512xi32>
    %iota3A_4 = tpu.iota {dimensions = array<i32: 1>} : vector<256x512xi32>
    %le3A = arith.cmpi sle, %iota3A_4, %add3A_3 : vector<256x512xi32>
    %get3A = arith.constant 0 : index
    %get3A_5 = arith.constant 0 : index
    %get3A_6 = vector.load %arg2[%get3A, %get3A_5] : memref<256x768xf32, #tpu.memory_space<vmem>>, vector<256x64xf32>
    %get3A_7 = arith.constant 0 : index
    %get3A_8 = arith.constant 0 : index
    %get3A_9 = vector.load %arg3[%get3A_7, %get3A_8] : memref<512x256xf32, #tpu.memory_space<vmem>>, vector<512x64xf32>
    %dot_general3A = arith.constant dense<0.000000e+00> : vector<256x512xf32>
    %dot_general3A_10 = tpu.matmul %get3A_6, %get3A_9, %dot_general3A {dimension_numbers = #tpu.dot_dimension_numbers<[1], [1], [0], [0], [0, 0, 1, 0], [], []>, transpose_lhs_hint = false} : vector<256x64xf32>, vector<512x64xf32>, vector<256x512xf32> -> vector<256x512xf32>
    %jit3A = arith.constant -1.000000e+30 : f32
    %broadcast_in_dim3A = vector.broadcast %jit3A : f32 to vector<256x512xf32>
    %select_n3A = arith.select %le3A, %dot_general3A_10, %broadcast_in_dim3A : vector<256x512xi1>, vector<256x512xf32>
    %reduce_max3A = arith.constant dense<0xFF800000> : vector<256xf32>
    %reduce_max3A_11 = vector.multi_reduction <maximumf>, %select_n3A, %reduce_max3A [1] : vector<256x512xf32> to vector<256xf32>
    %broadcast_in_dim3A_12 = vector.shape_cast %reduce_max3A_11 : vector<256xf32> to vector<256x1xf32>
    %sub3A = vector.broadcast %broadcast_in_dim3A_12 : vector<256x1xf32> to vector<256x512xf32>
    %sub3A_13 = arith.subf %select_n3A, %sub3A : vector<256x512xf32>
    %exp3A = math.exp %sub3A_13 : vector<256x512xf32>
    %reduce_sum3A = arith.constant dense<0.000000e+00> : vector<256xf32>
    %reduce_sum3A_14 = vector.multi_reduction <add>, %exp3A, %reduce_sum3A [1] : vector<256x512xf32> to vector<256xf32>
    %broadcast_in_dim3A_15 = vector.shape_cast %reduce_sum3A_14 : vector<256xf32> to vector<256x1xf32>
    %div3A = arith.constant 1.000000e+00 : f32
    %div3A_16 = vector.broadcast %div3A : f32 to vector<256x1xf32>
    %div3A_17 = arith.divf %div3A_16, %broadcast_in_dim3A_15 : vector<256x1xf32>
    %get3A_18 = arith.constant 0 : index
    %get3A_19 = arith.constant 0 : index
    %get3A_20 = vector.load %arg4[%get3A_18, %get3A_19] : memref<512x256xf32, #tpu.memory_space<vmem>>, vector<512x64xf32>
    %dot_general3A_21 = arith.constant dense<0.000000e+00> : vector<256x64xf32>
    %dot_general3A_22 = tpu.matmul %exp3A, %get3A_20, %dot_general3A_21 {dimension_numbers = #tpu.dot_dimension_numbers<[1], [0], [0], [1], [0, 0, 1, 1], [], []>, transpose_lhs_hint = false} : vector<256x512xf32>, vector<512x64xf32>, vector<256x64xf32> -> vector<256x64xf32>
    %mul3A_23 = vector.broadcast %div3A_17 : vector<256x1xf32> to vector<256x64xf32>
    %mul3A_24 = arith.mulf %dot_general3A_22, %mul3A_23 : vector<256x64xf32>
    %get3A_25 = arith.constant 0 : index
    %get3A_26 = arith.constant 64 : index
    %get3A_27 = vector.load %arg2[%get3A_25, %get3A_26] : memref<256x768xf32, #tpu.memory_space<vmem>>, vector<256x64xf32>
    %get3A_28 = arith.constant 0 : index
    %get3A_29 = arith.constant 0 : index
    %get3A_30 = vector.load %arg3[%get3A_28, %get3A_29] : memref<512x256xf32, #tpu.memory_space<vmem>>, vector<512x64xf32>
    %dot_general3A_31 = arith.constant dense<0.000000e+00> : vector<256x512xf32>
    %dot_general3A_32 = tpu.matmul %get3A_27, %get3A_30, %dot_general3A_31 {dimension_numbers = #tpu.dot_dimension_numbers<[1], [1], [0], [0], [0, 0, 1, 0], [], []>, transpose_lhs_hint = false} : vector<256x64xf32>, vector<512x64xf32>, vector<256x512xf32> -> vector<256x512xf32>
    %jit3A_33 = arith.constant -1.000000e+30 : f32
    %broadcast_in_dim3A_34 = vector.broadcast %jit3A_33 : f32 to vector<256x512xf32>
    %select_n3A_35 = arith.select %le3A, %dot_general3A_32, %broadcast_in_dim3A_34 : vector<256x512xi1>, vector<256x512xf32>
    %reduce_max3A_36 = arith.constant dense<0xFF800000> : vector<256xf32>
    %reduce_max3A_37 = vector.multi_reduction <maximumf>, %select_n3A_35, %reduce_max3A_36 [1] : vector<256x512xf32> to vector<256xf32>
    %broadcast_in_dim3A_38 = vector.shape_cast %reduce_max3A_37 : vector<256xf32> to vector<256x1xf32>
    %sub3A_39 = vector.broadcast %broadcast_in_dim3A_38 : vector<256x1xf32> to vector<256x512xf32>
    %sub3A_40 = arith.subf %select_n3A_35, %sub3A_39 : vector<256x512xf32>
    %exp3A_41 = math.exp %sub3A_40 : vector<256x512xf32>
    %reduce_sum3A_42 = arith.constant dense<0.000000e+00> : vector<256xf32>
    %reduce_sum3A_43 = vector.multi_reduction <add>, %exp3A_41, %reduce_sum3A_42 [1] : vector<256x512xf32> to vector<256xf32>
    %broadcast_in_dim3A_44 = vector.shape_cast %reduce_sum3A_43 : vector<256xf32> to vector<256x1xf32>
    %div3A_45 = arith.constant 1.000000e+00 : f32
    %div3A_46 = vector.broadcast %div3A_45 : f32 to vector<256x1xf32>
    %div3A_47 = arith.divf %div3A_46, %broadcast_in_dim3A_44 : vector<256x1xf32>
    %get3A_48 = arith.constant 0 : index
    %get3A_49 = arith.constant 0 : index
    %get3A_50 = vector.load %arg4[%get3A_48, %get3A_49] : memref<512x256xf32, #tpu.memory_space<vmem>>, vector<512x64xf32>
    %dot_general3A_51 = arith.constant dense<0.000000e+00> : vector<256x64xf32>
    %dot_general3A_52 = tpu.matmul %exp3A_41, %get3A_50, %dot_general3A_51 {dimension_numbers = #tpu.dot_dimension_numbers<[1], [0], [0], [1], [0, 0, 1, 1], [], []>, transpose_lhs_hint = false} : vector<256x512xf32>, vector<512x64xf32>, vector<256x64xf32> -> vector<256x64xf32>
    %mul3A_53 = vector.broadcast %div3A_47 : vector<256x1xf32> to vector<256x64xf32>
    %mul3A_54 = arith.mulf %dot_general3A_52, %mul3A_53 : vector<256x64xf32>
    %get3A_55 = arith.constant 0 : index
    %get3A_56 = arith.constant 128 : index
    %get3A_57 = vector.load %arg2[%get3A_55, %get3A_56] : memref<256x768xf32, #tpu.memory_space<vmem>>, vector<256x64xf32>
    %get3A_58 = arith.constant 0 : index
    %get3A_59 = arith.constant 0 : index
    %get3A_60 = vector.load %arg3[%get3A_58, %get3A_59] : memref<512x256xf32, #tpu.memory_space<vmem>>, vector<512x64xf32>
    %dot_general3A_61 = arith.constant dense<0.000000e+00> : vector<256x512xf32>
    %dot_general3A_62 = tpu.matmul %get3A_57, %get3A_60, %dot_general3A_61 {dimension_numbers = #tpu.dot_dimension_numbers<[1], [1], [0], [0], [0, 0, 1, 0], [], []>, transpose_lhs_hint = false} : vector<256x64xf32>, vector<512x64xf32>, vector<256x512xf32> -> vector<256x512xf32>
    %jit3A_63 = arith.constant -1.000000e+30 : f32
    %broadcast_in_dim3A_64 = vector.broadcast %jit3A_63 : f32 to vector<256x512xf32>
    %select_n3A_65 = arith.select %le3A, %dot_general3A_62, %broadcast_in_dim3A_64 : vector<256x512xi1>, vector<256x512xf32>
    %reduce_max3A_66 = arith.constant dense<0xFF800000> : vector<256xf32>
    %reduce_max3A_67 = vector.multi_reduction <maximumf>, %select_n3A_65, %reduce_max3A_66 [1] : vector<256x512xf32> to vector<256xf32>
    %broadcast_in_dim3A_68 = vector.shape_cast %reduce_max3A_67 : vector<256xf32> to vector<256x1xf32>
    %sub3A_69 = vector.broadcast %broadcast_in_dim3A_68 : vector<256x1xf32> to vector<256x512xf32>
    %sub3A_70 = arith.subf %select_n3A_65, %sub3A_69 : vector<256x512xf32>
    %exp3A_71 = math.exp %sub3A_70 : vector<256x512xf32>
    %reduce_sum3A_72 = arith.constant dense<0.000000e+00> : vector<256xf32>
    %reduce_sum3A_73 = vector.multi_reduction <add>, %exp3A_71, %reduce_sum3A_72 [1] : vector<256x512xf32> to vector<256xf32>
    %broadcast_in_dim3A_74 = vector.shape_cast %reduce_sum3A_73 : vector<256xf32> to vector<256x1xf32>
    %div3A_75 = arith.constant 1.000000e+00 : f32
    %div3A_76 = vector.broadcast %div3A_75 : f32 to vector<256x1xf32>
    %div3A_77 = arith.divf %div3A_76, %broadcast_in_dim3A_74 : vector<256x1xf32>
    %get3A_78 = arith.constant 0 : index
    %get3A_79 = arith.constant 0 : index
    %get3A_80 = vector.load %arg4[%get3A_78, %get3A_79] : memref<512x256xf32, #tpu.memory_space<vmem>>, vector<512x64xf32>
    %dot_general3A_81 = arith.constant dense<0.000000e+00> : vector<256x64xf32>
    %dot_general3A_82 = tpu.matmul %exp3A_71, %get3A_80, %dot_general3A_81 {dimension_numbers = #tpu.dot_dimension_numbers<[1], [0], [0], [1], [0, 0, 1, 1], [], []>, transpose_lhs_hint = false} : vector<256x512xf32>, vector<512x64xf32>, vector<256x64xf32> -> vector<256x64xf32>
    %mul3A_83 = vector.broadcast %div3A_77 : vector<256x1xf32> to vector<256x64xf32>
    %mul3A_84 = arith.mulf %dot_general3A_82, %mul3A_83 : vector<256x64xf32>
    %get3A_85 = arith.constant 0 : index
    %get3A_86 = arith.constant 192 : index
    %get3A_87 = vector.load %arg2[%get3A_85, %get3A_86] : memref<256x768xf32, #tpu.memory_space<vmem>>, vector<256x64xf32>
    %get3A_88 = arith.constant 0 : index
    %get3A_89 = arith.constant 64 : index
    %get3A_90 = vector.load %arg3[%get3A_88, %get3A_89] : memref<512x256xf32, #tpu.memory_space<vmem>>, vector<512x64xf32>
    %dot_general3A_91 = arith.constant dense<0.000000e+00> : vector<256x512xf32>
    %dot_general3A_92 = tpu.matmul %get3A_87, %get3A_90, %dot_general3A_91 {dimension_numbers = #tpu.dot_dimension_numbers<[1], [1], [0], [0], [0, 0, 1, 0], [], []>, transpose_lhs_hint = false} : vector<256x64xf32>, vector<512x64xf32>, vector<256x512xf32> -> vector<256x512xf32>
    %jit3A_93 = arith.constant -1.000000e+30 : f32
    %broadcast_in_dim3A_94 = vector.broadcast %jit3A_93 : f32 to vector<256x512xf32>
    %select_n3A_95 = arith.select %le3A, %dot_general3A_92, %broadcast_in_dim3A_94 : vector<256x512xi1>, vector<256x512xf32>
    %reduce_max3A_96 = arith.constant dense<0xFF800000> : vector<256xf32>
    %reduce_max3A_97 = vector.multi_reduction <maximumf>, %select_n3A_95, %reduce_max3A_96 [1] : vector<256x512xf32> to vector<256xf32>
    %broadcast_in_dim3A_98 = vector.shape_cast %reduce_max3A_97 : vector<256xf32> to vector<256x1xf32>
    %sub3A_99 = vector.broadcast %broadcast_in_dim3A_98 : vector<256x1xf32> to vector<256x512xf32>
    %sub3A_100 = arith.subf %select_n3A_95, %sub3A_99 : vector<256x512xf32>
    %exp3A_101 = math.exp %sub3A_100 : vector<256x512xf32>
    %reduce_sum3A_102 = arith.constant dense<0.000000e+00> : vector<256xf32>
    %reduce_sum3A_103 = vector.multi_reduction <add>, %exp3A_101, %reduce_sum3A_102 [1] : vector<256x512xf32> to vector<256xf32>
    %broadcast_in_dim3A_104 = vector.shape_cast %reduce_sum3A_103 : vector<256xf32> to vector<256x1xf32>
    %div3A_105 = arith.constant 1.000000e+00 : f32
    %div3A_106 = vector.broadcast %div3A_105 : f32 to vector<256x1xf32>
    %div3A_107 = arith.divf %div3A_106, %broadcast_in_dim3A_104 : vector<256x1xf32>
    %get3A_108 = arith.constant 0 : index
    %get3A_109 = arith.constant 64 : index
    %get3A_110 = vector.load %arg4[%get3A_108, %get3A_109] : memref<512x256xf32, #tpu.memory_space<vmem>>, vector<512x64xf32>
    %dot_general3A_111 = arith.constant dense<0.000000e+00> : vector<256x64xf32>
    %dot_general3A_112 = tpu.matmul %exp3A_101, %get3A_110, %dot_general3A_111 {dimension_numbers = #tpu.dot_dimension_numbers<[1], [0], [0], [1], [0, 0, 1, 1], [], []>, transpose_lhs_hint = false} : vector<256x512xf32>, vector<512x64xf32>, vector<256x64xf32> -> vector<256x64xf32>
    %mul3A_113 = vector.broadcast %div3A_107 : vector<256x1xf32> to vector<256x64xf32>
    %mul3A_114 = arith.mulf %dot_general3A_112, %mul3A_113 : vector<256x64xf32>
    %get3A_115 = arith.constant 0 : index
    %get3A_116 = arith.constant 256 : index
    %get3A_117 = vector.load %arg2[%get3A_115, %get3A_116] : memref<256x768xf32, #tpu.memory_space<vmem>>, vector<256x64xf32>
    %get3A_118 = arith.constant 0 : index
    %get3A_119 = arith.constant 64 : index
    %get3A_120 = vector.load %arg3[%get3A_118, %get3A_119] : memref<512x256xf32, #tpu.memory_space<vmem>>, vector<512x64xf32>
    %dot_general3A_121 = arith.constant dense<0.000000e+00> : vector<256x512xf32>
    %dot_general3A_122 = tpu.matmul %get3A_117, %get3A_120, %dot_general3A_121 {dimension_numbers = #tpu.dot_dimension_numbers<[1], [1], [0], [0], [0, 0, 1, 0], [], []>, transpose_lhs_hint = false} : vector<256x64xf32>, vector<512x64xf32>, vector<256x512xf32> -> vector<256x512xf32>
    %jit3A_123 = arith.constant -1.000000e+30 : f32
    %broadcast_in_dim3A_124 = vector.broadcast %jit3A_123 : f32 to vector<256x512xf32>
    %select_n3A_125 = arith.select %le3A, %dot_general3A_122, %broadcast_in_dim3A_124 : vector<256x512xi1>, vector<256x512xf32>
    %reduce_max3A_126 = arith.constant dense<0xFF800000> : vector<256xf32>
    %reduce_max3A_127 = vector.multi_reduction <maximumf>, %select_n3A_125, %reduce_max3A_126 [1] : vector<256x512xf32> to vector<256xf32>
    %broadcast_in_dim3A_128 = vector.shape_cast %reduce_max3A_127 : vector<256xf32> to vector<256x1xf32>
    %sub3A_129 = vector.broadcast %broadcast_in_dim3A_128 : vector<256x1xf32> to vector<256x512xf32>
    %sub3A_130 = arith.subf %select_n3A_125, %sub3A_129 : vector<256x512xf32>
    %exp3A_131 = math.exp %sub3A_130 : vector<256x512xf32>
    %reduce_sum3A_132 = arith.constant dense<0.000000e+00> : vector<256xf32>
    %reduce_sum3A_133 = vector.multi_reduction <add>, %exp3A_131, %reduce_sum3A_132 [1] : vector<256x512xf32> to vector<256xf32>
    %broadcast_in_dim3A_134 = vector.shape_cast %reduce_sum3A_133 : vector<256xf32> to vector<256x1xf32>
    %div3A_135 = arith.constant 1.000000e+00 : f32
    %div3A_136 = vector.broadcast %div3A_135 : f32 to vector<256x1xf32>
    %div3A_137 = arith.divf %div3A_136, %broadcast_in_dim3A_134 : vector<256x1xf32>
    %get3A_138 = arith.constant 0 : index
    %get3A_139 = arith.constant 64 : index
    %get3A_140 = vector.load %arg4[%get3A_138, %get3A_139] : memref<512x256xf32, #tpu.memory_space<vmem>>, vector<512x64xf32>
    %dot_general3A_141 = arith.constant dense<0.000000e+00> : vector<256x64xf32>
    %dot_general3A_142 = tpu.matmul %exp3A_131, %get3A_140, %dot_general3A_141 {dimension_numbers = #tpu.dot_dimension_numbers<[1], [0], [0], [1], [0, 0, 1, 1], [], []>, transpose_lhs_hint = false} : vector<256x512xf32>, vector<512x64xf32>, vector<256x64xf32> -> vector<256x64xf32>
    %mul3A_143 = vector.broadcast %div3A_137 : vector<256x1xf32> to vector<256x64xf32>
    %mul3A_144 = arith.mulf %dot_general3A_142, %mul3A_143 : vector<256x64xf32>
    %get3A_145 = arith.constant 0 : index
    %get3A_146 = arith.constant 320 : index
    %get3A_147 = vector.load %arg2[%get3A_145, %get3A_146] : memref<256x768xf32, #tpu.memory_space<vmem>>, vector<256x64xf32>
    %get3A_148 = arith.constant 0 : index
    %get3A_149 = arith.constant 64 : index
    %get3A_150 = vector.load %arg3[%get3A_148, %get3A_149] : memref<512x256xf32, #tpu.memory_space<vmem>>, vector<512x64xf32>
    %dot_general3A_151 = arith.constant dense<0.000000e+00> : vector<256x512xf32>
    %dot_general3A_152 = tpu.matmul %get3A_147, %get3A_150, %dot_general3A_151 {dimension_numbers = #tpu.dot_dimension_numbers<[1], [1], [0], [0], [0, 0, 1, 0], [], []>, transpose_lhs_hint = false} : vector<256x64xf32>, vector<512x64xf32>, vector<256x512xf32> -> vector<256x512xf32>
    %jit3A_153 = arith.constant -1.000000e+30 : f32
    %broadcast_in_dim3A_154 = vector.broadcast %jit3A_153 : f32 to vector<256x512xf32>
    %select_n3A_155 = arith.select %le3A, %dot_general3A_152, %broadcast_in_dim3A_154 : vector<256x512xi1>, vector<256x512xf32>
    %reduce_max3A_156 = arith.constant dense<0xFF800000> : vector<256xf32>
    %reduce_max3A_157 = vector.multi_reduction <maximumf>, %select_n3A_155, %reduce_max3A_156 [1] : vector<256x512xf32> to vector<256xf32>
    %broadcast_in_dim3A_158 = vector.shape_cast %reduce_max3A_157 : vector<256xf32> to vector<256x1xf32>
    %sub3A_159 = vector.broadcast %broadcast_in_dim3A_158 : vector<256x1xf32> to vector<256x512xf32>
    %sub3A_160 = arith.subf %select_n3A_155, %sub3A_159 : vector<256x512xf32>
    %exp3A_161 = math.exp %sub3A_160 : vector<256x512xf32>
    %reduce_sum3A_162 = arith.constant dense<0.000000e+00> : vector<256xf32>
    %reduce_sum3A_163 = vector.multi_reduction <add>, %exp3A_161, %reduce_sum3A_162 [1] : vector<256x512xf32> to vector<256xf32>
    %broadcast_in_dim3A_164 = vector.shape_cast %reduce_sum3A_163 : vector<256xf32> to vector<256x1xf32>
    %div3A_165 = arith.constant 1.000000e+00 : f32
    %div3A_166 = vector.broadcast %div3A_165 : f32 to vector<256x1xf32>
    %div3A_167 = arith.divf %div3A_166, %broadcast_in_dim3A_164 : vector<256x1xf32>
    %get3A_168 = arith.constant 0 : index
    %get3A_169 = arith.constant 64 : index
    %get3A_170 = vector.load %arg4[%get3A_168, %get3A_169] : memref<512x256xf32, #tpu.memory_space<vmem>>, vector<512x64xf32>
    %dot_general3A_171 = arith.constant dense<0.000000e+00> : vector<256x64xf32>
    %dot_general3A_172 = tpu.matmul %exp3A_161, %get3A_170, %dot_general3A_171 {dimension_numbers = #tpu.dot_dimension_numbers<[1], [0], [0], [1], [0, 0, 1, 1], [], []>, transpose_lhs_hint = false} : vector<256x512xf32>, vector<512x64xf32>, vector<256x64xf32> -> vector<256x64xf32>
    %mul3A_173 = vector.broadcast %div3A_167 : vector<256x1xf32> to vector<256x64xf32>
    %mul3A_174 = arith.mulf %dot_general3A_172, %mul3A_173 : vector<256x64xf32>
    %get3A_175 = arith.constant 0 : index
    %get3A_176 = arith.constant 384 : index
    %get3A_177 = vector.load %arg2[%get3A_175, %get3A_176] : memref<256x768xf32, #tpu.memory_space<vmem>>, vector<256x64xf32>
    %get3A_178 = arith.constant 0 : index
    %get3A_179 = arith.constant 128 : index
    %get3A_180 = vector.load %arg3[%get3A_178, %get3A_179] : memref<512x256xf32, #tpu.memory_space<vmem>>, vector<512x64xf32>
    %dot_general3A_181 = arith.constant dense<0.000000e+00> : vector<256x512xf32>
    %dot_general3A_182 = tpu.matmul %get3A_177, %get3A_180, %dot_general3A_181 {dimension_numbers = #tpu.dot_dimension_numbers<[1], [1], [0], [0], [0, 0, 1, 0], [], []>, transpose_lhs_hint = false} : vector<256x64xf32>, vector<512x64xf32>, vector<256x512xf32> -> vector<256x512xf32>
    %jit3A_183 = arith.constant -1.000000e+30 : f32
    %broadcast_in_dim3A_184 = vector.broadcast %jit3A_183 : f32 to vector<256x512xf32>
    %select_n3A_185 = arith.select %le3A, %dot_general3A_182, %broadcast_in_dim3A_184 : vector<256x512xi1>, vector<256x512xf32>
    %reduce_max3A_186 = arith.constant dense<0xFF800000> : vector<256xf32>
    %reduce_max3A_187 = vector.multi_reduction <maximumf>, %select_n3A_185, %reduce_max3A_186 [1] : vector<256x512xf32> to vector<256xf32>
    %broadcast_in_dim3A_188 = vector.shape_cast %reduce_max3A_187 : vector<256xf32> to vector<256x1xf32>
    %sub3A_189 = vector.broadcast %broadcast_in_dim3A_188 : vector<256x1xf32> to vector<256x512xf32>
    %sub3A_190 = arith.subf %select_n3A_185, %sub3A_189 : vector<256x512xf32>
    %exp3A_191 = math.exp %sub3A_190 : vector<256x512xf32>
    %reduce_sum3A_192 = arith.constant dense<0.000000e+00> : vector<256xf32>
    %reduce_sum3A_193 = vector.multi_reduction <add>, %exp3A_191, %reduce_sum3A_192 [1] : vector<256x512xf32> to vector<256xf32>
    %broadcast_in_dim3A_194 = vector.shape_cast %reduce_sum3A_193 : vector<256xf32> to vector<256x1xf32>
    %div3A_195 = arith.constant 1.000000e+00 : f32
    %div3A_196 = vector.broadcast %div3A_195 : f32 to vector<256x1xf32>
    %div3A_197 = arith.divf %div3A_196, %broadcast_in_dim3A_194 : vector<256x1xf32>
    %get3A_198 = arith.constant 0 : index
    %get3A_199 = arith.constant 128 : index
    %get3A_200 = vector.load %arg4[%get3A_198, %get3A_199] : memref<512x256xf32, #tpu.memory_space<vmem>>, vector<512x64xf32>
    %dot_general3A_201 = arith.constant dense<0.000000e+00> : vector<256x64xf32>
    %dot_general3A_202 = tpu.matmul %exp3A_191, %get3A_200, %dot_general3A_201 {dimension_numbers = #tpu.dot_dimension_numbers<[1], [0], [0], [1], [0, 0, 1, 1], [], []>, transpose_lhs_hint = false} : vector<256x512xf32>, vector<512x64xf32>, vector<256x64xf32> -> vector<256x64xf32>
    %mul3A_203 = vector.broadcast %div3A_197 : vector<256x1xf32> to vector<256x64xf32>
    %mul3A_204 = arith.mulf %dot_general3A_202, %mul3A_203 : vector<256x64xf32>
    %get3A_205 = arith.constant 0 : index
    %get3A_206 = arith.constant 448 : index
    %get3A_207 = vector.load %arg2[%get3A_205, %get3A_206] : memref<256x768xf32, #tpu.memory_space<vmem>>, vector<256x64xf32>
    %get3A_208 = arith.constant 0 : index
    %get3A_209 = arith.constant 128 : index
    %get3A_210 = vector.load %arg3[%get3A_208, %get3A_209] : memref<512x256xf32, #tpu.memory_space<vmem>>, vector<512x64xf32>
    %dot_general3A_211 = arith.constant dense<0.000000e+00> : vector<256x512xf32>
    %dot_general3A_212 = tpu.matmul %get3A_207, %get3A_210, %dot_general3A_211 {dimension_numbers = #tpu.dot_dimension_numbers<[1], [1], [0], [0], [0, 0, 1, 0], [], []>, transpose_lhs_hint = false} : vector<256x64xf32>, vector<512x64xf32>, vector<256x512xf32> -> vector<256x512xf32>
    %jit3A_213 = arith.constant -1.000000e+30 : f32
    %broadcast_in_dim3A_214 = vector.broadcast %jit3A_213 : f32 to vector<256x512xf32>
    %select_n3A_215 = arith.select %le3A, %dot_general3A_212, %broadcast_in_dim3A_214 : vector<256x512xi1>, vector<256x512xf32>
    %reduce_max3A_216 = arith.constant dense<0xFF800000> : vector<256xf32>
    %reduce_max3A_217 = vector.multi_reduction <maximumf>, %select_n3A_215, %reduce_max3A_216 [1] : vector<256x512xf32> to vector<256xf32>
    %broadcast_in_dim3A_218 = vector.shape_cast %reduce_max3A_217 : vector<256xf32> to vector<256x1xf32>
    %sub3A_219 = vector.broadcast %broadcast_in_dim3A_218 : vector<256x1xf32> to vector<256x512xf32>
    %sub3A_220 = arith.subf %select_n3A_215, %sub3A_219 : vector<256x512xf32>
    %exp3A_221 = math.exp %sub3A_220 : vector<256x512xf32>
    %reduce_sum3A_222 = arith.constant dense<0.000000e+00> : vector<256xf32>
    %reduce_sum3A_223 = vector.multi_reduction <add>, %exp3A_221, %reduce_sum3A_222 [1] : vector<256x512xf32> to vector<256xf32>
    %broadcast_in_dim3A_224 = vector.shape_cast %reduce_sum3A_223 : vector<256xf32> to vector<256x1xf32>
    %div3A_225 = arith.constant 1.000000e+00 : f32
    %div3A_226 = vector.broadcast %div3A_225 : f32 to vector<256x1xf32>
    %div3A_227 = arith.divf %div3A_226, %broadcast_in_dim3A_224 : vector<256x1xf32>
    %get3A_228 = arith.constant 0 : index
    %get3A_229 = arith.constant 128 : index
    %get3A_230 = vector.load %arg4[%get3A_228, %get3A_229] : memref<512x256xf32, #tpu.memory_space<vmem>>, vector<512x64xf32>
    %dot_general3A_231 = arith.constant dense<0.000000e+00> : vector<256x64xf32>
    %dot_general3A_232 = tpu.matmul %exp3A_221, %get3A_230, %dot_general3A_231 {dimension_numbers = #tpu.dot_dimension_numbers<[1], [0], [0], [1], [0, 0, 1, 1], [], []>, transpose_lhs_hint = false} : vector<256x512xf32>, vector<512x64xf32>, vector<256x64xf32> -> vector<256x64xf32>
    %mul3A_233 = vector.broadcast %div3A_227 : vector<256x1xf32> to vector<256x64xf32>
    %mul3A_234 = arith.mulf %dot_general3A_232, %mul3A_233 : vector<256x64xf32>
    %get3A_235 = arith.constant 0 : index
    %get3A_236 = arith.constant 512 : index
    %get3A_237 = vector.load %arg2[%get3A_235, %get3A_236] : memref<256x768xf32, #tpu.memory_space<vmem>>, vector<256x64xf32>
    %get3A_238 = arith.constant 0 : index
    %get3A_239 = arith.constant 128 : index
    %get3A_240 = vector.load %arg3[%get3A_238, %get3A_239] : memref<512x256xf32, #tpu.memory_space<vmem>>, vector<512x64xf32>
    %dot_general3A_241 = arith.constant dense<0.000000e+00> : vector<256x512xf32>
    %dot_general3A_242 = tpu.matmul %get3A_237, %get3A_240, %dot_general3A_241 {dimension_numbers = #tpu.dot_dimension_numbers<[1], [1], [0], [0], [0, 0, 1, 0], [], []>, transpose_lhs_hint = false} : vector<256x64xf32>, vector<512x64xf32>, vector<256x512xf32> -> vector<256x512xf32>
    %jit3A_243 = arith.constant -1.000000e+30 : f32
    %broadcast_in_dim3A_244 = vector.broadcast %jit3A_243 : f32 to vector<256x512xf32>
    %select_n3A_245 = arith.select %le3A, %dot_general3A_242, %broadcast_in_dim3A_244 : vector<256x512xi1>, vector<256x512xf32>
    %reduce_max3A_246 = arith.constant dense<0xFF800000> : vector<256xf32>
    %reduce_max3A_247 = vector.multi_reduction <maximumf>, %select_n3A_245, %reduce_max3A_246 [1] : vector<256x512xf32> to vector<256xf32>
    %broadcast_in_dim3A_248 = vector.shape_cast %reduce_max3A_247 : vector<256xf32> to vector<256x1xf32>
    %sub3A_249 = vector.broadcast %broadcast_in_dim3A_248 : vector<256x1xf32> to vector<256x512xf32>
    %sub3A_250 = arith.subf %select_n3A_245, %sub3A_249 : vector<256x512xf32>
    %exp3A_251 = math.exp %sub3A_250 : vector<256x512xf32>
    %reduce_sum3A_252 = arith.constant dense<0.000000e+00> : vector<256xf32>
    %reduce_sum3A_253 = vector.multi_reduction <add>, %exp3A_251, %reduce_sum3A_252 [1] : vector<256x512xf32> to vector<256xf32>
    %broadcast_in_dim3A_254 = vector.shape_cast %reduce_sum3A_253 : vector<256xf32> to vector<256x1xf32>
    %div3A_255 = arith.constant 1.000000e+00 : f32
    %div3A_256 = vector.broadcast %div3A_255 : f32 to vector<256x1xf32>
    %div3A_257 = arith.divf %div3A_256, %broadcast_in_dim3A_254 : vector<256x1xf32>
    %get3A_258 = arith.constant 0 : index
    %get3A_259 = arith.constant 128 : index
    %get3A_260 = vector.load %arg4[%get3A_258, %get3A_259] : memref<512x256xf32, #tpu.memory_space<vmem>>, vector<512x64xf32>
    %dot_general3A_261 = arith.constant dense<0.000000e+00> : vector<256x64xf32>
    %dot_general3A_262 = tpu.matmul %exp3A_251, %get3A_260, %dot_general3A_261 {dimension_numbers = #tpu.dot_dimension_numbers<[1], [0], [0], [1], [0, 0, 1, 1], [], []>, transpose_lhs_hint = false} : vector<256x512xf32>, vector<512x64xf32>, vector<256x64xf32> -> vector<256x64xf32>
    %mul3A_263 = vector.broadcast %div3A_257 : vector<256x1xf32> to vector<256x64xf32>
    %mul3A_264 = arith.mulf %dot_general3A_262, %mul3A_263 : vector<256x64xf32>
    %get3A_265 = arith.constant 0 : index
    %get3A_266 = arith.constant 576 : index
    %get3A_267 = vector.load %arg2[%get3A_265, %get3A_266] : memref<256x768xf32, #tpu.memory_space<vmem>>, vector<256x64xf32>
    %get3A_268 = arith.constant 0 : index
    %get3A_269 = arith.constant 192 : index
    %get3A_270 = vector.load %arg3[%get3A_268, %get3A_269] : memref<512x256xf32, #tpu.memory_space<vmem>>, vector<512x64xf32>
    %dot_general3A_271 = arith.constant dense<0.000000e+00> : vector<256x512xf32>
    %dot_general3A_272 = tpu.matmul %get3A_267, %get3A_270, %dot_general3A_271 {dimension_numbers = #tpu.dot_dimension_numbers<[1], [1], [0], [0], [0, 0, 1, 0], [], []>, transpose_lhs_hint = false} : vector<256x64xf32>, vector<512x64xf32>, vector<256x512xf32> -> vector<256x512xf32>
    %jit3A_273 = arith.constant -1.000000e+30 : f32
    %broadcast_in_dim3A_274 = vector.broadcast %jit3A_273 : f32 to vector<256x512xf32>
    %select_n3A_275 = arith.select %le3A, %dot_general3A_272, %broadcast_in_dim3A_274 : vector<256x512xi1>, vector<256x512xf32>
    %reduce_max3A_276 = arith.constant dense<0xFF800000> : vector<256xf32>
    %reduce_max3A_277 = vector.multi_reduction <maximumf>, %select_n3A_275, %reduce_max3A_276 [1] : vector<256x512xf32> to vector<256xf32>
    %broadcast_in_dim3A_278 = vector.shape_cast %reduce_max3A_277 : vector<256xf32> to vector<256x1xf32>
    %sub3A_279 = vector.broadcast %broadcast_in_dim3A_278 : vector<256x1xf32> to vector<256x512xf32>
    %sub3A_280 = arith.subf %select_n3A_275, %sub3A_279 : vector<256x512xf32>
    %exp3A_281 = math.exp %sub3A_280 : vector<256x512xf32>
    %reduce_sum3A_282 = arith.constant dense<0.000000e+00> : vector<256xf32>
    %reduce_sum3A_283 = vector.multi_reduction <add>, %exp3A_281, %reduce_sum3A_282 [1] : vector<256x512xf32> to vector<256xf32>
    %broadcast_in_dim3A_284 = vector.shape_cast %reduce_sum3A_283 : vector<256xf32> to vector<256x1xf32>
    %div3A_285 = arith.constant 1.000000e+00 : f32
    %div3A_286 = vector.broadcast %div3A_285 : f32 to vector<256x1xf32>
    %div3A_287 = arith.divf %div3A_286, %broadcast_in_dim3A_284 : vector<256x1xf32>
    %get3A_288 = arith.constant 0 : index
    %get3A_289 = arith.constant 192 : index
    %get3A_290 = vector.load %arg4[%get3A_288, %get3A_289] : memref<512x256xf32, #tpu.memory_space<vmem>>, vector<512x64xf32>
    %dot_general3A_291 = arith.constant dense<0.000000e+00> : vector<256x64xf32>
    %dot_general3A_292 = tpu.matmul %exp3A_281, %get3A_290, %dot_general3A_291 {dimension_numbers = #tpu.dot_dimension_numbers<[1], [0], [0], [1], [0, 0, 1, 1], [], []>, transpose_lhs_hint = false} : vector<256x512xf32>, vector<512x64xf32>, vector<256x64xf32> -> vector<256x64xf32>
    %mul3A_293 = vector.broadcast %div3A_287 : vector<256x1xf32> to vector<256x64xf32>
    %mul3A_294 = arith.mulf %dot_general3A_292, %mul3A_293 : vector<256x64xf32>
    %get3A_295 = arith.constant 0 : index
    %get3A_296 = arith.constant 640 : index
    %get3A_297 = vector.load %arg2[%get3A_295, %get3A_296] : memref<256x768xf32, #tpu.memory_space<vmem>>, vector<256x64xf32>
    %get3A_298 = arith.constant 0 : index
    %get3A_299 = arith.constant 192 : index
    %get3A_300 = vector.load %arg3[%get3A_298, %get3A_299] : memref<512x256xf32, #tpu.memory_space<vmem>>, vector<512x64xf32>
    %dot_general3A_301 = arith.constant dense<0.000000e+00> : vector<256x512xf32>
    %dot_general3A_302 = tpu.matmul %get3A_297, %get3A_300, %dot_general3A_301 {dimension_numbers = #tpu.dot_dimension_numbers<[1], [1], [0], [0], [0, 0, 1, 0], [], []>, transpose_lhs_hint = false} : vector<256x64xf32>, vector<512x64xf32>, vector<256x512xf32> -> vector<256x512xf32>
    %jit3A_303 = arith.constant -1.000000e+30 : f32
    %broadcast_in_dim3A_304 = vector.broadcast %jit3A_303 : f32 to vector<256x512xf32>
    %select_n3A_305 = arith.select %le3A, %dot_general3A_302, %broadcast_in_dim3A_304 : vector<256x512xi1>, vector<256x512xf32>
    %reduce_max3A_306 = arith.constant dense<0xFF800000> : vector<256xf32>
    %reduce_max3A_307 = vector.multi_reduction <maximumf>, %select_n3A_305, %reduce_max3A_306 [1] : vector<256x512xf32> to vector<256xf32>
    %broadcast_in_dim3A_308 = vector.shape_cast %reduce_max3A_307 : vector<256xf32> to vector<256x1xf32>
    %sub3A_309 = vector.broadcast %broadcast_in_dim3A_308 : vector<256x1xf32> to vector<256x512xf32>
    %sub3A_310 = arith.subf %select_n3A_305, %sub3A_309 : vector<256x512xf32>
    %exp3A_311 = math.exp %sub3A_310 : vector<256x512xf32>
    %reduce_sum3A_312 = arith.constant dense<0.000000e+00> : vector<256xf32>
    %reduce_sum3A_313 = vector.multi_reduction <add>, %exp3A_311, %reduce_sum3A_312 [1] : vector<256x512xf32> to vector<256xf32>
    %broadcast_in_dim3A_314 = vector.shape_cast %reduce_sum3A_313 : vector<256xf32> to vector<256x1xf32>
    %div3A_315 = arith.constant 1.000000e+00 : f32
    %div3A_316 = vector.broadcast %div3A_315 : f32 to vector<256x1xf32>
    %div3A_317 = arith.divf %div3A_316, %broadcast_in_dim3A_314 : vector<256x1xf32>
    %get3A_318 = arith.constant 0 : index
    %get3A_319 = arith.constant 192 : index
    %get3A_320 = vector.load %arg4[%get3A_318, %get3A_319] : memref<512x256xf32, #tpu.memory_space<vmem>>, vector<512x64xf32>
    %dot_general3A_321 = arith.constant dense<0.000000e+00> : vector<256x64xf32>
    %dot_general3A_322 = tpu.matmul %exp3A_311, %get3A_320, %dot_general3A_321 {dimension_numbers = #tpu.dot_dimension_numbers<[1], [0], [0], [1], [0, 0, 1, 1], [], []>, transpose_lhs_hint = false} : vector<256x512xf32>, vector<512x64xf32>, vector<256x64xf32> -> vector<256x64xf32>
    %mul3A_323 = vector.broadcast %div3A_317 : vector<256x1xf32> to vector<256x64xf32>
    %mul3A_324 = arith.mulf %dot_general3A_322, %mul3A_323 : vector<256x64xf32>
    %get3A_325 = arith.constant 0 : index
    %get3A_326 = arith.constant 704 : index
    %get3A_327 = vector.load %arg2[%get3A_325, %get3A_326] : memref<256x768xf32, #tpu.memory_space<vmem>>, vector<256x64xf32>
    %get3A_328 = arith.constant 0 : index
    %get3A_329 = arith.constant 192 : index
    %get3A_330 = vector.load %arg3[%get3A_328, %get3A_329] : memref<512x256xf32, #tpu.memory_space<vmem>>, vector<512x64xf32>
    %dot_general3A_331 = arith.constant dense<0.000000e+00> : vector<256x512xf32>
    %dot_general3A_332 = tpu.matmul %get3A_327, %get3A_330, %dot_general3A_331 {dimension_numbers = #tpu.dot_dimension_numbers<[1], [1], [0], [0], [0, 0, 1, 0], [], []>, transpose_lhs_hint = false} : vector<256x64xf32>, vector<512x64xf32>, vector<256x512xf32> -> vector<256x512xf32>
    %jit3A_333 = arith.constant -1.000000e+30 : f32
    %broadcast_in_dim3A_334 = vector.broadcast %jit3A_333 : f32 to vector<256x512xf32>
    %select_n3A_335 = arith.select %le3A, %dot_general3A_332, %broadcast_in_dim3A_334 : vector<256x512xi1>, vector<256x512xf32>
    %reduce_max3A_336 = arith.constant dense<0xFF800000> : vector<256xf32>
    %reduce_max3A_337 = vector.multi_reduction <maximumf>, %select_n3A_335, %reduce_max3A_336 [1] : vector<256x512xf32> to vector<256xf32>
    %broadcast_in_dim3A_338 = vector.shape_cast %reduce_max3A_337 : vector<256xf32> to vector<256x1xf32>
    %sub3A_339 = vector.broadcast %broadcast_in_dim3A_338 : vector<256x1xf32> to vector<256x512xf32>
    %sub3A_340 = arith.subf %select_n3A_335, %sub3A_339 : vector<256x512xf32>
    %exp3A_341 = math.exp %sub3A_340 : vector<256x512xf32>
    %reduce_sum3A_342 = arith.constant dense<0.000000e+00> : vector<256xf32>
    %reduce_sum3A_343 = vector.multi_reduction <add>, %exp3A_341, %reduce_sum3A_342 [1] : vector<256x512xf32> to vector<256xf32>
    %broadcast_in_dim3A_344 = vector.shape_cast %reduce_sum3A_343 : vector<256xf32> to vector<256x1xf32>
    %div3A_345 = arith.constant 1.000000e+00 : f32
    %div3A_346 = vector.broadcast %div3A_345 : f32 to vector<256x1xf32>
    %div3A_347 = arith.divf %div3A_346, %broadcast_in_dim3A_344 : vector<256x1xf32>
    %get3A_348 = arith.constant 0 : index
    %get3A_349 = arith.constant 192 : index
    %get3A_350 = vector.load %arg4[%get3A_348, %get3A_349] : memref<512x256xf32, #tpu.memory_space<vmem>>, vector<512x64xf32>
    %dot_general3A_351 = arith.constant dense<0.000000e+00> : vector<256x64xf32>
    %dot_general3A_352 = tpu.matmul %exp3A_341, %get3A_350, %dot_general3A_351 {dimension_numbers = #tpu.dot_dimension_numbers<[1], [0], [0], [1], [0, 0, 1, 1], [], []>, transpose_lhs_hint = false} : vector<256x512xf32>, vector<512x64xf32>, vector<256x64xf32> -> vector<256x64xf32>
    %mul3A_353 = vector.broadcast %div3A_347 : vector<256x1xf32> to vector<256x64xf32>
    %mul3A_354 = arith.mulf %dot_general3A_352, %mul3A_353 : vector<256x64xf32>
    %concatenate3A = tpu.concatenate %mul3A_24, %mul3A_54, %mul3A_84, %mul3A_114, %mul3A_144, %mul3A_174, %mul3A_204, %mul3A_234, %mul3A_264, %mul3A_294, %mul3A_324, %mul3A_354 in 1 : vector<256x64xf32>, vector<256x64xf32>, vector<256x64xf32>, vector<256x64xf32>, vector<256x64xf32>, vector<256x64xf32>, vector<256x64xf32>, vector<256x64xf32>, vector<256x64xf32>, vector<256x64xf32>, vector<256x64xf32>, vector<256x64xf32> -> vector<256x768xf32>
    %get3A_355 = arith.constant 0 : index
    %get3A_356 = arith.constant 0 : index
    %get3A_357 = vector.load %arg6[%get3A_355, %get3A_356] : memref<768x768xf32, #tpu.memory_space<vmem>>, vector<768x768xf32>
    %dot_general3A_358 = arith.constant dense<0.000000e+00> : vector<256x768xf32>
    %dot_general3A_359 = tpu.matmul %concatenate3A, %get3A_357, %dot_general3A_358 {dimension_numbers = #tpu.dot_dimension_numbers<[1], [0], [0], [1], [0, 0, 1, 1], [], []>, transpose_lhs_hint = false} : vector<256x768xf32>, vector<768x768xf32>, vector<256x768xf32> -> vector<256x768xf32>
    %get3A_360 = arith.constant 0 : index
    %get3A_361 = arith.constant 0 : index
    %get3A_362 = vector.load %arg5[%get3A_360, %get3A_361] : memref<256x768xf32, #tpu.memory_space<vmem>>, vector<256x768xf32>
    %add3A_363 = arith.addf %dot_general3A_359, %get3A_362 : vector<256x768xf32>
    %swap3A = arith.constant 0 : index
    %swap3A_364 = arith.constant 0 : index
    %swap3A_365 = vector.load %arg9[%swap3A, %swap3A_364] : memref<256x768xf32, #tpu.memory_space<vmem>>, vector<256x768xf32>
    tpu.vector_store %arg9[%swap3A, %swap3A_364], %add3A_363 {strides = array<i32>} : memref<256x768xf32, #tpu.memory_space<vmem>>, vector<256x768xf32>,
    %get3A_366 = arith.constant 0 : index
    %get3A_367 = arith.constant 0 : index
    %get3A_368 = vector.load %arg7[%get3A_366, %get3A_367] : memref<1x768xf32, #tpu.memory_space<vmem>>, vector<1x768xf32>
    %get3A_369 = vector.shape_cast %get3A_368 : vector<1x768xf32> to vector<768xf32>
    %mul3A_370 = arith.mulf %add3A_363, %add3A_363 : vector<256x768xf32>
    %reduce_sum3A_371 = arith.constant dense<0.000000e+00> : vector<256xf32>
    %reduce_sum3A_372 = vector.multi_reduction <add>, %mul3A_370, %reduce_sum3A_371 [1] : vector<256x768xf32> to vector<256xf32>
    %broadcast_in_dim3A_373 = vector.shape_cast %reduce_sum3A_372 : vector<256xf32> to vector<256x1xf32>
    %div3A_374 = arith.constant 7.680000e+02 : f32
    %div3A_375 = vector.broadcast %div3A_374 : f32 to vector<256x1xf32>
    %div3A_376 = arith.divf %broadcast_in_dim3A_373, %div3A_375 : vector<256x1xf32>
    %add3A_377 = arith.constant 9.99999997E-7 : f32
    %add3A_378 = vector.broadcast %add3A_377 : f32 to vector<256x1xf32>
    %add3A_379 = arith.addf %div3A_376, %add3A_378 : vector<256x1xf32>
    %rsqrt3A = math.rsqrt %add3A_379 : vector<256x1xf32>
    %mul3A_380 = vector.broadcast %rsqrt3A : vector<256x1xf32> to vector<256x768xf32>
    %mul3A_381 = arith.mulf %add3A_363, %mul3A_380 : vector<256x768xf32>
    %broadcast_in_dim3A_382 = vector.shape_cast %get3A_369 : vector<768xf32> to vector<1x768xf32>
    %mul3A_383 = vector.broadcast %broadcast_in_dim3A_382 : vector<1x768xf32> to vector<256x768xf32>
    %mul3A_384 = arith.mulf %mul3A_381, %mul3A_383 : vector<256x768xf32>
    %get3A_385 = arith.constant 0 : index
    %get3A_386 = arith.constant 0 : index
    %get3A_387 = vector.load %arg8[%get3A_385, %get3A_386] : memref<768x128xf32, #tpu.memory_space<vmem>>, vector<768x128xf32>
    %dot_general3A_388 = arith.constant dense<0.000000e+00> : vector<256x128xf32>
    %dot_general3A_389 = tpu.matmul %mul3A_384, %get3A_387, %dot_general3A_388 {dimension_numbers = #tpu.dot_dimension_numbers<[1], [0], [0], [1], [0, 0, 1, 1], [], []>, transpose_lhs_hint = false} : vector<256x768xf32>, vector<768x128xf32>, vector<256x128xf32> -> vector<256x128xf32>
    %iota3A_390 = tpu.iota {dimensions = array<i32: 1>} : vector<256x128xi32>
    %lt3A = arith.constant 8 : i32
    %lt3A_391 = vector.broadcast %lt3A : i32 to vector<256x128xi32>
    %lt3A_392 = arith.cmpi slt, %iota3A_390, %lt3A_391 : vector<256x128xi32>
    %jit3A_393 = arith.constant -1.000000e+30 : f32
    %broadcast_in_dim3A_394 = vector.broadcast %jit3A_393 : f32 to vector<256x128xf32>
    %select_n3A_395 = arith.select %lt3A_392, %dot_general3A_389, %broadcast_in_dim3A_394 : vector<256x128xi1>, vector<256x128xf32>
    %reduce_max3A_396 = arith.constant dense<0xFF800000> : vector<256xf32>
    %reduce_max3A_397 = vector.multi_reduction <maximumf>, %select_n3A_395, %reduce_max3A_396 [1] : vector<256x128xf32> to vector<256xf32>
    %broadcast_in_dim3A_398 = vector.shape_cast %reduce_max3A_397 : vector<256xf32> to vector<256x1xf32>
    %eq3A = vector.broadcast %broadcast_in_dim3A_398 : vector<256x1xf32> to vector<256x128xf32>
    %eq3A_399 = arith.cmpf oeq, %select_n3A_395, %eq3A : vector<256x128xf32>
    %jit3A_400 = arith.constant 1073741824 : i32
    %broadcast_in_dim3A_401 = vector.broadcast %jit3A_400 : i32 to vector<256x128xi32>
    %select_n3A_402 = arith.select %eq3A_399, %iota3A_390, %broadcast_in_dim3A_401 : vector<256x128xi1>, vector<256x128xi32>
    %reduce_min3A = arith.constant dense<2147483647> : vector<256xi32>
    %reduce_min3A_403 = vector.multi_reduction <minsi>, %select_n3A_402, %reduce_min3A [1] : vector<256x128xi32> to vector<256xi32>
    %swap3A_404 = arith.constant 0 : index
    %swap3A_405 = arith.constant 0 : index
    %swap3A_406 = arith.constant 0 : index
    %swap3A_407 = vector.load %arg10[%swap3A_404, %swap3A_405, %swap3A_406] : memref<1x1x256xi32, #tpu.memory_space<vmem>>, vector<1x1x256xi32>
    %swap3A_408 = vector.shape_cast %swap3A_407 : vector<1x1x256xi32> to vector<256xi32>
    %swap3A_409 = vector.shape_cast %reduce_min3A_403 : vector<256xi32> to vector<1x1x256xi32>
    tpu.vector_store %arg10[%swap3A_404, %swap3A_405, %swap3A_406], %swap3A_409 {strides = array<i32>} : memref<1x1x256xi32, #tpu.memory_space<vmem>>, vector<1x1x256xi32>,
    return
  }
  func.func @transform_0(%arg0: i32) -> (i32, i32) {
    %c0_i32 = arith.constant 0 : i32
    %c0_i32_0 = arith.constant 0 : i32
    %c0_i32_1 = arith.constant 0 : i32
    return %c0_i32, %c0_i32_0 : i32, i32
  }
  func.func @transform_1(%arg0: i32) -> (i32, i32) {
    %add3A = arith.constant 0 : i32
    %add3A_0 = arith.addi %add3A, %arg0 : i32
    %c0_i32 = arith.constant 0 : i32
    %c0_i32_1 = arith.constant 0 : i32
    return %add3A_0, %c0_i32 : i32, i32
  }
  func.func @transform_2(%arg0: i32) -> (i32, i32) {
    %c0_i32 = arith.constant 0 : i32
    %c0_i32_0 = arith.constant 0 : i32
    %c0_i32_1 = arith.constant 0 : i32
    return %c0_i32, %c0_i32_0 : i32, i32
  }
  func.func @transform_3(%arg0: i32) -> (i32, i32) {
    %c0_i32 = arith.constant 0 : i32
    %c0_i32_0 = arith.constant 0 : i32
    %c0_i32_1 = arith.constant 0 : i32
    return %c0_i32, %c0_i32_0 : i32, i32
  }
  func.func @transform_4(%arg0: i32) -> (i32, i32) {
    %add3A = arith.constant 0 : i32
    %add3A_0 = arith.addi %add3A, %arg0 : i32
    %c0_i32 = arith.constant 0 : i32
    %c0_i32_1 = arith.constant 0 : i32
    return %add3A_0, %c0_i32 : i32, i32
  }
  func.func @transform_5(%arg0: i32) -> (i32, i32) {
    %c0_i32 = arith.constant 0 : i32
    %c0_i32_0 = arith.constant 0 : i32
    %c0_i32_1 = arith.constant 0 : i32
    return %c0_i32, %c0_i32_0 : i32, i32
  }
  func.func @transform_6(%arg0: i32) -> (i32, i32) {
    %c0_i32 = arith.constant 0 : i32
    %c0_i32_0 = arith.constant 0 : i32
    %c0_i32_1 = arith.constant 0 : i32
    return %c0_i32, %c0_i32_0 : i32, i32
  }
  func.func @transform_7(%arg0: i32) -> (i32, i32) {
    %c0_i32 = arith.constant 0 : i32
    %c0_i32_0 = arith.constant 0 : i32
    %c0_i32_1 = arith.constant 0 : i32
    return %c0_i32, %c0_i32_0 : i32, i32
  }
  func.func @transform_8(%arg0: i32) -> (i32, i32) {
    %add3A = arith.constant 0 : i32
    %add3A_0 = arith.addi %add3A, %arg0 : i32
    %c0_i32 = arith.constant 0 : i32
    %c0_i32_1 = arith.constant 0 : i32
    return %add3A_0, %c0_i32 : i32, i32
  }
  func.func @transform_9(%arg0: i32) -> (i32, i32, i32) {
    %c0_i32 = arith.constant 0 : i32
    %c0_i32_0 = arith.constant 0 : i32
    %c0_i32_1 = arith.constant 0 : i32
    return %arg0, %c0_i32, %c0_i32_0 : i32, i32, i32
  }
}

module attributes {stable_mosaic.version = 14 : i64} {
  func.func @_k23_body(%arg0: i32, %arg1: memref<8x128xf32, #tpu.memory_space<vmem>>, %arg2: memref<256x768xf32, #tpu.memory_space<vmem>>, %arg3: memref<1024x256xf32, #tpu.memory_space<vmem>>, %arg4: memref<1024x256xf32, #tpu.memory_space<vmem>>, %arg5: memref<256x768xf32, #tpu.memory_space<vmem>>, %arg6: memref<768x768xf32, #tpu.memory_space<vmem>>, %arg7: memref<1x768xf32, #tpu.memory_space<vmem>>, %arg8: memref<768x128xf32, #tpu.memory_space<vmem>>, %arg9: memref<256x768xf32, #tpu.memory_space<vmem>>, %arg10: memref<1x1x256xi32, #tpu.memory_space<vmem>>) attributes {dimension_semantics = [#tpu.dimension_semantics<arbitrary>], iteration_bounds = array<i64: 2>, scalar_prefetch = 0 : i64, scratch_operands = 0 : i64, tpu.core_type = #tpu.core_type<tc>, window_params = [{transform_indices = @transform_0, window_bounds = array<i64: 8, 128>}, {transform_indices = @transform_1, window_bounds = array<i64: 256, 768>}, {transform_indices = @transform_2, window_bounds = array<i64: 1024, 256>}, {transform_indices = @transform_3, window_bounds = array<i64: 1024, 256>}, {transform_indices = @transform_4, window_bounds = array<i64: 256, 768>}, {pipeline_mode = #tpu.pipeline_mode<synchronous>, transform_indices = @transform_5, window_bounds = array<i64: 768, 768>}, {pipeline_mode = #tpu.pipeline_mode<synchronous>, transform_indices = @transform_6, window_bounds = array<i64: 1, 768>}, {pipeline_mode = #tpu.pipeline_mode<synchronous>, transform_indices = @transform_7, window_bounds = array<i64: 768, 128>}, {transform_indices = @transform_8, window_bounds = array<i64: 256, 768>}, {transform_indices = @transform_9, window_bounds = array<i64: 1, 1, 256>}]} {
    %add3A = arith.constant 2 : i32
    %add3A_0 = arith.addi %add3A, %arg0 : i32
    %mul3A = arith.constant 256 : i32
    %mul3A_1 = arith.muli %add3A_0, %mul3A : i32
    %iota3A = tpu.iota {dimensions = array<i32: 0>} : vector<256x1024xi32>
    %add3A_2 = vector.broadcast %mul3A_1 : i32 to vector<256x1024xi32>
    %add3A_3 = arith.addi %add3A_2, %iota3A : vector<256x1024xi32>
    %iota3A_4 = tpu.iota {dimensions = array<i32: 1>} : vector<256x1024xi32>
    %le3A = arith.cmpi sle, %iota3A_4, %add3A_3 : vector<256x1024xi32>
    %get3A = arith.constant 0 : index
    %get3A_5 = arith.constant 0 : index
    %get3A_6 = vector.load %arg2[%get3A, %get3A_5] : memref<256x768xf32, #tpu.memory_space<vmem>>, vector<256x64xf32>
    %get3A_7 = arith.constant 0 : index
    %get3A_8 = arith.constant 0 : index
    %get3A_9 = vector.load %arg3[%get3A_7, %get3A_8] : memref<1024x256xf32, #tpu.memory_space<vmem>>, vector<1024x64xf32>
    %dot_general3A = arith.constant dense<0.000000e+00> : vector<256x1024xf32>
    %dot_general3A_10 = tpu.matmul %get3A_6, %get3A_9, %dot_general3A {dimension_numbers = #tpu.dot_dimension_numbers<[1], [1], [0], [0], [0, 0, 1, 0], [], []>, transpose_lhs_hint = false} : vector<256x64xf32>, vector<1024x64xf32>, vector<256x1024xf32> -> vector<256x1024xf32>
    %jit3A = arith.constant -1.000000e+30 : f32
    %broadcast_in_dim3A = vector.broadcast %jit3A : f32 to vector<256x1024xf32>
    %select_n3A = arith.select %le3A, %dot_general3A_10, %broadcast_in_dim3A : vector<256x1024xi1>, vector<256x1024xf32>
    %reduce_max3A = arith.constant dense<0xFF800000> : vector<256xf32>
    %reduce_max3A_11 = vector.multi_reduction <maximumf>, %select_n3A, %reduce_max3A [1] : vector<256x1024xf32> to vector<256xf32>
    %broadcast_in_dim3A_12 = vector.shape_cast %reduce_max3A_11 : vector<256xf32> to vector<256x1xf32>
    %sub3A = vector.broadcast %broadcast_in_dim3A_12 : vector<256x1xf32> to vector<256x1024xf32>
    %sub3A_13 = arith.subf %select_n3A, %sub3A : vector<256x1024xf32>
    %exp3A = math.exp %sub3A_13 : vector<256x1024xf32>
    %reduce_sum3A = arith.constant dense<0.000000e+00> : vector<256xf32>
    %reduce_sum3A_14 = vector.multi_reduction <add>, %exp3A, %reduce_sum3A [1] : vector<256x1024xf32> to vector<256xf32>
    %broadcast_in_dim3A_15 = vector.shape_cast %reduce_sum3A_14 : vector<256xf32> to vector<256x1xf32>
    %div3A = arith.constant 1.000000e+00 : f32
    %div3A_16 = vector.broadcast %div3A : f32 to vector<256x1xf32>
    %div3A_17 = arith.divf %div3A_16, %broadcast_in_dim3A_15 : vector<256x1xf32>
    %get3A_18 = arith.constant 0 : index
    %get3A_19 = arith.constant 0 : index
    %get3A_20 = vector.load %arg4[%get3A_18, %get3A_19] : memref<1024x256xf32, #tpu.memory_space<vmem>>, vector<1024x64xf32>
    %dot_general3A_21 = arith.constant dense<0.000000e+00> : vector<256x64xf32>
    %dot_general3A_22 = tpu.matmul %exp3A, %get3A_20, %dot_general3A_21 {dimension_numbers = #tpu.dot_dimension_numbers<[1], [0], [0], [1], [0, 0, 1, 1], [], []>, transpose_lhs_hint = false} : vector<256x1024xf32>, vector<1024x64xf32>, vector<256x64xf32> -> vector<256x64xf32>
    %mul3A_23 = vector.broadcast %div3A_17 : vector<256x1xf32> to vector<256x64xf32>
    %mul3A_24 = arith.mulf %dot_general3A_22, %mul3A_23 : vector<256x64xf32>
    %get3A_25 = arith.constant 0 : index
    %get3A_26 = arith.constant 64 : index
    %get3A_27 = vector.load %arg2[%get3A_25, %get3A_26] : memref<256x768xf32, #tpu.memory_space<vmem>>, vector<256x64xf32>
    %get3A_28 = arith.constant 0 : index
    %get3A_29 = arith.constant 0 : index
    %get3A_30 = vector.load %arg3[%get3A_28, %get3A_29] : memref<1024x256xf32, #tpu.memory_space<vmem>>, vector<1024x64xf32>
    %dot_general3A_31 = arith.constant dense<0.000000e+00> : vector<256x1024xf32>
    %dot_general3A_32 = tpu.matmul %get3A_27, %get3A_30, %dot_general3A_31 {dimension_numbers = #tpu.dot_dimension_numbers<[1], [1], [0], [0], [0, 0, 1, 0], [], []>, transpose_lhs_hint = false} : vector<256x64xf32>, vector<1024x64xf32>, vector<256x1024xf32> -> vector<256x1024xf32>
    %jit3A_33 = arith.constant -1.000000e+30 : f32
    %broadcast_in_dim3A_34 = vector.broadcast %jit3A_33 : f32 to vector<256x1024xf32>
    %select_n3A_35 = arith.select %le3A, %dot_general3A_32, %broadcast_in_dim3A_34 : vector<256x1024xi1>, vector<256x1024xf32>
    %reduce_max3A_36 = arith.constant dense<0xFF800000> : vector<256xf32>
    %reduce_max3A_37 = vector.multi_reduction <maximumf>, %select_n3A_35, %reduce_max3A_36 [1] : vector<256x1024xf32> to vector<256xf32>
    %broadcast_in_dim3A_38 = vector.shape_cast %reduce_max3A_37 : vector<256xf32> to vector<256x1xf32>
    %sub3A_39 = vector.broadcast %broadcast_in_dim3A_38 : vector<256x1xf32> to vector<256x1024xf32>
    %sub3A_40 = arith.subf %select_n3A_35, %sub3A_39 : vector<256x1024xf32>
    %exp3A_41 = math.exp %sub3A_40 : vector<256x1024xf32>
    %reduce_sum3A_42 = arith.constant dense<0.000000e+00> : vector<256xf32>
    %reduce_sum3A_43 = vector.multi_reduction <add>, %exp3A_41, %reduce_sum3A_42 [1] : vector<256x1024xf32> to vector<256xf32>
    %broadcast_in_dim3A_44 = vector.shape_cast %reduce_sum3A_43 : vector<256xf32> to vector<256x1xf32>
    %div3A_45 = arith.constant 1.000000e+00 : f32
    %div3A_46 = vector.broadcast %div3A_45 : f32 to vector<256x1xf32>
    %div3A_47 = arith.divf %div3A_46, %broadcast_in_dim3A_44 : vector<256x1xf32>
    %get3A_48 = arith.constant 0 : index
    %get3A_49 = arith.constant 0 : index
    %get3A_50 = vector.load %arg4[%get3A_48, %get3A_49] : memref<1024x256xf32, #tpu.memory_space<vmem>>, vector<1024x64xf32>
    %dot_general3A_51 = arith.constant dense<0.000000e+00> : vector<256x64xf32>
    %dot_general3A_52 = tpu.matmul %exp3A_41, %get3A_50, %dot_general3A_51 {dimension_numbers = #tpu.dot_dimension_numbers<[1], [0], [0], [1], [0, 0, 1, 1], [], []>, transpose_lhs_hint = false} : vector<256x1024xf32>, vector<1024x64xf32>, vector<256x64xf32> -> vector<256x64xf32>
    %mul3A_53 = vector.broadcast %div3A_47 : vector<256x1xf32> to vector<256x64xf32>
    %mul3A_54 = arith.mulf %dot_general3A_52, %mul3A_53 : vector<256x64xf32>
    %get3A_55 = arith.constant 0 : index
    %get3A_56 = arith.constant 128 : index
    %get3A_57 = vector.load %arg2[%get3A_55, %get3A_56] : memref<256x768xf32, #tpu.memory_space<vmem>>, vector<256x64xf32>
    %get3A_58 = arith.constant 0 : index
    %get3A_59 = arith.constant 0 : index
    %get3A_60 = vector.load %arg3[%get3A_58, %get3A_59] : memref<1024x256xf32, #tpu.memory_space<vmem>>, vector<1024x64xf32>
    %dot_general3A_61 = arith.constant dense<0.000000e+00> : vector<256x1024xf32>
    %dot_general3A_62 = tpu.matmul %get3A_57, %get3A_60, %dot_general3A_61 {dimension_numbers = #tpu.dot_dimension_numbers<[1], [1], [0], [0], [0, 0, 1, 0], [], []>, transpose_lhs_hint = false} : vector<256x64xf32>, vector<1024x64xf32>, vector<256x1024xf32> -> vector<256x1024xf32>
    %jit3A_63 = arith.constant -1.000000e+30 : f32
    %broadcast_in_dim3A_64 = vector.broadcast %jit3A_63 : f32 to vector<256x1024xf32>
    %select_n3A_65 = arith.select %le3A, %dot_general3A_62, %broadcast_in_dim3A_64 : vector<256x1024xi1>, vector<256x1024xf32>
    %reduce_max3A_66 = arith.constant dense<0xFF800000> : vector<256xf32>
    %reduce_max3A_67 = vector.multi_reduction <maximumf>, %select_n3A_65, %reduce_max3A_66 [1] : vector<256x1024xf32> to vector<256xf32>
    %broadcast_in_dim3A_68 = vector.shape_cast %reduce_max3A_67 : vector<256xf32> to vector<256x1xf32>
    %sub3A_69 = vector.broadcast %broadcast_in_dim3A_68 : vector<256x1xf32> to vector<256x1024xf32>
    %sub3A_70 = arith.subf %select_n3A_65, %sub3A_69 : vector<256x1024xf32>
    %exp3A_71 = math.exp %sub3A_70 : vector<256x1024xf32>
    %reduce_sum3A_72 = arith.constant dense<0.000000e+00> : vector<256xf32>
    %reduce_sum3A_73 = vector.multi_reduction <add>, %exp3A_71, %reduce_sum3A_72 [1] : vector<256x1024xf32> to vector<256xf32>
    %broadcast_in_dim3A_74 = vector.shape_cast %reduce_sum3A_73 : vector<256xf32> to vector<256x1xf32>
    %div3A_75 = arith.constant 1.000000e+00 : f32
    %div3A_76 = vector.broadcast %div3A_75 : f32 to vector<256x1xf32>
    %div3A_77 = arith.divf %div3A_76, %broadcast_in_dim3A_74 : vector<256x1xf32>
    %get3A_78 = arith.constant 0 : index
    %get3A_79 = arith.constant 0 : index
    %get3A_80 = vector.load %arg4[%get3A_78, %get3A_79] : memref<1024x256xf32, #tpu.memory_space<vmem>>, vector<1024x64xf32>
    %dot_general3A_81 = arith.constant dense<0.000000e+00> : vector<256x64xf32>
    %dot_general3A_82 = tpu.matmul %exp3A_71, %get3A_80, %dot_general3A_81 {dimension_numbers = #tpu.dot_dimension_numbers<[1], [0], [0], [1], [0, 0, 1, 1], [], []>, transpose_lhs_hint = false} : vector<256x1024xf32>, vector<1024x64xf32>, vector<256x64xf32> -> vector<256x64xf32>
    %mul3A_83 = vector.broadcast %div3A_77 : vector<256x1xf32> to vector<256x64xf32>
    %mul3A_84 = arith.mulf %dot_general3A_82, %mul3A_83 : vector<256x64xf32>
    %get3A_85 = arith.constant 0 : index
    %get3A_86 = arith.constant 192 : index
    %get3A_87 = vector.load %arg2[%get3A_85, %get3A_86] : memref<256x768xf32, #tpu.memory_space<vmem>>, vector<256x64xf32>
    %get3A_88 = arith.constant 0 : index
    %get3A_89 = arith.constant 64 : index
    %get3A_90 = vector.load %arg3[%get3A_88, %get3A_89] : memref<1024x256xf32, #tpu.memory_space<vmem>>, vector<1024x64xf32>
    %dot_general3A_91 = arith.constant dense<0.000000e+00> : vector<256x1024xf32>
    %dot_general3A_92 = tpu.matmul %get3A_87, %get3A_90, %dot_general3A_91 {dimension_numbers = #tpu.dot_dimension_numbers<[1], [1], [0], [0], [0, 0, 1, 0], [], []>, transpose_lhs_hint = false} : vector<256x64xf32>, vector<1024x64xf32>, vector<256x1024xf32> -> vector<256x1024xf32>
    %jit3A_93 = arith.constant -1.000000e+30 : f32
    %broadcast_in_dim3A_94 = vector.broadcast %jit3A_93 : f32 to vector<256x1024xf32>
    %select_n3A_95 = arith.select %le3A, %dot_general3A_92, %broadcast_in_dim3A_94 : vector<256x1024xi1>, vector<256x1024xf32>
    %reduce_max3A_96 = arith.constant dense<0xFF800000> : vector<256xf32>
    %reduce_max3A_97 = vector.multi_reduction <maximumf>, %select_n3A_95, %reduce_max3A_96 [1] : vector<256x1024xf32> to vector<256xf32>
    %broadcast_in_dim3A_98 = vector.shape_cast %reduce_max3A_97 : vector<256xf32> to vector<256x1xf32>
    %sub3A_99 = vector.broadcast %broadcast_in_dim3A_98 : vector<256x1xf32> to vector<256x1024xf32>
    %sub3A_100 = arith.subf %select_n3A_95, %sub3A_99 : vector<256x1024xf32>
    %exp3A_101 = math.exp %sub3A_100 : vector<256x1024xf32>
    %reduce_sum3A_102 = arith.constant dense<0.000000e+00> : vector<256xf32>
    %reduce_sum3A_103 = vector.multi_reduction <add>, %exp3A_101, %reduce_sum3A_102 [1] : vector<256x1024xf32> to vector<256xf32>
    %broadcast_in_dim3A_104 = vector.shape_cast %reduce_sum3A_103 : vector<256xf32> to vector<256x1xf32>
    %div3A_105 = arith.constant 1.000000e+00 : f32
    %div3A_106 = vector.broadcast %div3A_105 : f32 to vector<256x1xf32>
    %div3A_107 = arith.divf %div3A_106, %broadcast_in_dim3A_104 : vector<256x1xf32>
    %get3A_108 = arith.constant 0 : index
    %get3A_109 = arith.constant 64 : index
    %get3A_110 = vector.load %arg4[%get3A_108, %get3A_109] : memref<1024x256xf32, #tpu.memory_space<vmem>>, vector<1024x64xf32>
    %dot_general3A_111 = arith.constant dense<0.000000e+00> : vector<256x64xf32>
    %dot_general3A_112 = tpu.matmul %exp3A_101, %get3A_110, %dot_general3A_111 {dimension_numbers = #tpu.dot_dimension_numbers<[1], [0], [0], [1], [0, 0, 1, 1], [], []>, transpose_lhs_hint = false} : vector<256x1024xf32>, vector<1024x64xf32>, vector<256x64xf32> -> vector<256x64xf32>
    %mul3A_113 = vector.broadcast %div3A_107 : vector<256x1xf32> to vector<256x64xf32>
    %mul3A_114 = arith.mulf %dot_general3A_112, %mul3A_113 : vector<256x64xf32>
    %get3A_115 = arith.constant 0 : index
    %get3A_116 = arith.constant 256 : index
    %get3A_117 = vector.load %arg2[%get3A_115, %get3A_116] : memref<256x768xf32, #tpu.memory_space<vmem>>, vector<256x64xf32>
    %get3A_118 = arith.constant 0 : index
    %get3A_119 = arith.constant 64 : index
    %get3A_120 = vector.load %arg3[%get3A_118, %get3A_119] : memref<1024x256xf32, #tpu.memory_space<vmem>>, vector<1024x64xf32>
    %dot_general3A_121 = arith.constant dense<0.000000e+00> : vector<256x1024xf32>
    %dot_general3A_122 = tpu.matmul %get3A_117, %get3A_120, %dot_general3A_121 {dimension_numbers = #tpu.dot_dimension_numbers<[1], [1], [0], [0], [0, 0, 1, 0], [], []>, transpose_lhs_hint = false} : vector<256x64xf32>, vector<1024x64xf32>, vector<256x1024xf32> -> vector<256x1024xf32>
    %jit3A_123 = arith.constant -1.000000e+30 : f32
    %broadcast_in_dim3A_124 = vector.broadcast %jit3A_123 : f32 to vector<256x1024xf32>
    %select_n3A_125 = arith.select %le3A, %dot_general3A_122, %broadcast_in_dim3A_124 : vector<256x1024xi1>, vector<256x1024xf32>
    %reduce_max3A_126 = arith.constant dense<0xFF800000> : vector<256xf32>
    %reduce_max3A_127 = vector.multi_reduction <maximumf>, %select_n3A_125, %reduce_max3A_126 [1] : vector<256x1024xf32> to vector<256xf32>
    %broadcast_in_dim3A_128 = vector.shape_cast %reduce_max3A_127 : vector<256xf32> to vector<256x1xf32>
    %sub3A_129 = vector.broadcast %broadcast_in_dim3A_128 : vector<256x1xf32> to vector<256x1024xf32>
    %sub3A_130 = arith.subf %select_n3A_125, %sub3A_129 : vector<256x1024xf32>
    %exp3A_131 = math.exp %sub3A_130 : vector<256x1024xf32>
    %reduce_sum3A_132 = arith.constant dense<0.000000e+00> : vector<256xf32>
    %reduce_sum3A_133 = vector.multi_reduction <add>, %exp3A_131, %reduce_sum3A_132 [1] : vector<256x1024xf32> to vector<256xf32>
    %broadcast_in_dim3A_134 = vector.shape_cast %reduce_sum3A_133 : vector<256xf32> to vector<256x1xf32>
    %div3A_135 = arith.constant 1.000000e+00 : f32
    %div3A_136 = vector.broadcast %div3A_135 : f32 to vector<256x1xf32>
    %div3A_137 = arith.divf %div3A_136, %broadcast_in_dim3A_134 : vector<256x1xf32>
    %get3A_138 = arith.constant 0 : index
    %get3A_139 = arith.constant 64 : index
    %get3A_140 = vector.load %arg4[%get3A_138, %get3A_139] : memref<1024x256xf32, #tpu.memory_space<vmem>>, vector<1024x64xf32>
    %dot_general3A_141 = arith.constant dense<0.000000e+00> : vector<256x64xf32>
    %dot_general3A_142 = tpu.matmul %exp3A_131, %get3A_140, %dot_general3A_141 {dimension_numbers = #tpu.dot_dimension_numbers<[1], [0], [0], [1], [0, 0, 1, 1], [], []>, transpose_lhs_hint = false} : vector<256x1024xf32>, vector<1024x64xf32>, vector<256x64xf32> -> vector<256x64xf32>
    %mul3A_143 = vector.broadcast %div3A_137 : vector<256x1xf32> to vector<256x64xf32>
    %mul3A_144 = arith.mulf %dot_general3A_142, %mul3A_143 : vector<256x64xf32>
    %get3A_145 = arith.constant 0 : index
    %get3A_146 = arith.constant 320 : index
    %get3A_147 = vector.load %arg2[%get3A_145, %get3A_146] : memref<256x768xf32, #tpu.memory_space<vmem>>, vector<256x64xf32>
    %get3A_148 = arith.constant 0 : index
    %get3A_149 = arith.constant 64 : index
    %get3A_150 = vector.load %arg3[%get3A_148, %get3A_149] : memref<1024x256xf32, #tpu.memory_space<vmem>>, vector<1024x64xf32>
    %dot_general3A_151 = arith.constant dense<0.000000e+00> : vector<256x1024xf32>
    %dot_general3A_152 = tpu.matmul %get3A_147, %get3A_150, %dot_general3A_151 {dimension_numbers = #tpu.dot_dimension_numbers<[1], [1], [0], [0], [0, 0, 1, 0], [], []>, transpose_lhs_hint = false} : vector<256x64xf32>, vector<1024x64xf32>, vector<256x1024xf32> -> vector<256x1024xf32>
    %jit3A_153 = arith.constant -1.000000e+30 : f32
    %broadcast_in_dim3A_154 = vector.broadcast %jit3A_153 : f32 to vector<256x1024xf32>
    %select_n3A_155 = arith.select %le3A, %dot_general3A_152, %broadcast_in_dim3A_154 : vector<256x1024xi1>, vector<256x1024xf32>
    %reduce_max3A_156 = arith.constant dense<0xFF800000> : vector<256xf32>
    %reduce_max3A_157 = vector.multi_reduction <maximumf>, %select_n3A_155, %reduce_max3A_156 [1] : vector<256x1024xf32> to vector<256xf32>
    %broadcast_in_dim3A_158 = vector.shape_cast %reduce_max3A_157 : vector<256xf32> to vector<256x1xf32>
    %sub3A_159 = vector.broadcast %broadcast_in_dim3A_158 : vector<256x1xf32> to vector<256x1024xf32>
    %sub3A_160 = arith.subf %select_n3A_155, %sub3A_159 : vector<256x1024xf32>
    %exp3A_161 = math.exp %sub3A_160 : vector<256x1024xf32>
    %reduce_sum3A_162 = arith.constant dense<0.000000e+00> : vector<256xf32>
    %reduce_sum3A_163 = vector.multi_reduction <add>, %exp3A_161, %reduce_sum3A_162 [1] : vector<256x1024xf32> to vector<256xf32>
    %broadcast_in_dim3A_164 = vector.shape_cast %reduce_sum3A_163 : vector<256xf32> to vector<256x1xf32>
    %div3A_165 = arith.constant 1.000000e+00 : f32
    %div3A_166 = vector.broadcast %div3A_165 : f32 to vector<256x1xf32>
    %div3A_167 = arith.divf %div3A_166, %broadcast_in_dim3A_164 : vector<256x1xf32>
    %get3A_168 = arith.constant 0 : index
    %get3A_169 = arith.constant 64 : index
    %get3A_170 = vector.load %arg4[%get3A_168, %get3A_169] : memref<1024x256xf32, #tpu.memory_space<vmem>>, vector<1024x64xf32>
    %dot_general3A_171 = arith.constant dense<0.000000e+00> : vector<256x64xf32>
    %dot_general3A_172 = tpu.matmul %exp3A_161, %get3A_170, %dot_general3A_171 {dimension_numbers = #tpu.dot_dimension_numbers<[1], [0], [0], [1], [0, 0, 1, 1], [], []>, transpose_lhs_hint = false} : vector<256x1024xf32>, vector<1024x64xf32>, vector<256x64xf32> -> vector<256x64xf32>
    %mul3A_173 = vector.broadcast %div3A_167 : vector<256x1xf32> to vector<256x64xf32>
    %mul3A_174 = arith.mulf %dot_general3A_172, %mul3A_173 : vector<256x64xf32>
    %get3A_175 = arith.constant 0 : index
    %get3A_176 = arith.constant 384 : index
    %get3A_177 = vector.load %arg2[%get3A_175, %get3A_176] : memref<256x768xf32, #tpu.memory_space<vmem>>, vector<256x64xf32>
    %get3A_178 = arith.constant 0 : index
    %get3A_179 = arith.constant 128 : index
    %get3A_180 = vector.load %arg3[%get3A_178, %get3A_179] : memref<1024x256xf32, #tpu.memory_space<vmem>>, vector<1024x64xf32>
    %dot_general3A_181 = arith.constant dense<0.000000e+00> : vector<256x1024xf32>
    %dot_general3A_182 = tpu.matmul %get3A_177, %get3A_180, %dot_general3A_181 {dimension_numbers = #tpu.dot_dimension_numbers<[1], [1], [0], [0], [0, 0, 1, 0], [], []>, transpose_lhs_hint = false} : vector<256x64xf32>, vector<1024x64xf32>, vector<256x1024xf32> -> vector<256x1024xf32>
    %jit3A_183 = arith.constant -1.000000e+30 : f32
    %broadcast_in_dim3A_184 = vector.broadcast %jit3A_183 : f32 to vector<256x1024xf32>
    %select_n3A_185 = arith.select %le3A, %dot_general3A_182, %broadcast_in_dim3A_184 : vector<256x1024xi1>, vector<256x1024xf32>
    %reduce_max3A_186 = arith.constant dense<0xFF800000> : vector<256xf32>
    %reduce_max3A_187 = vector.multi_reduction <maximumf>, %select_n3A_185, %reduce_max3A_186 [1] : vector<256x1024xf32> to vector<256xf32>
    %broadcast_in_dim3A_188 = vector.shape_cast %reduce_max3A_187 : vector<256xf32> to vector<256x1xf32>
    %sub3A_189 = vector.broadcast %broadcast_in_dim3A_188 : vector<256x1xf32> to vector<256x1024xf32>
    %sub3A_190 = arith.subf %select_n3A_185, %sub3A_189 : vector<256x1024xf32>
    %exp3A_191 = math.exp %sub3A_190 : vector<256x1024xf32>
    %reduce_sum3A_192 = arith.constant dense<0.000000e+00> : vector<256xf32>
    %reduce_sum3A_193 = vector.multi_reduction <add>, %exp3A_191, %reduce_sum3A_192 [1] : vector<256x1024xf32> to vector<256xf32>
    %broadcast_in_dim3A_194 = vector.shape_cast %reduce_sum3A_193 : vector<256xf32> to vector<256x1xf32>
    %div3A_195 = arith.constant 1.000000e+00 : f32
    %div3A_196 = vector.broadcast %div3A_195 : f32 to vector<256x1xf32>
    %div3A_197 = arith.divf %div3A_196, %broadcast_in_dim3A_194 : vector<256x1xf32>
    %get3A_198 = arith.constant 0 : index
    %get3A_199 = arith.constant 128 : index
    %get3A_200 = vector.load %arg4[%get3A_198, %get3A_199] : memref<1024x256xf32, #tpu.memory_space<vmem>>, vector<1024x64xf32>
    %dot_general3A_201 = arith.constant dense<0.000000e+00> : vector<256x64xf32>
    %dot_general3A_202 = tpu.matmul %exp3A_191, %get3A_200, %dot_general3A_201 {dimension_numbers = #tpu.dot_dimension_numbers<[1], [0], [0], [1], [0, 0, 1, 1], [], []>, transpose_lhs_hint = false} : vector<256x1024xf32>, vector<1024x64xf32>, vector<256x64xf32> -> vector<256x64xf32>
    %mul3A_203 = vector.broadcast %div3A_197 : vector<256x1xf32> to vector<256x64xf32>
    %mul3A_204 = arith.mulf %dot_general3A_202, %mul3A_203 : vector<256x64xf32>
    %get3A_205 = arith.constant 0 : index
    %get3A_206 = arith.constant 448 : index
    %get3A_207 = vector.load %arg2[%get3A_205, %get3A_206] : memref<256x768xf32, #tpu.memory_space<vmem>>, vector<256x64xf32>
    %get3A_208 = arith.constant 0 : index
    %get3A_209 = arith.constant 128 : index
    %get3A_210 = vector.load %arg3[%get3A_208, %get3A_209] : memref<1024x256xf32, #tpu.memory_space<vmem>>, vector<1024x64xf32>
    %dot_general3A_211 = arith.constant dense<0.000000e+00> : vector<256x1024xf32>
    %dot_general3A_212 = tpu.matmul %get3A_207, %get3A_210, %dot_general3A_211 {dimension_numbers = #tpu.dot_dimension_numbers<[1], [1], [0], [0], [0, 0, 1, 0], [], []>, transpose_lhs_hint = false} : vector<256x64xf32>, vector<1024x64xf32>, vector<256x1024xf32> -> vector<256x1024xf32>
    %jit3A_213 = arith.constant -1.000000e+30 : f32
    %broadcast_in_dim3A_214 = vector.broadcast %jit3A_213 : f32 to vector<256x1024xf32>
    %select_n3A_215 = arith.select %le3A, %dot_general3A_212, %broadcast_in_dim3A_214 : vector<256x1024xi1>, vector<256x1024xf32>
    %reduce_max3A_216 = arith.constant dense<0xFF800000> : vector<256xf32>
    %reduce_max3A_217 = vector.multi_reduction <maximumf>, %select_n3A_215, %reduce_max3A_216 [1] : vector<256x1024xf32> to vector<256xf32>
    %broadcast_in_dim3A_218 = vector.shape_cast %reduce_max3A_217 : vector<256xf32> to vector<256x1xf32>
    %sub3A_219 = vector.broadcast %broadcast_in_dim3A_218 : vector<256x1xf32> to vector<256x1024xf32>
    %sub3A_220 = arith.subf %select_n3A_215, %sub3A_219 : vector<256x1024xf32>
    %exp3A_221 = math.exp %sub3A_220 : vector<256x1024xf32>
    %reduce_sum3A_222 = arith.constant dense<0.000000e+00> : vector<256xf32>
    %reduce_sum3A_223 = vector.multi_reduction <add>, %exp3A_221, %reduce_sum3A_222 [1] : vector<256x1024xf32> to vector<256xf32>
    %broadcast_in_dim3A_224 = vector.shape_cast %reduce_sum3A_223 : vector<256xf32> to vector<256x1xf32>
    %div3A_225 = arith.constant 1.000000e+00 : f32
    %div3A_226 = vector.broadcast %div3A_225 : f32 to vector<256x1xf32>
    %div3A_227 = arith.divf %div3A_226, %broadcast_in_dim3A_224 : vector<256x1xf32>
    %get3A_228 = arith.constant 0 : index
    %get3A_229 = arith.constant 128 : index
    %get3A_230 = vector.load %arg4[%get3A_228, %get3A_229] : memref<1024x256xf32, #tpu.memory_space<vmem>>, vector<1024x64xf32>
    %dot_general3A_231 = arith.constant dense<0.000000e+00> : vector<256x64xf32>
    %dot_general3A_232 = tpu.matmul %exp3A_221, %get3A_230, %dot_general3A_231 {dimension_numbers = #tpu.dot_dimension_numbers<[1], [0], [0], [1], [0, 0, 1, 1], [], []>, transpose_lhs_hint = false} : vector<256x1024xf32>, vector<1024x64xf32>, vector<256x64xf32> -> vector<256x64xf32>
    %mul3A_233 = vector.broadcast %div3A_227 : vector<256x1xf32> to vector<256x64xf32>
    %mul3A_234 = arith.mulf %dot_general3A_232, %mul3A_233 : vector<256x64xf32>
    %get3A_235 = arith.constant 0 : index
    %get3A_236 = arith.constant 512 : index
    %get3A_237 = vector.load %arg2[%get3A_235, %get3A_236] : memref<256x768xf32, #tpu.memory_space<vmem>>, vector<256x64xf32>
    %get3A_238 = arith.constant 0 : index
    %get3A_239 = arith.constant 128 : index
    %get3A_240 = vector.load %arg3[%get3A_238, %get3A_239] : memref<1024x256xf32, #tpu.memory_space<vmem>>, vector<1024x64xf32>
    %dot_general3A_241 = arith.constant dense<0.000000e+00> : vector<256x1024xf32>
    %dot_general3A_242 = tpu.matmul %get3A_237, %get3A_240, %dot_general3A_241 {dimension_numbers = #tpu.dot_dimension_numbers<[1], [1], [0], [0], [0, 0, 1, 0], [], []>, transpose_lhs_hint = false} : vector<256x64xf32>, vector<1024x64xf32>, vector<256x1024xf32> -> vector<256x1024xf32>
    %jit3A_243 = arith.constant -1.000000e+30 : f32
    %broadcast_in_dim3A_244 = vector.broadcast %jit3A_243 : f32 to vector<256x1024xf32>
    %select_n3A_245 = arith.select %le3A, %dot_general3A_242, %broadcast_in_dim3A_244 : vector<256x1024xi1>, vector<256x1024xf32>
    %reduce_max3A_246 = arith.constant dense<0xFF800000> : vector<256xf32>
    %reduce_max3A_247 = vector.multi_reduction <maximumf>, %select_n3A_245, %reduce_max3A_246 [1] : vector<256x1024xf32> to vector<256xf32>
    %broadcast_in_dim3A_248 = vector.shape_cast %reduce_max3A_247 : vector<256xf32> to vector<256x1xf32>
    %sub3A_249 = vector.broadcast %broadcast_in_dim3A_248 : vector<256x1xf32> to vector<256x1024xf32>
    %sub3A_250 = arith.subf %select_n3A_245, %sub3A_249 : vector<256x1024xf32>
    %exp3A_251 = math.exp %sub3A_250 : vector<256x1024xf32>
    %reduce_sum3A_252 = arith.constant dense<0.000000e+00> : vector<256xf32>
    %reduce_sum3A_253 = vector.multi_reduction <add>, %exp3A_251, %reduce_sum3A_252 [1] : vector<256x1024xf32> to vector<256xf32>
    %broadcast_in_dim3A_254 = vector.shape_cast %reduce_sum3A_253 : vector<256xf32> to vector<256x1xf32>
    %div3A_255 = arith.constant 1.000000e+00 : f32
    %div3A_256 = vector.broadcast %div3A_255 : f32 to vector<256x1xf32>
    %div3A_257 = arith.divf %div3A_256, %broadcast_in_dim3A_254 : vector<256x1xf32>
    %get3A_258 = arith.constant 0 : index
    %get3A_259 = arith.constant 128 : index
    %get3A_260 = vector.load %arg4[%get3A_258, %get3A_259] : memref<1024x256xf32, #tpu.memory_space<vmem>>, vector<1024x64xf32>
    %dot_general3A_261 = arith.constant dense<0.000000e+00> : vector<256x64xf32>
    %dot_general3A_262 = tpu.matmul %exp3A_251, %get3A_260, %dot_general3A_261 {dimension_numbers = #tpu.dot_dimension_numbers<[1], [0], [0], [1], [0, 0, 1, 1], [], []>, transpose_lhs_hint = false} : vector<256x1024xf32>, vector<1024x64xf32>, vector<256x64xf32> -> vector<256x64xf32>
    %mul3A_263 = vector.broadcast %div3A_257 : vector<256x1xf32> to vector<256x64xf32>
    %mul3A_264 = arith.mulf %dot_general3A_262, %mul3A_263 : vector<256x64xf32>
    %get3A_265 = arith.constant 0 : index
    %get3A_266 = arith.constant 576 : index
    %get3A_267 = vector.load %arg2[%get3A_265, %get3A_266] : memref<256x768xf32, #tpu.memory_space<vmem>>, vector<256x64xf32>
    %get3A_268 = arith.constant 0 : index
    %get3A_269 = arith.constant 192 : index
    %get3A_270 = vector.load %arg3[%get3A_268, %get3A_269] : memref<1024x256xf32, #tpu.memory_space<vmem>>, vector<1024x64xf32>
    %dot_general3A_271 = arith.constant dense<0.000000e+00> : vector<256x1024xf32>
    %dot_general3A_272 = tpu.matmul %get3A_267, %get3A_270, %dot_general3A_271 {dimension_numbers = #tpu.dot_dimension_numbers<[1], [1], [0], [0], [0, 0, 1, 0], [], []>, transpose_lhs_hint = false} : vector<256x64xf32>, vector<1024x64xf32>, vector<256x1024xf32> -> vector<256x1024xf32>
    %jit3A_273 = arith.constant -1.000000e+30 : f32
    %broadcast_in_dim3A_274 = vector.broadcast %jit3A_273 : f32 to vector<256x1024xf32>
    %select_n3A_275 = arith.select %le3A, %dot_general3A_272, %broadcast_in_dim3A_274 : vector<256x1024xi1>, vector<256x1024xf32>
    %reduce_max3A_276 = arith.constant dense<0xFF800000> : vector<256xf32>
    %reduce_max3A_277 = vector.multi_reduction <maximumf>, %select_n3A_275, %reduce_max3A_276 [1] : vector<256x1024xf32> to vector<256xf32>
    %broadcast_in_dim3A_278 = vector.shape_cast %reduce_max3A_277 : vector<256xf32> to vector<256x1xf32>
    %sub3A_279 = vector.broadcast %broadcast_in_dim3A_278 : vector<256x1xf32> to vector<256x1024xf32>
    %sub3A_280 = arith.subf %select_n3A_275, %sub3A_279 : vector<256x1024xf32>
    %exp3A_281 = math.exp %sub3A_280 : vector<256x1024xf32>
    %reduce_sum3A_282 = arith.constant dense<0.000000e+00> : vector<256xf32>
    %reduce_sum3A_283 = vector.multi_reduction <add>, %exp3A_281, %reduce_sum3A_282 [1] : vector<256x1024xf32> to vector<256xf32>
    %broadcast_in_dim3A_284 = vector.shape_cast %reduce_sum3A_283 : vector<256xf32> to vector<256x1xf32>
    %div3A_285 = arith.constant 1.000000e+00 : f32
    %div3A_286 = vector.broadcast %div3A_285 : f32 to vector<256x1xf32>
    %div3A_287 = arith.divf %div3A_286, %broadcast_in_dim3A_284 : vector<256x1xf32>
    %get3A_288 = arith.constant 0 : index
    %get3A_289 = arith.constant 192 : index
    %get3A_290 = vector.load %arg4[%get3A_288, %get3A_289] : memref<1024x256xf32, #tpu.memory_space<vmem>>, vector<1024x64xf32>
    %dot_general3A_291 = arith.constant dense<0.000000e+00> : vector<256x64xf32>
    %dot_general3A_292 = tpu.matmul %exp3A_281, %get3A_290, %dot_general3A_291 {dimension_numbers = #tpu.dot_dimension_numbers<[1], [0], [0], [1], [0, 0, 1, 1], [], []>, transpose_lhs_hint = false} : vector<256x1024xf32>, vector<1024x64xf32>, vector<256x64xf32> -> vector<256x64xf32>
    %mul3A_293 = vector.broadcast %div3A_287 : vector<256x1xf32> to vector<256x64xf32>
    %mul3A_294 = arith.mulf %dot_general3A_292, %mul3A_293 : vector<256x64xf32>
    %get3A_295 = arith.constant 0 : index
    %get3A_296 = arith.constant 640 : index
    %get3A_297 = vector.load %arg2[%get3A_295, %get3A_296] : memref<256x768xf32, #tpu.memory_space<vmem>>, vector<256x64xf32>
    %get3A_298 = arith.constant 0 : index
    %get3A_299 = arith.constant 192 : index
    %get3A_300 = vector.load %arg3[%get3A_298, %get3A_299] : memref<1024x256xf32, #tpu.memory_space<vmem>>, vector<1024x64xf32>
    %dot_general3A_301 = arith.constant dense<0.000000e+00> : vector<256x1024xf32>
    %dot_general3A_302 = tpu.matmul %get3A_297, %get3A_300, %dot_general3A_301 {dimension_numbers = #tpu.dot_dimension_numbers<[1], [1], [0], [0], [0, 0, 1, 0], [], []>, transpose_lhs_hint = false} : vector<256x64xf32>, vector<1024x64xf32>, vector<256x1024xf32> -> vector<256x1024xf32>
    %jit3A_303 = arith.constant -1.000000e+30 : f32
    %broadcast_in_dim3A_304 = vector.broadcast %jit3A_303 : f32 to vector<256x1024xf32>
    %select_n3A_305 = arith.select %le3A, %dot_general3A_302, %broadcast_in_dim3A_304 : vector<256x1024xi1>, vector<256x1024xf32>
    %reduce_max3A_306 = arith.constant dense<0xFF800000> : vector<256xf32>
    %reduce_max3A_307 = vector.multi_reduction <maximumf>, %select_n3A_305, %reduce_max3A_306 [1] : vector<256x1024xf32> to vector<256xf32>
    %broadcast_in_dim3A_308 = vector.shape_cast %reduce_max3A_307 : vector<256xf32> to vector<256x1xf32>
    %sub3A_309 = vector.broadcast %broadcast_in_dim3A_308 : vector<256x1xf32> to vector<256x1024xf32>
    %sub3A_310 = arith.subf %select_n3A_305, %sub3A_309 : vector<256x1024xf32>
    %exp3A_311 = math.exp %sub3A_310 : vector<256x1024xf32>
    %reduce_sum3A_312 = arith.constant dense<0.000000e+00> : vector<256xf32>
    %reduce_sum3A_313 = vector.multi_reduction <add>, %exp3A_311, %reduce_sum3A_312 [1] : vector<256x1024xf32> to vector<256xf32>
    %broadcast_in_dim3A_314 = vector.shape_cast %reduce_sum3A_313 : vector<256xf32> to vector<256x1xf32>
    %div3A_315 = arith.constant 1.000000e+00 : f32
    %div3A_316 = vector.broadcast %div3A_315 : f32 to vector<256x1xf32>
    %div3A_317 = arith.divf %div3A_316, %broadcast_in_dim3A_314 : vector<256x1xf32>
    %get3A_318 = arith.constant 0 : index
    %get3A_319 = arith.constant 192 : index
    %get3A_320 = vector.load %arg4[%get3A_318, %get3A_319] : memref<1024x256xf32, #tpu.memory_space<vmem>>, vector<1024x64xf32>
    %dot_general3A_321 = arith.constant dense<0.000000e+00> : vector<256x64xf32>
    %dot_general3A_322 = tpu.matmul %exp3A_311, %get3A_320, %dot_general3A_321 {dimension_numbers = #tpu.dot_dimension_numbers<[1], [0], [0], [1], [0, 0, 1, 1], [], []>, transpose_lhs_hint = false} : vector<256x1024xf32>, vector<1024x64xf32>, vector<256x64xf32> -> vector<256x64xf32>
    %mul3A_323 = vector.broadcast %div3A_317 : vector<256x1xf32> to vector<256x64xf32>
    %mul3A_324 = arith.mulf %dot_general3A_322, %mul3A_323 : vector<256x64xf32>
    %get3A_325 = arith.constant 0 : index
    %get3A_326 = arith.constant 704 : index
    %get3A_327 = vector.load %arg2[%get3A_325, %get3A_326] : memref<256x768xf32, #tpu.memory_space<vmem>>, vector<256x64xf32>
    %get3A_328 = arith.constant 0 : index
    %get3A_329 = arith.constant 192 : index
    %get3A_330 = vector.load %arg3[%get3A_328, %get3A_329] : memref<1024x256xf32, #tpu.memory_space<vmem>>, vector<1024x64xf32>
    %dot_general3A_331 = arith.constant dense<0.000000e+00> : vector<256x1024xf32>
    %dot_general3A_332 = tpu.matmul %get3A_327, %get3A_330, %dot_general3A_331 {dimension_numbers = #tpu.dot_dimension_numbers<[1], [1], [0], [0], [0, 0, 1, 0], [], []>, transpose_lhs_hint = false} : vector<256x64xf32>, vector<1024x64xf32>, vector<256x1024xf32> -> vector<256x1024xf32>
    %jit3A_333 = arith.constant -1.000000e+30 : f32
    %broadcast_in_dim3A_334 = vector.broadcast %jit3A_333 : f32 to vector<256x1024xf32>
    %select_n3A_335 = arith.select %le3A, %dot_general3A_332, %broadcast_in_dim3A_334 : vector<256x1024xi1>, vector<256x1024xf32>
    %reduce_max3A_336 = arith.constant dense<0xFF800000> : vector<256xf32>
    %reduce_max3A_337 = vector.multi_reduction <maximumf>, %select_n3A_335, %reduce_max3A_336 [1] : vector<256x1024xf32> to vector<256xf32>
    %broadcast_in_dim3A_338 = vector.shape_cast %reduce_max3A_337 : vector<256xf32> to vector<256x1xf32>
    %sub3A_339 = vector.broadcast %broadcast_in_dim3A_338 : vector<256x1xf32> to vector<256x1024xf32>
    %sub3A_340 = arith.subf %select_n3A_335, %sub3A_339 : vector<256x1024xf32>
    %exp3A_341 = math.exp %sub3A_340 : vector<256x1024xf32>
    %reduce_sum3A_342 = arith.constant dense<0.000000e+00> : vector<256xf32>
    %reduce_sum3A_343 = vector.multi_reduction <add>, %exp3A_341, %reduce_sum3A_342 [1] : vector<256x1024xf32> to vector<256xf32>
    %broadcast_in_dim3A_344 = vector.shape_cast %reduce_sum3A_343 : vector<256xf32> to vector<256x1xf32>
    %div3A_345 = arith.constant 1.000000e+00 : f32
    %div3A_346 = vector.broadcast %div3A_345 : f32 to vector<256x1xf32>
    %div3A_347 = arith.divf %div3A_346, %broadcast_in_dim3A_344 : vector<256x1xf32>
    %get3A_348 = arith.constant 0 : index
    %get3A_349 = arith.constant 192 : index
    %get3A_350 = vector.load %arg4[%get3A_348, %get3A_349] : memref<1024x256xf32, #tpu.memory_space<vmem>>, vector<1024x64xf32>
    %dot_general3A_351 = arith.constant dense<0.000000e+00> : vector<256x64xf32>
    %dot_general3A_352 = tpu.matmul %exp3A_341, %get3A_350, %dot_general3A_351 {dimension_numbers = #tpu.dot_dimension_numbers<[1], [0], [0], [1], [0, 0, 1, 1], [], []>, transpose_lhs_hint = false} : vector<256x1024xf32>, vector<1024x64xf32>, vector<256x64xf32> -> vector<256x64xf32>
    %mul3A_353 = vector.broadcast %div3A_347 : vector<256x1xf32> to vector<256x64xf32>
    %mul3A_354 = arith.mulf %dot_general3A_352, %mul3A_353 : vector<256x64xf32>
    %concatenate3A = tpu.concatenate %mul3A_24, %mul3A_54, %mul3A_84, %mul3A_114, %mul3A_144, %mul3A_174, %mul3A_204, %mul3A_234, %mul3A_264, %mul3A_294, %mul3A_324, %mul3A_354 in 1 : vector<256x64xf32>, vector<256x64xf32>, vector<256x64xf32>, vector<256x64xf32>, vector<256x64xf32>, vector<256x64xf32>, vector<256x64xf32>, vector<256x64xf32>, vector<256x64xf32>, vector<256x64xf32>, vector<256x64xf32>, vector<256x64xf32> -> vector<256x768xf32>
    %get3A_355 = arith.constant 0 : index
    %get3A_356 = arith.constant 0 : index
    %get3A_357 = vector.load %arg6[%get3A_355, %get3A_356] : memref<768x768xf32, #tpu.memory_space<vmem>>, vector<768x768xf32>
    %dot_general3A_358 = arith.constant dense<0.000000e+00> : vector<256x768xf32>
    %dot_general3A_359 = tpu.matmul %concatenate3A, %get3A_357, %dot_general3A_358 {dimension_numbers = #tpu.dot_dimension_numbers<[1], [0], [0], [1], [0, 0, 1, 1], [], []>, transpose_lhs_hint = false} : vector<256x768xf32>, vector<768x768xf32>, vector<256x768xf32> -> vector<256x768xf32>
    %get3A_360 = arith.constant 0 : index
    %get3A_361 = arith.constant 0 : index
    %get3A_362 = vector.load %arg5[%get3A_360, %get3A_361] : memref<256x768xf32, #tpu.memory_space<vmem>>, vector<256x768xf32>
    %add3A_363 = arith.addf %dot_general3A_359, %get3A_362 : vector<256x768xf32>
    %swap3A = arith.constant 0 : index
    %swap3A_364 = arith.constant 0 : index
    %swap3A_365 = vector.load %arg9[%swap3A, %swap3A_364] : memref<256x768xf32, #tpu.memory_space<vmem>>, vector<256x768xf32>
    tpu.vector_store %arg9[%swap3A, %swap3A_364], %add3A_363 {strides = array<i32>} : memref<256x768xf32, #tpu.memory_space<vmem>>, vector<256x768xf32>,
    %get3A_366 = arith.constant 0 : index
    %get3A_367 = arith.constant 0 : index
    %get3A_368 = vector.load %arg7[%get3A_366, %get3A_367] : memref<1x768xf32, #tpu.memory_space<vmem>>, vector<1x768xf32>
    %get3A_369 = vector.shape_cast %get3A_368 : vector<1x768xf32> to vector<768xf32>
    %mul3A_370 = arith.mulf %add3A_363, %add3A_363 : vector<256x768xf32>
    %reduce_sum3A_371 = arith.constant dense<0.000000e+00> : vector<256xf32>
    %reduce_sum3A_372 = vector.multi_reduction <add>, %mul3A_370, %reduce_sum3A_371 [1] : vector<256x768xf32> to vector<256xf32>
    %broadcast_in_dim3A_373 = vector.shape_cast %reduce_sum3A_372 : vector<256xf32> to vector<256x1xf32>
    %div3A_374 = arith.constant 7.680000e+02 : f32
    %div3A_375 = vector.broadcast %div3A_374 : f32 to vector<256x1xf32>
    %div3A_376 = arith.divf %broadcast_in_dim3A_373, %div3A_375 : vector<256x1xf32>
    %add3A_377 = arith.constant 9.99999997E-7 : f32
    %add3A_378 = vector.broadcast %add3A_377 : f32 to vector<256x1xf32>
    %add3A_379 = arith.addf %div3A_376, %add3A_378 : vector<256x1xf32>
    %rsqrt3A = math.rsqrt %add3A_379 : vector<256x1xf32>
    %mul3A_380 = vector.broadcast %rsqrt3A : vector<256x1xf32> to vector<256x768xf32>
    %mul3A_381 = arith.mulf %add3A_363, %mul3A_380 : vector<256x768xf32>
    %broadcast_in_dim3A_382 = vector.shape_cast %get3A_369 : vector<768xf32> to vector<1x768xf32>
    %mul3A_383 = vector.broadcast %broadcast_in_dim3A_382 : vector<1x768xf32> to vector<256x768xf32>
    %mul3A_384 = arith.mulf %mul3A_381, %mul3A_383 : vector<256x768xf32>
    %get3A_385 = arith.constant 0 : index
    %get3A_386 = arith.constant 0 : index
    %get3A_387 = vector.load %arg8[%get3A_385, %get3A_386] : memref<768x128xf32, #tpu.memory_space<vmem>>, vector<768x128xf32>
    %dot_general3A_388 = arith.constant dense<0.000000e+00> : vector<256x128xf32>
    %dot_general3A_389 = tpu.matmul %mul3A_384, %get3A_387, %dot_general3A_388 {dimension_numbers = #tpu.dot_dimension_numbers<[1], [0], [0], [1], [0, 0, 1, 1], [], []>, transpose_lhs_hint = false} : vector<256x768xf32>, vector<768x128xf32>, vector<256x128xf32> -> vector<256x128xf32>
    %iota3A_390 = tpu.iota {dimensions = array<i32: 1>} : vector<256x128xi32>
    %lt3A = arith.constant 8 : i32
    %lt3A_391 = vector.broadcast %lt3A : i32 to vector<256x128xi32>
    %lt3A_392 = arith.cmpi slt, %iota3A_390, %lt3A_391 : vector<256x128xi32>
    %jit3A_393 = arith.constant -1.000000e+30 : f32
    %broadcast_in_dim3A_394 = vector.broadcast %jit3A_393 : f32 to vector<256x128xf32>
    %select_n3A_395 = arith.select %lt3A_392, %dot_general3A_389, %broadcast_in_dim3A_394 : vector<256x128xi1>, vector<256x128xf32>
    %reduce_max3A_396 = arith.constant dense<0xFF800000> : vector<256xf32>
    %reduce_max3A_397 = vector.multi_reduction <maximumf>, %select_n3A_395, %reduce_max3A_396 [1] : vector<256x128xf32> to vector<256xf32>
    %broadcast_in_dim3A_398 = vector.shape_cast %reduce_max3A_397 : vector<256xf32> to vector<256x1xf32>
    %eq3A = vector.broadcast %broadcast_in_dim3A_398 : vector<256x1xf32> to vector<256x128xf32>
    %eq3A_399 = arith.cmpf oeq, %select_n3A_395, %eq3A : vector<256x128xf32>
    %jit3A_400 = arith.constant 1073741824 : i32
    %broadcast_in_dim3A_401 = vector.broadcast %jit3A_400 : i32 to vector<256x128xi32>
    %select_n3A_402 = arith.select %eq3A_399, %iota3A_390, %broadcast_in_dim3A_401 : vector<256x128xi1>, vector<256x128xi32>
    %reduce_min3A = arith.constant dense<2147483647> : vector<256xi32>
    %reduce_min3A_403 = vector.multi_reduction <minsi>, %select_n3A_402, %reduce_min3A [1] : vector<256x128xi32> to vector<256xi32>
    %swap3A_404 = arith.constant 0 : index
    %swap3A_405 = arith.constant 0 : index
    %swap3A_406 = arith.constant 0 : index
    %swap3A_407 = vector.load %arg10[%swap3A_404, %swap3A_405, %swap3A_406] : memref<1x1x256xi32, #tpu.memory_space<vmem>>, vector<1x1x256xi32>
    %swap3A_408 = vector.shape_cast %swap3A_407 : vector<1x1x256xi32> to vector<256xi32>
    %swap3A_409 = vector.shape_cast %reduce_min3A_403 : vector<256xi32> to vector<1x1x256xi32>
    tpu.vector_store %arg10[%swap3A_404, %swap3A_405, %swap3A_406], %swap3A_409 {strides = array<i32>} : memref<1x1x256xi32, #tpu.memory_space<vmem>>, vector<1x1x256xi32>,
    return
  }
  func.func @transform_0(%arg0: i32) -> (i32, i32) {
    %c0_i32 = arith.constant 0 : i32
    %c0_i32_0 = arith.constant 0 : i32
    %c0_i32_1 = arith.constant 0 : i32
    return %c0_i32, %c0_i32_0 : i32, i32
  }
  func.func @transform_1(%arg0: i32) -> (i32, i32) {
    %add3A = arith.constant 2 : i32
    %add3A_0 = arith.addi %add3A, %arg0 : i32
    %c0_i32 = arith.constant 0 : i32
    %c0_i32_1 = arith.constant 0 : i32
    return %add3A_0, %c0_i32 : i32, i32
  }
  func.func @transform_2(%arg0: i32) -> (i32, i32) {
    %c0_i32 = arith.constant 0 : i32
    %c0_i32_0 = arith.constant 0 : i32
    %c0_i32_1 = arith.constant 0 : i32
    return %c0_i32, %c0_i32_0 : i32, i32
  }
  func.func @transform_3(%arg0: i32) -> (i32, i32) {
    %c0_i32 = arith.constant 0 : i32
    %c0_i32_0 = arith.constant 0 : i32
    %c0_i32_1 = arith.constant 0 : i32
    return %c0_i32, %c0_i32_0 : i32, i32
  }
  func.func @transform_4(%arg0: i32) -> (i32, i32) {
    %add3A = arith.constant 2 : i32
    %add3A_0 = arith.addi %add3A, %arg0 : i32
    %c0_i32 = arith.constant 0 : i32
    %c0_i32_1 = arith.constant 0 : i32
    return %add3A_0, %c0_i32 : i32, i32
  }
  func.func @transform_5(%arg0: i32) -> (i32, i32) {
    %c0_i32 = arith.constant 0 : i32
    %c0_i32_0 = arith.constant 0 : i32
    %c0_i32_1 = arith.constant 0 : i32
    return %c0_i32, %c0_i32_0 : i32, i32
  }
  func.func @transform_6(%arg0: i32) -> (i32, i32) {
    %c0_i32 = arith.constant 0 : i32
    %c0_i32_0 = arith.constant 0 : i32
    %c0_i32_1 = arith.constant 0 : i32
    return %c0_i32, %c0_i32_0 : i32, i32
  }
  func.func @transform_7(%arg0: i32) -> (i32, i32) {
    %c0_i32 = arith.constant 0 : i32
    %c0_i32_0 = arith.constant 0 : i32
    %c0_i32_1 = arith.constant 0 : i32
    return %c0_i32, %c0_i32_0 : i32, i32
  }
  func.func @transform_8(%arg0: i32) -> (i32, i32) {
    %add3A = arith.constant 2 : i32
    %add3A_0 = arith.addi %add3A, %arg0 : i32
    %c0_i32 = arith.constant 0 : i32
    %c0_i32_1 = arith.constant 0 : i32
    return %add3A_0, %c0_i32 : i32, i32
  }
  func.func @transform_9(%arg0: i32) -> (i32, i32, i32) {
    %c0_i32 = arith.constant 0 : i32
    %c0_i32_0 = arith.constant 0 : i32
    %c0_i32_1 = arith.constant 0 : i32
    return %arg0, %c0_i32, %c0_i32_0 : i32, i32, i32
  }
}

module attributes {stable_mosaic.version = 14 : i64} {
  func.func @_k23_body(%arg0: i32, %arg1: memref<8x128xf32, #tpu.memory_space<vmem>>, %arg2: memref<256x768xf32, #tpu.memory_space<vmem>>, %arg3: memref<1536x256xf32, #tpu.memory_space<vmem>>, %arg4: memref<1536x256xf32, #tpu.memory_space<vmem>>, %arg5: memref<256x768xf32, #tpu.memory_space<vmem>>, %arg6: memref<768x768xf32, #tpu.memory_space<vmem>>, %arg7: memref<1x768xf32, #tpu.memory_space<vmem>>, %arg8: memref<768x128xf32, #tpu.memory_space<vmem>>, %arg9: memref<256x768xf32, #tpu.memory_space<vmem>>, %arg10: memref<1x1x256xi32, #tpu.memory_space<vmem>>) attributes {dimension_semantics = [#tpu.dimension_semantics<arbitrary>], iteration_bounds = array<i64: 2>, scalar_prefetch = 0 : i64, scratch_operands = 0 : i64, tpu.core_type = #tpu.core_type<tc>, window_params = [{transform_indices = @transform_0, window_bounds = array<i64: 8, 128>}, {transform_indices = @transform_1, window_bounds = array<i64: 256, 768>}, {transform_indices = @transform_2, window_bounds = array<i64: 1536, 256>}, {transform_indices = @transform_3, window_bounds = array<i64: 1536, 256>}, {transform_indices = @transform_4, window_bounds = array<i64: 256, 768>}, {pipeline_mode = #tpu.pipeline_mode<synchronous>, transform_indices = @transform_5, window_bounds = array<i64: 768, 768>}, {pipeline_mode = #tpu.pipeline_mode<synchronous>, transform_indices = @transform_6, window_bounds = array<i64: 1, 768>}, {pipeline_mode = #tpu.pipeline_mode<synchronous>, transform_indices = @transform_7, window_bounds = array<i64: 768, 128>}, {transform_indices = @transform_8, window_bounds = array<i64: 256, 768>}, {transform_indices = @transform_9, window_bounds = array<i64: 1, 1, 256>}]} {
    %add3A = arith.constant 4 : i32
    %add3A_0 = arith.addi %add3A, %arg0 : i32
    %mul3A = arith.constant 256 : i32
    %mul3A_1 = arith.muli %add3A_0, %mul3A : i32
    %iota3A = tpu.iota {dimensions = array<i32: 0>} : vector<256x1536xi32>
    %add3A_2 = vector.broadcast %mul3A_1 : i32 to vector<256x1536xi32>
    %add3A_3 = arith.addi %add3A_2, %iota3A : vector<256x1536xi32>
    %iota3A_4 = tpu.iota {dimensions = array<i32: 1>} : vector<256x1536xi32>
    %le3A = arith.cmpi sle, %iota3A_4, %add3A_3 : vector<256x1536xi32>
    %get3A = arith.constant 0 : index
    %get3A_5 = arith.constant 0 : index
    %get3A_6 = vector.load %arg2[%get3A, %get3A_5] : memref<256x768xf32, #tpu.memory_space<vmem>>, vector<256x64xf32>
    %get3A_7 = arith.constant 0 : index
    %get3A_8 = arith.constant 0 : index
    %get3A_9 = vector.load %arg3[%get3A_7, %get3A_8] : memref<1536x256xf32, #tpu.memory_space<vmem>>, vector<1536x64xf32>
    %dot_general3A = arith.constant dense<0.000000e+00> : vector<256x1536xf32>
    %dot_general3A_10 = tpu.matmul %get3A_6, %get3A_9, %dot_general3A {dimension_numbers = #tpu.dot_dimension_numbers<[1], [1], [0], [0], [0, 0, 1, 0], [], []>, transpose_lhs_hint = false} : vector<256x64xf32>, vector<1536x64xf32>, vector<256x1536xf32> -> vector<256x1536xf32>
    %jit3A = arith.constant -1.000000e+30 : f32
    %broadcast_in_dim3A = vector.broadcast %jit3A : f32 to vector<256x1536xf32>
    %select_n3A = arith.select %le3A, %dot_general3A_10, %broadcast_in_dim3A : vector<256x1536xi1>, vector<256x1536xf32>
    %reduce_max3A = arith.constant dense<0xFF800000> : vector<256xf32>
    %reduce_max3A_11 = vector.multi_reduction <maximumf>, %select_n3A, %reduce_max3A [1] : vector<256x1536xf32> to vector<256xf32>
    %broadcast_in_dim3A_12 = vector.shape_cast %reduce_max3A_11 : vector<256xf32> to vector<256x1xf32>
    %sub3A = vector.broadcast %broadcast_in_dim3A_12 : vector<256x1xf32> to vector<256x1536xf32>
    %sub3A_13 = arith.subf %select_n3A, %sub3A : vector<256x1536xf32>
    %exp3A = math.exp %sub3A_13 : vector<256x1536xf32>
    %reduce_sum3A = arith.constant dense<0.000000e+00> : vector<256xf32>
    %reduce_sum3A_14 = vector.multi_reduction <add>, %exp3A, %reduce_sum3A [1] : vector<256x1536xf32> to vector<256xf32>
    %broadcast_in_dim3A_15 = vector.shape_cast %reduce_sum3A_14 : vector<256xf32> to vector<256x1xf32>
    %div3A = arith.constant 1.000000e+00 : f32
    %div3A_16 = vector.broadcast %div3A : f32 to vector<256x1xf32>
    %div3A_17 = arith.divf %div3A_16, %broadcast_in_dim3A_15 : vector<256x1xf32>
    %get3A_18 = arith.constant 0 : index
    %get3A_19 = arith.constant 0 : index
    %get3A_20 = vector.load %arg4[%get3A_18, %get3A_19] : memref<1536x256xf32, #tpu.memory_space<vmem>>, vector<1536x64xf32>
    %dot_general3A_21 = arith.constant dense<0.000000e+00> : vector<256x64xf32>
    %dot_general3A_22 = tpu.matmul %exp3A, %get3A_20, %dot_general3A_21 {dimension_numbers = #tpu.dot_dimension_numbers<[1], [0], [0], [1], [0, 0, 1, 1], [], []>, transpose_lhs_hint = false} : vector<256x1536xf32>, vector<1536x64xf32>, vector<256x64xf32> -> vector<256x64xf32>
    %mul3A_23 = vector.broadcast %div3A_17 : vector<256x1xf32> to vector<256x64xf32>
    %mul3A_24 = arith.mulf %dot_general3A_22, %mul3A_23 : vector<256x64xf32>
    %get3A_25 = arith.constant 0 : index
    %get3A_26 = arith.constant 64 : index
    %get3A_27 = vector.load %arg2[%get3A_25, %get3A_26] : memref<256x768xf32, #tpu.memory_space<vmem>>, vector<256x64xf32>
    %get3A_28 = arith.constant 0 : index
    %get3A_29 = arith.constant 0 : index
    %get3A_30 = vector.load %arg3[%get3A_28, %get3A_29] : memref<1536x256xf32, #tpu.memory_space<vmem>>, vector<1536x64xf32>
    %dot_general3A_31 = arith.constant dense<0.000000e+00> : vector<256x1536xf32>
    %dot_general3A_32 = tpu.matmul %get3A_27, %get3A_30, %dot_general3A_31 {dimension_numbers = #tpu.dot_dimension_numbers<[1], [1], [0], [0], [0, 0, 1, 0], [], []>, transpose_lhs_hint = false} : vector<256x64xf32>, vector<1536x64xf32>, vector<256x1536xf32> -> vector<256x1536xf32>
    %jit3A_33 = arith.constant -1.000000e+30 : f32
    %broadcast_in_dim3A_34 = vector.broadcast %jit3A_33 : f32 to vector<256x1536xf32>
    %select_n3A_35 = arith.select %le3A, %dot_general3A_32, %broadcast_in_dim3A_34 : vector<256x1536xi1>, vector<256x1536xf32>
    %reduce_max3A_36 = arith.constant dense<0xFF800000> : vector<256xf32>
    %reduce_max3A_37 = vector.multi_reduction <maximumf>, %select_n3A_35, %reduce_max3A_36 [1] : vector<256x1536xf32> to vector<256xf32>
    %broadcast_in_dim3A_38 = vector.shape_cast %reduce_max3A_37 : vector<256xf32> to vector<256x1xf32>
    %sub3A_39 = vector.broadcast %broadcast_in_dim3A_38 : vector<256x1xf32> to vector<256x1536xf32>
    %sub3A_40 = arith.subf %select_n3A_35, %sub3A_39 : vector<256x1536xf32>
    %exp3A_41 = math.exp %sub3A_40 : vector<256x1536xf32>
    %reduce_sum3A_42 = arith.constant dense<0.000000e+00> : vector<256xf32>
    %reduce_sum3A_43 = vector.multi_reduction <add>, %exp3A_41, %reduce_sum3A_42 [1] : vector<256x1536xf32> to vector<256xf32>
    %broadcast_in_dim3A_44 = vector.shape_cast %reduce_sum3A_43 : vector<256xf32> to vector<256x1xf32>
    %div3A_45 = arith.constant 1.000000e+00 : f32
    %div3A_46 = vector.broadcast %div3A_45 : f32 to vector<256x1xf32>
    %div3A_47 = arith.divf %div3A_46, %broadcast_in_dim3A_44 : vector<256x1xf32>
    %get3A_48 = arith.constant 0 : index
    %get3A_49 = arith.constant 0 : index
    %get3A_50 = vector.load %arg4[%get3A_48, %get3A_49] : memref<1536x256xf32, #tpu.memory_space<vmem>>, vector<1536x64xf32>
    %dot_general3A_51 = arith.constant dense<0.000000e+00> : vector<256x64xf32>
    %dot_general3A_52 = tpu.matmul %exp3A_41, %get3A_50, %dot_general3A_51 {dimension_numbers = #tpu.dot_dimension_numbers<[1], [0], [0], [1], [0, 0, 1, 1], [], []>, transpose_lhs_hint = false} : vector<256x1536xf32>, vector<1536x64xf32>, vector<256x64xf32> -> vector<256x64xf32>
    %mul3A_53 = vector.broadcast %div3A_47 : vector<256x1xf32> to vector<256x64xf32>
    %mul3A_54 = arith.mulf %dot_general3A_52, %mul3A_53 : vector<256x64xf32>
    %get3A_55 = arith.constant 0 : index
    %get3A_56 = arith.constant 128 : index
    %get3A_57 = vector.load %arg2[%get3A_55, %get3A_56] : memref<256x768xf32, #tpu.memory_space<vmem>>, vector<256x64xf32>
    %get3A_58 = arith.constant 0 : index
    %get3A_59 = arith.constant 0 : index
    %get3A_60 = vector.load %arg3[%get3A_58, %get3A_59] : memref<1536x256xf32, #tpu.memory_space<vmem>>, vector<1536x64xf32>
    %dot_general3A_61 = arith.constant dense<0.000000e+00> : vector<256x1536xf32>
    %dot_general3A_62 = tpu.matmul %get3A_57, %get3A_60, %dot_general3A_61 {dimension_numbers = #tpu.dot_dimension_numbers<[1], [1], [0], [0], [0, 0, 1, 0], [], []>, transpose_lhs_hint = false} : vector<256x64xf32>, vector<1536x64xf32>, vector<256x1536xf32> -> vector<256x1536xf32>
    %jit3A_63 = arith.constant -1.000000e+30 : f32
    %broadcast_in_dim3A_64 = vector.broadcast %jit3A_63 : f32 to vector<256x1536xf32>
    %select_n3A_65 = arith.select %le3A, %dot_general3A_62, %broadcast_in_dim3A_64 : vector<256x1536xi1>, vector<256x1536xf32>
    %reduce_max3A_66 = arith.constant dense<0xFF800000> : vector<256xf32>
    %reduce_max3A_67 = vector.multi_reduction <maximumf>, %select_n3A_65, %reduce_max3A_66 [1] : vector<256x1536xf32> to vector<256xf32>
    %broadcast_in_dim3A_68 = vector.shape_cast %reduce_max3A_67 : vector<256xf32> to vector<256x1xf32>
    %sub3A_69 = vector.broadcast %broadcast_in_dim3A_68 : vector<256x1xf32> to vector<256x1536xf32>
    %sub3A_70 = arith.subf %select_n3A_65, %sub3A_69 : vector<256x1536xf32>
    %exp3A_71 = math.exp %sub3A_70 : vector<256x1536xf32>
    %reduce_sum3A_72 = arith.constant dense<0.000000e+00> : vector<256xf32>
    %reduce_sum3A_73 = vector.multi_reduction <add>, %exp3A_71, %reduce_sum3A_72 [1] : vector<256x1536xf32> to vector<256xf32>
    %broadcast_in_dim3A_74 = vector.shape_cast %reduce_sum3A_73 : vector<256xf32> to vector<256x1xf32>
    %div3A_75 = arith.constant 1.000000e+00 : f32
    %div3A_76 = vector.broadcast %div3A_75 : f32 to vector<256x1xf32>
    %div3A_77 = arith.divf %div3A_76, %broadcast_in_dim3A_74 : vector<256x1xf32>
    %get3A_78 = arith.constant 0 : index
    %get3A_79 = arith.constant 0 : index
    %get3A_80 = vector.load %arg4[%get3A_78, %get3A_79] : memref<1536x256xf32, #tpu.memory_space<vmem>>, vector<1536x64xf32>
    %dot_general3A_81 = arith.constant dense<0.000000e+00> : vector<256x64xf32>
    %dot_general3A_82 = tpu.matmul %exp3A_71, %get3A_80, %dot_general3A_81 {dimension_numbers = #tpu.dot_dimension_numbers<[1], [0], [0], [1], [0, 0, 1, 1], [], []>, transpose_lhs_hint = false} : vector<256x1536xf32>, vector<1536x64xf32>, vector<256x64xf32> -> vector<256x64xf32>
    %mul3A_83 = vector.broadcast %div3A_77 : vector<256x1xf32> to vector<256x64xf32>
    %mul3A_84 = arith.mulf %dot_general3A_82, %mul3A_83 : vector<256x64xf32>
    %get3A_85 = arith.constant 0 : index
    %get3A_86 = arith.constant 192 : index
    %get3A_87 = vector.load %arg2[%get3A_85, %get3A_86] : memref<256x768xf32, #tpu.memory_space<vmem>>, vector<256x64xf32>
    %get3A_88 = arith.constant 0 : index
    %get3A_89 = arith.constant 64 : index
    %get3A_90 = vector.load %arg3[%get3A_88, %get3A_89] : memref<1536x256xf32, #tpu.memory_space<vmem>>, vector<1536x64xf32>
    %dot_general3A_91 = arith.constant dense<0.000000e+00> : vector<256x1536xf32>
    %dot_general3A_92 = tpu.matmul %get3A_87, %get3A_90, %dot_general3A_91 {dimension_numbers = #tpu.dot_dimension_numbers<[1], [1], [0], [0], [0, 0, 1, 0], [], []>, transpose_lhs_hint = false} : vector<256x64xf32>, vector<1536x64xf32>, vector<256x1536xf32> -> vector<256x1536xf32>
    %jit3A_93 = arith.constant -1.000000e+30 : f32
    %broadcast_in_dim3A_94 = vector.broadcast %jit3A_93 : f32 to vector<256x1536xf32>
    %select_n3A_95 = arith.select %le3A, %dot_general3A_92, %broadcast_in_dim3A_94 : vector<256x1536xi1>, vector<256x1536xf32>
    %reduce_max3A_96 = arith.constant dense<0xFF800000> : vector<256xf32>
    %reduce_max3A_97 = vector.multi_reduction <maximumf>, %select_n3A_95, %reduce_max3A_96 [1] : vector<256x1536xf32> to vector<256xf32>
    %broadcast_in_dim3A_98 = vector.shape_cast %reduce_max3A_97 : vector<256xf32> to vector<256x1xf32>
    %sub3A_99 = vector.broadcast %broadcast_in_dim3A_98 : vector<256x1xf32> to vector<256x1536xf32>
    %sub3A_100 = arith.subf %select_n3A_95, %sub3A_99 : vector<256x1536xf32>
    %exp3A_101 = math.exp %sub3A_100 : vector<256x1536xf32>
    %reduce_sum3A_102 = arith.constant dense<0.000000e+00> : vector<256xf32>
    %reduce_sum3A_103 = vector.multi_reduction <add>, %exp3A_101, %reduce_sum3A_102 [1] : vector<256x1536xf32> to vector<256xf32>
    %broadcast_in_dim3A_104 = vector.shape_cast %reduce_sum3A_103 : vector<256xf32> to vector<256x1xf32>
    %div3A_105 = arith.constant 1.000000e+00 : f32
    %div3A_106 = vector.broadcast %div3A_105 : f32 to vector<256x1xf32>
    %div3A_107 = arith.divf %div3A_106, %broadcast_in_dim3A_104 : vector<256x1xf32>
    %get3A_108 = arith.constant 0 : index
    %get3A_109 = arith.constant 64 : index
    %get3A_110 = vector.load %arg4[%get3A_108, %get3A_109] : memref<1536x256xf32, #tpu.memory_space<vmem>>, vector<1536x64xf32>
    %dot_general3A_111 = arith.constant dense<0.000000e+00> : vector<256x64xf32>
    %dot_general3A_112 = tpu.matmul %exp3A_101, %get3A_110, %dot_general3A_111 {dimension_numbers = #tpu.dot_dimension_numbers<[1], [0], [0], [1], [0, 0, 1, 1], [], []>, transpose_lhs_hint = false} : vector<256x1536xf32>, vector<1536x64xf32>, vector<256x64xf32> -> vector<256x64xf32>
    %mul3A_113 = vector.broadcast %div3A_107 : vector<256x1xf32> to vector<256x64xf32>
    %mul3A_114 = arith.mulf %dot_general3A_112, %mul3A_113 : vector<256x64xf32>
    %get3A_115 = arith.constant 0 : index
    %get3A_116 = arith.constant 256 : index
    %get3A_117 = vector.load %arg2[%get3A_115, %get3A_116] : memref<256x768xf32, #tpu.memory_space<vmem>>, vector<256x64xf32>
    %get3A_118 = arith.constant 0 : index
    %get3A_119 = arith.constant 64 : index
    %get3A_120 = vector.load %arg3[%get3A_118, %get3A_119] : memref<1536x256xf32, #tpu.memory_space<vmem>>, vector<1536x64xf32>
    %dot_general3A_121 = arith.constant dense<0.000000e+00> : vector<256x1536xf32>
    %dot_general3A_122 = tpu.matmul %get3A_117, %get3A_120, %dot_general3A_121 {dimension_numbers = #tpu.dot_dimension_numbers<[1], [1], [0], [0], [0, 0, 1, 0], [], []>, transpose_lhs_hint = false} : vector<256x64xf32>, vector<1536x64xf32>, vector<256x1536xf32> -> vector<256x1536xf32>
    %jit3A_123 = arith.constant -1.000000e+30 : f32
    %broadcast_in_dim3A_124 = vector.broadcast %jit3A_123 : f32 to vector<256x1536xf32>
    %select_n3A_125 = arith.select %le3A, %dot_general3A_122, %broadcast_in_dim3A_124 : vector<256x1536xi1>, vector<256x1536xf32>
    %reduce_max3A_126 = arith.constant dense<0xFF800000> : vector<256xf32>
    %reduce_max3A_127 = vector.multi_reduction <maximumf>, %select_n3A_125, %reduce_max3A_126 [1] : vector<256x1536xf32> to vector<256xf32>
    %broadcast_in_dim3A_128 = vector.shape_cast %reduce_max3A_127 : vector<256xf32> to vector<256x1xf32>
    %sub3A_129 = vector.broadcast %broadcast_in_dim3A_128 : vector<256x1xf32> to vector<256x1536xf32>
    %sub3A_130 = arith.subf %select_n3A_125, %sub3A_129 : vector<256x1536xf32>
    %exp3A_131 = math.exp %sub3A_130 : vector<256x1536xf32>
    %reduce_sum3A_132 = arith.constant dense<0.000000e+00> : vector<256xf32>
    %reduce_sum3A_133 = vector.multi_reduction <add>, %exp3A_131, %reduce_sum3A_132 [1] : vector<256x1536xf32> to vector<256xf32>
    %broadcast_in_dim3A_134 = vector.shape_cast %reduce_sum3A_133 : vector<256xf32> to vector<256x1xf32>
    %div3A_135 = arith.constant 1.000000e+00 : f32
    %div3A_136 = vector.broadcast %div3A_135 : f32 to vector<256x1xf32>
    %div3A_137 = arith.divf %div3A_136, %broadcast_in_dim3A_134 : vector<256x1xf32>
    %get3A_138 = arith.constant 0 : index
    %get3A_139 = arith.constant 64 : index
    %get3A_140 = vector.load %arg4[%get3A_138, %get3A_139] : memref<1536x256xf32, #tpu.memory_space<vmem>>, vector<1536x64xf32>
    %dot_general3A_141 = arith.constant dense<0.000000e+00> : vector<256x64xf32>
    %dot_general3A_142 = tpu.matmul %exp3A_131, %get3A_140, %dot_general3A_141 {dimension_numbers = #tpu.dot_dimension_numbers<[1], [0], [0], [1], [0, 0, 1, 1], [], []>, transpose_lhs_hint = false} : vector<256x1536xf32>, vector<1536x64xf32>, vector<256x64xf32> -> vector<256x64xf32>
    %mul3A_143 = vector.broadcast %div3A_137 : vector<256x1xf32> to vector<256x64xf32>
    %mul3A_144 = arith.mulf %dot_general3A_142, %mul3A_143 : vector<256x64xf32>
    %get3A_145 = arith.constant 0 : index
    %get3A_146 = arith.constant 320 : index
    %get3A_147 = vector.load %arg2[%get3A_145, %get3A_146] : memref<256x768xf32, #tpu.memory_space<vmem>>, vector<256x64xf32>
    %get3A_148 = arith.constant 0 : index
    %get3A_149 = arith.constant 64 : index
    %get3A_150 = vector.load %arg3[%get3A_148, %get3A_149] : memref<1536x256xf32, #tpu.memory_space<vmem>>, vector<1536x64xf32>
    %dot_general3A_151 = arith.constant dense<0.000000e+00> : vector<256x1536xf32>
    %dot_general3A_152 = tpu.matmul %get3A_147, %get3A_150, %dot_general3A_151 {dimension_numbers = #tpu.dot_dimension_numbers<[1], [1], [0], [0], [0, 0, 1, 0], [], []>, transpose_lhs_hint = false} : vector<256x64xf32>, vector<1536x64xf32>, vector<256x1536xf32> -> vector<256x1536xf32>
    %jit3A_153 = arith.constant -1.000000e+30 : f32
    %broadcast_in_dim3A_154 = vector.broadcast %jit3A_153 : f32 to vector<256x1536xf32>
    %select_n3A_155 = arith.select %le3A, %dot_general3A_152, %broadcast_in_dim3A_154 : vector<256x1536xi1>, vector<256x1536xf32>
    %reduce_max3A_156 = arith.constant dense<0xFF800000> : vector<256xf32>
    %reduce_max3A_157 = vector.multi_reduction <maximumf>, %select_n3A_155, %reduce_max3A_156 [1] : vector<256x1536xf32> to vector<256xf32>
    %broadcast_in_dim3A_158 = vector.shape_cast %reduce_max3A_157 : vector<256xf32> to vector<256x1xf32>
    %sub3A_159 = vector.broadcast %broadcast_in_dim3A_158 : vector<256x1xf32> to vector<256x1536xf32>
    %sub3A_160 = arith.subf %select_n3A_155, %sub3A_159 : vector<256x1536xf32>
    %exp3A_161 = math.exp %sub3A_160 : vector<256x1536xf32>
    %reduce_sum3A_162 = arith.constant dense<0.000000e+00> : vector<256xf32>
    %reduce_sum3A_163 = vector.multi_reduction <add>, %exp3A_161, %reduce_sum3A_162 [1] : vector<256x1536xf32> to vector<256xf32>
    %broadcast_in_dim3A_164 = vector.shape_cast %reduce_sum3A_163 : vector<256xf32> to vector<256x1xf32>
    %div3A_165 = arith.constant 1.000000e+00 : f32
    %div3A_166 = vector.broadcast %div3A_165 : f32 to vector<256x1xf32>
    %div3A_167 = arith.divf %div3A_166, %broadcast_in_dim3A_164 : vector<256x1xf32>
    %get3A_168 = arith.constant 0 : index
    %get3A_169 = arith.constant 64 : index
    %get3A_170 = vector.load %arg4[%get3A_168, %get3A_169] : memref<1536x256xf32, #tpu.memory_space<vmem>>, vector<1536x64xf32>
    %dot_general3A_171 = arith.constant dense<0.000000e+00> : vector<256x64xf32>
    %dot_general3A_172 = tpu.matmul %exp3A_161, %get3A_170, %dot_general3A_171 {dimension_numbers = #tpu.dot_dimension_numbers<[1], [0], [0], [1], [0, 0, 1, 1], [], []>, transpose_lhs_hint = false} : vector<256x1536xf32>, vector<1536x64xf32>, vector<256x64xf32> -> vector<256x64xf32>
    %mul3A_173 = vector.broadcast %div3A_167 : vector<256x1xf32> to vector<256x64xf32>
    %mul3A_174 = arith.mulf %dot_general3A_172, %mul3A_173 : vector<256x64xf32>
    %get3A_175 = arith.constant 0 : index
    %get3A_176 = arith.constant 384 : index
    %get3A_177 = vector.load %arg2[%get3A_175, %get3A_176] : memref<256x768xf32, #tpu.memory_space<vmem>>, vector<256x64xf32>
    %get3A_178 = arith.constant 0 : index
    %get3A_179 = arith.constant 128 : index
    %get3A_180 = vector.load %arg3[%get3A_178, %get3A_179] : memref<1536x256xf32, #tpu.memory_space<vmem>>, vector<1536x64xf32>
    %dot_general3A_181 = arith.constant dense<0.000000e+00> : vector<256x1536xf32>
    %dot_general3A_182 = tpu.matmul %get3A_177, %get3A_180, %dot_general3A_181 {dimension_numbers = #tpu.dot_dimension_numbers<[1], [1], [0], [0], [0, 0, 1, 0], [], []>, transpose_lhs_hint = false} : vector<256x64xf32>, vector<1536x64xf32>, vector<256x1536xf32> -> vector<256x1536xf32>
    %jit3A_183 = arith.constant -1.000000e+30 : f32
    %broadcast_in_dim3A_184 = vector.broadcast %jit3A_183 : f32 to vector<256x1536xf32>
    %select_n3A_185 = arith.select %le3A, %dot_general3A_182, %broadcast_in_dim3A_184 : vector<256x1536xi1>, vector<256x1536xf32>
    %reduce_max3A_186 = arith.constant dense<0xFF800000> : vector<256xf32>
    %reduce_max3A_187 = vector.multi_reduction <maximumf>, %select_n3A_185, %reduce_max3A_186 [1] : vector<256x1536xf32> to vector<256xf32>
    %broadcast_in_dim3A_188 = vector.shape_cast %reduce_max3A_187 : vector<256xf32> to vector<256x1xf32>
    %sub3A_189 = vector.broadcast %broadcast_in_dim3A_188 : vector<256x1xf32> to vector<256x1536xf32>
    %sub3A_190 = arith.subf %select_n3A_185, %sub3A_189 : vector<256x1536xf32>
    %exp3A_191 = math.exp %sub3A_190 : vector<256x1536xf32>
    %reduce_sum3A_192 = arith.constant dense<0.000000e+00> : vector<256xf32>
    %reduce_sum3A_193 = vector.multi_reduction <add>, %exp3A_191, %reduce_sum3A_192 [1] : vector<256x1536xf32> to vector<256xf32>
    %broadcast_in_dim3A_194 = vector.shape_cast %reduce_sum3A_193 : vector<256xf32> to vector<256x1xf32>
    %div3A_195 = arith.constant 1.000000e+00 : f32
    %div3A_196 = vector.broadcast %div3A_195 : f32 to vector<256x1xf32>
    %div3A_197 = arith.divf %div3A_196, %broadcast_in_dim3A_194 : vector<256x1xf32>
    %get3A_198 = arith.constant 0 : index
    %get3A_199 = arith.constant 128 : index
    %get3A_200 = vector.load %arg4[%get3A_198, %get3A_199] : memref<1536x256xf32, #tpu.memory_space<vmem>>, vector<1536x64xf32>
    %dot_general3A_201 = arith.constant dense<0.000000e+00> : vector<256x64xf32>
    %dot_general3A_202 = tpu.matmul %exp3A_191, %get3A_200, %dot_general3A_201 {dimension_numbers = #tpu.dot_dimension_numbers<[1], [0], [0], [1], [0, 0, 1, 1], [], []>, transpose_lhs_hint = false} : vector<256x1536xf32>, vector<1536x64xf32>, vector<256x64xf32> -> vector<256x64xf32>
    %mul3A_203 = vector.broadcast %div3A_197 : vector<256x1xf32> to vector<256x64xf32>
    %mul3A_204 = arith.mulf %dot_general3A_202, %mul3A_203 : vector<256x64xf32>
    %get3A_205 = arith.constant 0 : index
    %get3A_206 = arith.constant 448 : index
    %get3A_207 = vector.load %arg2[%get3A_205, %get3A_206] : memref<256x768xf32, #tpu.memory_space<vmem>>, vector<256x64xf32>
    %get3A_208 = arith.constant 0 : index
    %get3A_209 = arith.constant 128 : index
    %get3A_210 = vector.load %arg3[%get3A_208, %get3A_209] : memref<1536x256xf32, #tpu.memory_space<vmem>>, vector<1536x64xf32>
    %dot_general3A_211 = arith.constant dense<0.000000e+00> : vector<256x1536xf32>
    %dot_general3A_212 = tpu.matmul %get3A_207, %get3A_210, %dot_general3A_211 {dimension_numbers = #tpu.dot_dimension_numbers<[1], [1], [0], [0], [0, 0, 1, 0], [], []>, transpose_lhs_hint = false} : vector<256x64xf32>, vector<1536x64xf32>, vector<256x1536xf32> -> vector<256x1536xf32>
    %jit3A_213 = arith.constant -1.000000e+30 : f32
    %broadcast_in_dim3A_214 = vector.broadcast %jit3A_213 : f32 to vector<256x1536xf32>
    %select_n3A_215 = arith.select %le3A, %dot_general3A_212, %broadcast_in_dim3A_214 : vector<256x1536xi1>, vector<256x1536xf32>
    %reduce_max3A_216 = arith.constant dense<0xFF800000> : vector<256xf32>
    %reduce_max3A_217 = vector.multi_reduction <maximumf>, %select_n3A_215, %reduce_max3A_216 [1] : vector<256x1536xf32> to vector<256xf32>
    %broadcast_in_dim3A_218 = vector.shape_cast %reduce_max3A_217 : vector<256xf32> to vector<256x1xf32>
    %sub3A_219 = vector.broadcast %broadcast_in_dim3A_218 : vector<256x1xf32> to vector<256x1536xf32>
    %sub3A_220 = arith.subf %select_n3A_215, %sub3A_219 : vector<256x1536xf32>
    %exp3A_221 = math.exp %sub3A_220 : vector<256x1536xf32>
    %reduce_sum3A_222 = arith.constant dense<0.000000e+00> : vector<256xf32>
    %reduce_sum3A_223 = vector.multi_reduction <add>, %exp3A_221, %reduce_sum3A_222 [1] : vector<256x1536xf32> to vector<256xf32>
    %broadcast_in_dim3A_224 = vector.shape_cast %reduce_sum3A_223 : vector<256xf32> to vector<256x1xf32>
    %div3A_225 = arith.constant 1.000000e+00 : f32
    %div3A_226 = vector.broadcast %div3A_225 : f32 to vector<256x1xf32>
    %div3A_227 = arith.divf %div3A_226, %broadcast_in_dim3A_224 : vector<256x1xf32>
    %get3A_228 = arith.constant 0 : index
    %get3A_229 = arith.constant 128 : index
    %get3A_230 = vector.load %arg4[%get3A_228, %get3A_229] : memref<1536x256xf32, #tpu.memory_space<vmem>>, vector<1536x64xf32>
    %dot_general3A_231 = arith.constant dense<0.000000e+00> : vector<256x64xf32>
    %dot_general3A_232 = tpu.matmul %exp3A_221, %get3A_230, %dot_general3A_231 {dimension_numbers = #tpu.dot_dimension_numbers<[1], [0], [0], [1], [0, 0, 1, 1], [], []>, transpose_lhs_hint = false} : vector<256x1536xf32>, vector<1536x64xf32>, vector<256x64xf32> -> vector<256x64xf32>
    %mul3A_233 = vector.broadcast %div3A_227 : vector<256x1xf32> to vector<256x64xf32>
    %mul3A_234 = arith.mulf %dot_general3A_232, %mul3A_233 : vector<256x64xf32>
    %get3A_235 = arith.constant 0 : index
    %get3A_236 = arith.constant 512 : index
    %get3A_237 = vector.load %arg2[%get3A_235, %get3A_236] : memref<256x768xf32, #tpu.memory_space<vmem>>, vector<256x64xf32>
    %get3A_238 = arith.constant 0 : index
    %get3A_239 = arith.constant 128 : index
    %get3A_240 = vector.load %arg3[%get3A_238, %get3A_239] : memref<1536x256xf32, #tpu.memory_space<vmem>>, vector<1536x64xf32>
    %dot_general3A_241 = arith.constant dense<0.000000e+00> : vector<256x1536xf32>
    %dot_general3A_242 = tpu.matmul %get3A_237, %get3A_240, %dot_general3A_241 {dimension_numbers = #tpu.dot_dimension_numbers<[1], [1], [0], [0], [0, 0, 1, 0], [], []>, transpose_lhs_hint = false} : vector<256x64xf32>, vector<1536x64xf32>, vector<256x1536xf32> -> vector<256x1536xf32>
    %jit3A_243 = arith.constant -1.000000e+30 : f32
    %broadcast_in_dim3A_244 = vector.broadcast %jit3A_243 : f32 to vector<256x1536xf32>
    %select_n3A_245 = arith.select %le3A, %dot_general3A_242, %broadcast_in_dim3A_244 : vector<256x1536xi1>, vector<256x1536xf32>
    %reduce_max3A_246 = arith.constant dense<0xFF800000> : vector<256xf32>
    %reduce_max3A_247 = vector.multi_reduction <maximumf>, %select_n3A_245, %reduce_max3A_246 [1] : vector<256x1536xf32> to vector<256xf32>
    %broadcast_in_dim3A_248 = vector.shape_cast %reduce_max3A_247 : vector<256xf32> to vector<256x1xf32>
    %sub3A_249 = vector.broadcast %broadcast_in_dim3A_248 : vector<256x1xf32> to vector<256x1536xf32>
    %sub3A_250 = arith.subf %select_n3A_245, %sub3A_249 : vector<256x1536xf32>
    %exp3A_251 = math.exp %sub3A_250 : vector<256x1536xf32>
    %reduce_sum3A_252 = arith.constant dense<0.000000e+00> : vector<256xf32>
    %reduce_sum3A_253 = vector.multi_reduction <add>, %exp3A_251, %reduce_sum3A_252 [1] : vector<256x1536xf32> to vector<256xf32>
    %broadcast_in_dim3A_254 = vector.shape_cast %reduce_sum3A_253 : vector<256xf32> to vector<256x1xf32>
    %div3A_255 = arith.constant 1.000000e+00 : f32
    %div3A_256 = vector.broadcast %div3A_255 : f32 to vector<256x1xf32>
    %div3A_257 = arith.divf %div3A_256, %broadcast_in_dim3A_254 : vector<256x1xf32>
    %get3A_258 = arith.constant 0 : index
    %get3A_259 = arith.constant 128 : index
    %get3A_260 = vector.load %arg4[%get3A_258, %get3A_259] : memref<1536x256xf32, #tpu.memory_space<vmem>>, vector<1536x64xf32>
    %dot_general3A_261 = arith.constant dense<0.000000e+00> : vector<256x64xf32>
    %dot_general3A_262 = tpu.matmul %exp3A_251, %get3A_260, %dot_general3A_261 {dimension_numbers = #tpu.dot_dimension_numbers<[1], [0], [0], [1], [0, 0, 1, 1], [], []>, transpose_lhs_hint = false} : vector<256x1536xf32>, vector<1536x64xf32>, vector<256x64xf32> -> vector<256x64xf32>
    %mul3A_263 = vector.broadcast %div3A_257 : vector<256x1xf32> to vector<256x64xf32>
    %mul3A_264 = arith.mulf %dot_general3A_262, %mul3A_263 : vector<256x64xf32>
    %get3A_265 = arith.constant 0 : index
    %get3A_266 = arith.constant 576 : index
    %get3A_267 = vector.load %arg2[%get3A_265, %get3A_266] : memref<256x768xf32, #tpu.memory_space<vmem>>, vector<256x64xf32>
    %get3A_268 = arith.constant 0 : index
    %get3A_269 = arith.constant 192 : index
    %get3A_270 = vector.load %arg3[%get3A_268, %get3A_269] : memref<1536x256xf32, #tpu.memory_space<vmem>>, vector<1536x64xf32>
    %dot_general3A_271 = arith.constant dense<0.000000e+00> : vector<256x1536xf32>
    %dot_general3A_272 = tpu.matmul %get3A_267, %get3A_270, %dot_general3A_271 {dimension_numbers = #tpu.dot_dimension_numbers<[1], [1], [0], [0], [0, 0, 1, 0], [], []>, transpose_lhs_hint = false} : vector<256x64xf32>, vector<1536x64xf32>, vector<256x1536xf32> -> vector<256x1536xf32>
    %jit3A_273 = arith.constant -1.000000e+30 : f32
    %broadcast_in_dim3A_274 = vector.broadcast %jit3A_273 : f32 to vector<256x1536xf32>
    %select_n3A_275 = arith.select %le3A, %dot_general3A_272, %broadcast_in_dim3A_274 : vector<256x1536xi1>, vector<256x1536xf32>
    %reduce_max3A_276 = arith.constant dense<0xFF800000> : vector<256xf32>
    %reduce_max3A_277 = vector.multi_reduction <maximumf>, %select_n3A_275, %reduce_max3A_276 [1] : vector<256x1536xf32> to vector<256xf32>
    %broadcast_in_dim3A_278 = vector.shape_cast %reduce_max3A_277 : vector<256xf32> to vector<256x1xf32>
    %sub3A_279 = vector.broadcast %broadcast_in_dim3A_278 : vector<256x1xf32> to vector<256x1536xf32>
    %sub3A_280 = arith.subf %select_n3A_275, %sub3A_279 : vector<256x1536xf32>
    %exp3A_281 = math.exp %sub3A_280 : vector<256x1536xf32>
    %reduce_sum3A_282 = arith.constant dense<0.000000e+00> : vector<256xf32>
    %reduce_sum3A_283 = vector.multi_reduction <add>, %exp3A_281, %reduce_sum3A_282 [1] : vector<256x1536xf32> to vector<256xf32>
    %broadcast_in_dim3A_284 = vector.shape_cast %reduce_sum3A_283 : vector<256xf32> to vector<256x1xf32>
    %div3A_285 = arith.constant 1.000000e+00 : f32
    %div3A_286 = vector.broadcast %div3A_285 : f32 to vector<256x1xf32>
    %div3A_287 = arith.divf %div3A_286, %broadcast_in_dim3A_284 : vector<256x1xf32>
    %get3A_288 = arith.constant 0 : index
    %get3A_289 = arith.constant 192 : index
    %get3A_290 = vector.load %arg4[%get3A_288, %get3A_289] : memref<1536x256xf32, #tpu.memory_space<vmem>>, vector<1536x64xf32>
    %dot_general3A_291 = arith.constant dense<0.000000e+00> : vector<256x64xf32>
    %dot_general3A_292 = tpu.matmul %exp3A_281, %get3A_290, %dot_general3A_291 {dimension_numbers = #tpu.dot_dimension_numbers<[1], [0], [0], [1], [0, 0, 1, 1], [], []>, transpose_lhs_hint = false} : vector<256x1536xf32>, vector<1536x64xf32>, vector<256x64xf32> -> vector<256x64xf32>
    %mul3A_293 = vector.broadcast %div3A_287 : vector<256x1xf32> to vector<256x64xf32>
    %mul3A_294 = arith.mulf %dot_general3A_292, %mul3A_293 : vector<256x64xf32>
    %get3A_295 = arith.constant 0 : index
    %get3A_296 = arith.constant 640 : index
    %get3A_297 = vector.load %arg2[%get3A_295, %get3A_296] : memref<256x768xf32, #tpu.memory_space<vmem>>, vector<256x64xf32>
    %get3A_298 = arith.constant 0 : index
    %get3A_299 = arith.constant 192 : index
    %get3A_300 = vector.load %arg3[%get3A_298, %get3A_299] : memref<1536x256xf32, #tpu.memory_space<vmem>>, vector<1536x64xf32>
    %dot_general3A_301 = arith.constant dense<0.000000e+00> : vector<256x1536xf32>
    %dot_general3A_302 = tpu.matmul %get3A_297, %get3A_300, %dot_general3A_301 {dimension_numbers = #tpu.dot_dimension_numbers<[1], [1], [0], [0], [0, 0, 1, 0], [], []>, transpose_lhs_hint = false} : vector<256x64xf32>, vector<1536x64xf32>, vector<256x1536xf32> -> vector<256x1536xf32>
    %jit3A_303 = arith.constant -1.000000e+30 : f32
    %broadcast_in_dim3A_304 = vector.broadcast %jit3A_303 : f32 to vector<256x1536xf32>
    %select_n3A_305 = arith.select %le3A, %dot_general3A_302, %broadcast_in_dim3A_304 : vector<256x1536xi1>, vector<256x1536xf32>
    %reduce_max3A_306 = arith.constant dense<0xFF800000> : vector<256xf32>
    %reduce_max3A_307 = vector.multi_reduction <maximumf>, %select_n3A_305, %reduce_max3A_306 [1] : vector<256x1536xf32> to vector<256xf32>
    %broadcast_in_dim3A_308 = vector.shape_cast %reduce_max3A_307 : vector<256xf32> to vector<256x1xf32>
    %sub3A_309 = vector.broadcast %broadcast_in_dim3A_308 : vector<256x1xf32> to vector<256x1536xf32>
    %sub3A_310 = arith.subf %select_n3A_305, %sub3A_309 : vector<256x1536xf32>
    %exp3A_311 = math.exp %sub3A_310 : vector<256x1536xf32>
    %reduce_sum3A_312 = arith.constant dense<0.000000e+00> : vector<256xf32>
    %reduce_sum3A_313 = vector.multi_reduction <add>, %exp3A_311, %reduce_sum3A_312 [1] : vector<256x1536xf32> to vector<256xf32>
    %broadcast_in_dim3A_314 = vector.shape_cast %reduce_sum3A_313 : vector<256xf32> to vector<256x1xf32>
    %div3A_315 = arith.constant 1.000000e+00 : f32
    %div3A_316 = vector.broadcast %div3A_315 : f32 to vector<256x1xf32>
    %div3A_317 = arith.divf %div3A_316, %broadcast_in_dim3A_314 : vector<256x1xf32>
    %get3A_318 = arith.constant 0 : index
    %get3A_319 = arith.constant 192 : index
    %get3A_320 = vector.load %arg4[%get3A_318, %get3A_319] : memref<1536x256xf32, #tpu.memory_space<vmem>>, vector<1536x64xf32>
    %dot_general3A_321 = arith.constant dense<0.000000e+00> : vector<256x64xf32>
    %dot_general3A_322 = tpu.matmul %exp3A_311, %get3A_320, %dot_general3A_321 {dimension_numbers = #tpu.dot_dimension_numbers<[1], [0], [0], [1], [0, 0, 1, 1], [], []>, transpose_lhs_hint = false} : vector<256x1536xf32>, vector<1536x64xf32>, vector<256x64xf32> -> vector<256x64xf32>
    %mul3A_323 = vector.broadcast %div3A_317 : vector<256x1xf32> to vector<256x64xf32>
    %mul3A_324 = arith.mulf %dot_general3A_322, %mul3A_323 : vector<256x64xf32>
    %get3A_325 = arith.constant 0 : index
    %get3A_326 = arith.constant 704 : index
    %get3A_327 = vector.load %arg2[%get3A_325, %get3A_326] : memref<256x768xf32, #tpu.memory_space<vmem>>, vector<256x64xf32>
    %get3A_328 = arith.constant 0 : index
    %get3A_329 = arith.constant 192 : index
    %get3A_330 = vector.load %arg3[%get3A_328, %get3A_329] : memref<1536x256xf32, #tpu.memory_space<vmem>>, vector<1536x64xf32>
    %dot_general3A_331 = arith.constant dense<0.000000e+00> : vector<256x1536xf32>
    %dot_general3A_332 = tpu.matmul %get3A_327, %get3A_330, %dot_general3A_331 {dimension_numbers = #tpu.dot_dimension_numbers<[1], [1], [0], [0], [0, 0, 1, 0], [], []>, transpose_lhs_hint = false} : vector<256x64xf32>, vector<1536x64xf32>, vector<256x1536xf32> -> vector<256x1536xf32>
    %jit3A_333 = arith.constant -1.000000e+30 : f32
    %broadcast_in_dim3A_334 = vector.broadcast %jit3A_333 : f32 to vector<256x1536xf32>
    %select_n3A_335 = arith.select %le3A, %dot_general3A_332, %broadcast_in_dim3A_334 : vector<256x1536xi1>, vector<256x1536xf32>
    %reduce_max3A_336 = arith.constant dense<0xFF800000> : vector<256xf32>
    %reduce_max3A_337 = vector.multi_reduction <maximumf>, %select_n3A_335, %reduce_max3A_336 [1] : vector<256x1536xf32> to vector<256xf32>
    %broadcast_in_dim3A_338 = vector.shape_cast %reduce_max3A_337 : vector<256xf32> to vector<256x1xf32>
    %sub3A_339 = vector.broadcast %broadcast_in_dim3A_338 : vector<256x1xf32> to vector<256x1536xf32>
    %sub3A_340 = arith.subf %select_n3A_335, %sub3A_339 : vector<256x1536xf32>
    %exp3A_341 = math.exp %sub3A_340 : vector<256x1536xf32>
    %reduce_sum3A_342 = arith.constant dense<0.000000e+00> : vector<256xf32>
    %reduce_sum3A_343 = vector.multi_reduction <add>, %exp3A_341, %reduce_sum3A_342 [1] : vector<256x1536xf32> to vector<256xf32>
    %broadcast_in_dim3A_344 = vector.shape_cast %reduce_sum3A_343 : vector<256xf32> to vector<256x1xf32>
    %div3A_345 = arith.constant 1.000000e+00 : f32
    %div3A_346 = vector.broadcast %div3A_345 : f32 to vector<256x1xf32>
    %div3A_347 = arith.divf %div3A_346, %broadcast_in_dim3A_344 : vector<256x1xf32>
    %get3A_348 = arith.constant 0 : index
    %get3A_349 = arith.constant 192 : index
    %get3A_350 = vector.load %arg4[%get3A_348, %get3A_349] : memref<1536x256xf32, #tpu.memory_space<vmem>>, vector<1536x64xf32>
    %dot_general3A_351 = arith.constant dense<0.000000e+00> : vector<256x64xf32>
    %dot_general3A_352 = tpu.matmul %exp3A_341, %get3A_350, %dot_general3A_351 {dimension_numbers = #tpu.dot_dimension_numbers<[1], [0], [0], [1], [0, 0, 1, 1], [], []>, transpose_lhs_hint = false} : vector<256x1536xf32>, vector<1536x64xf32>, vector<256x64xf32> -> vector<256x64xf32>
    %mul3A_353 = vector.broadcast %div3A_347 : vector<256x1xf32> to vector<256x64xf32>
    %mul3A_354 = arith.mulf %dot_general3A_352, %mul3A_353 : vector<256x64xf32>
    %concatenate3A = tpu.concatenate %mul3A_24, %mul3A_54, %mul3A_84, %mul3A_114, %mul3A_144, %mul3A_174, %mul3A_204, %mul3A_234, %mul3A_264, %mul3A_294, %mul3A_324, %mul3A_354 in 1 : vector<256x64xf32>, vector<256x64xf32>, vector<256x64xf32>, vector<256x64xf32>, vector<256x64xf32>, vector<256x64xf32>, vector<256x64xf32>, vector<256x64xf32>, vector<256x64xf32>, vector<256x64xf32>, vector<256x64xf32>, vector<256x64xf32> -> vector<256x768xf32>
    %get3A_355 = arith.constant 0 : index
    %get3A_356 = arith.constant 0 : index
    %get3A_357 = vector.load %arg6[%get3A_355, %get3A_356] : memref<768x768xf32, #tpu.memory_space<vmem>>, vector<768x768xf32>
    %dot_general3A_358 = arith.constant dense<0.000000e+00> : vector<256x768xf32>
    %dot_general3A_359 = tpu.matmul %concatenate3A, %get3A_357, %dot_general3A_358 {dimension_numbers = #tpu.dot_dimension_numbers<[1], [0], [0], [1], [0, 0, 1, 1], [], []>, transpose_lhs_hint = false} : vector<256x768xf32>, vector<768x768xf32>, vector<256x768xf32> -> vector<256x768xf32>
    %get3A_360 = arith.constant 0 : index
    %get3A_361 = arith.constant 0 : index
    %get3A_362 = vector.load %arg5[%get3A_360, %get3A_361] : memref<256x768xf32, #tpu.memory_space<vmem>>, vector<256x768xf32>
    %add3A_363 = arith.addf %dot_general3A_359, %get3A_362 : vector<256x768xf32>
    %swap3A = arith.constant 0 : index
    %swap3A_364 = arith.constant 0 : index
    %swap3A_365 = vector.load %arg9[%swap3A, %swap3A_364] : memref<256x768xf32, #tpu.memory_space<vmem>>, vector<256x768xf32>
    tpu.vector_store %arg9[%swap3A, %swap3A_364], %add3A_363 {strides = array<i32>} : memref<256x768xf32, #tpu.memory_space<vmem>>, vector<256x768xf32>,
    %get3A_366 = arith.constant 0 : index
    %get3A_367 = arith.constant 0 : index
    %get3A_368 = vector.load %arg7[%get3A_366, %get3A_367] : memref<1x768xf32, #tpu.memory_space<vmem>>, vector<1x768xf32>
    %get3A_369 = vector.shape_cast %get3A_368 : vector<1x768xf32> to vector<768xf32>
    %mul3A_370 = arith.mulf %add3A_363, %add3A_363 : vector<256x768xf32>
    %reduce_sum3A_371 = arith.constant dense<0.000000e+00> : vector<256xf32>
    %reduce_sum3A_372 = vector.multi_reduction <add>, %mul3A_370, %reduce_sum3A_371 [1] : vector<256x768xf32> to vector<256xf32>
    %broadcast_in_dim3A_373 = vector.shape_cast %reduce_sum3A_372 : vector<256xf32> to vector<256x1xf32>
    %div3A_374 = arith.constant 7.680000e+02 : f32
    %div3A_375 = vector.broadcast %div3A_374 : f32 to vector<256x1xf32>
    %div3A_376 = arith.divf %broadcast_in_dim3A_373, %div3A_375 : vector<256x1xf32>
    %add3A_377 = arith.constant 9.99999997E-7 : f32
    %add3A_378 = vector.broadcast %add3A_377 : f32 to vector<256x1xf32>
    %add3A_379 = arith.addf %div3A_376, %add3A_378 : vector<256x1xf32>
    %rsqrt3A = math.rsqrt %add3A_379 : vector<256x1xf32>
    %mul3A_380 = vector.broadcast %rsqrt3A : vector<256x1xf32> to vector<256x768xf32>
    %mul3A_381 = arith.mulf %add3A_363, %mul3A_380 : vector<256x768xf32>
    %broadcast_in_dim3A_382 = vector.shape_cast %get3A_369 : vector<768xf32> to vector<1x768xf32>
    %mul3A_383 = vector.broadcast %broadcast_in_dim3A_382 : vector<1x768xf32> to vector<256x768xf32>
    %mul3A_384 = arith.mulf %mul3A_381, %mul3A_383 : vector<256x768xf32>
    %get3A_385 = arith.constant 0 : index
    %get3A_386 = arith.constant 0 : index
    %get3A_387 = vector.load %arg8[%get3A_385, %get3A_386] : memref<768x128xf32, #tpu.memory_space<vmem>>, vector<768x128xf32>
    %dot_general3A_388 = arith.constant dense<0.000000e+00> : vector<256x128xf32>
    %dot_general3A_389 = tpu.matmul %mul3A_384, %get3A_387, %dot_general3A_388 {dimension_numbers = #tpu.dot_dimension_numbers<[1], [0], [0], [1], [0, 0, 1, 1], [], []>, transpose_lhs_hint = false} : vector<256x768xf32>, vector<768x128xf32>, vector<256x128xf32> -> vector<256x128xf32>
    %iota3A_390 = tpu.iota {dimensions = array<i32: 1>} : vector<256x128xi32>
    %lt3A = arith.constant 8 : i32
    %lt3A_391 = vector.broadcast %lt3A : i32 to vector<256x128xi32>
    %lt3A_392 = arith.cmpi slt, %iota3A_390, %lt3A_391 : vector<256x128xi32>
    %jit3A_393 = arith.constant -1.000000e+30 : f32
    %broadcast_in_dim3A_394 = vector.broadcast %jit3A_393 : f32 to vector<256x128xf32>
    %select_n3A_395 = arith.select %lt3A_392, %dot_general3A_389, %broadcast_in_dim3A_394 : vector<256x128xi1>, vector<256x128xf32>
    %reduce_max3A_396 = arith.constant dense<0xFF800000> : vector<256xf32>
    %reduce_max3A_397 = vector.multi_reduction <maximumf>, %select_n3A_395, %reduce_max3A_396 [1] : vector<256x128xf32> to vector<256xf32>
    %broadcast_in_dim3A_398 = vector.shape_cast %reduce_max3A_397 : vector<256xf32> to vector<256x1xf32>
    %eq3A = vector.broadcast %broadcast_in_dim3A_398 : vector<256x1xf32> to vector<256x128xf32>
    %eq3A_399 = arith.cmpf oeq, %select_n3A_395, %eq3A : vector<256x128xf32>
    %jit3A_400 = arith.constant 1073741824 : i32
    %broadcast_in_dim3A_401 = vector.broadcast %jit3A_400 : i32 to vector<256x128xi32>
    %select_n3A_402 = arith.select %eq3A_399, %iota3A_390, %broadcast_in_dim3A_401 : vector<256x128xi1>, vector<256x128xi32>
    %reduce_min3A = arith.constant dense<2147483647> : vector<256xi32>
    %reduce_min3A_403 = vector.multi_reduction <minsi>, %select_n3A_402, %reduce_min3A [1] : vector<256x128xi32> to vector<256xi32>
    %swap3A_404 = arith.constant 0 : index
    %swap3A_405 = arith.constant 0 : index
    %swap3A_406 = arith.constant 0 : index
    %swap3A_407 = vector.load %arg10[%swap3A_404, %swap3A_405, %swap3A_406] : memref<1x1x256xi32, #tpu.memory_space<vmem>>, vector<1x1x256xi32>
    %swap3A_408 = vector.shape_cast %swap3A_407 : vector<1x1x256xi32> to vector<256xi32>
    %swap3A_409 = vector.shape_cast %reduce_min3A_403 : vector<256xi32> to vector<1x1x256xi32>
    tpu.vector_store %arg10[%swap3A_404, %swap3A_405, %swap3A_406], %swap3A_409 {strides = array<i32>} : memref<1x1x256xi32, #tpu.memory_space<vmem>>, vector<1x1x256xi32>,
    return
  }
  func.func @transform_0(%arg0: i32) -> (i32, i32) {
    %c0_i32 = arith.constant 0 : i32
    %c0_i32_0 = arith.constant 0 : i32
    %c0_i32_1 = arith.constant 0 : i32
    return %c0_i32, %c0_i32_0 : i32, i32
  }
  func.func @transform_1(%arg0: i32) -> (i32, i32) {
    %add3A = arith.constant 4 : i32
    %add3A_0 = arith.addi %add3A, %arg0 : i32
    %c0_i32 = arith.constant 0 : i32
    %c0_i32_1 = arith.constant 0 : i32
    return %add3A_0, %c0_i32 : i32, i32
  }
  func.func @transform_2(%arg0: i32) -> (i32, i32) {
    %c0_i32 = arith.constant 0 : i32
    %c0_i32_0 = arith.constant 0 : i32
    %c0_i32_1 = arith.constant 0 : i32
    return %c0_i32, %c0_i32_0 : i32, i32
  }
  func.func @transform_3(%arg0: i32) -> (i32, i32) {
    %c0_i32 = arith.constant 0 : i32
    %c0_i32_0 = arith.constant 0 : i32
    %c0_i32_1 = arith.constant 0 : i32
    return %c0_i32, %c0_i32_0 : i32, i32
  }
  func.func @transform_4(%arg0: i32) -> (i32, i32) {
    %add3A = arith.constant 4 : i32
    %add3A_0 = arith.addi %add3A, %arg0 : i32
    %c0_i32 = arith.constant 0 : i32
    %c0_i32_1 = arith.constant 0 : i32
    return %add3A_0, %c0_i32 : i32, i32
  }
  func.func @transform_5(%arg0: i32) -> (i32, i32) {
    %c0_i32 = arith.constant 0 : i32
    %c0_i32_0 = arith.constant 0 : i32
    %c0_i32_1 = arith.constant 0 : i32
    return %c0_i32, %c0_i32_0 : i32, i32
  }
  func.func @transform_6(%arg0: i32) -> (i32, i32) {
    %c0_i32 = arith.constant 0 : i32
    %c0_i32_0 = arith.constant 0 : i32
    %c0_i32_1 = arith.constant 0 : i32
    return %c0_i32, %c0_i32_0 : i32, i32
  }
  func.func @transform_7(%arg0: i32) -> (i32, i32) {
    %c0_i32 = arith.constant 0 : i32
    %c0_i32_0 = arith.constant 0 : i32
    %c0_i32_1 = arith.constant 0 : i32
    return %c0_i32, %c0_i32_0 : i32, i32
  }
  func.func @transform_8(%arg0: i32) -> (i32, i32) {
    %add3A = arith.constant 4 : i32
    %add3A_0 = arith.addi %add3A, %arg0 : i32
    %c0_i32 = arith.constant 0 : i32
    %c0_i32_1 = arith.constant 0 : i32
    return %add3A_0, %c0_i32 : i32, i32
  }
  func.func @transform_9(%arg0: i32) -> (i32, i32, i32) {
    %c0_i32 = arith.constant 0 : i32
    %c0_i32_0 = arith.constant 0 : i32
    %c0_i32_1 = arith.constant 0 : i32
    return %arg0, %c0_i32, %c0_i32_0 : i32, i32, i32
  }
}

module attributes {stable_mosaic.version = 14 : i64} {
  func.func @_k23_body(%arg0: i32, %arg1: memref<8x128xf32, #tpu.memory_space<vmem>>, %arg2: memref<256x768xf32, #tpu.memory_space<vmem>>, %arg3: memref<2048x256xf32, #tpu.memory_space<vmem>>, %arg4: memref<2048x256xf32, #tpu.memory_space<vmem>>, %arg5: memref<256x768xf32, #tpu.memory_space<vmem>>, %arg6: memref<768x768xf32, #tpu.memory_space<vmem>>, %arg7: memref<1x768xf32, #tpu.memory_space<vmem>>, %arg8: memref<768x128xf32, #tpu.memory_space<vmem>>, %arg9: memref<256x768xf32, #tpu.memory_space<vmem>>, %arg10: memref<1x1x256xi32, #tpu.memory_space<vmem>>) attributes {dimension_semantics = [#tpu.dimension_semantics<arbitrary>], iteration_bounds = array<i64: 2>, scalar_prefetch = 0 : i64, scratch_operands = 0 : i64, tpu.core_type = #tpu.core_type<tc>, window_params = [{transform_indices = @transform_0, window_bounds = array<i64: 8, 128>}, {transform_indices = @transform_1, window_bounds = array<i64: 256, 768>}, {pipeline_mode = #tpu.pipeline_mode<synchronous>, transform_indices = @transform_2, window_bounds = array<i64: 2048, 256>}, {pipeline_mode = #tpu.pipeline_mode<synchronous>, transform_indices = @transform_3, window_bounds = array<i64: 2048, 256>}, {transform_indices = @transform_4, window_bounds = array<i64: 256, 768>}, {pipeline_mode = #tpu.pipeline_mode<synchronous>, transform_indices = @transform_5, window_bounds = array<i64: 768, 768>}, {pipeline_mode = #tpu.pipeline_mode<synchronous>, transform_indices = @transform_6, window_bounds = array<i64: 1, 768>}, {pipeline_mode = #tpu.pipeline_mode<synchronous>, transform_indices = @transform_7, window_bounds = array<i64: 768, 128>}, {transform_indices = @transform_8, window_bounds = array<i64: 256, 768>}, {transform_indices = @transform_9, window_bounds = array<i64: 1, 1, 256>}]} {
    %add3A = arith.constant 6 : i32
    %add3A_0 = arith.addi %add3A, %arg0 : i32
    %mul3A = arith.constant 256 : i32
    %mul3A_1 = arith.muli %add3A_0, %mul3A : i32
    %iota3A = tpu.iota {dimensions = array<i32: 0>} : vector<256x2048xi32>
    %add3A_2 = vector.broadcast %mul3A_1 : i32 to vector<256x2048xi32>
    %add3A_3 = arith.addi %add3A_2, %iota3A : vector<256x2048xi32>
    %iota3A_4 = tpu.iota {dimensions = array<i32: 1>} : vector<256x2048xi32>
    %le3A = arith.cmpi sle, %iota3A_4, %add3A_3 : vector<256x2048xi32>
    %get3A = arith.constant 0 : index
    %get3A_5 = arith.constant 0 : index
    %get3A_6 = vector.load %arg2[%get3A, %get3A_5] : memref<256x768xf32, #tpu.memory_space<vmem>>, vector<256x64xf32>
    %get3A_7 = arith.constant 0 : index
    %get3A_8 = arith.constant 0 : index
    %get3A_9 = vector.load %arg3[%get3A_7, %get3A_8] : memref<2048x256xf32, #tpu.memory_space<vmem>>, vector<2048x64xf32>
    %dot_general3A = arith.constant dense<0.000000e+00> : vector<256x2048xf32>
    %dot_general3A_10 = tpu.matmul %get3A_6, %get3A_9, %dot_general3A {dimension_numbers = #tpu.dot_dimension_numbers<[1], [1], [0], [0], [0, 0, 1, 0], [], []>, transpose_lhs_hint = false} : vector<256x64xf32>, vector<2048x64xf32>, vector<256x2048xf32> -> vector<256x2048xf32>
    %jit3A = arith.constant -1.000000e+30 : f32
    %broadcast_in_dim3A = vector.broadcast %jit3A : f32 to vector<256x2048xf32>
    %select_n3A = arith.select %le3A, %dot_general3A_10, %broadcast_in_dim3A : vector<256x2048xi1>, vector<256x2048xf32>
    %reduce_max3A = arith.constant dense<0xFF800000> : vector<256xf32>
    %reduce_max3A_11 = vector.multi_reduction <maximumf>, %select_n3A, %reduce_max3A [1] : vector<256x2048xf32> to vector<256xf32>
    %broadcast_in_dim3A_12 = vector.shape_cast %reduce_max3A_11 : vector<256xf32> to vector<256x1xf32>
    %sub3A = vector.broadcast %broadcast_in_dim3A_12 : vector<256x1xf32> to vector<256x2048xf32>
    %sub3A_13 = arith.subf %select_n3A, %sub3A : vector<256x2048xf32>
    %exp3A = math.exp %sub3A_13 : vector<256x2048xf32>
    %reduce_sum3A = arith.constant dense<0.000000e+00> : vector<256xf32>
    %reduce_sum3A_14 = vector.multi_reduction <add>, %exp3A, %reduce_sum3A [1] : vector<256x2048xf32> to vector<256xf32>
    %broadcast_in_dim3A_15 = vector.shape_cast %reduce_sum3A_14 : vector<256xf32> to vector<256x1xf32>
    %div3A = arith.constant 1.000000e+00 : f32
    %div3A_16 = vector.broadcast %div3A : f32 to vector<256x1xf32>
    %div3A_17 = arith.divf %div3A_16, %broadcast_in_dim3A_15 : vector<256x1xf32>
    %get3A_18 = arith.constant 0 : index
    %get3A_19 = arith.constant 0 : index
    %get3A_20 = vector.load %arg4[%get3A_18, %get3A_19] : memref<2048x256xf32, #tpu.memory_space<vmem>>, vector<2048x64xf32>
    %dot_general3A_21 = arith.constant dense<0.000000e+00> : vector<256x64xf32>
    %dot_general3A_22 = tpu.matmul %exp3A, %get3A_20, %dot_general3A_21 {dimension_numbers = #tpu.dot_dimension_numbers<[1], [0], [0], [1], [0, 0, 1, 1], [], []>, transpose_lhs_hint = false} : vector<256x2048xf32>, vector<2048x64xf32>, vector<256x64xf32> -> vector<256x64xf32>
    %mul3A_23 = vector.broadcast %div3A_17 : vector<256x1xf32> to vector<256x64xf32>
    %mul3A_24 = arith.mulf %dot_general3A_22, %mul3A_23 : vector<256x64xf32>
    %get3A_25 = arith.constant 0 : index
    %get3A_26 = arith.constant 64 : index
    %get3A_27 = vector.load %arg2[%get3A_25, %get3A_26] : memref<256x768xf32, #tpu.memory_space<vmem>>, vector<256x64xf32>
    %get3A_28 = arith.constant 0 : index
    %get3A_29 = arith.constant 0 : index
    %get3A_30 = vector.load %arg3[%get3A_28, %get3A_29] : memref<2048x256xf32, #tpu.memory_space<vmem>>, vector<2048x64xf32>
    %dot_general3A_31 = arith.constant dense<0.000000e+00> : vector<256x2048xf32>
    %dot_general3A_32 = tpu.matmul %get3A_27, %get3A_30, %dot_general3A_31 {dimension_numbers = #tpu.dot_dimension_numbers<[1], [1], [0], [0], [0, 0, 1, 0], [], []>, transpose_lhs_hint = false} : vector<256x64xf32>, vector<2048x64xf32>, vector<256x2048xf32> -> vector<256x2048xf32>
    %jit3A_33 = arith.constant -1.000000e+30 : f32
    %broadcast_in_dim3A_34 = vector.broadcast %jit3A_33 : f32 to vector<256x2048xf32>
    %select_n3A_35 = arith.select %le3A, %dot_general3A_32, %broadcast_in_dim3A_34 : vector<256x2048xi1>, vector<256x2048xf32>
    %reduce_max3A_36 = arith.constant dense<0xFF800000> : vector<256xf32>
    %reduce_max3A_37 = vector.multi_reduction <maximumf>, %select_n3A_35, %reduce_max3A_36 [1] : vector<256x2048xf32> to vector<256xf32>
    %broadcast_in_dim3A_38 = vector.shape_cast %reduce_max3A_37 : vector<256xf32> to vector<256x1xf32>
    %sub3A_39 = vector.broadcast %broadcast_in_dim3A_38 : vector<256x1xf32> to vector<256x2048xf32>
    %sub3A_40 = arith.subf %select_n3A_35, %sub3A_39 : vector<256x2048xf32>
    %exp3A_41 = math.exp %sub3A_40 : vector<256x2048xf32>
    %reduce_sum3A_42 = arith.constant dense<0.000000e+00> : vector<256xf32>
    %reduce_sum3A_43 = vector.multi_reduction <add>, %exp3A_41, %reduce_sum3A_42 [1] : vector<256x2048xf32> to vector<256xf32>
    %broadcast_in_dim3A_44 = vector.shape_cast %reduce_sum3A_43 : vector<256xf32> to vector<256x1xf32>
    %div3A_45 = arith.constant 1.000000e+00 : f32
    %div3A_46 = vector.broadcast %div3A_45 : f32 to vector<256x1xf32>
    %div3A_47 = arith.divf %div3A_46, %broadcast_in_dim3A_44 : vector<256x1xf32>
    %get3A_48 = arith.constant 0 : index
    %get3A_49 = arith.constant 0 : index
    %get3A_50 = vector.load %arg4[%get3A_48, %get3A_49] : memref<2048x256xf32, #tpu.memory_space<vmem>>, vector<2048x64xf32>
    %dot_general3A_51 = arith.constant dense<0.000000e+00> : vector<256x64xf32>
    %dot_general3A_52 = tpu.matmul %exp3A_41, %get3A_50, %dot_general3A_51 {dimension_numbers = #tpu.dot_dimension_numbers<[1], [0], [0], [1], [0, 0, 1, 1], [], []>, transpose_lhs_hint = false} : vector<256x2048xf32>, vector<2048x64xf32>, vector<256x64xf32> -> vector<256x64xf32>
    %mul3A_53 = vector.broadcast %div3A_47 : vector<256x1xf32> to vector<256x64xf32>
    %mul3A_54 = arith.mulf %dot_general3A_52, %mul3A_53 : vector<256x64xf32>
    %get3A_55 = arith.constant 0 : index
    %get3A_56 = arith.constant 128 : index
    %get3A_57 = vector.load %arg2[%get3A_55, %get3A_56] : memref<256x768xf32, #tpu.memory_space<vmem>>, vector<256x64xf32>
    %get3A_58 = arith.constant 0 : index
    %get3A_59 = arith.constant 0 : index
    %get3A_60 = vector.load %arg3[%get3A_58, %get3A_59] : memref<2048x256xf32, #tpu.memory_space<vmem>>, vector<2048x64xf32>
    %dot_general3A_61 = arith.constant dense<0.000000e+00> : vector<256x2048xf32>
    %dot_general3A_62 = tpu.matmul %get3A_57, %get3A_60, %dot_general3A_61 {dimension_numbers = #tpu.dot_dimension_numbers<[1], [1], [0], [0], [0, 0, 1, 0], [], []>, transpose_lhs_hint = false} : vector<256x64xf32>, vector<2048x64xf32>, vector<256x2048xf32> -> vector<256x2048xf32>
    %jit3A_63 = arith.constant -1.000000e+30 : f32
    %broadcast_in_dim3A_64 = vector.broadcast %jit3A_63 : f32 to vector<256x2048xf32>
    %select_n3A_65 = arith.select %le3A, %dot_general3A_62, %broadcast_in_dim3A_64 : vector<256x2048xi1>, vector<256x2048xf32>
    %reduce_max3A_66 = arith.constant dense<0xFF800000> : vector<256xf32>
    %reduce_max3A_67 = vector.multi_reduction <maximumf>, %select_n3A_65, %reduce_max3A_66 [1] : vector<256x2048xf32> to vector<256xf32>
    %broadcast_in_dim3A_68 = vector.shape_cast %reduce_max3A_67 : vector<256xf32> to vector<256x1xf32>
    %sub3A_69 = vector.broadcast %broadcast_in_dim3A_68 : vector<256x1xf32> to vector<256x2048xf32>
    %sub3A_70 = arith.subf %select_n3A_65, %sub3A_69 : vector<256x2048xf32>
    %exp3A_71 = math.exp %sub3A_70 : vector<256x2048xf32>
    %reduce_sum3A_72 = arith.constant dense<0.000000e+00> : vector<256xf32>
    %reduce_sum3A_73 = vector.multi_reduction <add>, %exp3A_71, %reduce_sum3A_72 [1] : vector<256x2048xf32> to vector<256xf32>
    %broadcast_in_dim3A_74 = vector.shape_cast %reduce_sum3A_73 : vector<256xf32> to vector<256x1xf32>
    %div3A_75 = arith.constant 1.000000e+00 : f32
    %div3A_76 = vector.broadcast %div3A_75 : f32 to vector<256x1xf32>
    %div3A_77 = arith.divf %div3A_76, %broadcast_in_dim3A_74 : vector<256x1xf32>
    %get3A_78 = arith.constant 0 : index
    %get3A_79 = arith.constant 0 : index
    %get3A_80 = vector.load %arg4[%get3A_78, %get3A_79] : memref<2048x256xf32, #tpu.memory_space<vmem>>, vector<2048x64xf32>
    %dot_general3A_81 = arith.constant dense<0.000000e+00> : vector<256x64xf32>
    %dot_general3A_82 = tpu.matmul %exp3A_71, %get3A_80, %dot_general3A_81 {dimension_numbers = #tpu.dot_dimension_numbers<[1], [0], [0], [1], [0, 0, 1, 1], [], []>, transpose_lhs_hint = false} : vector<256x2048xf32>, vector<2048x64xf32>, vector<256x64xf32> -> vector<256x64xf32>
    %mul3A_83 = vector.broadcast %div3A_77 : vector<256x1xf32> to vector<256x64xf32>
    %mul3A_84 = arith.mulf %dot_general3A_82, %mul3A_83 : vector<256x64xf32>
    %get3A_85 = arith.constant 0 : index
    %get3A_86 = arith.constant 192 : index
    %get3A_87 = vector.load %arg2[%get3A_85, %get3A_86] : memref<256x768xf32, #tpu.memory_space<vmem>>, vector<256x64xf32>
    %get3A_88 = arith.constant 0 : index
    %get3A_89 = arith.constant 64 : index
    %get3A_90 = vector.load %arg3[%get3A_88, %get3A_89] : memref<2048x256xf32, #tpu.memory_space<vmem>>, vector<2048x64xf32>
    %dot_general3A_91 = arith.constant dense<0.000000e+00> : vector<256x2048xf32>
    %dot_general3A_92 = tpu.matmul %get3A_87, %get3A_90, %dot_general3A_91 {dimension_numbers = #tpu.dot_dimension_numbers<[1], [1], [0], [0], [0, 0, 1, 0], [], []>, transpose_lhs_hint = false} : vector<256x64xf32>, vector<2048x64xf32>, vector<256x2048xf32> -> vector<256x2048xf32>
    %jit3A_93 = arith.constant -1.000000e+30 : f32
    %broadcast_in_dim3A_94 = vector.broadcast %jit3A_93 : f32 to vector<256x2048xf32>
    %select_n3A_95 = arith.select %le3A, %dot_general3A_92, %broadcast_in_dim3A_94 : vector<256x2048xi1>, vector<256x2048xf32>
    %reduce_max3A_96 = arith.constant dense<0xFF800000> : vector<256xf32>
    %reduce_max3A_97 = vector.multi_reduction <maximumf>, %select_n3A_95, %reduce_max3A_96 [1] : vector<256x2048xf32> to vector<256xf32>
    %broadcast_in_dim3A_98 = vector.shape_cast %reduce_max3A_97 : vector<256xf32> to vector<256x1xf32>
    %sub3A_99 = vector.broadcast %broadcast_in_dim3A_98 : vector<256x1xf32> to vector<256x2048xf32>
    %sub3A_100 = arith.subf %select_n3A_95, %sub3A_99 : vector<256x2048xf32>
    %exp3A_101 = math.exp %sub3A_100 : vector<256x2048xf32>
    %reduce_sum3A_102 = arith.constant dense<0.000000e+00> : vector<256xf32>
    %reduce_sum3A_103 = vector.multi_reduction <add>, %exp3A_101, %reduce_sum3A_102 [1] : vector<256x2048xf32> to vector<256xf32>
    %broadcast_in_dim3A_104 = vector.shape_cast %reduce_sum3A_103 : vector<256xf32> to vector<256x1xf32>
    %div3A_105 = arith.constant 1.000000e+00 : f32
    %div3A_106 = vector.broadcast %div3A_105 : f32 to vector<256x1xf32>
    %div3A_107 = arith.divf %div3A_106, %broadcast_in_dim3A_104 : vector<256x1xf32>
    %get3A_108 = arith.constant 0 : index
    %get3A_109 = arith.constant 64 : index
    %get3A_110 = vector.load %arg4[%get3A_108, %get3A_109] : memref<2048x256xf32, #tpu.memory_space<vmem>>, vector<2048x64xf32>
    %dot_general3A_111 = arith.constant dense<0.000000e+00> : vector<256x64xf32>
    %dot_general3A_112 = tpu.matmul %exp3A_101, %get3A_110, %dot_general3A_111 {dimension_numbers = #tpu.dot_dimension_numbers<[1], [0], [0], [1], [0, 0, 1, 1], [], []>, transpose_lhs_hint = false} : vector<256x2048xf32>, vector<2048x64xf32>, vector<256x64xf32> -> vector<256x64xf32>
    %mul3A_113 = vector.broadcast %div3A_107 : vector<256x1xf32> to vector<256x64xf32>
    %mul3A_114 = arith.mulf %dot_general3A_112, %mul3A_113 : vector<256x64xf32>
    %get3A_115 = arith.constant 0 : index
    %get3A_116 = arith.constant 256 : index
    %get3A_117 = vector.load %arg2[%get3A_115, %get3A_116] : memref<256x768xf32, #tpu.memory_space<vmem>>, vector<256x64xf32>
    %get3A_118 = arith.constant 0 : index
    %get3A_119 = arith.constant 64 : index
    %get3A_120 = vector.load %arg3[%get3A_118, %get3A_119] : memref<2048x256xf32, #tpu.memory_space<vmem>>, vector<2048x64xf32>
    %dot_general3A_121 = arith.constant dense<0.000000e+00> : vector<256x2048xf32>
    %dot_general3A_122 = tpu.matmul %get3A_117, %get3A_120, %dot_general3A_121 {dimension_numbers = #tpu.dot_dimension_numbers<[1], [1], [0], [0], [0, 0, 1, 0], [], []>, transpose_lhs_hint = false} : vector<256x64xf32>, vector<2048x64xf32>, vector<256x2048xf32> -> vector<256x2048xf32>
    %jit3A_123 = arith.constant -1.000000e+30 : f32
    %broadcast_in_dim3A_124 = vector.broadcast %jit3A_123 : f32 to vector<256x2048xf32>
    %select_n3A_125 = arith.select %le3A, %dot_general3A_122, %broadcast_in_dim3A_124 : vector<256x2048xi1>, vector<256x2048xf32>
    %reduce_max3A_126 = arith.constant dense<0xFF800000> : vector<256xf32>
    %reduce_max3A_127 = vector.multi_reduction <maximumf>, %select_n3A_125, %reduce_max3A_126 [1] : vector<256x2048xf32> to vector<256xf32>
    %broadcast_in_dim3A_128 = vector.shape_cast %reduce_max3A_127 : vector<256xf32> to vector<256x1xf32>
    %sub3A_129 = vector.broadcast %broadcast_in_dim3A_128 : vector<256x1xf32> to vector<256x2048xf32>
    %sub3A_130 = arith.subf %select_n3A_125, %sub3A_129 : vector<256x2048xf32>
    %exp3A_131 = math.exp %sub3A_130 : vector<256x2048xf32>
    %reduce_sum3A_132 = arith.constant dense<0.000000e+00> : vector<256xf32>
    %reduce_sum3A_133 = vector.multi_reduction <add>, %exp3A_131, %reduce_sum3A_132 [1] : vector<256x2048xf32> to vector<256xf32>
    %broadcast_in_dim3A_134 = vector.shape_cast %reduce_sum3A_133 : vector<256xf32> to vector<256x1xf32>
    %div3A_135 = arith.constant 1.000000e+00 : f32
    %div3A_136 = vector.broadcast %div3A_135 : f32 to vector<256x1xf32>
    %div3A_137 = arith.divf %div3A_136, %broadcast_in_dim3A_134 : vector<256x1xf32>
    %get3A_138 = arith.constant 0 : index
    %get3A_139 = arith.constant 64 : index
    %get3A_140 = vector.load %arg4[%get3A_138, %get3A_139] : memref<2048x256xf32, #tpu.memory_space<vmem>>, vector<2048x64xf32>
    %dot_general3A_141 = arith.constant dense<0.000000e+00> : vector<256x64xf32>
    %dot_general3A_142 = tpu.matmul %exp3A_131, %get3A_140, %dot_general3A_141 {dimension_numbers = #tpu.dot_dimension_numbers<[1], [0], [0], [1], [0, 0, 1, 1], [], []>, transpose_lhs_hint = false} : vector<256x2048xf32>, vector<2048x64xf32>, vector<256x64xf32> -> vector<256x64xf32>
    %mul3A_143 = vector.broadcast %div3A_137 : vector<256x1xf32> to vector<256x64xf32>
    %mul3A_144 = arith.mulf %dot_general3A_142, %mul3A_143 : vector<256x64xf32>
    %get3A_145 = arith.constant 0 : index
    %get3A_146 = arith.constant 320 : index
    %get3A_147 = vector.load %arg2[%get3A_145, %get3A_146] : memref<256x768xf32, #tpu.memory_space<vmem>>, vector<256x64xf32>
    %get3A_148 = arith.constant 0 : index
    %get3A_149 = arith.constant 64 : index
    %get3A_150 = vector.load %arg3[%get3A_148, %get3A_149] : memref<2048x256xf32, #tpu.memory_space<vmem>>, vector<2048x64xf32>
    %dot_general3A_151 = arith.constant dense<0.000000e+00> : vector<256x2048xf32>
    %dot_general3A_152 = tpu.matmul %get3A_147, %get3A_150, %dot_general3A_151 {dimension_numbers = #tpu.dot_dimension_numbers<[1], [1], [0], [0], [0, 0, 1, 0], [], []>, transpose_lhs_hint = false} : vector<256x64xf32>, vector<2048x64xf32>, vector<256x2048xf32> -> vector<256x2048xf32>
    %jit3A_153 = arith.constant -1.000000e+30 : f32
    %broadcast_in_dim3A_154 = vector.broadcast %jit3A_153 : f32 to vector<256x2048xf32>
    %select_n3A_155 = arith.select %le3A, %dot_general3A_152, %broadcast_in_dim3A_154 : vector<256x2048xi1>, vector<256x2048xf32>
    %reduce_max3A_156 = arith.constant dense<0xFF800000> : vector<256xf32>
    %reduce_max3A_157 = vector.multi_reduction <maximumf>, %select_n3A_155, %reduce_max3A_156 [1] : vector<256x2048xf32> to vector<256xf32>
    %broadcast_in_dim3A_158 = vector.shape_cast %reduce_max3A_157 : vector<256xf32> to vector<256x1xf32>
    %sub3A_159 = vector.broadcast %broadcast_in_dim3A_158 : vector<256x1xf32> to vector<256x2048xf32>
    %sub3A_160 = arith.subf %select_n3A_155, %sub3A_159 : vector<256x2048xf32>
    %exp3A_161 = math.exp %sub3A_160 : vector<256x2048xf32>
    %reduce_sum3A_162 = arith.constant dense<0.000000e+00> : vector<256xf32>
    %reduce_sum3A_163 = vector.multi_reduction <add>, %exp3A_161, %reduce_sum3A_162 [1] : vector<256x2048xf32> to vector<256xf32>
    %broadcast_in_dim3A_164 = vector.shape_cast %reduce_sum3A_163 : vector<256xf32> to vector<256x1xf32>
    %div3A_165 = arith.constant 1.000000e+00 : f32
    %div3A_166 = vector.broadcast %div3A_165 : f32 to vector<256x1xf32>
    %div3A_167 = arith.divf %div3A_166, %broadcast_in_dim3A_164 : vector<256x1xf32>
    %get3A_168 = arith.constant 0 : index
    %get3A_169 = arith.constant 64 : index
    %get3A_170 = vector.load %arg4[%get3A_168, %get3A_169] : memref<2048x256xf32, #tpu.memory_space<vmem>>, vector<2048x64xf32>
    %dot_general3A_171 = arith.constant dense<0.000000e+00> : vector<256x64xf32>
    %dot_general3A_172 = tpu.matmul %exp3A_161, %get3A_170, %dot_general3A_171 {dimension_numbers = #tpu.dot_dimension_numbers<[1], [0], [0], [1], [0, 0, 1, 1], [], []>, transpose_lhs_hint = false} : vector<256x2048xf32>, vector<2048x64xf32>, vector<256x64xf32> -> vector<256x64xf32>
    %mul3A_173 = vector.broadcast %div3A_167 : vector<256x1xf32> to vector<256x64xf32>
    %mul3A_174 = arith.mulf %dot_general3A_172, %mul3A_173 : vector<256x64xf32>
    %get3A_175 = arith.constant 0 : index
    %get3A_176 = arith.constant 384 : index
    %get3A_177 = vector.load %arg2[%get3A_175, %get3A_176] : memref<256x768xf32, #tpu.memory_space<vmem>>, vector<256x64xf32>
    %get3A_178 = arith.constant 0 : index
    %get3A_179 = arith.constant 128 : index
    %get3A_180 = vector.load %arg3[%get3A_178, %get3A_179] : memref<2048x256xf32, #tpu.memory_space<vmem>>, vector<2048x64xf32>
    %dot_general3A_181 = arith.constant dense<0.000000e+00> : vector<256x2048xf32>
    %dot_general3A_182 = tpu.matmul %get3A_177, %get3A_180, %dot_general3A_181 {dimension_numbers = #tpu.dot_dimension_numbers<[1], [1], [0], [0], [0, 0, 1, 0], [], []>, transpose_lhs_hint = false} : vector<256x64xf32>, vector<2048x64xf32>, vector<256x2048xf32> -> vector<256x2048xf32>
    %jit3A_183 = arith.constant -1.000000e+30 : f32
    %broadcast_in_dim3A_184 = vector.broadcast %jit3A_183 : f32 to vector<256x2048xf32>
    %select_n3A_185 = arith.select %le3A, %dot_general3A_182, %broadcast_in_dim3A_184 : vector<256x2048xi1>, vector<256x2048xf32>
    %reduce_max3A_186 = arith.constant dense<0xFF800000> : vector<256xf32>
    %reduce_max3A_187 = vector.multi_reduction <maximumf>, %select_n3A_185, %reduce_max3A_186 [1] : vector<256x2048xf32> to vector<256xf32>
    %broadcast_in_dim3A_188 = vector.shape_cast %reduce_max3A_187 : vector<256xf32> to vector<256x1xf32>
    %sub3A_189 = vector.broadcast %broadcast_in_dim3A_188 : vector<256x1xf32> to vector<256x2048xf32>
    %sub3A_190 = arith.subf %select_n3A_185, %sub3A_189 : vector<256x2048xf32>
    %exp3A_191 = math.exp %sub3A_190 : vector<256x2048xf32>
    %reduce_sum3A_192 = arith.constant dense<0.000000e+00> : vector<256xf32>
    %reduce_sum3A_193 = vector.multi_reduction <add>, %exp3A_191, %reduce_sum3A_192 [1] : vector<256x2048xf32> to vector<256xf32>
    %broadcast_in_dim3A_194 = vector.shape_cast %reduce_sum3A_193 : vector<256xf32> to vector<256x1xf32>
    %div3A_195 = arith.constant 1.000000e+00 : f32
    %div3A_196 = vector.broadcast %div3A_195 : f32 to vector<256x1xf32>
    %div3A_197 = arith.divf %div3A_196, %broadcast_in_dim3A_194 : vector<256x1xf32>
    %get3A_198 = arith.constant 0 : index
    %get3A_199 = arith.constant 128 : index
    %get3A_200 = vector.load %arg4[%get3A_198, %get3A_199] : memref<2048x256xf32, #tpu.memory_space<vmem>>, vector<2048x64xf32>
    %dot_general3A_201 = arith.constant dense<0.000000e+00> : vector<256x64xf32>
    %dot_general3A_202 = tpu.matmul %exp3A_191, %get3A_200, %dot_general3A_201 {dimension_numbers = #tpu.dot_dimension_numbers<[1], [0], [0], [1], [0, 0, 1, 1], [], []>, transpose_lhs_hint = false} : vector<256x2048xf32>, vector<2048x64xf32>, vector<256x64xf32> -> vector<256x64xf32>
    %mul3A_203 = vector.broadcast %div3A_197 : vector<256x1xf32> to vector<256x64xf32>
    %mul3A_204 = arith.mulf %dot_general3A_202, %mul3A_203 : vector<256x64xf32>
    %get3A_205 = arith.constant 0 : index
    %get3A_206 = arith.constant 448 : index
    %get3A_207 = vector.load %arg2[%get3A_205, %get3A_206] : memref<256x768xf32, #tpu.memory_space<vmem>>, vector<256x64xf32>
    %get3A_208 = arith.constant 0 : index
    %get3A_209 = arith.constant 128 : index
    %get3A_210 = vector.load %arg3[%get3A_208, %get3A_209] : memref<2048x256xf32, #tpu.memory_space<vmem>>, vector<2048x64xf32>
    %dot_general3A_211 = arith.constant dense<0.000000e+00> : vector<256x2048xf32>
    %dot_general3A_212 = tpu.matmul %get3A_207, %get3A_210, %dot_general3A_211 {dimension_numbers = #tpu.dot_dimension_numbers<[1], [1], [0], [0], [0, 0, 1, 0], [], []>, transpose_lhs_hint = false} : vector<256x64xf32>, vector<2048x64xf32>, vector<256x2048xf32> -> vector<256x2048xf32>
    %jit3A_213 = arith.constant -1.000000e+30 : f32
    %broadcast_in_dim3A_214 = vector.broadcast %jit3A_213 : f32 to vector<256x2048xf32>
    %select_n3A_215 = arith.select %le3A, %dot_general3A_212, %broadcast_in_dim3A_214 : vector<256x2048xi1>, vector<256x2048xf32>
    %reduce_max3A_216 = arith.constant dense<0xFF800000> : vector<256xf32>
    %reduce_max3A_217 = vector.multi_reduction <maximumf>, %select_n3A_215, %reduce_max3A_216 [1] : vector<256x2048xf32> to vector<256xf32>
    %broadcast_in_dim3A_218 = vector.shape_cast %reduce_max3A_217 : vector<256xf32> to vector<256x1xf32>
    %sub3A_219 = vector.broadcast %broadcast_in_dim3A_218 : vector<256x1xf32> to vector<256x2048xf32>
    %sub3A_220 = arith.subf %select_n3A_215, %sub3A_219 : vector<256x2048xf32>
    %exp3A_221 = math.exp %sub3A_220 : vector<256x2048xf32>
    %reduce_sum3A_222 = arith.constant dense<0.000000e+00> : vector<256xf32>
    %reduce_sum3A_223 = vector.multi_reduction <add>, %exp3A_221, %reduce_sum3A_222 [1] : vector<256x2048xf32> to vector<256xf32>
    %broadcast_in_dim3A_224 = vector.shape_cast %reduce_sum3A_223 : vector<256xf32> to vector<256x1xf32>
    %div3A_225 = arith.constant 1.000000e+00 : f32
    %div3A_226 = vector.broadcast %div3A_225 : f32 to vector<256x1xf32>
    %div3A_227 = arith.divf %div3A_226, %broadcast_in_dim3A_224 : vector<256x1xf32>
    %get3A_228 = arith.constant 0 : index
    %get3A_229 = arith.constant 128 : index
    %get3A_230 = vector.load %arg4[%get3A_228, %get3A_229] : memref<2048x256xf32, #tpu.memory_space<vmem>>, vector<2048x64xf32>
    %dot_general3A_231 = arith.constant dense<0.000000e+00> : vector<256x64xf32>
    %dot_general3A_232 = tpu.matmul %exp3A_221, %get3A_230, %dot_general3A_231 {dimension_numbers = #tpu.dot_dimension_numbers<[1], [0], [0], [1], [0, 0, 1, 1], [], []>, transpose_lhs_hint = false} : vector<256x2048xf32>, vector<2048x64xf32>, vector<256x64xf32> -> vector<256x64xf32>
    %mul3A_233 = vector.broadcast %div3A_227 : vector<256x1xf32> to vector<256x64xf32>
    %mul3A_234 = arith.mulf %dot_general3A_232, %mul3A_233 : vector<256x64xf32>
    %get3A_235 = arith.constant 0 : index
    %get3A_236 = arith.constant 512 : index
    %get3A_237 = vector.load %arg2[%get3A_235, %get3A_236] : memref<256x768xf32, #tpu.memory_space<vmem>>, vector<256x64xf32>
    %get3A_238 = arith.constant 0 : index
    %get3A_239 = arith.constant 128 : index
    %get3A_240 = vector.load %arg3[%get3A_238, %get3A_239] : memref<2048x256xf32, #tpu.memory_space<vmem>>, vector<2048x64xf32>
    %dot_general3A_241 = arith.constant dense<0.000000e+00> : vector<256x2048xf32>
    %dot_general3A_242 = tpu.matmul %get3A_237, %get3A_240, %dot_general3A_241 {dimension_numbers = #tpu.dot_dimension_numbers<[1], [1], [0], [0], [0, 0, 1, 0], [], []>, transpose_lhs_hint = false} : vector<256x64xf32>, vector<2048x64xf32>, vector<256x2048xf32> -> vector<256x2048xf32>
    %jit3A_243 = arith.constant -1.000000e+30 : f32
    %broadcast_in_dim3A_244 = vector.broadcast %jit3A_243 : f32 to vector<256x2048xf32>
    %select_n3A_245 = arith.select %le3A, %dot_general3A_242, %broadcast_in_dim3A_244 : vector<256x2048xi1>, vector<256x2048xf32>
    %reduce_max3A_246 = arith.constant dense<0xFF800000> : vector<256xf32>
    %reduce_max3A_247 = vector.multi_reduction <maximumf>, %select_n3A_245, %reduce_max3A_246 [1] : vector<256x2048xf32> to vector<256xf32>
    %broadcast_in_dim3A_248 = vector.shape_cast %reduce_max3A_247 : vector<256xf32> to vector<256x1xf32>
    %sub3A_249 = vector.broadcast %broadcast_in_dim3A_248 : vector<256x1xf32> to vector<256x2048xf32>
    %sub3A_250 = arith.subf %select_n3A_245, %sub3A_249 : vector<256x2048xf32>
    %exp3A_251 = math.exp %sub3A_250 : vector<256x2048xf32>
    %reduce_sum3A_252 = arith.constant dense<0.000000e+00> : vector<256xf32>
    %reduce_sum3A_253 = vector.multi_reduction <add>, %exp3A_251, %reduce_sum3A_252 [1] : vector<256x2048xf32> to vector<256xf32>
    %broadcast_in_dim3A_254 = vector.shape_cast %reduce_sum3A_253 : vector<256xf32> to vector<256x1xf32>
    %div3A_255 = arith.constant 1.000000e+00 : f32
    %div3A_256 = vector.broadcast %div3A_255 : f32 to vector<256x1xf32>
    %div3A_257 = arith.divf %div3A_256, %broadcast_in_dim3A_254 : vector<256x1xf32>
    %get3A_258 = arith.constant 0 : index
    %get3A_259 = arith.constant 128 : index
    %get3A_260 = vector.load %arg4[%get3A_258, %get3A_259] : memref<2048x256xf32, #tpu.memory_space<vmem>>, vector<2048x64xf32>
    %dot_general3A_261 = arith.constant dense<0.000000e+00> : vector<256x64xf32>
    %dot_general3A_262 = tpu.matmul %exp3A_251, %get3A_260, %dot_general3A_261 {dimension_numbers = #tpu.dot_dimension_numbers<[1], [0], [0], [1], [0, 0, 1, 1], [], []>, transpose_lhs_hint = false} : vector<256x2048xf32>, vector<2048x64xf32>, vector<256x64xf32> -> vector<256x64xf32>
    %mul3A_263 = vector.broadcast %div3A_257 : vector<256x1xf32> to vector<256x64xf32>
    %mul3A_264 = arith.mulf %dot_general3A_262, %mul3A_263 : vector<256x64xf32>
    %get3A_265 = arith.constant 0 : index
    %get3A_266 = arith.constant 576 : index
    %get3A_267 = vector.load %arg2[%get3A_265, %get3A_266] : memref<256x768xf32, #tpu.memory_space<vmem>>, vector<256x64xf32>
    %get3A_268 = arith.constant 0 : index
    %get3A_269 = arith.constant 192 : index
    %get3A_270 = vector.load %arg3[%get3A_268, %get3A_269] : memref<2048x256xf32, #tpu.memory_space<vmem>>, vector<2048x64xf32>
    %dot_general3A_271 = arith.constant dense<0.000000e+00> : vector<256x2048xf32>
    %dot_general3A_272 = tpu.matmul %get3A_267, %get3A_270, %dot_general3A_271 {dimension_numbers = #tpu.dot_dimension_numbers<[1], [1], [0], [0], [0, 0, 1, 0], [], []>, transpose_lhs_hint = false} : vector<256x64xf32>, vector<2048x64xf32>, vector<256x2048xf32> -> vector<256x2048xf32>
    %jit3A_273 = arith.constant -1.000000e+30 : f32
    %broadcast_in_dim3A_274 = vector.broadcast %jit3A_273 : f32 to vector<256x2048xf32>
    %select_n3A_275 = arith.select %le3A, %dot_general3A_272, %broadcast_in_dim3A_274 : vector<256x2048xi1>, vector<256x2048xf32>
    %reduce_max3A_276 = arith.constant dense<0xFF800000> : vector<256xf32>
    %reduce_max3A_277 = vector.multi_reduction <maximumf>, %select_n3A_275, %reduce_max3A_276 [1] : vector<256x2048xf32> to vector<256xf32>
    %broadcast_in_dim3A_278 = vector.shape_cast %reduce_max3A_277 : vector<256xf32> to vector<256x1xf32>
    %sub3A_279 = vector.broadcast %broadcast_in_dim3A_278 : vector<256x1xf32> to vector<256x2048xf32>
    %sub3A_280 = arith.subf %select_n3A_275, %sub3A_279 : vector<256x2048xf32>
    %exp3A_281 = math.exp %sub3A_280 : vector<256x2048xf32>
    %reduce_sum3A_282 = arith.constant dense<0.000000e+00> : vector<256xf32>
    %reduce_sum3A_283 = vector.multi_reduction <add>, %exp3A_281, %reduce_sum3A_282 [1] : vector<256x2048xf32> to vector<256xf32>
    %broadcast_in_dim3A_284 = vector.shape_cast %reduce_sum3A_283 : vector<256xf32> to vector<256x1xf32>
    %div3A_285 = arith.constant 1.000000e+00 : f32
    %div3A_286 = vector.broadcast %div3A_285 : f32 to vector<256x1xf32>
    %div3A_287 = arith.divf %div3A_286, %broadcast_in_dim3A_284 : vector<256x1xf32>
    %get3A_288 = arith.constant 0 : index
    %get3A_289 = arith.constant 192 : index
    %get3A_290 = vector.load %arg4[%get3A_288, %get3A_289] : memref<2048x256xf32, #tpu.memory_space<vmem>>, vector<2048x64xf32>
    %dot_general3A_291 = arith.constant dense<0.000000e+00> : vector<256x64xf32>
    %dot_general3A_292 = tpu.matmul %exp3A_281, %get3A_290, %dot_general3A_291 {dimension_numbers = #tpu.dot_dimension_numbers<[1], [0], [0], [1], [0, 0, 1, 1], [], []>, transpose_lhs_hint = false} : vector<256x2048xf32>, vector<2048x64xf32>, vector<256x64xf32> -> vector<256x64xf32>
    %mul3A_293 = vector.broadcast %div3A_287 : vector<256x1xf32> to vector<256x64xf32>
    %mul3A_294 = arith.mulf %dot_general3A_292, %mul3A_293 : vector<256x64xf32>
    %get3A_295 = arith.constant 0 : index
    %get3A_296 = arith.constant 640 : index
    %get3A_297 = vector.load %arg2[%get3A_295, %get3A_296] : memref<256x768xf32, #tpu.memory_space<vmem>>, vector<256x64xf32>
    %get3A_298 = arith.constant 0 : index
    %get3A_299 = arith.constant 192 : index
    %get3A_300 = vector.load %arg3[%get3A_298, %get3A_299] : memref<2048x256xf32, #tpu.memory_space<vmem>>, vector<2048x64xf32>
    %dot_general3A_301 = arith.constant dense<0.000000e+00> : vector<256x2048xf32>
    %dot_general3A_302 = tpu.matmul %get3A_297, %get3A_300, %dot_general3A_301 {dimension_numbers = #tpu.dot_dimension_numbers<[1], [1], [0], [0], [0, 0, 1, 0], [], []>, transpose_lhs_hint = false} : vector<256x64xf32>, vector<2048x64xf32>, vector<256x2048xf32> -> vector<256x2048xf32>
    %jit3A_303 = arith.constant -1.000000e+30 : f32
    %broadcast_in_dim3A_304 = vector.broadcast %jit3A_303 : f32 to vector<256x2048xf32>
    %select_n3A_305 = arith.select %le3A, %dot_general3A_302, %broadcast_in_dim3A_304 : vector<256x2048xi1>, vector<256x2048xf32>
    %reduce_max3A_306 = arith.constant dense<0xFF800000> : vector<256xf32>
    %reduce_max3A_307 = vector.multi_reduction <maximumf>, %select_n3A_305, %reduce_max3A_306 [1] : vector<256x2048xf32> to vector<256xf32>
    %broadcast_in_dim3A_308 = vector.shape_cast %reduce_max3A_307 : vector<256xf32> to vector<256x1xf32>
    %sub3A_309 = vector.broadcast %broadcast_in_dim3A_308 : vector<256x1xf32> to vector<256x2048xf32>
    %sub3A_310 = arith.subf %select_n3A_305, %sub3A_309 : vector<256x2048xf32>
    %exp3A_311 = math.exp %sub3A_310 : vector<256x2048xf32>
    %reduce_sum3A_312 = arith.constant dense<0.000000e+00> : vector<256xf32>
    %reduce_sum3A_313 = vector.multi_reduction <add>, %exp3A_311, %reduce_sum3A_312 [1] : vector<256x2048xf32> to vector<256xf32>
    %broadcast_in_dim3A_314 = vector.shape_cast %reduce_sum3A_313 : vector<256xf32> to vector<256x1xf32>
    %div3A_315 = arith.constant 1.000000e+00 : f32
    %div3A_316 = vector.broadcast %div3A_315 : f32 to vector<256x1xf32>
    %div3A_317 = arith.divf %div3A_316, %broadcast_in_dim3A_314 : vector<256x1xf32>
    %get3A_318 = arith.constant 0 : index
    %get3A_319 = arith.constant 192 : index
    %get3A_320 = vector.load %arg4[%get3A_318, %get3A_319] : memref<2048x256xf32, #tpu.memory_space<vmem>>, vector<2048x64xf32>
    %dot_general3A_321 = arith.constant dense<0.000000e+00> : vector<256x64xf32>
    %dot_general3A_322 = tpu.matmul %exp3A_311, %get3A_320, %dot_general3A_321 {dimension_numbers = #tpu.dot_dimension_numbers<[1], [0], [0], [1], [0, 0, 1, 1], [], []>, transpose_lhs_hint = false} : vector<256x2048xf32>, vector<2048x64xf32>, vector<256x64xf32> -> vector<256x64xf32>
    %mul3A_323 = vector.broadcast %div3A_317 : vector<256x1xf32> to vector<256x64xf32>
    %mul3A_324 = arith.mulf %dot_general3A_322, %mul3A_323 : vector<256x64xf32>
    %get3A_325 = arith.constant 0 : index
    %get3A_326 = arith.constant 704 : index
    %get3A_327 = vector.load %arg2[%get3A_325, %get3A_326] : memref<256x768xf32, #tpu.memory_space<vmem>>, vector<256x64xf32>
    %get3A_328 = arith.constant 0 : index
    %get3A_329 = arith.constant 192 : index
    %get3A_330 = vector.load %arg3[%get3A_328, %get3A_329] : memref<2048x256xf32, #tpu.memory_space<vmem>>, vector<2048x64xf32>
    %dot_general3A_331 = arith.constant dense<0.000000e+00> : vector<256x2048xf32>
    %dot_general3A_332 = tpu.matmul %get3A_327, %get3A_330, %dot_general3A_331 {dimension_numbers = #tpu.dot_dimension_numbers<[1], [1], [0], [0], [0, 0, 1, 0], [], []>, transpose_lhs_hint = false} : vector<256x64xf32>, vector<2048x64xf32>, vector<256x2048xf32> -> vector<256x2048xf32>
    %jit3A_333 = arith.constant -1.000000e+30 : f32
    %broadcast_in_dim3A_334 = vector.broadcast %jit3A_333 : f32 to vector<256x2048xf32>
    %select_n3A_335 = arith.select %le3A, %dot_general3A_332, %broadcast_in_dim3A_334 : vector<256x2048xi1>, vector<256x2048xf32>
    %reduce_max3A_336 = arith.constant dense<0xFF800000> : vector<256xf32>
    %reduce_max3A_337 = vector.multi_reduction <maximumf>, %select_n3A_335, %reduce_max3A_336 [1] : vector<256x2048xf32> to vector<256xf32>
    %broadcast_in_dim3A_338 = vector.shape_cast %reduce_max3A_337 : vector<256xf32> to vector<256x1xf32>
    %sub3A_339 = vector.broadcast %broadcast_in_dim3A_338 : vector<256x1xf32> to vector<256x2048xf32>
    %sub3A_340 = arith.subf %select_n3A_335, %sub3A_339 : vector<256x2048xf32>
    %exp3A_341 = math.exp %sub3A_340 : vector<256x2048xf32>
    %reduce_sum3A_342 = arith.constant dense<0.000000e+00> : vector<256xf32>
    %reduce_sum3A_343 = vector.multi_reduction <add>, %exp3A_341, %reduce_sum3A_342 [1] : vector<256x2048xf32> to vector<256xf32>
    %broadcast_in_dim3A_344 = vector.shape_cast %reduce_sum3A_343 : vector<256xf32> to vector<256x1xf32>
    %div3A_345 = arith.constant 1.000000e+00 : f32
    %div3A_346 = vector.broadcast %div3A_345 : f32 to vector<256x1xf32>
    %div3A_347 = arith.divf %div3A_346, %broadcast_in_dim3A_344 : vector<256x1xf32>
    %get3A_348 = arith.constant 0 : index
    %get3A_349 = arith.constant 192 : index
    %get3A_350 = vector.load %arg4[%get3A_348, %get3A_349] : memref<2048x256xf32, #tpu.memory_space<vmem>>, vector<2048x64xf32>
    %dot_general3A_351 = arith.constant dense<0.000000e+00> : vector<256x64xf32>
    %dot_general3A_352 = tpu.matmul %exp3A_341, %get3A_350, %dot_general3A_351 {dimension_numbers = #tpu.dot_dimension_numbers<[1], [0], [0], [1], [0, 0, 1, 1], [], []>, transpose_lhs_hint = false} : vector<256x2048xf32>, vector<2048x64xf32>, vector<256x64xf32> -> vector<256x64xf32>
    %mul3A_353 = vector.broadcast %div3A_347 : vector<256x1xf32> to vector<256x64xf32>
    %mul3A_354 = arith.mulf %dot_general3A_352, %mul3A_353 : vector<256x64xf32>
    %concatenate3A = tpu.concatenate %mul3A_24, %mul3A_54, %mul3A_84, %mul3A_114, %mul3A_144, %mul3A_174, %mul3A_204, %mul3A_234, %mul3A_264, %mul3A_294, %mul3A_324, %mul3A_354 in 1 : vector<256x64xf32>, vector<256x64xf32>, vector<256x64xf32>, vector<256x64xf32>, vector<256x64xf32>, vector<256x64xf32>, vector<256x64xf32>, vector<256x64xf32>, vector<256x64xf32>, vector<256x64xf32>, vector<256x64xf32>, vector<256x64xf32> -> vector<256x768xf32>
    %get3A_355 = arith.constant 0 : index
    %get3A_356 = arith.constant 0 : index
    %get3A_357 = vector.load %arg6[%get3A_355, %get3A_356] : memref<768x768xf32, #tpu.memory_space<vmem>>, vector<768x768xf32>
    %dot_general3A_358 = arith.constant dense<0.000000e+00> : vector<256x768xf32>
    %dot_general3A_359 = tpu.matmul %concatenate3A, %get3A_357, %dot_general3A_358 {dimension_numbers = #tpu.dot_dimension_numbers<[1], [0], [0], [1], [0, 0, 1, 1], [], []>, transpose_lhs_hint = false} : vector<256x768xf32>, vector<768x768xf32>, vector<256x768xf32> -> vector<256x768xf32>
    %get3A_360 = arith.constant 0 : index
    %get3A_361 = arith.constant 0 : index
    %get3A_362 = vector.load %arg5[%get3A_360, %get3A_361] : memref<256x768xf32, #tpu.memory_space<vmem>>, vector<256x768xf32>
    %add3A_363 = arith.addf %dot_general3A_359, %get3A_362 : vector<256x768xf32>
    %swap3A = arith.constant 0 : index
    %swap3A_364 = arith.constant 0 : index
    %swap3A_365 = vector.load %arg9[%swap3A, %swap3A_364] : memref<256x768xf32, #tpu.memory_space<vmem>>, vector<256x768xf32>
    tpu.vector_store %arg9[%swap3A, %swap3A_364], %add3A_363 {strides = array<i32>} : memref<256x768xf32, #tpu.memory_space<vmem>>, vector<256x768xf32>,
    %get3A_366 = arith.constant 0 : index
    %get3A_367 = arith.constant 0 : index
    %get3A_368 = vector.load %arg7[%get3A_366, %get3A_367] : memref<1x768xf32, #tpu.memory_space<vmem>>, vector<1x768xf32>
    %get3A_369 = vector.shape_cast %get3A_368 : vector<1x768xf32> to vector<768xf32>
    %mul3A_370 = arith.mulf %add3A_363, %add3A_363 : vector<256x768xf32>
    %reduce_sum3A_371 = arith.constant dense<0.000000e+00> : vector<256xf32>
    %reduce_sum3A_372 = vector.multi_reduction <add>, %mul3A_370, %reduce_sum3A_371 [1] : vector<256x768xf32> to vector<256xf32>
    %broadcast_in_dim3A_373 = vector.shape_cast %reduce_sum3A_372 : vector<256xf32> to vector<256x1xf32>
    %div3A_374 = arith.constant 7.680000e+02 : f32
    %div3A_375 = vector.broadcast %div3A_374 : f32 to vector<256x1xf32>
    %div3A_376 = arith.divf %broadcast_in_dim3A_373, %div3A_375 : vector<256x1xf32>
    %add3A_377 = arith.constant 9.99999997E-7 : f32
    %add3A_378 = vector.broadcast %add3A_377 : f32 to vector<256x1xf32>
    %add3A_379 = arith.addf %div3A_376, %add3A_378 : vector<256x1xf32>
    %rsqrt3A = math.rsqrt %add3A_379 : vector<256x1xf32>
    %mul3A_380 = vector.broadcast %rsqrt3A : vector<256x1xf32> to vector<256x768xf32>
    %mul3A_381 = arith.mulf %add3A_363, %mul3A_380 : vector<256x768xf32>
    %broadcast_in_dim3A_382 = vector.shape_cast %get3A_369 : vector<768xf32> to vector<1x768xf32>
    %mul3A_383 = vector.broadcast %broadcast_in_dim3A_382 : vector<1x768xf32> to vector<256x768xf32>
    %mul3A_384 = arith.mulf %mul3A_381, %mul3A_383 : vector<256x768xf32>
    %get3A_385 = arith.constant 0 : index
    %get3A_386 = arith.constant 0 : index
    %get3A_387 = vector.load %arg8[%get3A_385, %get3A_386] : memref<768x128xf32, #tpu.memory_space<vmem>>, vector<768x128xf32>
    %dot_general3A_388 = arith.constant dense<0.000000e+00> : vector<256x128xf32>
    %dot_general3A_389 = tpu.matmul %mul3A_384, %get3A_387, %dot_general3A_388 {dimension_numbers = #tpu.dot_dimension_numbers<[1], [0], [0], [1], [0, 0, 1, 1], [], []>, transpose_lhs_hint = false} : vector<256x768xf32>, vector<768x128xf32>, vector<256x128xf32> -> vector<256x128xf32>
    %iota3A_390 = tpu.iota {dimensions = array<i32: 1>} : vector<256x128xi32>
    %lt3A = arith.constant 8 : i32
    %lt3A_391 = vector.broadcast %lt3A : i32 to vector<256x128xi32>
    %lt3A_392 = arith.cmpi slt, %iota3A_390, %lt3A_391 : vector<256x128xi32>
    %jit3A_393 = arith.constant -1.000000e+30 : f32
    %broadcast_in_dim3A_394 = vector.broadcast %jit3A_393 : f32 to vector<256x128xf32>
    %select_n3A_395 = arith.select %lt3A_392, %dot_general3A_389, %broadcast_in_dim3A_394 : vector<256x128xi1>, vector<256x128xf32>
    %reduce_max3A_396 = arith.constant dense<0xFF800000> : vector<256xf32>
    %reduce_max3A_397 = vector.multi_reduction <maximumf>, %select_n3A_395, %reduce_max3A_396 [1] : vector<256x128xf32> to vector<256xf32>
    %broadcast_in_dim3A_398 = vector.shape_cast %reduce_max3A_397 : vector<256xf32> to vector<256x1xf32>
    %eq3A = vector.broadcast %broadcast_in_dim3A_398 : vector<256x1xf32> to vector<256x128xf32>
    %eq3A_399 = arith.cmpf oeq, %select_n3A_395, %eq3A : vector<256x128xf32>
    %jit3A_400 = arith.constant 1073741824 : i32
    %broadcast_in_dim3A_401 = vector.broadcast %jit3A_400 : i32 to vector<256x128xi32>
    %select_n3A_402 = arith.select %eq3A_399, %iota3A_390, %broadcast_in_dim3A_401 : vector<256x128xi1>, vector<256x128xi32>
    %reduce_min3A = arith.constant dense<2147483647> : vector<256xi32>
    %reduce_min3A_403 = vector.multi_reduction <minsi>, %select_n3A_402, %reduce_min3A [1] : vector<256x128xi32> to vector<256xi32>
    %swap3A_404 = arith.constant 0 : index
    %swap3A_405 = arith.constant 0 : index
    %swap3A_406 = arith.constant 0 : index
    %swap3A_407 = vector.load %arg10[%swap3A_404, %swap3A_405, %swap3A_406] : memref<1x1x256xi32, #tpu.memory_space<vmem>>, vector<1x1x256xi32>
    %swap3A_408 = vector.shape_cast %swap3A_407 : vector<1x1x256xi32> to vector<256xi32>
    %swap3A_409 = vector.shape_cast %reduce_min3A_403 : vector<256xi32> to vector<1x1x256xi32>
    tpu.vector_store %arg10[%swap3A_404, %swap3A_405, %swap3A_406], %swap3A_409 {strides = array<i32>} : memref<1x1x256xi32, #tpu.memory_space<vmem>>, vector<1x1x256xi32>,
    return
  }
  func.func @transform_0(%arg0: i32) -> (i32, i32) {
    %c0_i32 = arith.constant 0 : i32
    %c0_i32_0 = arith.constant 0 : i32
    %c0_i32_1 = arith.constant 0 : i32
    return %c0_i32, %c0_i32_0 : i32, i32
  }
  func.func @transform_1(%arg0: i32) -> (i32, i32) {
    %add3A = arith.constant 6 : i32
    %add3A_0 = arith.addi %add3A, %arg0 : i32
    %c0_i32 = arith.constant 0 : i32
    %c0_i32_1 = arith.constant 0 : i32
    return %add3A_0, %c0_i32 : i32, i32
  }
  func.func @transform_2(%arg0: i32) -> (i32, i32) {
    %c0_i32 = arith.constant 0 : i32
    %c0_i32_0 = arith.constant 0 : i32
    %c0_i32_1 = arith.constant 0 : i32
    return %c0_i32, %c0_i32_0 : i32, i32
  }
  func.func @transform_3(%arg0: i32) -> (i32, i32) {
    %c0_i32 = arith.constant 0 : i32
    %c0_i32_0 = arith.constant 0 : i32
    %c0_i32_1 = arith.constant 0 : i32
    return %c0_i32, %c0_i32_0 : i32, i32
  }
  func.func @transform_4(%arg0: i32) -> (i32, i32) {
    %add3A = arith.constant 6 : i32
    %add3A_0 = arith.addi %add3A, %arg0 : i32
    %c0_i32 = arith.constant 0 : i32
    %c0_i32_1 = arith.constant 0 : i32
    return %add3A_0, %c0_i32 : i32, i32
  }
  func.func @transform_5(%arg0: i32) -> (i32, i32) {
    %c0_i32 = arith.constant 0 : i32
    %c0_i32_0 = arith.constant 0 : i32
    %c0_i32_1 = arith.constant 0 : i32
    return %c0_i32, %c0_i32_0 : i32, i32
  }
  func.func @transform_6(%arg0: i32) -> (i32, i32) {
    %c0_i32 = arith.constant 0 : i32
    %c0_i32_0 = arith.constant 0 : i32
    %c0_i32_1 = arith.constant 0 : i32
    return %c0_i32, %c0_i32_0 : i32, i32
  }
  func.func @transform_7(%arg0: i32) -> (i32, i32) {
    %c0_i32 = arith.constant 0 : i32
    %c0_i32_0 = arith.constant 0 : i32
    %c0_i32_1 = arith.constant 0 : i32
    return %c0_i32, %c0_i32_0 : i32, i32
  }
  func.func @transform_8(%arg0: i32) -> (i32, i32) {
    %add3A = arith.constant 6 : i32
    %add3A_0 = arith.addi %add3A, %arg0 : i32
    %c0_i32 = arith.constant 0 : i32
    %c0_i32_1 = arith.constant 0 : i32
    return %add3A_0, %c0_i32 : i32, i32
  }
  func.func @transform_9(%arg0: i32) -> (i32, i32, i32) {
    %c0_i32 = arith.constant 0 : i32
    %c0_i32_0 = arith.constant 0 : i32
    %c0_i32_1 = arith.constant 0 : i32
    return %arg0, %c0_i32, %c0_i32_0 : i32, i32, i32
  }
}

module attributes {stable_mosaic.version = 14 : i64} {
  func.func @_k4_body(%arg0: i32, %arg1: i32, %arg2: memref<16xi32, #tpu.memory_space<smem>>, %arg3: memref<2048x768xf32, #tpu.memory_space<vmem>>, %arg4: memref<1x768x768xf32, #tpu.memory_space<vmem>>, %arg5: memref<1x768xf32, #tpu.memory_space<vmem>>, %arg6: memref<2048x768xf32, #tpu.memory_space<vmem>>) attributes {dimension_semantics = [#tpu.dimension_semantics<arbitrary>, #tpu.dimension_semantics<arbitrary>], iteration_bounds = array<i64: 8, 16>, scalar_prefetch = 1 : i64, scratch_operands = 0 : i64, tpu.core_type = #tpu.core_type<tc>, window_params = [{pipeline_mode = #tpu.pipeline_mode<synchronous>, transform_indices = @transform_0, window_bounds = array<i64: 2048, 768>}, {transform_indices = @transform_1, window_bounds = array<i64: 1, 768, 768>}, {pipeline_mode = #tpu.pipeline_mode<synchronous>, transform_indices = @transform_2, window_bounds = array<i64: 1, 768>}, {pipeline_mode = #tpu.pipeline_mode<synchronous>, transform_indices = @transform_3, window_bounds = array<i64: 2048, 768>}]} {
    %mul3A = arith.constant 128 : i32
    %mul3A_0 = arith.muli %arg1, %mul3A : i32
    %get3A = arith.index_cast %arg0 : i32 to index
    %get3A_1 = memref.load %arg2[%get3A] : memref<16xi32, #tpu.memory_space<smem>>
    %add3A = arith.constant 1 : i32
    %add3A_2 = arith.addi %arg0, %add3A : i32
    %get3A_3 = arith.index_cast %add3A_2 : i32 to index
    %get3A_4 = memref.load %arg2[%get3A_3] : memref<16xi32, #tpu.memory_space<smem>>
    %add3A_5 = arith.constant 128 : i32
    %add3A_6 = arith.addi %mul3A_0, %add3A_5 : i32
    %lt3A = arith.cmpi slt, %get3A_1, %add3A_6 : i32
    %gt3A = arith.cmpi sgt, %get3A_4, %mul3A_0 : i32
    %and3A = arith.andi %lt3A, %gt3A : i1
    %convert_element_type3A = arith.extui %and3A : i1 to i32
    %cond3A = arith.constant 0 : i32
    %cond3A_7 = arith.cmpi ne, %convert_element_type3A, %cond3A : i32
    scf.if %cond3A_7 {
      %get3A_8 = arith.index_cast %mul3A_0 : i32 to index
      %get3A_9 = arith.constant 0 : index
      %get3A_10 = vector.load %arg3[%get3A_8, %get3A_9] : memref<2048x768xf32, #tpu.memory_space<vmem>>, vector<128x768xf32>
      %get3A_11 = arith.constant 0 : index
      %get3A_12 = arith.constant 0 : index
      %get3A_13 = vector.load %arg5[%get3A_11, %get3A_12] : memref<1x768xf32, #tpu.memory_space<vmem>>, vector<1x768xf32>
      %get3A_14 = vector.shape_cast %get3A_13 : vector<1x768xf32> to vector<768xf32>
      %mul3A_15 = arith.mulf %get3A_10, %get3A_10 : vector<128x768xf32>
      %reduce_sum3A = arith.constant dense<0.000000e+00> : vector<128xf32>
      %reduce_sum3A_16 = vector.multi_reduction <add>, %mul3A_15, %reduce_sum3A [1] : vector<128x768xf32> to vector<128xf32>
      %broadcast_in_dim3A = vector.shape_cast %reduce_sum3A_16 : vector<128xf32> to vector<128x1xf32>
      %div3A = arith.constant 7.680000e+02 : f32
      %div3A_17 = vector.broadcast %div3A : f32 to vector<128x1xf32>
      %div3A_18 = arith.divf %broadcast_in_dim3A, %div3A_17 : vector<128x1xf32>
      %add3A_19 = arith.constant 9.99999997E-7 : f32
      %add3A_20 = vector.broadcast %add3A_19 : f32 to vector<128x1xf32>
      %add3A_21 = arith.addf %div3A_18, %add3A_20 : vector<128x1xf32>
      %rsqrt3A = math.rsqrt %add3A_21 : vector<128x1xf32>
      %mul3A_22 = vector.broadcast %rsqrt3A : vector<128x1xf32> to vector<128x768xf32>
      %mul3A_23 = arith.mulf %get3A_10, %mul3A_22 : vector<128x768xf32>
      %broadcast_in_dim3A_24 = vector.shape_cast %get3A_14 : vector<768xf32> to vector<1x768xf32>
      %mul3A_25 = vector.broadcast %broadcast_in_dim3A_24 : vector<1x768xf32> to vector<128x768xf32>
      %mul3A_26 = arith.mulf %mul3A_23, %mul3A_25 : vector<128x768xf32>
      %get3A_27 = arith.constant 0 : index
      %get3A_28 = arith.constant 0 : index
      %get3A_29 = arith.constant 0 : index
      %get3A_30 = vector.load %arg4[%get3A_27, %get3A_28, %get3A_29] : memref<1x768x768xf32, #tpu.memory_space<vmem>>, vector<1x768x768xf32>
      %get3A_31 = vector.shape_cast %get3A_30 : vector<1x768x768xf32> to vector<768x768xf32>
      %dot_general3A = arith.constant dense<0.000000e+00> : vector<128x768xf32>
      %dot_general3A_32 = tpu.matmul %mul3A_26, %get3A_31, %dot_general3A {dimension_numbers = #tpu.dot_dimension_numbers<[1], [0], [0], [1], [0, 0, 1, 1], [], []>, transpose_lhs_hint = false} : vector<128x768xf32>, vector<768x768xf32>, vector<128x768xf32> -> vector<128x768xf32>
      %iota3A = tpu.iota {dimensions = array<i32: 0>} : vector<128x1xi32>
      %add3A_33 = vector.broadcast %mul3A_0 : i32 to vector<128x1xi32>
      %add3A_34 = arith.addi %add3A_33, %iota3A : vector<128x1xi32>
      %ge3A = vector.broadcast %get3A_1 : i32 to vector<128x1xi32>
      %ge3A_35 = arith.cmpi sge, %add3A_34, %ge3A : vector<128x1xi32>
      %lt3A_36 = vector.broadcast %get3A_4 : i32 to vector<128x1xi32>
      %lt3A_37 = arith.cmpi slt, %add3A_34, %lt3A_36 : vector<128x1xi32>
      %and3A_38 = arith.andi %ge3A_35, %lt3A_37 : vector<128x1xi1>
      %get3A_39 = arith.index_cast %mul3A_0 : i32 to index
      %get3A_40 = arith.constant 0 : index
      %get3A_41 = vector.load %arg6[%get3A_39, %get3A_40] : memref<2048x768xf32, #tpu.memory_space<vmem>>, vector<128x768xf32>
      %add3A_42 = arith.addf %get3A_10, %dot_general3A_32 : vector<128x768xf32>
      %broadcast_in_dim3A_43 = vector.shape_cast %and3A_38 : vector<128x1xi1> to vector<128x1xi1>
      %broadcast_in_dim3A_44 = vector.broadcast %broadcast_in_dim3A_43 : vector<128x1xi1> to vector<128x768xi1>
      %select_n3A = arith.select %broadcast_in_dim3A_44, %add3A_42, %get3A_41 : vector<128x768xi1>, vector<128x768xf32>
      %swap3A = arith.index_cast %mul3A_0 : i32 to index
      %swap3A_45 = arith.constant 0 : index
      %swap3A_46 = vector.load %arg6[%swap3A, %swap3A_45] : memref<2048x768xf32, #tpu.memory_space<vmem>>, vector<128x768xf32>
      tpu.vector_store %arg6[%swap3A, %swap3A_45], %select_n3A {strides = array<i32>} : memref<2048x768xf32, #tpu.memory_space<vmem>>, vector<128x768xf32>,
    } else {
    }
    return
  }
  func.func @transform_0(%arg0: i32, %arg1: i32, %arg2: memref<16xi32, #tpu.memory_space<smem>>) -> (i32, i32) {
    %c0_i32 = arith.constant 0 : i32
    %c0_i32_0 = arith.constant 0 : i32
    %c0_i32_1 = arith.constant 0 : i32
    return %c0_i32, %c0_i32_0 : i32, i32
  }
  func.func @transform_1(%arg0: i32, %arg1: i32, %arg2: memref<16xi32, #tpu.memory_space<smem>>) -> (i32, i32, i32) {
    %c0_i32 = arith.constant 0 : i32
    %c0_i32_0 = arith.constant 0 : i32
    %c0_i32_1 = arith.constant 0 : i32
    return %arg0, %c0_i32, %c0_i32_0 : i32, i32, i32
  }
  func.func @transform_2(%arg0: i32, %arg1: i32, %arg2: memref<16xi32, #tpu.memory_space<smem>>) -> (i32, i32) {
    %c0_i32 = arith.constant 0 : i32
    %c0_i32_0 = arith.constant 0 : i32
    %c0_i32_1 = arith.constant 0 : i32
    return %c0_i32, %c0_i32_0 : i32, i32
  }
  func.func @transform_3(%arg0: i32, %arg1: i32, %arg2: memref<16xi32, #tpu.memory_space<smem>>) -> (i32, i32) {
    %c0_i32 = arith.constant 0 : i32
    %c0_i32_0 = arith.constant 0 : i32
    %c0_i32_1 = arith.constant 0 : i32
    return %c0_i32, %c0_i32_0 : i32, i32
  }
}

</mosaic_0001>

<sc_bundles>
// kernel: kernel.11.cloned.1.call-start
scs
__scs_entry_jumppad:
0x0: {  	(pc) =	sbr.rel $0x88, $3  }
0x1: {  	(tag) =	ssettag $0x0;
	lr =	simm.s32 $0x1  }
0x2: {  	[smem:$0x3F98] =	sst lr;
	_ =	strace $0xD0000000  }
0x3: {  	_ = 	snop  }
0x4: {  	_ = 	snop  }
0x5: {  	_ = 	snop  }
0x6: {  	_ = 	snop  }
0x7: {  	_ = 	snop  }
__scs_overlays_trampoline_lowered:
0x8: {  	[smem:$0x3FA7] =	sst s0  }
0x9: {  	[smem:$0x3FA8] =	sst s1  }
0xa: {  	[smem:$0x3FA9] =	sst s2  }
0xb: {  	[smem:$0x3FAA] =	sst s3  }
0xc: {  	[smem:$0x3FAB] =	sst s4  }
0xd: {  	[smem:$0x3FAC] =	sst s5  }
0xe: {  	[smem:$0x3FAD] =	sst s6  }
0xf: {  	[smem:$0x3FAE] =	sst s7  }
0x10: {  	[smem:$0x3FAF] =	sst s8  }
0x11: {  	[smem:$0x3FB0] =	sst s9;
	s0 =	simm.s32 @!p0 $0x0  }
0x12: {  	s1 =	sld [smem:$0x3F96];
	s0 =	simm.s32 @p0 $0x1  }
0x13: {  	[smem:$0x3FB1] =	sst s0;
	s0 =	simm.s32 @!p1 $0x0  }
0x14: {  	s2 =	sld [smem:$0x3F95];
	s0 =	simm.s32 @p1 $0x1  }
0x15: {  	[smem:$0x3FB2] =	sst s0;
	s0 =	simm.s32 @!p2 $0x0  }
0x16: {  	s3 =	sld [smem:$0x3FDB];
	s0 =	simm.s32 @p2 $0x1  }
0x17: {  	s4 =	simm.s32 $0x1BF5;
	[smem:$0x3FB4] =	sst s0  }
0x18: {  	s0 =	sld [smem:$0x3F97];
	_ =	swait.ge [sflag:s4], $0x0  }
0x19: {  	s7 =	sld [smem:$0x3F98]  }
0x1a: {  	s8 =	sadd.s32 $0xFFFFE003, lr  }
0x1b: {  	s9 =	sadd.s32 $0xFFFFFEF7, lr;
	s5 =	simm.s32 $0xFFFFFFFF;
	p2 =	slt.u32 s8, $0xFFFFF086  }
0x1c: {  	p1 =	slt.u32 s9, $0xF7A;
	s5 =	simm.s32 @!p2 $0x0  }
0x1d: {  	s5 =	simm.s32 @p1 $0x1;
	p0 =	seq.s32 s7, s2  }
0x1e: {  	s7 =	smul.u32 @!p0 $0xF7A, s2;
	p2 =	seq.s32 @!p0 s5, $0x0  }
0x1f: {  	s9 =	smul.u32 $0xF7A, s1;
	s8 =	simm.s32 @!p0 $0x1BF5;
	p2 =	por !p2, p0  }
0x20: {  	[sflag:s8] =	ssyncset.s32 @!p0 $0xFFFFF086;
	s6 =	sadd.s32 @!p0 s3, s7;
	s7 =	simm.s32 @!p0 $0x108  }
0x21: {  	s3 =	sadd.s32 s3, s9;
	s6 =	sadd.s32 @!p0 $0x88, s6;
	s7 =	simm.s32 @p2 $0x1082  }
0x22: {  	[simem:s7], [sflag:s8] =	dma.local @!p0 [hbm:s6], $0xF7A  }
0x23: {  	s9 =	sor.u32 $0xD0000000, s2;
	s6 =	simm.s32 $0x108;
	_ =	swait.ge @!p0 [sflag:s8], $0x0  }
0x24: {  	s3 =	sadd.s32 $0x88, s3;
	s6 =	simm.s32 @!p1 $0x1082;
	[sflag:s4] =	ssyncset.s32 $0xFFFFF086  }
0x25: {  	[simem:s6], [sflag:s4] =	dma.local [hbm:s3], $0xF7A  }
0x26: {  	[smem:$0x3F98] =	sst s1;
	(tag) =	ssettag s2;
	_ =	strace s9  }
0x27: {  	s1 =	sld [smem:$0x3FA8]  }
0x28: {  	s2 =	sld [smem:$0x3FA9]  }
0x29: {  	s4 =	sld [smem:$0x3FAB]  }
0x2a: {  	p0 =	seq.s32 s5, $0x0;
	s5 =	sld [smem:$0x3FAC]  }
0x2b: {  	s6 =	sld [smem:$0x3FAD]  }
0x2c: {  	s7 =	sld [smem:$0x3FAE]  }
0x2d: {  	s3 =	simm.s32 $0x108;
	s8 =	sld [smem:$0x3FAF]  }
0x2e: {  	s3 =	simm.s32 @!p0 $0x1082;
	s9 =	sld [smem:$0x3FB0]  }
0x2f: {  	lr =	sadd.s32 s0, s3;
	s0 =	sld [smem:$0x3FA7]  }
0x30: {  	s3 =	sld [smem:$0x3FAA]  }
0x31: {  	[smem:$0x3FB3] =	sst s10  }
0x32: {  	s10 =	sld [smem:$0x3FB1];
	_ =	sdelay $0x3  }
0x33: {  	p0 =	seq.s32 s10, $0x1;
	s10 =	sld [smem:$0x3FB3];
	_ =	sdelay $0x3  }
0x34: {  	[smem:$0x3FB3] =	sst s10  }
0x35: {  	s10 =	sld [smem:$0x3FB2];
	_ =	sdelay $0x3  }
0x36: {  	p1 =	seq.s32 s10, $0x1;
	s10 =	sld [smem:$0x3FB3];
	_ =	sdelay $0x3  }
0x37: {  	[smem:$0x3FB3] =	sst s10  }
0x38: {  	s10 =	sld [smem:$0x3FB4]  }
0x39: {  	_ = 	snop;
	(pc) =	sbr.ind lr, $3  }
0x3a: {  	_ = 	snop  }
0x3b: {  	_ = 	snop  }
0x3c: {  	p2 =	seq.s32 s10, $0x1;
	s10 =	sld [smem:$0x3FB3]  }
0x3d: {  	_ =	shalt  }
0x3e: {  	_ =	shalt  }
0x3f: {  	_ =	shalt  }
0x40: {  	_ =	shalt  }
0x41: {  	_ =	shalt  }
0x42: {  	_ =	shalt  }
0x43: {  	_ =	shalt  }
0x44: {  	_ =	shalt  }
0x45: {  	_ =	shalt  }
0x46: {  	_ =	shalt  }
0x47: {  	_ =	shalt  }
0x48: {  	_ =	shalt  }
0x49: {  	_ =	shalt  }
0x4a: {  	_ =	shalt  }
0x4b: {  	_ =	shalt  }
0x4c: {  	_ =	shalt  }
0x4d: {  	_ =	shalt  }
0x4e: {  	_ =	shalt  }
0x4f: {  	_ =	shalt  }
0x50: {  	_ =	shalt  }
0x51: {  	_ =	shalt  }
0x52: {  	_ =	shalt  }
0x53: {  	_ =	shalt  }
0x54: {  	_ =	shalt  }
0x55: {  	_ =	shalt  }
0x56: {  	_ =	shalt  }
0x57: {  	_ =	shalt  }
0x58: {  	_ =	shalt  }
0x59: {  	_ =	shalt  }
0x5a: {  	_ =	shalt  }
0x5b: {  	_ =	shalt  }
0x5c: {  	_ =	shalt  }
0x5d: {  	_ =	shalt  }
0x5e: {  	_ =	shalt  }
0x5f: {  	_ =	shalt  }
0x60: {  	_ =	shalt  }
0x61: {  	_ =	shalt  }
0x62: {  	_ =	shalt  }
0x63: {  	_ =	shalt  }
0x64: {  	_ =	shalt  }
0x65: {  	_ =	shalt  }
0x66: {  	_ =	shalt  }
0x67: {  	_ =	shalt  }
0x68: {  	_ =	shalt  }
0x69: {  	_ =	shalt  }
0x6a: {  	_ =	shalt  }
0x6b: {  	_ =	shalt  }
0x6c: {  	_ =	shalt  }
0x6d: {  	_ =	shalt  }
0x6e: {  	_ =	shalt  }
0x6f: {  	_ =	shalt  }
0x70: {  	_ =	shalt  }
0x71: {  	_ =	shalt  }
0x72: {  	_ =	shalt  }
0x73: {  	_ =	shalt  }
0x74: {  	_ =	shalt  }
0x75: {  	_ =	shalt  }
0x76: {  	_ =	shalt  }
0x77: {  	_ =	shalt  }
0x78: {  	_ =	shalt  }
0x79: {  	_ =	shalt  }
0x7a: {  	_ =	shalt  }
0x7b: {  	_ =	shalt  }
0x7c: {  	_ =	shalt  }
0x7d: {  	_ =	shalt  }
0x7e: {  	_ =	shalt  }
0x7f: {  	_ =	shalt  }
0x80: {  	_ =	shalt  }
0x81: {  	_ =	shalt  }
0x82: {  	_ =	shalt  }
0x83: {  	_ =	shalt  }
0x84: {  	_ =	shalt  }
0x85: {  	_ =	shalt  }
0x86: {  	_ =	shalt  }
0x87: {  	_ =	shalt  }
.Lfunc_end0:
.L_simem_size_0:
called_computation_lowered:
.L_overlay_start_0:
0x88: {  	s2 =	sld [smem:$0x3FD9]  }
0x89: {  	s3 =	sld [smem:$0x3FFE];
	_ =	sdelay $0x1  }
0x8a: {  	s1 =	srdreg.scid  }
0x8b: {  	s0 =	sand.u32 $0x1, s1  }
0x8c: {  	s16 =	sshll.u32 s0, $0xA;
	s2 =	sadd.s32 s3, s2  }
0x8d: {  	s2 =	sadd.s32 s2, s16  }
0x8e: {  	[smem:$0x3FBF] =	sst s2  }
0x8f: {  	_ = 	snop  }
0x90: {  	(tm) =	ssettm $0x1  }
0x91: {  	s17 =	sld [smem:$0x3FFB];
	_ =	sdelay $0x3  }
0x92: {  	_ =	strace s17  }
0x93: {  	s2 =	sld [smem:$0x3FFC];
	_ =	sdelay $0x3  }
0x94: {  	_ =	strace s2  }
0x95: {  	s2 =	sld [smem:$0x3FFD];
	_ =	sdelay $0x3  }
0x96: {  	_ =	strace s2  }
0x97: {  	_ =	strace $0x8FFFFFFF  }
0x98: {  	s18 =	sld [smem:$0x3FDB];
	_ =	sdelay $0x1  }
0x99: {  	s19 =	simm.s32 $_scs_section_size  }
0x9a: {  	s4 =	simm.s32 $_size__tile_overlayer_lowered;
	s5 =	simm.s32 $_tile_overlayer_lowered  }
0x9b: {  	s22 =	simm.s32 $0x1BFF;
	s21 =	sshll.u32 s5, $0x1;
	s2 =	sadd.s32 s19, s18  }
0x9c: {  	s6 =	simm.s32 $0x0;
	s20 =	sshll.u32 s4, $0x1;
	s4 =	sadd.s32 s21, s2  }
0x9d: {  	[timem:s6], [sflag:s22] =	dma.local [hbm:s4], s20  }
0x9e: {  	_ =	swait.ge [sflag:s22], s20  }
0x9f: {  	s3 =	ssub.s32 $0x0, s20;
	[sflag:s22] =	ssyncset.done $0x0  }
0xa0: {  	[sflag:s22] =	ssyncadd.s32 s3;
	_ =	sdelay $0x1  }
0xa1: {  	s23 =	simm.s32 $0x1B8B  }
0xa2: {  	_ =	swait.ge [sflag:s23], $0x1  }
0xa3: {  	[sflag:s23] =	ssyncset.done $0x0  }
0xa4: {  	s25 =	simm.s32 $0x1B8E;
	s24 =	sld [smem:$0x3FFE];
	[sflag:s23] =	ssyncadd.s32 $0xFFFFFFFF  }
0xa5: {  	s26 =	simm.s32 $execute0_lowered;
	[smem:$0x3FD2] =	sst s25  }
0xa6: {  	s4 =	sshll.u32 s26, $0x1;
	_ =	strace $0x80000046;
	[dreg:$0x1] =	wrdreg $0xFFFFFFFF  }
0xa7: {  	s28 =	simm.s32 $_size_execute0_lowered;
	s2 =	sadd.s32 s2, s4;
	[dreg:$0x0] =	wrdreg $0x0  }
0xa8: {  	s4 =	sshll.u32 s28, $0x1;
	[dreg:$0x2] =	wrdreg s2  }
0xa9: {  	[dreg:$0x3] =	wrdreg s4  }
0xaa: {  	[dreg:$0x4] =	wrdreg $0xC0  }
0xab: {  	_ =	task [dreg:s6], $0x5FFFF  }
0xac: {  	[dreg:$0x1] =	wrdreg $0xFFFFFFFF  }
0xad: {  	[dreg:$0x0] =	wrdreg $0x60  }
0xae: {  	[dreg:$0x2] =	wrdreg s24  }
0xaf: {  	[dreg:$0x3] =	wrdreg $0x9  }
0xb0: {  	_ =	task.clear_ibuf [dreg:s6], $0x4FFFF;
	_ =	strace $0x90000046  }
0xb1: {  	s29 =	simm.s32 $0x9;
	_ =	strace $0x80000048  }
0xb2: {  	_ =	swait.ge [sflag:s29], $0x1  }
0xb3: {  	[sflag:s29] =	ssyncadd.s32 $0xFFFFFFFF  }
0xb4: {  	_ =	strace $0x90000048  }
0xb5: {  	_ =	sfence  }
0xb6: {  	s30 =	sld [smem:$0x0];
	_ =	sdelay $0x2  }
0xb7: {  	s31 =	sshll.u32 s1, $0xD;
	s1 =	sshrl.u32 s1, $0x2  }
0xb8: {  	s3 =	sand.u32 $0x4000, s31;
	s1 =	sadd.s32 s1, s30  }
0xb9: {  	s0 =	sor.u32 s3, s0;
	s1 =	sshll.u32 s1, $0x11  }
0xba: {  	s0 =	sor.u32 s1, s0  }
0xbb: {  	s0 =	sadd.s32 $0x8F2B, s0  }
0xbc: {  	[sflag:s0] =	ssyncadd.remote.s32 $0x1  }
0xbd: {  	_ =	sfence.sel $0xFFFF  }
0xbe: {  	[dreg:$0x0] =	wrdreg $0xFFFFFFFF;
	(pc) =	sbr.abs _section_cstart, $3  }
0xbf: {  	[dreg:$0x1] =	wrdreg $0xFFFFFFFF  }
0xc0: {  	_ =	task.clear_ibuf [dreg:s6], $0x2FFFF;
	_ =	strace $0x9FFFFFFF  }
0xc1: {  	(tm) =	ssettm $0x7FFFFFFF  }
tec
execute0_lowered:
.L_overlay_start_1:
0x0: {  	(tag) =	ssettag $0x1  }
0x1: {  	s3 =	rddreg [dreg:$0x0];
	v0 =	vimm.s32 $0xFFFFFFFF;
	vm0 =	vcmask $0x1F1C  }
0x2: {  	s2 =	simm.s32 $0x0;
	s4 =	srdreg.scid;
	s1 =	stileid.u32;
	vm10 =	vcmask $0x1B18;
	vm1 =	vcmask $0x1714;
	vm11 =	vcmask $0x1310  }
0x3: {  	v4 =	vimm.s32 $0xFFFFFFFE;
	vm12 =	vcmask $0xF0C;
	v6 =	vimm.s32 $0xFFFFFFFD;
	[smem:$0x7FF] =	sst s2;
	s4 =	sand.u32 $0x1, s4;
	s5 =	sshll.u32 s1, $0x1  }
0x4: {  	s0 =	rddreg [dreg:$0x1];
	vm13 =	vcmask $0xB08;
	v8 =	vimm.s32 $0xFFFFFFFC;
	vm14 =	vcmask $0x704;
	_ =	strace $0x80000047;
	s5 =	sor.u32 s4, s5  }
0x5: {  	v10 =	vimm.s32 $0xFFFFFFFB;
	vm15 =	vcmask $0x300;
	v12 =	vimm.s32 $0xFFFFFFFA;
	s4 =	ssub.s32 $0x2, s4;
	s6 =	sshll.u32 s5, $0x3;
	s5 =	sshll.u32 s5, $0x4  }
0x6: {  	v13 =	vimm.s32 $0xFFFFFFF9;
	v1 =	vnsel vm0, $0x0, v0;
	v2 =	vnsel vm10, $0x0, v0;
	s31 =	sshrl.u32 s4, $0x1;
	s6 =	sadd.s32 s6, s3;
	s5 =	sadd.s32 s5, s3  }
0x7: {  	v3 =	vnsel vm1, $0x0, v0;
	v5 =	vnsel vm11, $0x0, v0;
	v7 =	vnsel vm12, $0x0, v0;
	s7 =	ssub.s32 s4, s31;
	s3 =	sadd.s32 $0x2C00, s6;
	s4 =	sadd.s32 $0x2E00, s5  }
0x8: {  	v9 =	vnsel vm13, $0x0, v0;
	v11 =	vnsel vm14, $0x0, v0;
	v14 =	vnsel vm15, $0x0, v0;
	s5 =	smax.u32 s7, $0x1;
	s6 =	simm.s32 $0x1;
	s7 =	simm.s32 $0x80  }
.LBB2_1:
0x9: {  	[tilespmem:s2], [sflag:$0x1] =	stream.linear.gather [hbm4b:s3+s2], $0x40, $0x38;
	[tilespmem:$0x100] =	vst v63  }
0xa: {  	_ =	swait.ge [sflag:s6], $0x40  }
0xb: {  	[sflag:s6] =	ssyncset.done $0x0  }
0xc: {  	[sflag:s6] =	ssyncadd.s32 $0xFFFFFFC0  }
0xd: {  	v15 =	vld [tilespmem:$0x0];
	_ =	sdelay $0x1  }
0xe: {  	v24 =	vld [tilespmem:$0x10];
	_ =	sdelay $0x2  }
0xf: {  	v16 =	vsub.s32 $0x0, v15;
	v17 =	vadd.s32 v0, v15  }
0x10: {  	v19 =	vadd.s32 v4, v15;
	v20 =	vadd.s32 v6, v15;
	v28 =	vadd.s32 v8, v15  }
0x11: {  	v22 =	vadd.s32 v10, v15;
	v23 =	vadd.s32 v12, v15;
	v32 =	vsub.s32 $0x0, v24  }
0x12: {  	v25 =	vadd.s32 v0, v24;
	v33 =	vadd.s32 v4, v24;
	v35 =	vadd.s32 v6, v24  }
0x13: {  	v38 =	vadd.s32 v10, v24;
	v40 =	vadd.s32 v12, v24;
	v16 =	vmin.u32 v15, v16  }
0x14: {  	v18 =	vsub.s32 $0x0, v17;
	v26 =	vsub.s32 $0x0, v19;
	v27 =	vsub.s32 $0x0, v20  }
0x15: {  	v21 =	vsub.s32 $0x0, v28;
	v29 =	vsub.s32 $0x0, v22;
	v30 =	vsub.s32 $0x0, v23  }
0x16: {  	v15 =	vadd.s32 v13, v15;
	v34 =	vsub.s32 $0x0, v33;
	v36 =	vsub.s32 $0x0, v35  }
0x17: {  	v39 =	vsub.s32 $0x0, v38;
	v41 =	vsub.s32 $0x0, v40;
	vm0 =	vlt.s32 v16, $0x1  }
0x18: {  	v17 =	vmin.u32 v17, v18;
	v18 =	vmin.u32 v19, v26;
	v19 =	vmin.u32 v20, v27  }
0x19: {  	v20 =	vmin.u32 v28, v21;
	v21 =	vmin.u32 v22, v29;
	v22 =	vmin.u32 v23, v30  }
0x1a: {  	v31 =	vsub.s32 $0x0, v15;
	v23 =	vmin.u32 v24, v32;
	v26 =	vsub.s32 $0x0, v25  }
0x1b: {  	v29 =	vadd.s32 v8, v24;
	v24 =	vadd.s32 v13, v24;
	v16 =	vnsel vm0, $0x1, v16  }
0x1c: {  	vm9 =	vlt.s32 v17, $0x1;
	vm10 =	vlt.s32 v18, $0x1;
	vm11 =	vlt.s32 v19, $0x1  }
0x1d: {  	vm12 =	vlt.s32 v20, $0x1;
	vm13 =	vlt.s32 v21, $0x1;
	v15 =	vmin.u32 v15, v31  }
0x1e: {  	vm14 =	vlt.s32 v22, $0x1;
	vm4 =	vlt.s32 v23, $0x1;
	vm15 =	vlt.s32 v15, $0x1  }
0x1f: {  	v37 =	vsub.s32 $0x0, v29;
	v42 =	vsub.s32 $0x0, v24;
	v15 =	vnsel vm15, $0x1, v15  }
0x20: {  	v16 =	vsub.s32 $0x1, v16;
	v27 =	vsub.s32 $0x1, v15;
	v15 =	vmin.u32 v25, v26  }
0x21: {  	v17 =	vnsel vm9, $0x1, v17;
	v18 =	vnsel vm10, $0x1, v18;
	vm5 =	vlt.s32 v15, $0x1  }
0x22: {  	v19 =	vnsel vm11, $0x1, v19;
	v20 =	vnsel vm12, $0x1, v20;
	v15 =	vnsel vm5, $0x1, v15  }
0x23: {  	v21 =	vnsel vm13, $0x1, v21;
	v28 =	vsub.s32 $0x1, v15;
	v15 =	vmin.u32 v33, v34  }
0x24: {  	v22 =	vnsel vm14, $0x1, v22;
	v23 =	vnsel vm4, $0x1, v23;
	vm6 =	vlt.s32 v15, $0x1  }
0x25: {  	v62 =	vld [tilespmem:$0x30];
	v17 =	vsub.s32 $0x1, v17;
	v18 =	vsub.s32 $0x1, v18;
	v15 =	vnsel vm6, $0x1, v15  }
0x26: {  	v19 =	vsub.s32 $0x1, v19;
	v30 =	vsub.s32 $0x1, v15;
	v15 =	vmin.u32 v29, v37  }
0x27: {  	v20 =	vsub.s32 $0x1, v20;
	v21 =	vsub.s32 $0x1, v21;
	vm8 =	vlt.s32 v15, $0x1  }
0x28: {  	v31 =	vld [tilespmem:$0x20];
	v22 =	vsub.s32 $0x1, v22;
	v23 =	vsub.s32 $0x1, v23;
	v15 =	vnsel vm8, $0x1, v15  }
0x29: {  	v25 =	vmin.u32 v35, v36;
	v32 =	vsub.s32 $0x1, v15;
	v15 =	vmin.u32 v38, v39  }
0x2a: {  	v26 =	vmin.u32 v40, v41;
	v41 =	vsub.s32 $0x0, v62;
	vm9 =	vlt.s32 v15, $0x1  }
0x2b: {  	vm7 =	vlt.s32 v25, $0x1;
	vm10 =	vlt.s32 v26, $0x1;
	v15 =	vnsel vm9, $0x1, v15  }
0x2c: {  	v25 =	vnsel vm7, $0x1, v25;
	v33 =	vsub.s32 $0x1, v15;
	v15 =	vmin.u32 v24, v42  }
0x2d: {  	v43 =	vnsel vm10, $0x1, v26;
	v44 =	vsub.s32 $0x0, v31;
	vm11 =	vlt.s32 v15, $0x1  }
0x2e: {  	v49 =	vadd.s32 v6, v31;
	v54 =	vadd.s32 v8, v31;
	v15 =	vnsel vm11, $0x1, v15  }
0x2f: {  	v57 =	vadd.s32 v10, v31;
	v45 =	vsub.s32 $0x1, v15;
	v15 =	vadd.s32 v0, v31  }
0x30: {  	(xrf0) =	vadd.scan.msk.s32 $0xffff, v16;
	v60 =	vadd.s32 v12, v31;
	v34 =	vadd.s32 v4, v31;
	v47 =	vsub.s32 $0x0, v15  }
0x31: {  	(xrf0) =	vadd.scan.msk.s32 $0xffff, v17;
	v40 =	vadd.s32 v13, v31;
	v48 =	vsub.s32 $0x0, v34;
	v15 =	vmin.u32 v15, v47  }
0x32: {  	(xrf0) =	vadd.scan.msk.s32 $0xffff, v18;
	v25 =	vsub.s32 $0x1, v25;
	v16 =	vmin.u32 v34, v48;
	vm13 =	vlt.s32 v15, $0x1  }
0x33: {  	(xrf0) =	vadd.scan.msk.s32 $0xffff, v19;
	v26 =	vmin.u32 v31, v44;
	vm14 =	vlt.s32 v16, $0x1;
	v15 =	vnsel vm13, $0x1, v15  }
0x34: {  	v50 =	vsub.s32 $0x0, v49;
	(xrf0) =	vadd.scan.msk.s32 $0xffff, v20;
	v51 =	vsub.s32 $0x1, v15;
	v15 =	vnsel vm14, $0x1, v16  }
0x35: {  	v56 =	vsub.s32 $0x0, v54;
	v59 =	vsub.s32 $0x0, v57;
	v61 =	vsub.s32 $0x0, v60;
	(xrf0) =	vadd.scan.msk.s32 $0xffff, v21  }
0x36: {  	vm12 =	vlt.s32 v26, $0x1;
	v52 =	vmin.u32 v49, v50;
	v58 =	vmin.u32 v54, v56;
	v17, _, _ =	vpop (xrf0);
	(xrf0) =	vadd.scan.msk.s32 $0xffff, v22  }
0x37: {  	v46 =	vnsel vm12, $0x1, v26;
	vm15 =	vlt.s32 v52, $0x1;
	v53 =	vsub.s32 $0x1, v15;
	v15, _, _ =	vpop (xrf0);
	(xrf0) =	vadd.scan.msk.s32 $0xffff, v27  }
0x38: {  	vm4 =	vlt.s32 v58, $0x1;
	v22 =	vmin.u32 v57, v59;
	v48 =	vadd.s32 v4, v62;
	v16, _, _ =	vpop (xrf0);
	(xrf0) =	vadd.scan.msk.s32 $0xffff, v23  }
0x39: {  	v57 =	vadd.s32 v10, v62;
	v35 =	vsub.s32 $0x1, v46;
	v55 =	vnsel vm15, $0x1, v52;
	v18, _, _ =	vpop (xrf0);
	(xrf0) =	vadd.scan.msk.s32 $0xffff, v28  }
0x3a: {  	v26 =	vnsel vm4, $0x1, v58;
	vm5 =	vlt.s32 v22, $0x1;
	v50 =	vsub.s32 $0x0, v48;
	v27, _, _ =	vpop (xrf0);
	(xrf0) =	vadd.scan.msk.s32 $0xffff, v30  }
0x3b: {  	v59 =	vsub.s32 $0x0, v57;
	v21 =	vsub.s32 $0x1, v55;
	v22 =	vnsel vm5, $0x1, v22;
	v28, _, _ =	vpop (xrf0);
	(xrf0) =	vadd.scan.msk.s32 $0xffff, v25  }
0x3c: {  	v63 =	vsub.s32 $0x1, v26;
	v22 =	vsub.s32 $0x1, v22;
	v38 =	vadd.s32 v6, v62;
	v30, _, _ =	vpop (xrf0);
	(xrf0) =	vadd.scan.msk.s32 $0xffff, v32  }
0x3d: {  	v52 =	vsub.s32 $0x0, v38;
	v24 =	vsub.s32 $0x1, v43;
	v31 =	vsub.s32 $0x0, v40;
	v32, _, _ =	vpop (xrf0);
	(xrf0) =	vadd.scan.msk.s32 $0xffff, v33  }
0x3e: {  	v42 =	vadd.s32 v0, v62;
	v43 =	vmin.u32 v62, v41;
	v26 =	vmin.u32 v40, v31;
	v36, _, _ =	vpop (xrf0);
	(xrf0) =	vadd.scan.msk.s32 $0xffff, v24  }
0x3f: {  	v41 =	vadd.s32 v12, v62;
	v44 =	vsub.s32 $0x0, v42;
	vm7 =	vlt.s32 v26, $0x1;
	v37, _, _ =	vpop (xrf0);
	(xrf0) =	vadd.scan.msk.s32 $0xffff, v45  }
0x40: {  	vm8 =	vlt.s32 v43, $0x1;
	v26 =	vnsel vm7, $0x1, v26;
	v23 =	vmin.u32 v60, v61;
	v31, _, _ =	vpop (xrf0);
	(xrf0) =	vadd.scan.msk.s32 $0xffff, v35  }
0x41: {  	v26 =	vsub.s32 $0x1, v26;
	v60 =	vmin.u32 v57, v59;
	vm6 =	vlt.s32 v23, $0x1;
	v33, _, _ =	vpop (xrf0);
	(xrf0) =	vadd.scan.msk.s32 $0xffff, v51  }
0x42: {  	v61 =	vsub.s32 $0x0, v41;
	vm13 =	vlt.s32 v60, $0x1;
	v23 =	vnsel vm6, $0x1, v23;
	v35, _, _ =	vpop (xrf0);
	(xrf0) =	vadd.scan.msk.s32 $0xffff, v53  }
0x43: {  	v20 =	vnsel vm13, $0x1, v60;
	v24 =	vnsel vm8, $0x1, v43;
	v45 =	vmin.u32 v42, v44;
	v39, _, _ =	vpop (xrf0);
	(xrf0) =	vadd.scan.msk.s32 $0xffff, v21  }
0x44: {  	v46 =	vsub.s32 $0x1, v24;
	v24 =	vmin.u32 v38, v52;
	vm9 =	vlt.s32 v45, $0x1;
	v40, _, _ =	vpop (xrf0);
	(xrf0) =	vadd.scan.msk.s32 $0xffff, v63  }
0x45: {  	v23 =	vsub.s32 $0x1, v23;
	vm11 =	vlt.s32 v24, $0x1;
	v47 =	vnsel vm9, $0x1, v45;
	v38, _, _ =	vpop (xrf0);
	(xrf0) =	vadd.scan.msk.s32 $0xffff, v22  }
0x46: {  	v51 =	vmin.u32 v48, v50;
	v56 =	vnsel vm11, $0x1, v24;
	v53 =	vadd.s32 v8, v62;
	v25, _, _ =	vpop (xrf0);
	(xrf0) =	vadd.scan.msk.s32 $0xffff, v23  }
0x47: {  	v49 =	vsub.s32 $0x1, v47;
	vm10 =	vlt.s32 v51, $0x1;
	v54 =	vsub.s32 $0x0, v53;
	v24, _, _ =	vpop (xrf0);
	(xrf0) =	vadd.scan.msk.s32 $0xffff, v26  }
0x48: {  	v62 =	vadd.s32 v13, v62;
	v21 =	vnsel vm10, $0x1, v51;
	v55 =	vmin.u32 v53, v54;
	v29, _, _ =	vpop (xrf0);
	(xrf0) =	vadd.scan.msk.s32 $0xffff, v46  }
0x49: {  	v47 =	vsub.s32 $0x0, v62;
	v21 =	vsub.s32 $0x1, v21;
	vm12 =	vlt.s32 v55, $0x1;
	v42, _, _ =	vpop (xrf0);
	(xrf0) =	vadd.scan.msk.s32 $0xffff, v49  }
0x4a: {  	v23 =	vsub.s32 $0x1, v56;
	v22 =	vnsel vm12, $0x1, v55;
	v46 =	vmin.u32 v41, v61;
	v63, _, _ =	vpop (xrf0);
	(xrf0) =	vadd.scan.msk.s32 $0xffff, v21  }
0x4b: {  	v58 =	vsub.s32 $0x1, v22;
	v22 =	vmin.u32 v62, v47;
	vm14 =	vlt.s32 v46, $0x1;
	v48, _, _ =	vpop (xrf0);
	(xrf0) =	vadd.scan.msk.s32 $0xffff, v23  }
0x4c: {  	v50 =	vsub.s32 $0x1, v20;
	vm15 =	vlt.s32 v22, $0x1;
	v51 =	vnsel vm14, $0x1, v46;
	v49, _, _ =	vpop (xrf0);
	(xrf0) =	vadd.scan.msk.s32 $0xffff, v58  }
0x4d: {  	v54 =	vnsel vm15, $0x1, v22;
	v53 =	vsub.s32 $0x1, v51;
	v52, _, _ =	vpop (xrf0);
	(xrf0) =	vadd.scan.msk.s32 $0xffff, v50  }
0x4e: {  	v56 =	vsub.s32 $0x1, v54;
	v55, _, _ =	vpop (xrf0);
	(xrf0) =	vadd.scan.msk.s32 $0xffff, v53  }
0x4f: {  	v57, _, _ =	vpop (xrf0);
	(xrf0) =	vadd.scan.msk.s32 $0xffff, v56  }
0x50: {  	v17 =	vadd.s32 v17, v36;
	v15 =	vadd.s32 v15, v37;
	v16 =	vadd.s32 v16, v31;
	v58, _, _ =	vpop (xrf0)  }
0x51: {  	v18 =	vadd.s32 v18, v33;
	v27 =	vadd.s32 v27, v35;
	v28 =	vadd.s32 v28, v39;
	v59, _, _ =	vpop (xrf0)  }
0x52: {  	v30 =	vadd.s32 v30, v40;
	v32 =	vadd.s32 v32, v38;
	v17 =	vadd.s32 v25, v17;
	v43, _, _ =	vpop (xrf0)  }
0x53: {  	v15 =	vadd.s32 v24, v15;
	v16 =	vadd.s32 v29, v16;
	v18 =	vadd.s32 v42, v18;
	v44, _, _ =	vpop (xrf0)  }
0x54: {  	v27 =	vadd.s32 v63, v27;
	v28 =	vadd.s32 v48, v28;
	v17 =	vadd.s32 v55, v17;
	v45, _, _ =	vpop (xrf0)  }
0x55: {  	v23 =	vadd.s32 v49, v30;
	v21 =	vadd.s32 v52, v32;
	v17 =	vbroadcast v17, $0xF;
	v60, _, _ =	vpop (xrf0)  }
0x56: {  	v15 =	vadd.s32 v57, v15;
	v16 =	vadd.s32 v58, v16;
	v21 =	vadd.s32 v60, v21  }
0x57: {  	v18 =	vadd.s32 v59, v18;
	v23 =	vadd.s32 v45, v23;
	v21 =	vbroadcast v21, $0xF  }
0x58: {  	v17 =	vand.u32 v14, v17;
	v28 =	vadd.s32 v44, v28;
	v23 =	vbroadcast v23, $0xF  }
0x59: {  	v27 =	vadd.s32 v43, v27;
	v28 =	vbroadcast v28, $0xF;
	v21 =	vand.u32 v1, v21  }
0x5a: {  	v61 =	vbroadcast v27, $0xF;
	v62 =	vand.u32 v2, v23;
	v17 =	vadd.s32 v17, v21  }
0x5b: {  	v18 =	vbroadcast v18, $0xF;
	v63 =	vand.u32 v3, v28;
	v17 =	vadd.s32 v62, v17  }
0x5c: {  	v16 =	vbroadcast v16, $0xF;
	v25 =	vand.u32 v5, v61;
	v17 =	vadd.s32 v63, v17  }
0x5d: {  	v15 =	vbroadcast v15, $0xF;
	v18 =	vand.u32 v7, v18;
	v17 =	vadd.s32 v25, v17  }
0x5e: {  	v16 =	vand.u32 v9, v16;
	v17 =	vadd.s32 v18, v17  }
0x5f: {  	v15 =	vand.u32 v11, v15;
	v16 =	vadd.s32 v16, v17  }
0x60: {  	p0 =	sne.s32 s5, $0x1;
	v15 =	vadd.s32 v15, v16  }
.Ltmp0:
0x61: {  	[tilespmem:$0x80] =	vst v15;
	(pc) =	sbr.rel @p0 .LBB2_1-.Ltmp0, $4  }
0x62: {  	[hbm4b:s4+s2] =	stream.linear.scatter [tilespmem:s7], [sflag:$0x1], $0x80, $0x38;
	[tilespmem:$0x100] =	vst v63  }
0x63: {  	_ =	swait.ge [sflag:s6], $0x80  }
0x64: {  	[sflag:s6] =	ssyncset.done $0x0  }
0x65: {  	s5 =	sadd.s32 $0xFFFFFFFF, s5;
	[sflag:s6] =	ssyncadd.s32 $0xFFFFFF80  }
0x66: {  	_ =	sfence.sel $0x180000  }
0x67: {  	[bflag:$0x0] =	sbarrier.arrive $0xFFFF  }
0x68: {  	p0 =	sne.s32 s1, $0x0;
	_ =	strace $0x90000047  }
0x69: {  	s0 =	sadd.s32 @!p0 $0x100000, s0;
	[bflag:$0x2] =	sbarrier.arrive $0xFFFF  }
0x6a: {  	[sflag:s0] =	ssyncadd.tile.s32 @!p0 $0x1;
	_ =	shalt  }
.Lfunc_end2:
_tile_overlayer_lowered:
.L_overlay_start_2:
0x6b: {  	(tag) =	ssettag $0x2  }
0x6c: {  	s0 =	rddreg [dreg:$0x0];
	s2 =	stileid.u32  }
0x6d: {  	s1 =	rddreg [dreg:$0x1];
	p0 =	sne.s32 s2, $0x0  }
0x6e: {  	s3 =	rddreg [dreg:$0x2];
	[bflag:$0x3] =	sbarrier.arrive $0xFFFF;
	s2 =	simm.s32 @!p0 $0x1C01  }
0x6f: {  	[timem:s3], [sflag:s2] =	dma.local @!p0 [hbm:s0], s1  }
0x70: {  	s0 =	simm.s32 @!p0 $0x1  }
0x71: {  	_ =	swait.ge @!p0 [sflag:s0], s1  }
0x72: {  	s1 =	ssub.s32 @!p0 $0x0, s1;
	[sflag:s0] =	ssyncset.done @!p0 $0x0  }
0x73: {  	[sflag:s0] =	ssyncadd.s32 @!p0 s1  }
0x74: {  	[bflag:$0x3] =	sbarrier.arrive $0xFFFF  }
0x75: {  	_ =	shalt  }

// kernel: kernel.14.cloned.1.call-start
scs
__scs_entry_jumppad:
0x0: {  	(pc) =	sbr.rel $0x88, $3  }
0x1: {  	(tag) =	ssettag $0x0;
	lr =	simm.s32 $0x1  }
0x2: {  	[smem:$0x3F98] =	sst lr;
	_ =	strace $0xD0000000  }
0x3: {  	_ = 	snop  }
0x4: {  	_ = 	snop  }
0x5: {  	_ = 	snop  }
0x6: {  	_ = 	snop  }
0x7: {  	_ = 	snop  }
__scs_overlays_trampoline_lowered:
0x8: {  	[smem:$0x3FA7] =	sst s0  }
0x9: {  	[smem:$0x3FA8] =	sst s1  }
0xa: {  	[smem:$0x3FA9] =	sst s2  }
0xb: {  	[smem:$0x3FAA] =	sst s3  }
0xc: {  	[smem:$0x3FAB] =	sst s4  }
0xd: {  	[smem:$0x3FAC] =	sst s5  }
0xe: {  	[smem:$0x3FAD] =	sst s6  }
0xf: {  	[smem:$0x3FAE] =	sst s7  }
0x10: {  	[smem:$0x3FAF] =	sst s8  }
0x11: {  	[smem:$0x3FB0] =	sst s9;
	s0 =	simm.s32 @!p0 $0x0  }
0x12: {  	s1 =	sld [smem:$0x3F96];
	s0 =	simm.s32 @p0 $0x1  }
0x13: {  	[smem:$0x3FB1] =	sst s0;
	s0 =	simm.s32 @!p1 $0x0  }
0x14: {  	s2 =	sld [smem:$0x3F95];
	s0 =	simm.s32 @p1 $0x1  }
0x15: {  	[smem:$0x3FB2] =	sst s0;
	s0 =	simm.s32 @!p2 $0x0  }
0x16: {  	s3 =	sld [smem:$0x3FDB];
	s0 =	simm.s32 @p2 $0x1  }
0x17: {  	s4 =	simm.s32 $0x1BF5;
	[smem:$0x3FB4] =	sst s0  }
0x18: {  	s0 =	sld [smem:$0x3F97];
	_ =	swait.ge [sflag:s4], $0x0  }
0x19: {  	s7 =	sld [smem:$0x3F98]  }
0x1a: {  	s8 =	sadd.s32 $0xFFFFE003, lr  }
0x1b: {  	s9 =	sadd.s32 $0xFFFFFEF7, lr;
	s5 =	simm.s32 $0xFFFFFFFF;
	p2 =	slt.u32 s8, $0xFFFFF086  }
0x1c: {  	p1 =	slt.u32 s9, $0xF7A;
	s5 =	simm.s32 @!p2 $0x0  }
0x1d: {  	s5 =	simm.s32 @p1 $0x1;
	p0 =	seq.s32 s7, s2  }
0x1e: {  	s7 =	smul.u32 @!p0 $0xF7A, s2;
	p2 =	seq.s32 @!p0 s5, $0x0  }
0x1f: {  	s9 =	smul.u32 $0xF7A, s1;
	s8 =	simm.s32 @!p0 $0x1BF5;
	p2 =	por !p2, p0  }
0x20: {  	[sflag:s8] =	ssyncset.s32 @!p0 $0xFFFFF086;
	s6 =	sadd.s32 @!p0 s3, s7;
	s7 =	simm.s32 @!p0 $0x108  }
0x21: {  	s3 =	sadd.s32 s3, s9;
	s6 =	sadd.s32 @!p0 $0x88, s6;
	s7 =	simm.s32 @p2 $0x1082  }
0x22: {  	[simem:s7], [sflag:s8] =	dma.local @!p0 [hbm:s6], $0xF7A  }
0x23: {  	s9 =	sor.u32 $0xD0000000, s2;
	s6 =	simm.s32 $0x108;
	_ =	swait.ge @!p0 [sflag:s8], $0x0  }
0x24: {  	s3 =	sadd.s32 $0x88, s3;
	s6 =	simm.s32 @!p1 $0x1082;
	[sflag:s4] =	ssyncset.s32 $0xFFFFF086  }
0x25: {  	[simem:s6], [sflag:s4] =	dma.local [hbm:s3], $0xF7A  }
0x26: {  	[smem:$0x3F98] =	sst s1;
	(tag) =	ssettag s2;
	_ =	strace s9  }
0x27: {  	s1 =	sld [smem:$0x3FA8]  }
0x28: {  	s2 =	sld [smem:$0x3FA9]  }
0x29: {  	s4 =	sld [smem:$0x3FAB]  }
0x2a: {  	p0 =	seq.s32 s5, $0x0;
	s5 =	sld [smem:$0x3FAC]  }
0x2b: {  	s6 =	sld [smem:$0x3FAD]  }
0x2c: {  	s7 =	sld [smem:$0x3FAE]  }
0x2d: {  	s3 =	simm.s32 $0x108;
	s8 =	sld [smem:$0x3FAF]  }
0x2e: {  	s3 =	simm.s32 @!p0 $0x1082;
	s9 =	sld [smem:$0x3FB0]  }
0x2f: {  	lr =	sadd.s32 s0, s3;
	s0 =	sld [smem:$0x3FA7]  }
0x30: {  	s3 =	sld [smem:$0x3FAA]  }
0x31: {  	[smem:$0x3FB3] =	sst s10  }
0x32: {  	s10 =	sld [smem:$0x3FB1];
	_ =	sdelay $0x3  }
0x33: {  	p0 =	seq.s32 s10, $0x1;
	s10 =	sld [smem:$0x3FB3];
	_ =	sdelay $0x3  }
0x34: {  	[smem:$0x3FB3] =	sst s10  }
0x35: {  	s10 =	sld [smem:$0x3FB2];
	_ =	sdelay $0x3  }
0x36: {  	p1 =	seq.s32 s10, $0x1;
	s10 =	sld [smem:$0x3FB3];
	_ =	sdelay $0x3  }
0x37: {  	[smem:$0x3FB3] =	sst s10  }
0x38: {  	s10 =	sld [smem:$0x3FB4]  }
0x39: {  	_ = 	snop;
	(pc) =	sbr.ind lr, $3  }
0x3a: {  	_ = 	snop  }
0x3b: {  	_ = 	snop  }
0x3c: {  	p2 =	seq.s32 s10, $0x1;
	s10 =	sld [smem:$0x3FB3]  }
0x3d: {  	_ =	shalt  }
0x3e: {  	_ =	shalt  }
0x3f: {  	_ =	shalt  }
0x40: {  	_ =	shalt  }
0x41: {  	_ =	shalt  }
0x42: {  	_ =	shalt  }
0x43: {  	_ =	shalt  }
0x44: {  	_ =	shalt  }
0x45: {  	_ =	shalt  }
0x46: {  	_ =	shalt  }
0x47: {  	_ =	shalt  }
0x48: {  	_ =	shalt  }
0x49: {  	_ =	shalt  }
0x4a: {  	_ =	shalt  }
0x4b: {  	_ =	shalt  }
0x4c: {  	_ =	shalt  }
0x4d: {  	_ =	shalt  }
0x4e: {  	_ =	shalt  }
0x4f: {  	_ =	shalt  }
0x50: {  	_ =	shalt  }
0x51: {  	_ =	shalt  }
0x52: {  	_ =	shalt  }
0x53: {  	_ =	shalt  }
0x54: {  	_ =	shalt  }
0x55: {  	_ =	shalt  }
0x56: {  	_ =	shalt  }
0x57: {  	_ =	shalt  }
0x58: {  	_ =	shalt  }
0x59: {  	_ =	shalt  }
0x5a: {  	_ =	shalt  }
0x5b: {  	_ =	shalt  }
0x5c: {  	_ =	shalt  }
0x5d: {  	_ =	shalt  }
0x5e: {  	_ =	shalt  }
0x5f: {  	_ =	shalt  }
0x60: {  	_ =	shalt  }
0x61: {  	_ =	shalt  }
0x62: {  	_ =	shalt  }
0x63: {  	_ =	shalt  }
0x64: {  	_ =	shalt  }
0x65: {  	_ =	shalt  }
0x66: {  	_ =	shalt  }
0x67: {  	_ =	shalt  }
0x68: {  	_ =	shalt  }
0x69: {  	_ =	shalt  }
0x6a: {  	_ =	shalt  }
0x6b: {  	_ =	shalt  }
0x6c: {  	_ =	shalt  }
0x6d: {  	_ =	shalt  }
0x6e: {  	_ =	shalt  }
0x6f: {  	_ =	shalt  }
0x70: {  	_ =	shalt  }
0x71: {  	_ =	shalt  }
0x72: {  	_ =	shalt  }
0x73: {  	_ =	shalt  }
0x74: {  	_ =	shalt  }
0x75: {  	_ =	shalt  }
0x76: {  	_ =	shalt  }
0x77: {  	_ =	shalt  }
0x78: {  	_ =	shalt  }
0x79: {  	_ =	shalt  }
0x7a: {  	_ =	shalt  }
0x7b: {  	_ =	shalt  }
0x7c: {  	_ =	shalt  }
0x7d: {  	_ =	shalt  }
0x7e: {  	_ =	shalt  }
0x7f: {  	_ =	shalt  }
0x80: {  	_ =	shalt  }
0x81: {  	_ =	shalt  }
0x82: {  	_ =	shalt  }
0x83: {  	_ =	shalt  }
0x84: {  	_ =	shalt  }
0x85: {  	_ =	shalt  }
0x86: {  	_ =	shalt  }
0x87: {  	_ =	shalt  }
.Lfunc_end0:
.L_simem_size_0:
called_computation.1_lowered:
.L_overlay_start_0:
0x88: {  	s2 =	sld [smem:$0x3FD9]  }
0x89: {  	s3 =	sld [smem:$0x3FFE];
	_ =	sdelay $0x1  }
0x8a: {  	s1 =	srdreg.scid  }
0x8b: {  	s0 =	sand.u32 $0x1, s1  }
0x8c: {  	s17 =	sshll.u32 s0, $0xA;
	s2 =	sadd.s32 s3, s2  }
0x8d: {  	s2 =	sadd.s32 s2, s17  }
0x8e: {  	[smem:$0x3FBF] =	sst s2  }
0x8f: {  	_ = 	snop  }
0x90: {  	s2 =	sld [smem:$0x3FD0];
	(tm) =	ssettm $0x1  }
0x91: {  	s18 =	sld [smem:$0x3FFB];
	_ =	sdelay $0x3  }
0x92: {  	_ =	strace s18  }
0x93: {  	s3 =	sld [smem:$0x3FFC];
	_ =	sdelay $0x3  }
0x94: {  	_ =	strace s3  }
0x95: {  	s3 =	sld [smem:$0x3FFD];
	_ =	sdelay $0x3  }
0x96: {  	_ =	strace s3  }
0x97: {  	_ =	strace $0x8FFFFFFF  }
0x98: {  	s19 =	sld [smem:$0x3FDB];
	_ =	sdelay $0x1  }
0x99: {  	s4 =	simm.s32 $_scs_section_size  }
0x9a: {  	s5 =	simm.s32 $_size__tile_overlayer_lowered;
	s6 =	simm.s32 $_tile_overlayer_lowered  }
0x9b: {  	s22 =	simm.s32 $0x1BFF;
	s21 =	sshll.u32 s6, $0x1;
	s3 =	sadd.s32 s4, s19  }
0x9c: {  	s7 =	simm.s32 $0x0;
	s20 =	sshll.u32 s5, $0x1;
	s5 =	sadd.s32 s21, s3  }
0x9d: {  	[timem:s7], [sflag:s22] =	dma.local [hbm:s5], s20  }
0x9e: {  	_ =	swait.ge [sflag:s22], s20  }
0x9f: {  	s4 =	ssub.s32 $0x0, s20;
	[sflag:s22] =	ssyncset.done $0x0  }
0xa0: {  	[sflag:s22] =	ssyncadd.s32 s4;
	_ =	sdelay $0x1  }
0xa1: {  	s23 =	simm.s32 $0x1B8B  }
0xa2: {  	_ =	swait.ge [sflag:s23], $0x1  }
0xa3: {  	[sflag:s23] =	ssyncset.done $0x0  }
0xa4: {  	s25 =	simm.s32 $0x1B8E;
	s24 =	sld [smem:$0x3FFE];
	[sflag:s23] =	ssyncadd.s32 $0xFFFFFFFF  }
0xa5: {  	s26 =	simm.s32 $execute0_lowered;
	[smem:$0x3FD2] =	sst s25  }
0xa6: {  	s5 =	sshll.u32 s26, $0x1;
	_ =	strace $0x80000049;
	[dreg:$0x1] =	wrdreg $0xFFFFFFFF  }
0xa7: {  	s28 =	simm.s32 $_size_execute0_lowered;
	s3 =	sadd.s32 s3, s5;
	[dreg:$0x0] =	wrdreg $0x0  }
0xa8: {  	s5 =	sshll.u32 s28, $0x1;
	[dreg:$0x2] =	wrdreg s3  }
0xa9: {  	[dreg:$0x3] =	wrdreg s5  }
0xaa: {  	[dreg:$0x4] =	wrdreg $0xC0  }
0xab: {  	_ =	task [dreg:s7], $0x5FFFF  }
0xac: {  	[dreg:$0x1] =	wrdreg $0xFFFFFFFF  }
0xad: {  	[dreg:$0x0] =	wrdreg $0x60  }
0xae: {  	[dreg:$0x2] =	wrdreg s24  }
0xaf: {  	[dreg:$0x3] =	wrdreg s2  }
0xb0: {  	[dreg:$0x4] =	wrdreg $0x9  }
0xb1: {  	_ =	task.clear_ibuf [dreg:s7], $0x5FFFF;
	_ =	strace $0x90000049  }
0xb2: {  	s29 =	simm.s32 $0x9;
	_ =	strace $0x8000004B  }
0xb3: {  	_ =	swait.ge [sflag:s29], $0x1  }
0xb4: {  	[sflag:s29] =	ssyncadd.s32 $0xFFFFFFFF  }
0xb5: {  	_ =	strace $0x9000004B  }
0xb6: {  	_ =	sfence  }
0xb7: {  	s30 =	sld [smem:$0x0];
	_ =	sdelay $0x2  }
0xb8: {  	s31 =	sshll.u32 s1, $0xD;
	s1 =	sshrl.u32 s1, $0x2  }
0xb9: {  	s3 =	sand.u32 $0x4000, s31;
	s1 =	sadd.s32 s1, s30  }
0xba: {  	s0 =	sor.u32 s3, s0;
	s1 =	sshll.u32 s1, $0x11  }
0xbb: {  	s0 =	sor.u32 s1, s0  }
0xbc: {  	s0 =	sadd.s32 $0x8F2B, s0  }
0xbd: {  	[sflag:s0] =	ssyncadd.remote.s32 $0x1  }
0xbe: {  	_ =	sfence.sel $0xFFFF  }
0xbf: {  	[dreg:$0x0] =	wrdreg $0xFFFFFFFF;
	(pc) =	sbr.abs _section_cstart, $3  }
0xc0: {  	[dreg:$0x1] =	wrdreg $0xFFFFFFFF  }
0xc1: {  	_ =	task.clear_ibuf [dreg:s7], $0x2FFFF;
	_ =	strace $0x9FFFFFFF  }
0xc2: {  	(tm) =	ssettm $0x7FFFFFFF  }
0xc3: {  	_ =	shalt  }
tec
execute0_lowered:
.L_overlay_start_1:
0x0: {  	(tag) =	ssettag $0x1  }
0x1: {  	s5 =	rddreg [dreg:$0x0]  }
0x2: {  	s1 =	simm.s32 $0x0;
	s2 =	srdreg.scid;
	s3 =	stileid.u32  }
0x3: {  	s11 =	simm.s32 $0x1;
	s12 =	simm.s32 $0x1;
	s14 =	simm.s32 $0x1  }
0x4: {  	s13 =	simm.s32 $0x1;
	s15 =	simm.s32 $0x1;
	s16 =	simm.s32 $0x1  }
0x5: {  	s17 =	simm.s32 $0x1;
	s18 =	simm.s32 $0x1;
	s19 =	simm.s32 $0x1  }
0x6: {  	s22 =	simm.s32 $0x1;
	s23 =	simm.s32 $0x1;
	s24 =	simm.s32 $0x1  }
0x7: {  	s25 =	simm.s32 $0x1;
	s26 =	simm.s32 $0x1;
	s28 =	simm.s32 $0x1  }
0x8: {  	s29 =	simm.s32 $0x1;
	s30 =	simm.s32 $0x1;
	s31 =	simm.s32 $0x1  }
0x9: {  	s0 =	simm.s32 $0x1;
	s4 =	simm.s32 $0x1;
	[smem:$0x7FF] =	sst s1  }
0xa: {  	s6 =	sadd.s32 $0x2E00, s5;
	s2 =	sand.u32 $0x1, s2;
	s7 =	sshll.u32 s3, $0x1  }
0xb: {  	s9 =	sadd.s32 $0x33000, s5;
	p0 =	sne.s32 s3, $0x0;
	_ =	strace $0x8000004A  }
0xc: {  	[dreg:$0x3] =	wrdreg s6;
	s7 =	sor.u32 s2, s7;
	s2 =	ssub.s32 $0x2, s2  }
0xd: {  	[dreg:$0x4] =	wrdreg s9;
	s9 =	simm.s32 $0x1;
	s20 =	sshll.u32 s7, $0x3  }
0xe: {  	s10 =	sshrl.u32 s2, $0x1;
	p1 =	sne.s32 s7, $0x0;
	p2 =	sgt.u32 s7, $0x2  }
0xf: {  	s9 =	simm.s32 @!p0 $0x0;
	p3 =	sgt.u32 s7, $0x4;
	s8 =	sadd.s32 s20, s5  }
0x10: {  	s6 =	ssub.s32 s2, s10;
	s2 =	simm.s32 $0x1;
	s10 =	simm.s32 $0x1  }
0x11: {  	s12 =	simm.s32 @!p3 $0x0;
	p3 =	sgt.u32 s7, $0x6;
	s20 =	simm.s32 $0x1  }
0x12: {  	v49 =	vmov s9;
	s9 =	simm.s32 $0x1;
	s21 =	sadd.s32 $0x2C00, s8;
	s2 =	simm.s32 @!p1 $0x0  }
0x13: {  	s10 =	simm.s32 @!p2 $0x0;
	p2 =	sgt.u32 s3, $0x1;
	s13 =	simm.s32 @!p3 $0x0  }
0x14: {  	p3 =	sgt.u32 s7, $0x8;
	v52 =	vmov s12;
	s12 =	simm.s32 $0x1;
	s8 =	sadd.s32 $0x33200, s8  }
0x15: {  	s6 =	smax.u32 s6, $0x1;
	[dreg:$0x5] =	wrdreg s21;
	s11 =	simm.s32 @!p2 $0x0  }
0x16: {  	p2 =	sgt.u32 s3, $0x2;
	s16 =	simm.s32 @!p3 $0x0;
	p3 =	sgt.u32 s7, $0xA  }
0x17: {  	s21 =	simm.s32 $0x1;
	v0 =	vmov s2;
	v50 =	vmov s10;
	s10 =	simm.s32 $0x1;
	s2 =	sadd.s32 $0x3000, s5  }
0x18: {  	v54 =	vmov s13;
	s13 =	simm.s32 $0x1;
	[dreg:$0x6] =	wrdreg s8;
	s8 =	simm.s32 $0x1180  }
0x19: {  	s14 =	simm.s32 @!p2 $0x0;
	p2 =	sgt.u32 s3, $0x3;
	s18 =	simm.s32 @!p3 $0x0  }
0x1a: {  	p3 =	sgt.u32 s7, $0xC;
	v51 =	vmov s11;
	v56 =	vmov s16;
	s11 =	simm.s32 $0x1;
	s16 =	simm.s32 $0x7180  }
0x1b: {  	s15 =	simm.s32 @!p2 $0x0;
	p2 =	sgt.u32 s3, $0x4;
	s19 =	simm.s32 @!p3 $0x0  }
0x1c: {  	p3 =	sgt.u32 s7, $0xE;
	v53 =	vmov s14;
	v58 =	vmov s18;
	s14 =	simm.s32 $0x6180;
	s18 =	simm.s32 $0x8180  }
0x1d: {  	s17 =	simm.s32 @!p2 $0x0;
	p2 =	sgt.u32 s3, $0x5;
	s22 =	simm.s32 @!p3 $0x0  }
0x1e: {  	p3 =	sgt.u32 s7, $0x10;
	v55 =	vmov s15;
	v60 =	vmov s19;
	s15 =	simm.s32 $0x6980;
	s19 =	simm.s32 $0x8980  }
0x1f: {  	s20 =	simm.s32 @!p2 $0x0;
	p2 =	sgt.u32 s3, $0x6;
	s24 =	simm.s32 @!p3 $0x0  }
0x20: {  	p3 =	sgt.u32 s7, $0x12;
	v57 =	vmov s17;
	v62 =	vmov s22;
	s22 =	smul.u32 $0x1800, s7;
	s17 =	simm.s32 $0x7980  }
0x21: {  	s21 =	simm.s32 @!p2 $0x0;
	p2 =	sgt.u32 s3, $0x7;
	s26 =	simm.s32 @!p3 $0x0  }
0x22: {  	p3 =	sgt.u32 s7, $0x14;
	v59 =	vmov s20;
	v16 =	vmov s24;
	s24 =	simm.s32 $0x180;
	s20 =	simm.s32 $0x9180  }
0x23: {  	s23 =	simm.s32 @!p2 $0x0;
	p2 =	sgt.u32 s3, $0x8;
	s29 =	simm.s32 @!p3 $0x0  }
0x24: {  	p3 =	sgt.u32 s7, $0x16;
	v18 =	vmov s26;
	[dreg:$0x8] =	wrdreg s24;
	s26 =	simm.s32 $0x1980  }
0x25: {  	v61 =	vmov s21;
	s21 =	simm.s32 $0x9980;
	s24 =	simm.s32 $0xB180;
	s25 =	simm.s32 @!p2 $0x0  }
0x26: {  	[tilespmem:$0x1FF10] =	vst v49;
	p2 =	sgt.u32 s3, $0x9;
	s31 =	simm.s32 @!p3 $0x0;
	v63 =	vmov s23;
	s23 =	rddreg [dreg:$0x1]  }
0x27: {  	[tilespmem:$0x1FF40] =	vst v52;
	p3 =	sgt.u32 s7, $0x18;
	v20 =	vmov s29;
	[dreg:$0xa] =	wrdreg s26;
	s29 =	simm.s32 $0x2180  }
0x28: {  	vm1 =	vcmask $0x300;
	v31 =	vimm.s32 $0xFFFFFFFF;
	[tilespmem:$0x1FF00] =	vst v0;
	s26 =	simm.s32 $0xC180;
	s28 =	simm.s32 @!p2 $0x0;
	p2 =	sgt.u32 s3, $0xA  }
0x29: {  	vm0 =	vmmov $0xffff;
	v34 =	vimm.s32 $0xFFFFFFFE;
	[tilespmem:$0x1FF20] =	vst v50;
	s4 =	simm.s32 @!p3 $0x0;
	p3 =	sgt.u32 s7, $0x1A;
	v17 =	vmov s25;
	s25 =	simm.s32 $0x80  }
0x2a: {  	v36 =	vimm.s32 $0xFFFFFFFD;
	v38 =	vimm.s32 $0xFFFFFFFC;
	[tilespmem:$0x1FF60] =	vst v54;
	v22 =	vmov s31;
	[dreg:$0xb] =	wrdreg s29;
	s31 =	simm.s32 $0x3180;
	s30 =	simm.s32 @!p2 $0x0  }
0x2b: {  	v40 =	vimm.s32 $0xFFFFFFFB;
	v42 =	vimm.s32 $0xFFFFFFFA;
	v48 =	vlaneseq.u32;
	[tilespmem:$0x1FF30] =	vst v51;
	p2 =	sgt.u32 s3, $0xB;
	s10 =	simm.s32 @!p3 $0x0;
	p3 =	sgt.u32 s7, $0x1C  }
0x2c: {  	v44 =	vimm.s32 $0xFFFFFFF9;
	v32 =	vnsel vm1, $0x0, v31;
	[tilespmem:$0x1FF80] =	vst v56;
	v24 =	vmov s4;
	s4 =	sadd.s32 $0x3100, s5;
	[dreg:$0x9] =	wrdreg s25;
	s5 =	sadd.s32 $0x3200, s5  }
0x2d: {  	vm1 =	vcmask $0x704;
	v47 =	vshrl.u32 v48, $0x3;
	[tilespmem:$0x1FF50] =	vst v53;
	v19 =	vmov s28;
	[dreg:$0xd] =	wrdreg s31;
	s25 =	simm.s32 $0xB980;
	s28 =	simm.s32 $0xC980  }
0x2e: {  	v46 =	vand.u32 $0x7, v48;
	v48 =	vor.u32 $0x8, v48;
	v33 =	vnsel vm1, $0x0, v31;
	[tilespmem:$0x1FFA0] =	vst v58;
	s0 =	simm.s32 @!p2 $0x0;
	p2 =	sgt.u32 s3, $0xC;
	s12 =	simm.s32 @!p3 $0x0  }
0x2f: {  	vm1 =	vcmask $0xB08;
	[tilespmem:$0x1FF70] =	vst v55;
	v21 =	vmov s30;
	v26 =	vmov s10;
	s30 =	simm.s32 $0x2980;
	s10 =	simm.s32 $0x4180;
	s9 =	simm.s32 @!p2 $0x0  }
0x30: {  	v35 =	vnsel vm1, $0x0, v31;
	vm1 =	vcmask $0xF0C;
	[tilespmem:$0x1FFC0] =	vst v60;
	p2 =	sgt.u32 s3, $0xD;
	v23 =	vmov s0;
	s0 =	simm.s32 $0x1;
	[dreg:$0xc] =	wrdreg s30  }
0x31: {  	v37 =	vnsel vm1, $0x0, v31;
	vm1 =	vcmask $0x1310;
	[tilespmem:$0x1FF90] =	vst v57;
	v28 =	vmov s12;
	s12 =	simm.s32 $0x5180;
	s11 =	simm.s32 @!p2 $0x0;
	p2 =	seq.s32 s3, $0xF  }
0x32: {  	v39 =	vnsel vm1, $0x0, v31;
	vm1 =	vcmask $0x1714;
	[tilespmem:$0x1FFE0] =	vst v62;
	s3 =	simm.s32 $0x1;
	v25 =	vmov s9;
	s9 =	simm.s32 $0x3980;
	s13 =	simm.s32 @!p2 $0x0  }
0x33: {  	v41 =	vnsel vm1, $0x0, v31;
	vm1 =	vcmask $0x1B18;
	[tilespmem:$0x1FFB0] =	vst v59;
	p2 =	seq.s32 s7, $0x1F;
	s7 =	sadd.s32 s23, s22;
	v27 =	vmov s11;
	s11 =	simm.s32 $0x4980  }
0x34: {  	v47 =	vmul.u32 $0x8, v47;
	v43 =	vnsel vm1, $0x0, v31;
	vm1 =	vcmask $0x1F1C;
	[tilespmem:$0x1FFD0] =	vst v61;
	s22 =	simm.s32 $0xA180;
	s23 =	simm.s32 $0xA980;
	s0 =	simm.s32 @!p2 $0x0  }
0x35: {  	v45 =	vnsel vm1, $0x0, v31;
	[tilespmem:$0x1FFF0] =	vst v63;
	[dreg:$0x7] =	wrdreg s7;
	v29 =	vmov s13;
	s7 =	simm.s32 $0x2;
	s13 =	simm.s32 $0x5980;
	v30 =	vmov s0  }
.LBB2_1:
0x36: {  	s0 =	rddreg [dreg:$0x5]  }
0x37: {  	[tilespmem:s1], [sflag:$0x2] =	stream.linear.gather [hbm4b:s0+s1], $0x40, $0x38;
	[tilespmem:$0xD180] =	vst v63  }
0x38: {  	_ =	swait.ge [sflag:s7], $0x40  }
0x39: {  	s31 =	rddreg [dreg:$0x3];
	[sflag:s7] =	ssyncset.done $0x0  }
0x3a: {  	s29 =	rddreg [dreg:$0x8];
	[sflag:s7] =	ssyncadd.s32 $0xFFFFFFC0  }
0x3b: {  	[tilespmem:s29], [sflag:$0x2] =	stream.linear.gather [hbm4b:s31+s1], $0x1000, $0x38;
	[tilespmem:$0xD180] =	vst v63  }
0x3c: {  	_ =	swait.ge [sflag:s7], $0x1000  }
0x3d: {  	[sflag:s7] =	ssyncset.done $0x0;
	v14 =	vld [tilespmem:$0x1FF00]  }
0x3e: {  	v15 =	vld [tilespmem:$0x1FF20];
	[sflag:s7] =	ssyncadd.s32 $0xFFFFF000  }
0x3f: {  	v49 =	vld [tilespmem:$0x180]  }
0x40: {  	v50 =	vld [tilespmem:$0x200]  }
0x41: {  	v51 =	vld [tilespmem:$0x280]  }
0x42: {  	v52 =	vld [tilespmem:$0x300]  }
0x43: {  	v53 =	vld [tilespmem:$0x380]  }
0x44: {  	v54 =	vld [tilespmem:$0x400]  }
0x45: {  	v56 =	vld [tilespmem:$0x480]  }
0x46: {  	v57 =	vld [tilespmem:$0x500]  }
0x47: {  	v55 =	vadd.s32 v49, v50;
	v49 =	vmul.u32 v14, v49;
	v14 =	vld [tilespmem:$0x1FF10]  }
0x48: {  	v58 =	vld [tilespmem:$0x580]  }
0x49: {  	v59 =	vld [tilespmem:$0x600]  }
0x4a: {  	v60 =	vld [tilespmem:$0x680]  }
0x4b: {  	v61 =	vld [tilespmem:$0x700]  }
0x4c: {  	v62 =	vld [tilespmem:$0x780];
	v50 =	vmul.u32 v14, v50  }
0x4d: {  	v63 =	vld [tilespmem:$0x800]  }
0x4e: {  	v55 =	vadd.s32 v51, v55;
	v49 =	vadd.s32 v49, v50;
	v50 =	vld [tilespmem:$0x1FF30]  }
0x4f: {  	v0 =	vld [tilespmem:$0x880];
	v55 =	vadd.s32 v52, v55  }
0x50: {  	v1 =	vld [tilespmem:$0x900];
	v55 =	vadd.s32 v53, v55  }
0x51: {  	v2 =	vld [tilespmem:$0x980];
	v55 =	vadd.s32 v54, v55  }
0x52: {  	v3 =	vld [tilespmem:$0xA00];
	v51 =	vmul.u32 v15, v51;
	v55 =	vadd.s32 v56, v55  }
0x53: {  	v4 =	vld [tilespmem:$0xA80];
	v55 =	vadd.s32 v57, v55;
	v50 =	vmul.u32 v50, v52  }
0x54: {  	v5 =	vld [tilespmem:$0xB00];
	v55 =	vadd.s32 v58, v55;
	v49 =	vadd.s32 v51, v49  }
0x55: {  	v55 =	vadd.s32 v59, v55;
	v49 =	vadd.s32 v50, v49;
	v50 =	vld [tilespmem:$0x1FF50]  }
0x56: {  	v6 =	vld [tilespmem:$0xB80];
	v55 =	vadd.s32 v60, v55  }
0x57: {  	v7 =	vld [tilespmem:$0xC00];
	v55 =	vadd.s32 v61, v55  }
0x58: {  	v51 =	vld [tilespmem:$0x1FF40];
	v55 =	vadd.s32 v62, v55  }
0x59: {  	v8 =	vld [tilespmem:$0xC80];
	v55 =	vadd.s32 v63, v55  }
0x5a: {  	v55 =	vadd.s32 v0, v55;
	v50 =	vmul.u32 v50, v54;
	v54 =	vld [tilespmem:$0x1FF60]  }
0x5b: {  	v9 =	vld [tilespmem:$0xD00];
	v55 =	vadd.s32 v1, v55  }
0x5c: {  	v10 =	vld [tilespmem:$0xD80];
	v55 =	vadd.s32 v2, v55  }
0x5d: {  	v11 =	vld [tilespmem:$0xE00];
	v51 =	vmul.u32 v51, v53;
	v55 =	vadd.s32 v3, v55  }
0x5e: {  	v12 =	vld [tilespmem:$0xE80];
	v55 =	vadd.s32 v4, v55  }
0x5f: {  	v49 =	vadd.s32 v51, v49;
	v55 =	vadd.s32 v5, v55;
	v51 =	vmul.u32 v54, v56;
	v56 =	vld [tilespmem:$0x1FF70]  }
0x60: {  	v13 =	vld [tilespmem:$0xF00];
	v55 =	vadd.s32 v6, v55  }
0x61: {  	v15 =	vld [tilespmem:$0x1000];
	v55 =	vadd.s32 v7, v55  }
0x62: {  	v14 =	vld [tilespmem:$0xF80];
	v55 =	vadd.s32 v8, v55  }
0x63: {  	v55 =	vadd.s32 v9, v55;
	v54 =	vld [tilespmem:$0x1FF80]  }
0x64: {  	v49 =	vadd.s32 v50, v49;
	v55 =	vadd.s32 v10, v55;
	v50 =	vmul.u32 v56, v57;
	v56 =	vld [tilespmem:$0x1FF90]  }
0x65: {  	v52 =	vadd.s32 v11, v55;
	v55 =	vld [tilespmem:$0x1080]  }
0x66: {  	v53 =	vld [tilespmem:$0x1100];
	v52 =	vadd.s32 v12, v52  }
0x67: {  	v52 =	vadd.s32 v13, v52;
	v57 =	vld [tilespmem:$0x1FFA0]  }
0x68: {  	v49 =	vadd.s32 v51, v49;
	v52 =	vadd.s32 v14, v52;
	v51 =	vmul.u32 v54, v58;
	v58 =	vld [tilespmem:$0x1FFB0]  }
0x69: {  	v52 =	vadd.s32 v15, v52;
	v49 =	vadd.s32 v50, v49;
	v50 =	vmul.u32 v56, v59;
	v59 =	vld [tilespmem:$0x1FFC0]  }
0x6a: {  	v52 =	vadd.s32 v55, v52  }
0x6b: {  	v52 =	vadd.s32 v53, v52  }
0x6c: {  	(xrf0) =	vadd.scan.msk.s32 $0xffff, v52;
	v49 =	vadd.s32 v51, v49;
	v51 =	vmul.u32 v57, v60;
	v60 =	vld [tilespmem:$0x1FFD0]  }
0x6d: {  	v49 =	vadd.s32 v50, v49;
	v50 =	vmul.u32 v58, v61;
	v61 =	vld [tilespmem:$0x1FFE0]  }
0x6e: {  	v49 =	vadd.s32 v51, v49;
	v51 =	vmul.u32 v59, v62;
	v62 =	vld [tilespmem:$0x1FFF0];
	_ =	sdelay $0x2  }
0x6f: {  	v49 =	vadd.s32 v50, v49;
	v50 =	vmul.u32 v60, v63  }
0x70: {  	v63, _, _ =	vpop (xrf0);
	v49 =	vadd.s32 v51, v49;
	v0 =	vmul.u32 v61, v0;
	v51 =	vmul.u32 v17, v3  }
0x71: {  	v3 =	vsub.s32 v63, v52;
	v49 =	vadd.s32 v50, v49;
	v1 =	vmul.u32 v62, v1  }
0x72: {  	s30 =	simm.s32 @!p1 $0x100;
	s29 =	simm.s32 @!p1 $0x0;
	s0 =	rddreg [dreg:$0x4];
	v2 =	vmul.u32 v16, v2;
	[tilespmem:$0x100] =	vst @!p1 v3;
	v0 =	vadd.s32 v0, v49  }
0x73: {  	[hbm4b:s0+s29] =	stream.linear.scatter @!p1 [tilespmem:s30], [sflag:$0x2], $0x80, $0x38;
	v0 =	vadd.s32 v1, v0;
	[tilespmem:$0xD180] =	vst v63  }
0x74: {  	v52 =	vmul.u32 v18, v4;
	s0 =	simm.s32 @!p1 $0x2;
	v0 =	vadd.s32 v2, v0  }
0x75: {  	v53 =	vmul.u32 v19, v5;
	_ =	swait.ge @!p1 [sflag:s0], $0x80;
	v0 =	vadd.s32 v51, v0  }
0x76: {  	v54 =	vmul.u32 v20, v6;
	[sflag:s0] =	ssyncset.done @!p1 $0x0;
	v0 =	vadd.s32 v52, v0  }
0x77: {  	v56 =	vmul.u32 v21, v7;
	[sflag:s0] =	ssyncadd.s32 @!p1 $0xFFFFFF80;
	v0 =	vadd.s32 v53, v0  }
0x78: {  	v57 =	vmul.u32 v22, v8;
	v4 =	vld [tilespmem:$0x0];
	v0 =	vadd.s32 v54, v0  }
0x79: {  	v58 =	vmul.u32 v23, v9;
	v0 =	vadd.s32 v56, v0  }
0x7a: {  	v59 =	vmul.u32 v24, v10;
	v0 =	vadd.s32 v57, v0  }
0x7b: {  	v60 =	vmul.u32 v25, v11;
	v0 =	vadd.s32 v58, v0  }
0x7c: {  	v8 =	vmul.u32 v29, v15;
	v61 =	vmul.u32 v26, v12;
	v0 =	vadd.s32 v59, v0  }
0x7d: {  	v62 =	vmul.u32 v27, v13;
	v9 =	vsub.s32 $0x0, v4;
	v0 =	vadd.s32 v60, v0  }
0x7e: {  	v63 =	vmul.u32 v28, v14;
	v5 =	vmin.u32 v4, v9;
	v0 =	vadd.s32 v61, v0  }
0x7f: {  	v10 =	vmul.u32 v30, v55;
	vm1 =	vlt.s32 v5, $0x1;
	v0 =	vadd.s32 v62, v0  }
0x80: {  	v11 =	vadd.s32 v31, v4;
	v12 =	vnsel vm1, $0x1, v5;
	v0 =	vadd.s32 v63, v0  }
0x81: {  	v13 =	vsub.s32 $0x0, v11;
	v2 =	vsub.s32 $0x1, v12;
	v0 =	vadd.s32 v8, v0  }
0x82: {  	v1 =	vmin.u32 v11, v13;
	(xrf0) =	vadd.scan.msk.s32 $0xffff, v2;
	v0 =	vadd.s32 v10, v0  }
0x83: {  	vm1 =	vlt.s32 v1, $0x1;
	v0 =	vadd.s32 v3, v0  }
0x84: {  	v1 =	vnsel vm1, $0x1, v1;
	v3 =	vand.u32 v32, v0  }
0x85: {  	v49 =	vadd.s32 v34, v4;
	v53 =	vadd.s32 v36, v4;
	v1 =	vsub.s32 $0x1, v1;
	(xrf0) =	vadd.scan.msk.s32 $0xffff, v3  }
0x86: {  	v54 =	vsub.s32 $0x0, v53;
	v58 =	vadd.s32 v38, v4;
	v14 =	vand.u32 v33, v0;
	(xrf0) =	vadd.scan.msk.s32 $0xffff, v1  }
0x87: {  	v50 =	vsub.s32 $0x0, v49;
	v7 =	vmin.u32 v53, v54;
	v60 =	vsub.s32 $0x0, v58;
	(xrf0) =	vadd.scan.msk.s32 $0xffff, v14  }
0x88: {  	v62 =	vmin.u32 v58, v60;
	v51, _, _ =	vpop (xrf0);
	v56 =	vand.u32 v35, v0;
	v59 =	vand.u32 v37, v0  }
0x89: {  	v3 =	vmin.u32 v49, v50;
	v5 =	vbroadcast v51, $0xF;
	v49 =	vadd.s32 v40, v4  }
0x8a: {  	v15 =	vand.u32 v43, v0;
	vm1 =	vlt.s32 v3, $0x1;
	v50 =	vsub.s32 $0x0, v49  }
0x8b: {  	v3 =	vnsel vm1, $0x1, v3;
	vm1 =	vlt.s32 v7, $0x1;
	v5 =	vand.u32 v32, v5;
	v52, _, _ =	vpop (xrf0)  }
0x8c: {  	v11 =	vmin.u32 v49, v50;
	v3 =	vsub.s32 $0x1, v3;
	v6 =	vadd.s32 v31, v52;
	v55, _, _ =	vpop (xrf0)  }
0x8d: {  	v7 =	vnsel vm1, $0x1, v7;
	vm1 =	vlt.s32 v62, $0x1;
	(xrf0) =	vadd.scan.msk.s32 $0xffff, v3;
	v6 =	vbroadcast v6, $0xF;
	v57, _, _ =	vpop (xrf0)  }
0x8e: {  	v7 =	vsub.s32 $0x1, v7;
	(xrf0) =	vadd.scan.msk.s32 $0xffff, v56;
	v9 =	vbroadcast v55, $0xF;
	v8 =	vadd.s32 v31, v57  }
0x8f: {  	v5 =	vadd.s32 v0, v5;
	(xrf0) =	vadd.scan.msk.s32 $0xffff, v7;
	v6 =	vadd.s32 v51, v6;
	v8 =	vbroadcast v8, $0xF  }
0x90: {  	(xrf0) =	vadd.scan.msk.s32 $0xffff, v59;
	v51 =	vand.u32 v39, v0;
	v9 =	vand.u32 v33, v9;
	v59 =	vadd.s32 v42, v4  }
0x91: {  	v4 =	vadd.s32 v44, v4;
	v2 =	vmul.u32 v2, v6;
	v9 =	vadd.s32 v9, v5  }
0x92: {  	v50 =	vsub.s32 $0x0, v4;
	v5 =	vand.u32 v32, v5;
	v61 =	vadd.s32 v55, v8  }
0x93: {  	v8 =	vnsel vm1, $0x1, v62;
	vm1 =	vlt.s32 v11, $0x1;
	v55 =	vand.u32 v41, v0  }
0x94: {  	v4 =	vmin.u32 v4, v50;
	v0 =	vand.u32 v45, v0;
	v1 =	vmul.u32 v1, v61;
	v63, _, _ =	vpop (xrf0)  }
0x95: {  	v8 =	vsub.s32 $0x1, v8;
	v11 =	vnsel vm1, $0x1, v11;
	v61 =	vsub.s32 $0x0, v59;
	v14, _, _ =	vpop (xrf0)  }
0x96: {  	(xrf0) =	vadd.scan.msk.s32 $0xffff, v8;
	v11 =	vsub.s32 $0x1, v11;
	v6 =	vbroadcast v63, $0xF;
	v10 =	vadd.s32 v31, v14  }
0x97: {  	v50 =	vld [tilespmem:$0x10];
	v12 =	vmin.u32 v59, v61;
	v1 =	vadd.s32 v2, v1;
	v52, _, _ =	vpop (xrf0);
	v10 =	vbroadcast v10, $0xF  }
0x98: {  	(xrf0) =	vadd.scan.msk.s32 $0xffff, v51;
	vm1 =	vlt.s32 v12, $0x1;
	v56 =	vand.u32 v35, v6;
	v2 =	vbroadcast v52, $0xF  }
0x99: {  	v53, _, _ =	vpop (xrf0);
	(xrf0) =	vadd.scan.msk.s32 $0xffff, v11;
	v12 =	vnsel vm1, $0x1, v12;
	vm1 =	vlt.s32 v4, $0x1;
	v10 =	vadd.s32 v63, v10  }
0x9a: {  	v54 =	vadd.s32 v31, v53;
	(xrf0) =	vadd.scan.msk.s32 $0xffff, v55;
	v12 =	vsub.s32 $0x1, v12;
	v3 =	vmul.u32 v3, v10  }
0x9b: {  	v4 =	vnsel vm1, $0x1, v4;
	v2 =	vand.u32 v37, v2;
	v10 =	vbroadcast v54, $0xF  }
0x9c: {  	v4 =	vsub.s32 $0x1, v4;
	v54 =	vsub.s32 $0x0, v50;
	v58, _, _ =	vpop (xrf0);
	v1 =	vadd.s32 v3, v1  }
0x9d: {  	v57 =	vadd.s32 v52, v10;
	v3 =	vadd.s32 v56, v9;
	v10 =	vbroadcast v58, $0xF  }
0x9e: {  	v60, _, _ =	vpop (xrf0);
	(xrf0) =	vadd.scan.msk.s32 $0xffff, v12;
	v56 =	vadd.s32 v31, v50;
	v9 =	vand.u32 v33, v9;
	v6 =	vmul.u32 v7, v57  }
0x9f: {  	v7 =	vadd.s32 v31, v60;
	v63, _, _ =	vpop (xrf0);
	(xrf0) =	vadd.scan.msk.s32 $0xffff, v15;
	v2 =	vadd.s32 v2, v3;
	v3 =	vand.u32 v35, v3  }
0xa0: {  	v62 =	vbroadcast v7, $0xF;
	v49, _, _ =	vpop (xrf0);
	v53 =	vand.u32 v39, v10;
	(xrf0) =	vadd.scan.msk.s32 $0xffff, v4;
	v7 =	vbroadcast v63, $0xF  }
0xa1: {  	v1 =	vadd.s32 v6, v1;
	v13 =	vadd.s32 v31, v49;
	(xrf0) =	vadd.scan.msk.s32 $0xffff, v0;
	v0 =	vmin.u32 v50, v54  }
0xa2: {  	v49 =	vadd.s32 v36, v50;
	v6 =	vadd.s32 v58, v62;
	v51 =	vbroadcast v13, $0xF  }
0xa3: {  	v7 =	vand.u32 v41, v7;
	vm1 =	vlt.s32 v0, $0x1;
	v58 =	vsub.s32 $0x0, v56  }
0xa4: {  	v6 =	vmul.u32 v8, v6;
	v8 =	vadd.s32 v53, v2;
	v0 =	vnsel vm1, $0x1, v0  }
0xa5: {  	v10 =	vmin.u32 v56, v58;
	v53 =	vsub.s32 $0x0, v49;
	v2 =	vand.u32 v37, v2  }
0xa6: {  	v52 =	vadd.s32 v63, v51;
	v55, _, _ =	vpop (xrf0);
	v0 =	vsub.s32 $0x1, v0;
	vm1 =	vlt.s32 v10, $0x1  }
0xa7: {  	v7 =	vadd.s32 v7, v8;
	v8 =	vand.u32 v39, v8;
	v1 =	vadd.s32 v6, v1;
	v57, _, _ =	vpop (xrf0)  }
0xa8: {  	v6 =	vmul.u32 v11, v52;
	(xrf0) =	vadd.scan.msk.s32 $0xffff, v0;
	v10 =	vnsel vm1, $0x1, v10;
	v11 =	vadd.s32 v31, v57  }
0xa9: {  	v59, _, _ =	vpop (xrf0);
	v61 =	vsub.s32 $0x1, v10;
	v10 =	vmin.u32 v49, v53;
	v11 =	vbroadcast v11, $0xF  }
0xaa: {  	(xrf0) =	vadd.scan.msk.s32 $0xffff, v5;
	v57 =	vadd.s32 v38, v50;
	v1 =	vadd.s32 v6, v1;
	v6 =	vbroadcast v55, $0xF;
	v60, _, _ =	vpop (xrf0)  }
0xab: {  	(xrf0) =	vadd.scan.msk.s32 $0xffff, v61;
	v51 =	vbroadcast v59, $0xF;
	v63 =	vadd.s32 v31, v60;
	v11 =	vadd.s32 v55, v11  }
0xac: {  	(xrf0) =	vadd.scan.msk.s32 $0xffff, v9;
	v6 =	vand.u32 v43, v6;
	v62 =	vmul.u32 v12, v11;
	v11 =	vbroadcast v63, $0xF  }
0xad: {  	v12 =	vadd.s32 v34, v50;
	v6 =	vadd.s32 v6, v7;
	v7 =	vand.u32 v41, v7  }
0xae: {  	v14 =	vsub.s32 $0x0, v12;
	v52, _, _ =	vpop (xrf0);
	v1 =	vadd.s32 v62, v1;
	v11 =	vadd.s32 v59, v11  }
0xaf: {  	v9 =	vmin.u32 v12, v14;
	v12 =	vand.u32 v45, v51;
	v13 =	vbroadcast v52, $0xF  }
0xb0: {  	v54, _, _ =	vpop (xrf0);
	v59 =	vsub.s32 $0x0, v57;
	v51 =	vadd.s32 v40, v50;
	vm1 =	vlt.s32 v9, $0x1  }
0xb1: {  	v4 =	vmul.u32 v4, v11;
	v55, _, _ =	vpop (xrf0);
	v11 =	vadd.s32 v31, v54;
	v9 =	vnsel vm1, $0x1, v9  }
0xb2: {  	vm1 =	vlt.s32 v10, $0x1;
	v15, _, _ =	vpop (xrf0);
	v11 =	vbroadcast v11, $0xF;
	v13 =	vand.u32 v32, v13  }
0xb3: {  	v9 =	vsub.s32 $0x1, v9;
	v10 =	vnsel vm1, $0x1, v10;
	v15 =	vadd.s32 v31, v15  }
0xb4: {  	v49 =	vadd.s32 v4, v1;
	(xrf0) =	vadd.scan.msk.s32 $0xffff, v9;
	v56 =	vbroadcast v15, $0xF;
	v11 =	vadd.s32 v52, v11  }
0xb5: {  	v15 =	vsub.s32 $0x0, v51;
	(xrf0) =	vadd.scan.msk.s32 $0xffff, v3;
	v3 =	vsub.s32 $0x1, v10;
	v10 =	vadd.s32 v12, v6  }
0xb6: {  	v0 =	vmul.u32 v0, v11;
	v53 =	vmin.u32 v51, v15;
	v58 =	vadd.s32 v55, v56  }
0xb7: {  	v6 =	vand.u32 v43, v6;
	(xrf0) =	vadd.scan.msk.s32 $0xffff, v3;
	v1 =	vadd.s32 v13, v10;
	v5 =	vmul.u32 v61, v58  }
0xb8: {  	v56 =	vadd.s32 v42, v50;
	(xrf0) =	vadd.scan.msk.s32 $0xffff, v2;
	v2 =	vmin.u32 v57, v59;
	v61 =	vbroadcast v55, $0xF  }
0xb9: {  	v58 =	vsub.s32 $0x0, v56;
	vm1 =	vlt.s32 v2, $0x1;
	v0 =	vadd.s32 v0, v5  }
0xba: {  	v2 =	vnsel vm1, $0x1, v2;
	v5 =	vand.u32 v33, v61;
	vm1 =	vlt.s32 v53, $0x1;
	v60, _, _ =	vpop (xrf0)  }
0xbb: {  	v61 =	vadd.s32 v44, v50;
	v2 =	vsub.s32 $0x1, v2;
	v5 =	vadd.s32 v5, v1;
	v62, _, _ =	vpop (xrf0)  }
0xbc: {  	v51 =	vld [tilespmem:$0x20];
	v1 =	vand.u32 v32, v1;
	(xrf0) =	vadd.scan.msk.s32 $0xffff, v2;
	v4 =	vbroadcast v60, $0xF;
	v11 =	vadd.s32 v31, v62  }
0xbd: {  	v63, _, _ =	vpop (xrf0);
	(xrf0) =	vadd.scan.msk.s32 $0xffff, v8;
	v8 =	vnsel vm1, $0x1, v53;
	v62 =	vsub.s32 $0x0, v61;
	v11 =	vbroadcast v11, $0xF  }
0xbe: {  	v52, _, _ =	vpop (xrf0);
	v8 =	vsub.s32 $0x1, v8;
	v4 =	vand.u32 v35, v4;
	v12 =	vmin.u32 v61, v62  }
0xbf: {  	v14 =	vadd.s32 v31, v52;
	(xrf0) =	vadd.scan.msk.s32 $0xffff, v8;
	v4 =	vadd.s32 v4, v5;
	v5 =	vand.u32 v33, v5  }
0xc0: {  	v11 =	vadd.s32 v60, v11;
	v54 =	vbroadcast v14, $0xF;
	(xrf0) =	vadd.scan.msk.s32 $0xffff, v7;
	v7 =	vmin.u32 v56, v58  }
0xc1: {  	v60 =	vbroadcast v63, $0xF;
	v56 =	vsub.s32 $0x0, v51;
	v58 =	vadd.s32 v31, v51  }
0xc2: {  	v9 =	vmul.u32 v9, v11;
	vm1 =	vlt.s32 v7, $0x1;
	v55 =	vadd.s32 v63, v54  }
0xc3: {  	v57, _, _ =	vpop (xrf0);
	v7 =	vnsel vm1, $0x1, v7;
	v11 =	vand.u32 v37, v60;
	v3 =	vmul.u32 v3, v55  }
0xc4: {  	vm1 =	vlt.s32 v12, $0x1;
	v60 =	vsub.s32 $0x0, v58;
	v0 =	vadd.s32 v9, v0;
	v59, _, _ =	vpop (xrf0)  }
0xc5: {  	v7 =	vsub.s32 $0x1, v7;
	v0 =	vadd.s32 v3, v0;
	v3 =	vadd.s32 v31, v59  }
0xc6: {  	v11 =	vadd.s32 v11, v4;
	v52 =	vbroadcast v57, $0xF;
	(xrf0) =	vadd.scan.msk.s32 $0xffff, v7;
	v3 =	vbroadcast v3, $0xF  }
0xc7: {  	v53 =	vnsel vm1, $0x1, v12;
	v55 =	vand.u32 v45, v10;
	v10 =	vmin.u32 v58, v60;
	v63, _, _ =	vpop (xrf0);
	(xrf0) =	vadd.scan.msk.s32 $0xffff, v6  }
0xc8: {  	v4 =	vand.u32 v35, v4;
	v6 =	vand.u32 v39, v52;
	v50, _, _ =	vpop (xrf0);
	v3 =	vadd.s32 v57, v3  }
0xc9: {  	v61 =	vbroadcast v63, $0xF;
	v2 =	vmul.u32 v2, v3;
	v3 =	vadd.s32 v31, v50  }
0xca: {  	v57 =	vmin.u32 v51, v56;
	v54 =	vbroadcast v3, $0xF;
	v3 =	vsub.s32 $0x1, v53  }
0xcb: {  	v6 =	vadd.s32 v6, v11;
	v52 =	vand.u32 v41, v61;
	vm1 =	vlt.s32 v57, $0x1;
	(xrf0) =	vadd.scan.msk.s32 $0xffff, v3  }
0xcc: {  	v59, _, _ =	vpop (xrf0);
	v9 =	vnsel vm1, $0x1, v57;
	vm1 =	vlt.s32 v10, $0x1;
	v0 =	vadd.s32 v2, v0;
	(xrf0) =	vadd.scan.msk.s32 $0xffff, v55  }
0xcd: {  	v62, _, _ =	vpop (xrf0);
	v9 =	vsub.s32 $0x1, v9;
	v10 =	vnsel vm1, $0x1, v10;
	v2 =	vadd.s32 v63, v54  }
0xce: {  	v63 =	vadd.s32 v31, v62;
	v55 =	vadd.s32 v34, v51;
	v62 =	vadd.s32 v36, v51  }
0xcf: {  	v2 =	vmul.u32 v8, v2;
	v12 =	vbroadcast v63, $0xF;
	(xrf0) =	vadd.scan.msk.s32 $0xffff, v9;
	v8 =	vbroadcast v59, $0xF  }
0xd0: {  	v56 =	vsub.s32 $0x0, v55;
	v63 =	vsub.s32 $0x0, v62;
	(xrf0) =	vadd.scan.msk.s32 $0xffff, v1;
	v1 =	vsub.s32 $0x1, v10  }
0xd1: {  	v10 =	vadd.s32 v52, v6;
	v52 =	vmin.u32 v62, v63;
	v12 =	vadd.s32 v59, v12;
	v50, _, _ =	vpop (xrf0);
	(xrf0) =	vadd.scan.msk.s32 $0xffff, v1  }
0xd2: {  	v62 =	vadd.s32 v40, v51;
	v6 =	vand.u32 v39, v6;
	v7 =	vmul.u32 v7, v12;
	v53, _, _ =	vpop (xrf0);
	(xrf0) =	vadd.scan.msk.s32 $0xffff, v5  }
0xd3: {  	v0 =	vadd.s32 v2, v0;
	v57 =	vand.u32 v43, v8;
	v5 =	vmin.u32 v55, v56  }
0xd4: {  	v63 =	vsub.s32 $0x0, v62;
	v0 =	vadd.s32 v7, v0;
	vm1 =	vlt.s32 v5, $0x1  }
0xd5: {  	v2 =	vbroadcast v50, $0xF;
	v54 =	vadd.s32 v31, v53;
	v59, _, _ =	vpop (xrf0);
	v5 =	vnsel vm1, $0x1, v5  }
0xd6: {  	v7 =	vadd.s32 v57, v10;
	v12 =	vbroadcast v54, $0xF;
	v60, _, _ =	vpop (xrf0);
	v5 =	vsub.s32 $0x1, v5  }
0xd7: {  	v56 =	vand.u32 v37, v11;
	vm1 =	vlt.s32 v52, $0x1;
	v2 =	vand.u32 v45, v2;
	(xrf0) =	vadd.scan.msk.s32 $0xffff, v5;
	v61, _, _ =	vpop (xrf0)  }
0xd8: {  	v55 =	vbroadcast v59, $0xF;
	v8 =	vadd.s32 v31, v60;
	v58 =	vadd.s32 v50, v12;
	(xrf0) =	vadd.scan.msk.s32 $0xffff, v4;
	v15, _, _ =	vpop (xrf0)  }
0xd9: {  	v8 =	vbroadcast v8, $0xF;
	v4 =	vnsel vm1, $0x1, v52;
	v15 =	vadd.s32 v31, v15  }
0xda: {  	v3 =	vmul.u32 v3, v58;
	v4 =	vsub.s32 $0x1, v4;
	v53 =	vbroadcast v15, $0xF  }
0xdb: {  	v2 =	vadd.s32 v2, v7;
	v60 =	vadd.s32 v38, v51;
	v7 =	vand.u32 v43, v7;
	(xrf0) =	vadd.scan.msk.s32 $0xffff, v4  }
0xdc: {  	v54 =	vadd.s32 v59, v8;
	v50 =	vadd.s32 v3, v0;
	(xrf0) =	vadd.scan.msk.s32 $0xffff, v56;
	v0 =	vadd.s32 v61, v53  }
0xdd: {  	v12 =	vmin.u32 v62, v63;
	v3 =	vmul.u32 v9, v54;
	v58, _, _ =	vpop (xrf0);
	v0 =	vmul.u32 v1, v0  }
0xde: {  	v8 =	vand.u32 v32, v55;
	v57 =	vbroadcast v61, $0xF;
	v55 =	vadd.s32 v42, v51;
	v59, _, _ =	vpop (xrf0)  }
0xdf: {  	v54 =	vand.u32 v41, v10;
	v0 =	vadd.s32 v3, v0;
	v3 =	vadd.s32 v31, v59  }
0xe0: {  	v9 =	vand.u32 v33, v57;
	v61 =	vsub.s32 $0x0, v60;
	v3 =	vbroadcast v3, $0xF  }
0xe1: {  	v56 =	vsub.s32 $0x0, v55;
	v1 =	vadd.s32 v8, v2;
	v8 =	vmin.u32 v60, v61;
	v52, _, _ =	vpop (xrf0)  }
0xe2: {  	v11 =	vbroadcast v58, $0xF;
	vm1 =	vlt.s32 v8, $0x1;
	v53, _, _ =	vpop (xrf0);
	v3 =	vadd.s32 v58, v3  }
0xe3: {  	v8 =	vnsel vm1, $0x1, v8;
	v3 =	vmul.u32 v5, v3;
	v5 =	vadd.s32 v31, v53  }
0xe4: {  	vm1 =	vlt.s32 v12, $0x1;
	v8 =	vsub.s32 $0x1, v8;
	v5 =	vbroadcast v5, $0xF  }
0xe5: {  	v2 =	vand.u32 v45, v2;
	v9 =	vadd.s32 v9, v1;
	v12 =	vnsel vm1, $0x1, v12;
	(xrf0) =	vadd.scan.msk.s32 $0xffff, v8  }
0xe6: {  	v11 =	vand.u32 v35, v11;
	(xrf0) =	vadd.scan.msk.s32 $0xffff, v6;
	v6 =	vsub.s32 $0x1, v12;
	v5 =	vadd.s32 v52, v5  }
0xe7: {  	v1 =	vand.u32 v32, v1;
	v11 =	vadd.s32 v11, v9;
	(xrf0) =	vadd.scan.msk.s32 $0xffff, v6;
	v4 =	vmul.u32 v4, v5;
	v5 =	vld [tilespmem:$0x30]  }
0xe8: {  	v57 =	vbroadcast v52, $0xF;
	v9 =	vand.u32 v33, v9;
	v58 =	vadd.s32 v44, v51;
	(xrf0) =	vadd.scan.msk.s32 $0xffff, v54  }
0xe9: {  	v59 =	vsub.s32 $0x0, v58;
	v0 =	vadd.s32 v3, v0;
	v3 =	vmin.u32 v55, v56  }
0xea: {  	v10 =	vand.u32 v37, v57;
	v61 =	vmin.u32 v58, v59;
	vm1 =	vlt.s32 v3, $0x1  }
0xeb: {  	v3 =	vnsel vm1, $0x1, v3;
	vm1 =	vlt.s32 v61, $0x1;
	v0 =	vadd.s32 v4, v0;
	v4, _, _ =	vpop (xrf0)  }
0xec: {  	v51 =	vsub.s32 $0x1, v3;
	v3 =	vnsel vm1, $0x1, v61;
	v60, _, _ =	vpop (xrf0);
	v57 =	vsub.s32 $0x0, v5  }
0xed: {  	v53 =	vsub.s32 $0x1, v3;
	v62 =	vadd.s32 v31, v60;
	v63, _, _ =	vpop (xrf0);
	v58 =	vmin.u32 v5, v57  }
0xee: {  	v15 =	vadd.s32 v34, v5;
	(xrf0) =	vadd.scan.msk.s32 $0xffff, v51;
	v12 =	vbroadcast v62, $0xF;
	v56, _, _ =	vpop (xrf0);
	vm1 =	vlt.s32 v58, $0x1  }
0xef: {  	(xrf0) =	vadd.scan.msk.s32 $0xffff, v7;
	v14 =	vadd.s32 v31, v56;
	v3 =	vnsel vm1, $0x1, v58;
	v56 =	vadd.s32 v31, v5  }
0xf0: {  	(xrf0) =	vadd.scan.msk.s32 $0xffff, v53;
	v59 =	vadd.s32 v4, v12;
	v60 =	vbroadcast v14, $0xF;
	v4 =	vbroadcast v4, $0xF  }
0xf1: {  	(xrf0) =	vadd.scan.msk.s32 $0xffff, v2;
	v2 =	vsub.s32 $0x1, v3;
	v3 =	vadd.s32 v10, v11;
	v57 =	vsub.s32 $0x0, v56  }
0xf2: {  	v7 =	vmul.u32 v8, v59;
	v59 =	vsub.s32 $0x0, v15;
	v61 =	vadd.s32 v63, v60  }
0xf3: {  	v4 =	vand.u32 v39, v4;
	v63 =	vbroadcast v63, $0xF;
	v15 =	vmin.u32 v15, v59  }
0xf4: {  	v60 =	vadd.s32 v36, v5;
	v6 =	vmul.u32 v6, v61;
	v62, _, _ =	vpop (xrf0);
	(xrf0) =	vadd.scan.msk.s32 $0xffff, v2;
	v0 =	vadd.s32 v7, v0  }
0xf5: {  	v61 =	vsub.s32 $0x0, v60;
	v12, _, _ =	vpop (xrf0);
	(xrf0) =	vadd.scan.msk.s32 $0xffff, v1;
	v1 =	vadd.s32 v4, v3;
	v14 =	vand.u32 v41, v63  }
0xf6: {  	v54 =	vbroadcast v62, $0xF;
	v3 =	vand.u32 v37, v3;
	v52 =	vadd.s32 v6, v0  }
0xf7: {  	v13 =	vadd.s32 v31, v12;
	v4 =	vadd.s32 v14, v1;
	v12 =	vmin.u32 v56, v57  }
0xf8: {  	v7, _, _ =	vpop (xrf0);
	v57 =	vand.u32 v35, v11;
	v1 =	vand.u32 v39, v1;
	v0 =	vbroadcast v13, $0xF  }
0xf9: {  	v55 =	vbroadcast v7, $0xF;
	v6 =	vand.u32 v43, v54;
	vm1 =	vlt.s32 v12, $0x1  }
0xfa: {  	v54 =	vmin.u32 v60, v61;
	v60 =	vadd.s32 v40, v5;
	v6 =	vadd.s32 v6, v4  }
0xfb: {  	v8, _, _ =	vpop (xrf0);
	v12 =	vnsel vm1, $0x1, v12;
	vm1 =	vlt.s32 v15, $0x1;
	v4 =	vand.u32 v41, v4  }
0xfc: {  	v8 =	vadd.s32 v31, v8;
	v0 =	vadd.s32 v62, v0;
	v12 =	vsub.s32 $0x1, v12  }
0xfd: {  	v10 =	vand.u32 v45, v55;
	v15 =	vnsel vm1, $0x1, v15;
	v62 =	vadd.s32 v38, v5;
	v14, _, _ =	vpop (xrf0);
	(xrf0) =	vadd.scan.msk.s32 $0xffff, v12  }
0xfe: {  	vm1 =	vlt.s32 v54, $0x1;
	v15 =	vsub.s32 $0x1, v15;
	v63 =	vsub.s32 $0x0, v62;
	v58, _, _ =	vpop (xrf0);
	(xrf0) =	vadd.scan.msk.s32 $0xffff, v9  }
0xff: {  	v59 =	vmin.u32 v62, v63;
	v13 =	vadd.s32 v31, v58;
	v58 =	vnsel vm1, $0x1, v54;
	(xrf0) =	vadd.scan.msk.s32 $0xffff, v15  }
0x100: {  	v62 =	vsub.s32 $0x0, v60;
	vm1 =	vlt.s32 v59, $0x1;
	v11 =	vsub.s32 $0x1, v58;
	(xrf0) =	vadd.scan.msk.s32 $0xffff, v57  }
0x101: {  	v63 =	vadd.s32 v42, v5;
	v54 =	vmin.u32 v60, v62;
	v61 =	vnsel vm1, $0x1, v59;
	(xrf0) =	vadd.scan.msk.s32 $0xffff, v11  }
0x102: {  	v60 =	vsub.s32 $0x0, v63;
	vm1 =	vlt.s32 v54, $0x1;
	v9 =	vsub.s32 $0x1, v61;
	(xrf0) =	vadd.scan.msk.s32 $0xffff, v3  }
0x103: {  	v5 =	vadd.s32 v44, v5;
	v54 =	vnsel vm1, $0x1, v54;
	v3 =	vmin.u32 v63, v60;
	v56, _, _ =	vpop (xrf0);
	(xrf0) =	vadd.scan.msk.s32 $0xffff, v9  }
0x104: {  	v62 =	vsub.s32 $0x0, v5;
	vm1 =	vlt.s32 v3, $0x1;
	v61, _, _ =	vpop (xrf0);
	(xrf0) =	vadd.scan.msk.s32 $0xffff, v1;
	v1 =	vsub.s32 $0x1, v54  }
0x105: {  	v10 =	vadd.s32 v10, v6;
	v5 =	vmin.u32 v5, v62;
	v3 =	vnsel vm1, $0x1, v3;
	v57, _, _ =	vpop (xrf0);
	(xrf0) =	vadd.scan.msk.s32 $0xffff, v1  }
0x106: {  	v6 =	vand.u32 v43, v6;
	vm1 =	vlt.s32 v5, $0x1;
	v3 =	vsub.s32 $0x1, v3;
	v63, _, _ =	vpop (xrf0);
	(xrf0) =	vadd.scan.msk.s32 $0xffff, v4  }
0x107: {  	v13 =	vbroadcast v13, $0xF;
	v60 =	vadd.s32 v31, v61;
	v5 =	vnsel vm1, $0x1, v5;
	v55, _, _ =	vpop (xrf0);
	(xrf0) =	vadd.scan.msk.s32 $0xffff, v3  }
0x108: {  	v4 =	vbroadcast v60, $0xF;
	v5 =	vsub.s32 $0x1, v5;
	v62 =	vadd.s32 v31, v63;
	v61, _, _ =	vpop (xrf0);
	(xrf0) =	vadd.scan.msk.s32 $0xffff, v6  }
0x109: {  	v10 =	vand.u32 v45, v10;
	v13 =	vadd.s32 v14, v13;
	v6 =	vbroadcast v62, $0xF;
	v14, _, _ =	vpop (xrf0);
	(xrf0) =	vadd.scan.msk.s32 $0xffff, v5  }
0x10a: {  	v8 =	vbroadcast v8, $0xF;
	v4 =	vadd.s32 v56, v4;
	v63, _, _ =	vpop (xrf0);
	(xrf0) =	vadd.scan.msk.s32 $0xffff, v10  }
0x10b: {  	v2 =	vmul.u32 v2, v13;
	v4 =	vmul.u32 v12, v4;
	v6 =	vadd.s32 v57, v6;
	v54, _, _ =	vpop (xrf0)  }
0x10c: {  	v0 =	vmul.u32 v51, v0;
	v6 =	vmul.u32 v15, v6;
	v15 =	vadd.s32 v31, v61;
	v56, _, _ =	vpop (xrf0)  }
0x10d: {  	v7 =	vadd.s32 v7, v8;
	v2 =	vadd.s32 v2, v4;
	v58 =	vbroadcast v15, $0xF;
	v57, _, _ =	vpop (xrf0)  }
0x10e: {  	v7 =	vmul.u32 v53, v7;
	v60 =	vadd.s32 v31, v63;
	v2 =	vadd.s32 v6, v2;
	v59, _, _ =	vpop (xrf0)  }
0x10f: {  	v6 =	vbroadcast v60, $0xF;
	v12 =	vadd.s32 v31, v56;
	v4 =	vadd.s32 v55, v58;
	v61, _, _ =	vpop (xrf0)  }
0x110: {  	v62 =	vbroadcast v12, $0xF;
	v4 =	vmul.u32 v11, v4;
	v8 =	vadd.s32 v31, v59;
	v63, _, _ =	vpop (xrf0)  }
0x111: {  	v6 =	vadd.s32 v14, v6;
	v8 =	vbroadcast v8, $0xF;
	v12 =	vadd.s32 v31, v63  }
0x112: {  	v6 =	vmul.u32 v9, v6;
	v53 =	vadd.s32 v54, v62;
	v54 =	vbroadcast v12, $0xF  }
0x113: {  	v2 =	vadd.s32 v4, v2;
	v1 =	vmul.u32 v1, v53;
	v55 =	vadd.s32 v57, v8  }
0x114: {  	v2 =	vadd.s32 v6, v2;
	v3 =	vmul.u32 v3, v55;
	v56 =	vadd.s32 v61, v54  }
0x115: {  	[tilespmem:$0x80] =	vst v49;
	v0 =	vadd.s32 v0, v52;
	v1 =	vadd.s32 v1, v2;
	v57 =	vmul.u32 v5, v56  }
0x116: {  	[tilespmem:$0x90] =	vst v50;
	v0 =	vadd.s32 v7, v0;
	v1 =	vadd.s32 v3, v1  }
0x117: {  	s30 =	rddreg [dreg:$0x6];
	[tilespmem:$0xA0] =	vst v0;
	v58 =	vadd.s32 v57, v1  }
0x118: {  	s31 =	rddreg [dreg:$0x9];
	[tilespmem:$0xB0] =	vst v58  }
0x119: {  	[hbm4b:s30+s1] =	stream.linear.scatter [tilespmem:s31], [sflag:$0x2], $0x40, $0x38;
	[tilespmem:$0xD180] =	vst v63  }
0x11a: {  	_ =	swait.ge [sflag:s7], $0x40  }
0x11b: {  	[sflag:s7] =	ssyncset.done $0x0  }
0x11c: {  	s29 =	rddreg [dreg:$0x7];
	[sflag:s7] =	ssyncadd.s32 $0xFFFFFFC0  }
0x11d: {  	[tilespmem:s8], [sflag:$0x2] =	stream.linear.gather [hbm4b:s29+s1], $0xC000, $0x38;
	[tilespmem:$0xD180] =	vst v63  }
0x11e: {  	_ =	swait.ge [sflag:s7], $0xC000  }
0x11f: {  	[sflag:s7] =	ssyncset.done $0x0  }
0x120: {  	[sflag:s7] =	ssyncadd.s32 $0xFFFF4000  }
0x121: {  	v59 =	vld [tilespmem:$0x80];
	_ =	sdelay $0x4  }
0x122: {  	v60 =	vshrl.u32 v59, $0x3  }
0x123: {  	v1 =	vmul.u32 $0x30, v60  }
0x124: {  	v0 =	vand.u32 $0x7, v59  }
0x125: {  	v0 =	vor.u32 v0, v1  }
0x126: {  	v1 =	vperm.xlane v0, v46;
	_ =	sdelay $0x1  }
0x127: {  	v1 =	vadd.s32 v47, v1;
	_ =	sdelay $0x3  }
0x128: {  	v0 =	vperm.xlane v0, v48  }
0x129: {  	[hbm4b:s2+s1] =	stream.indirect_vreg.scatter [tilespmem:s8], [sflag:$0x1], $0x80, v1, vm0, $0xb8;
	[tilespmem:$0xD180] =	vst v63  }
0x12a: {  	s30 =	rddreg [dreg:$0xa];
	v0 =	vadd.s32 v47, v0  }
0x12b: {  	[hbm4b:s4+s1] =	stream.indirect_vreg.scatter [tilespmem:s30], [sflag:$0x1], $0x80, v1, vm0, $0xb8;
	[tilespmem:$0xD180] =	vst v63  }
0x12c: {  	s31 =	rddreg [dreg:$0xb]  }
0x12d: {  	[hbm4b:s5+s1] =	stream.indirect_vreg.scatter [tilespmem:s31], [sflag:$0x1], $0x80, v1, vm0, $0xb8;
	[tilespmem:$0xD180] =	vst v63  }
0x12e: {  	s30 =	rddreg [dreg:$0xc]  }
0x12f: {  	[hbm4b:s2+s1] =	stream.indirect_vreg.scatter [tilespmem:s30], [sflag:$0x1], $0x80, v0, vm0, $0xb8;
	[tilespmem:$0xD180] =	vst v63  }
0x130: {  	s31 =	rddreg [dreg:$0xd]  }
0x131: {  	[hbm4b:s4+s1] =	stream.indirect_vreg.scatter [tilespmem:s31], [sflag:$0x1], $0x80, v0, vm0, $0xb8;
	[tilespmem:$0xD180] =	vst v63  }
0x132: {  	_ = 	snop  }
0x133: {  	[hbm4b:s5+s1] =	stream.indirect_vreg.scatter [tilespmem:s9], [sflag:$0x1], $0x80, v0, vm0, $0xb8;
	[tilespmem:$0xD180] =	vst v63  }
0x134: {  	v0 =	vld [tilespmem:$0x90];
	_ =	sdelay $0x4  }
0x135: {  	v61 =	vshrl.u32 v0, $0x3  }
0x136: {  	v1 =	vmul.u32 $0x30, v61  }
0x137: {  	v0 =	vand.u32 $0x7, v0  }
0x138: {  	v0 =	vor.u32 v0, v1  }
0x139: {  	v1 =	vperm.xlane v0, v46;
	_ =	sdelay $0x1  }
0x13a: {  	v1 =	vadd.s32 v47, v1;
	_ =	sdelay $0x3  }
0x13b: {  	v0 =	vperm.xlane v0, v48  }
0x13c: {  	[hbm4b:s2+s1] =	stream.indirect_vreg.scatter [tilespmem:s10], [sflag:$0x1], $0x80, v1, vm0, $0xb8;
	[tilespmem:$0xD180] =	vst v63  }
0x13d: {  	v0 =	vadd.s32 v47, v0  }
0x13e: {  	[hbm4b:s4+s1] =	stream.indirect_vreg.scatter [tilespmem:s11], [sflag:$0x1], $0x80, v1, vm0, $0xb8;
	[tilespmem:$0xD180] =	vst v63  }
0x13f: {  	_ = 	snop  }
0x140: {  	[hbm4b:s5+s1] =	stream.indirect_vreg.scatter [tilespmem:s12], [sflag:$0x1], $0x80, v1, vm0, $0xb8;
	[tilespmem:$0xD180] =	vst v63  }
0x141: {  	_ = 	snop  }
0x142: {  	[hbm4b:s2+s1] =	stream.indirect_vreg.scatter [tilespmem:s13], [sflag:$0x1], $0x80, v0, vm0, $0xb8;
	[tilespmem:$0xD180] =	vst v63  }
0x143: {  	_ = 	snop  }
0x144: {  	[hbm4b:s4+s1] =	stream.indirect_vreg.scatter [tilespmem:s14], [sflag:$0x1], $0x80, v0, vm0, $0xb8;
	[tilespmem:$0xD180] =	vst v63  }
0x145: {  	_ = 	snop  }
0x146: {  	[hbm4b:s5+s1] =	stream.indirect_vreg.scatter [tilespmem:s15], [sflag:$0x1], $0x80, v0, vm0, $0xb8;
	[tilespmem:$0xD180] =	vst v63  }
0x147: {  	v0 =	vld [tilespmem:$0xA0];
	_ =	sdelay $0x4  }
0x148: {  	v62 =	vshrl.u32 v0, $0x3  }
0x149: {  	v1 =	vmul.u32 $0x30, v62  }
0x14a: {  	v0 =	vand.u32 $0x7, v0  }
0x14b: {  	v0 =	vor.u32 v0, v1  }
0x14c: {  	v1 =	vperm.xlane v0, v46;
	_ =	sdelay $0x1  }
0x14d: {  	v1 =	vadd.s32 v47, v1;
	_ =	sdelay $0x3  }
0x14e: {  	v0 =	vperm.xlane v0, v48  }
0x14f: {  	[hbm4b:s2+s1] =	stream.indirect_vreg.scatter [tilespmem:s16], [sflag:$0x1], $0x80, v1, vm0, $0xb8;
	[tilespmem:$0xD180] =	vst v63  }
0x150: {  	v0 =	vadd.s32 v47, v0  }
0x151: {  	[hbm4b:s4+s1] =	stream.indirect_vreg.scatter [tilespmem:s17], [sflag:$0x1], $0x80, v1, vm0, $0xb8;
	[tilespmem:$0xD180] =	vst v63  }
0x152: {  	_ = 	snop  }
0x153: {  	[hbm4b:s5+s1] =	stream.indirect_vreg.scatter [tilespmem:s18], [sflag:$0x1], $0x80, v1, vm0, $0xb8;
	[tilespmem:$0xD180] =	vst v63  }
0x154: {  	_ = 	snop  }
0x155: {  	[hbm4b:s2+s1] =	stream.indirect_vreg.scatter [tilespmem:s19], [sflag:$0x1], $0x80, v0, vm0, $0xb8;
	[tilespmem:$0xD180] =	vst v63  }
0x156: {  	_ = 	snop  }
0x157: {  	[hbm4b:s4+s1] =	stream.indirect_vreg.scatter [tilespmem:s20], [sflag:$0x1], $0x80, v0, vm0, $0xb8;
	[tilespmem:$0xD180] =	vst v63  }
0x158: {  	_ = 	snop  }
0x159: {  	[hbm4b:s5+s1] =	stream.indirect_vreg.scatter [tilespmem:s21], [sflag:$0x1], $0x80, v0, vm0, $0xb8;
	[tilespmem:$0xD180] =	vst v63  }
0x15a: {  	v0 =	vld [tilespmem:$0xB0];
	_ =	sdelay $0x4  }
0x15b: {  	v63 =	vshrl.u32 v0, $0x3  }
0x15c: {  	v1 =	vmul.u32 $0x30, v63  }
0x15d: {  	v0 =	vand.u32 $0x7, v0  }
0x15e: {  	v0 =	vor.u32 v0, v1  }
0x15f: {  	v1 =	vperm.xlane v0, v46;
	_ =	sdelay $0x1  }
0x160: {  	v1 =	vadd.s32 v47, v1;
	_ =	sdelay $0x3  }
0x161: {  	v0 =	vperm.xlane v0, v48  }
0x162: {  	[hbm4b:s2+s1] =	stream.indirect_vreg.scatter [tilespmem:s22], [sflag:$0x1], $0x80, v1, vm0, $0xb8;
	[tilespmem:$0xD180] =	vst v63  }
0x163: {  	v0 =	vadd.s32 v47, v0  }
0x164: {  	[hbm4b:s4+s1] =	stream.indirect_vreg.scatter [tilespmem:s23], [sflag:$0x1], $0x80, v1, vm0, $0xb8;
	[tilespmem:$0xD180] =	vst v63  }
0x165: {  	_ = 	snop  }
0x166: {  	[hbm4b:s5+s1] =	stream.indirect_vreg.scatter [tilespmem:s24], [sflag:$0x1], $0x80, v1, vm0, $0xb8;
	[tilespmem:$0xD180] =	vst v63  }
0x167: {  	s6 =	sadd.s32 $0xFFFFFFFF, s6  }
0x168: {  	[hbm4b:s2+s1] =	stream.indirect_vreg.scatter [tilespmem:s25], [sflag:$0x1], $0x80, v0, vm0, $0xb8;
	[tilespmem:$0xD180] =	vst v63  }
0x169: {  	p2 =	sne.s32 s6, $0x0  }
0x16a: {  	[hbm4b:s4+s1] =	stream.indirect_vreg.scatter [tilespmem:s26], [sflag:$0x1], $0x80, v0, vm0, $0xb8;
	[tilespmem:$0xD180] =	vst v63  }
.Ltmp0:
0x16b: {  	_ = 	snop;
	(pc) =	sbr.rel @p2 .LBB2_1-.Ltmp0, $4  }
0x16c: {  	[hbm4b:s5+s1] =	stream.indirect_vreg.scatter [tilespmem:s28], [sflag:$0x1], $0x80, v0, vm0, $0xb8;
	[tilespmem:$0xD180] =	vst v63  }
0x16d: {  	_ =	swait.ge [sflag:s3], $0xC000  }
0x16e: {  	[sflag:s3] =	ssyncset.done $0x0  }
0x16f: {  	[sflag:s3] =	ssyncadd.s32 $0xFFFF4000  }
0x170: {  	_ =	sfence.sel $0x180000  }
0x171: {  	[bflag:$0x0] =	sbarrier.arrive $0xFFFF  }
0x172: {  	_ =	strace $0x9000004A  }
0x173: {  	[bflag:$0x2] =	sbarrier.arrive $0xFFFF  }
0x174: {  	s0 =	rddreg [dreg:$0x2]  }
0x175: {  	s0 =	sadd.s32 @!p0 $0x100000, s0  }
0x176: {  	[sflag:s0] =	ssyncadd.tile.s32 @!p0 $0x1;
	_ =	shalt  }
.Lfunc_end2:
_tile_overlayer_lowered:
.L_overlay_start_2:
0x177: {  	(tag) =	ssettag $0x2  }
0x178: {  	s0 =	rddreg [dreg:$0x0];
	s2 =	stileid.u32  }
0x179: {  	s1 =	rddreg [dreg:$0x1];
	p0 =	sne.s32 s2, $0x0  }
0x17a: {  	s3 =	rddreg [dreg:$0x2];
	[bflag:$0x3] =	sbarrier.arrive $0xFFFF;
	s2 =	simm.s32 @!p0 $0x1C02  }
0x17b: {  	[timem:s3], [sflag:s2] =	dma.local @!p0 [hbm:s0], s1  }
0x17c: {  	s0 =	simm.s32 @!p0 $0x2  }
0x17d: {  	_ =	swait.ge @!p0 [sflag:s0], s1  }
0x17e: {  	s1 =	ssub.s32 @!p0 $0x0, s1;
	[sflag:s0] =	ssyncset.done @!p0 $0x0  }
0x17f: {  	[sflag:s0] =	ssyncadd.s32 @!p0 s1  }
0x180: {  	[bflag:$0x3] =	sbarrier.arrive $0xFFFF  }
0x181: {  	_ =	shalt  }

// kernel: kernel.17.cloned.1.call-start
scs
__scs_entry_jumppad:
0x0: {  	(pc) =	sbr.rel $0x88, $3  }
0x1: {  	(tag) =	ssettag $0x0;
	lr =	simm.s32 $0x1  }
0x2: {  	[smem:$0x3F98] =	sst lr;
	_ =	strace $0xD0000000  }
0x3: {  	_ = 	snop  }
0x4: {  	_ = 	snop  }
0x5: {  	_ = 	snop  }
0x6: {  	_ = 	snop  }
0x7: {  	_ = 	snop  }
__scs_overlays_trampoline_lowered:
0x8: {  	[smem:$0x3FA7] =	sst s0  }
0x9: {  	[smem:$0x3FA8] =	sst s1  }
0xa: {  	[smem:$0x3FA9] =	sst s2  }
0xb: {  	[smem:$0x3FAA] =	sst s3  }
0xc: {  	[smem:$0x3FAB] =	sst s4  }
0xd: {  	[smem:$0x3FAC] =	sst s5  }
0xe: {  	[smem:$0x3FAD] =	sst s6  }
0xf: {  	[smem:$0x3FAE] =	sst s7  }
0x10: {  	[smem:$0x3FAF] =	sst s8  }
0x11: {  	[smem:$0x3FB0] =	sst s9;
	s0 =	simm.s32 @!p0 $0x0  }
0x12: {  	s1 =	sld [smem:$0x3F96];
	s0 =	simm.s32 @p0 $0x1  }
0x13: {  	[smem:$0x3FB1] =	sst s0;
	s0 =	simm.s32 @!p1 $0x0  }
0x14: {  	s2 =	sld [smem:$0x3F95];
	s0 =	simm.s32 @p1 $0x1  }
0x15: {  	[smem:$0x3FB2] =	sst s0;
	s0 =	simm.s32 @!p2 $0x0  }
0x16: {  	s3 =	sld [smem:$0x3FDB];
	s0 =	simm.s32 @p2 $0x1  }
0x17: {  	s4 =	simm.s32 $0x1BF5;
	[smem:$0x3FB4] =	sst s0  }
0x18: {  	s0 =	sld [smem:$0x3F97];
	_ =	swait.ge [sflag:s4], $0x0  }
0x19: {  	s7 =	sld [smem:$0x3F98]  }
0x1a: {  	s8 =	sadd.s32 $0xFFFFE003, lr  }
0x1b: {  	s9 =	sadd.s32 $0xFFFFFEF7, lr;
	s5 =	simm.s32 $0xFFFFFFFF;
	p2 =	slt.u32 s8, $0xFFFFF086  }
0x1c: {  	p1 =	slt.u32 s9, $0xF7A;
	s5 =	simm.s32 @!p2 $0x0  }
0x1d: {  	s5 =	simm.s32 @p1 $0x1;
	p0 =	seq.s32 s7, s2  }
0x1e: {  	s7 =	smul.u32 @!p0 $0xF7A, s2;
	p2 =	seq.s32 @!p0 s5, $0x0  }
0x1f: {  	s9 =	smul.u32 $0xF7A, s1;
	s8 =	simm.s32 @!p0 $0x1BF5;
	p2 =	por !p2, p0  }
0x20: {  	[sflag:s8] =	ssyncset.s32 @!p0 $0xFFFFF086;
	s6 =	sadd.s32 @!p0 s3, s7;
	s7 =	simm.s32 @!p0 $0x108  }
0x21: {  	s3 =	sadd.s32 s3, s9;
	s6 =	sadd.s32 @!p0 $0x88, s6;
	s7 =	simm.s32 @p2 $0x1082  }
0x22: {  	[simem:s7], [sflag:s8] =	dma.local @!p0 [hbm:s6], $0xF7A  }
0x23: {  	s9 =	sor.u32 $0xD0000000, s2;
	s6 =	simm.s32 $0x108;
	_ =	swait.ge @!p0 [sflag:s8], $0x0  }
0x24: {  	s3 =	sadd.s32 $0x88, s3;
	s6 =	simm.s32 @!p1 $0x1082;
	[sflag:s4] =	ssyncset.s32 $0xFFFFF086  }
0x25: {  	[simem:s6], [sflag:s4] =	dma.local [hbm:s3], $0xF7A  }
0x26: {  	[smem:$0x3F98] =	sst s1;
	(tag) =	ssettag s2;
	_ =	strace s9  }
0x27: {  	s1 =	sld [smem:$0x3FA8]  }
0x28: {  	s2 =	sld [smem:$0x3FA9]  }
0x29: {  	s4 =	sld [smem:$0x3FAB]  }
0x2a: {  	p0 =	seq.s32 s5, $0x0;
	s5 =	sld [smem:$0x3FAC]  }
0x2b: {  	s6 =	sld [smem:$0x3FAD]  }
0x2c: {  	s7 =	sld [smem:$0x3FAE]  }
0x2d: {  	s3 =	simm.s32 $0x108;
	s8 =	sld [smem:$0x3FAF]  }
0x2e: {  	s3 =	simm.s32 @!p0 $0x1082;
	s9 =	sld [smem:$0x3FB0]  }
0x2f: {  	lr =	sadd.s32 s0, s3;
	s0 =	sld [smem:$0x3FA7]  }
0x30: {  	s3 =	sld [smem:$0x3FAA]  }
0x31: {  	[smem:$0x3FB3] =	sst s10  }
0x32: {  	s10 =	sld [smem:$0x3FB1];
	_ =	sdelay $0x3  }
0x33: {  	p0 =	seq.s32 s10, $0x1;
	s10 =	sld [smem:$0x3FB3];
	_ =	sdelay $0x3  }
0x34: {  	[smem:$0x3FB3] =	sst s10  }
0x35: {  	s10 =	sld [smem:$0x3FB2];
	_ =	sdelay $0x3  }
0x36: {  	p1 =	seq.s32 s10, $0x1;
	s10 =	sld [smem:$0x3FB3];
	_ =	sdelay $0x3  }
0x37: {  	[smem:$0x3FB3] =	sst s10  }
0x38: {  	s10 =	sld [smem:$0x3FB4]  }
0x39: {  	_ = 	snop;
	(pc) =	sbr.ind lr, $3  }
0x3a: {  	_ = 	snop  }
0x3b: {  	_ = 	snop  }
0x3c: {  	p2 =	seq.s32 s10, $0x1;
	s10 =	sld [smem:$0x3FB3]  }
0x3d: {  	_ =	shalt  }
0x3e: {  	_ =	shalt  }
0x3f: {  	_ =	shalt  }
0x40: {  	_ =	shalt  }
0x41: {  	_ =	shalt  }
0x42: {  	_ =	shalt  }
0x43: {  	_ =	shalt  }
0x44: {  	_ =	shalt  }
0x45: {  	_ =	shalt  }
0x46: {  	_ =	shalt  }
0x47: {  	_ =	shalt  }
0x48: {  	_ =	shalt  }
0x49: {  	_ =	shalt  }
0x4a: {  	_ =	shalt  }
0x4b: {  	_ =	shalt  }
0x4c: {  	_ =	shalt  }
0x4d: {  	_ =	shalt  }
0x4e: {  	_ =	shalt  }
0x4f: {  	_ =	shalt  }
0x50: {  	_ =	shalt  }
0x51: {  	_ =	shalt  }
0x52: {  	_ =	shalt  }
0x53: {  	_ =	shalt  }
0x54: {  	_ =	shalt  }
0x55: {  	_ =	shalt  }
0x56: {  	_ =	shalt  }
0x57: {  	_ =	shalt  }
0x58: {  	_ =	shalt  }
0x59: {  	_ =	shalt  }
0x5a: {  	_ =	shalt  }
0x5b: {  	_ =	shalt  }
0x5c: {  	_ =	shalt  }
0x5d: {  	_ =	shalt  }
0x5e: {  	_ =	shalt  }
0x5f: {  	_ =	shalt  }
0x60: {  	_ =	shalt  }
0x61: {  	_ =	shalt  }
0x62: {  	_ =	shalt  }
0x63: {  	_ =	shalt  }
0x64: {  	_ =	shalt  }
0x65: {  	_ =	shalt  }
0x66: {  	_ =	shalt  }
0x67: {  	_ =	shalt  }
0x68: {  	_ =	shalt  }
0x69: {  	_ =	shalt  }
0x6a: {  	_ =	shalt  }
0x6b: {  	_ =	shalt  }
0x6c: {  	_ =	shalt  }
0x6d: {  	_ =	shalt  }
0x6e: {  	_ =	shalt  }
0x6f: {  	_ =	shalt  }
0x70: {  	_ =	shalt  }
0x71: {  	_ =	shalt  }
0x72: {  	_ =	shalt  }
0x73: {  	_ =	shalt  }
0x74: {  	_ =	shalt  }
0x75: {  	_ =	shalt  }
0x76: {  	_ =	shalt  }
0x77: {  	_ =	shalt  }
0x78: {  	_ =	shalt  }
0x79: {  	_ =	shalt  }
0x7a: {  	_ =	shalt  }
0x7b: {  	_ =	shalt  }
0x7c: {  	_ =	shalt  }
0x7d: {  	_ =	shalt  }
0x7e: {  	_ =	shalt  }
0x7f: {  	_ =	shalt  }
0x80: {  	_ =	shalt  }
0x81: {  	_ =	shalt  }
0x82: {  	_ =	shalt  }
0x83: {  	_ =	shalt  }
0x84: {  	_ =	shalt  }
0x85: {  	_ =	shalt  }
0x86: {  	_ =	shalt  }
0x87: {  	_ =	shalt  }
.Lfunc_end0:
.L_simem_size_0:
called_computation.2_lowered:
.L_overlay_start_0:
0x88: {  	s2 =	sld [smem:$0x3FD9]  }
0x89: {  	s3 =	sld [smem:$0x3FFE];
	_ =	sdelay $0x1  }
0x8a: {  	s1 =	srdreg.scid  }
0x8b: {  	s0 =	sand.u32 $0x1, s1  }
0x8c: {  	s17 =	sshll.u32 s0, $0xA;
	s2 =	sadd.s32 s3, s2  }
0x8d: {  	s2 =	sadd.s32 s2, s17  }
0x8e: {  	[smem:$0x3FBF] =	sst s2  }
0x8f: {  	_ = 	snop  }
0x90: {  	s2 =	sld [smem:$0x3FD0];
	(tm) =	ssettm $0x1  }
0x91: {  	s18 =	sld [smem:$0x3FFB];
	_ =	sdelay $0x3  }
0x92: {  	_ =	strace s18  }
0x93: {  	s3 =	sld [smem:$0x3FFC];
	_ =	sdelay $0x3  }
0x94: {  	_ =	strace s3  }
0x95: {  	s3 =	sld [smem:$0x3FFD];
	_ =	sdelay $0x3  }
0x96: {  	_ =	strace s3  }
0x97: {  	_ =	strace $0x8FFFFFFF  }
0x98: {  	s19 =	sld [smem:$0x3FDB];
	_ =	sdelay $0x1  }
0x99: {  	s4 =	simm.s32 $_scs_section_size  }
0x9a: {  	s5 =	simm.s32 $_size__tile_overlayer_lowered;
	s6 =	simm.s32 $_tile_overlayer_lowered  }
0x9b: {  	s22 =	simm.s32 $0x1BFF;
	s21 =	sshll.u32 s6, $0x1;
	s3 =	sadd.s32 s4, s19  }
0x9c: {  	s7 =	simm.s32 $0x0;
	s20 =	sshll.u32 s5, $0x1;
	s5 =	sadd.s32 s21, s3  }
0x9d: {  	[timem:s7], [sflag:s22] =	dma.local [hbm:s5], s20  }
0x9e: {  	_ =	swait.ge [sflag:s22], s20  }
0x9f: {  	s4 =	ssub.s32 $0x0, s20;
	[sflag:s22] =	ssyncset.done $0x0  }
0xa0: {  	[sflag:s22] =	ssyncadd.s32 s4;
	_ =	sdelay $0x1  }
0xa1: {  	s23 =	simm.s32 $0x1B8B  }
0xa2: {  	_ =	swait.ge [sflag:s23], $0x1  }
0xa3: {  	[sflag:s23] =	ssyncset.done $0x0  }
0xa4: {  	s25 =	simm.s32 $0x1B8E;
	s24 =	sld [smem:$0x3FFE];
	[sflag:s23] =	ssyncadd.s32 $0xFFFFFFFF  }
0xa5: {  	s26 =	simm.s32 $execute0_lowered;
	[smem:$0x3FD2] =	sst s25  }
0xa6: {  	s5 =	sshll.u32 s26, $0x1;
	_ =	strace $0x8000004C;
	[dreg:$0x1] =	wrdreg $0xFFFFFFFF  }
0xa7: {  	s28 =	simm.s32 $_size_execute0_lowered;
	s3 =	sadd.s32 s3, s5;
	[dreg:$0x0] =	wrdreg $0x0  }
0xa8: {  	s5 =	sshll.u32 s28, $0x1;
	[dreg:$0x2] =	wrdreg s3  }
0xa9: {  	[dreg:$0x3] =	wrdreg s5  }
0xaa: {  	[dreg:$0x4] =	wrdreg $0xC0  }
0xab: {  	_ =	task [dreg:s7], $0x5FFFF  }
0xac: {  	[dreg:$0x1] =	wrdreg $0xFFFFFFFF  }
0xad: {  	[dreg:$0x0] =	wrdreg $0x60  }
0xae: {  	[dreg:$0x2] =	wrdreg s24  }
0xaf: {  	[dreg:$0x3] =	wrdreg s2  }
0xb0: {  	[dreg:$0x4] =	wrdreg $0x9  }
0xb1: {  	_ =	task.clear_ibuf [dreg:s7], $0x5FFFF;
	_ =	strace $0x9000004C  }
0xb2: {  	s29 =	simm.s32 $0x9;
	_ =	strace $0x8000004E  }
0xb3: {  	_ =	swait.ge [sflag:s29], $0x1  }
0xb4: {  	[sflag:s29] =	ssyncadd.s32 $0xFFFFFFFF  }
0xb5: {  	_ =	strace $0x9000004E  }
0xb6: {  	_ =	sfence  }
0xb7: {  	s30 =	sld [smem:$0x0];
	_ =	sdelay $0x2  }
0xb8: {  	s31 =	sshll.u32 s1, $0xD;
	s1 =	sshrl.u32 s1, $0x2  }
0xb9: {  	s3 =	sand.u32 $0x4000, s31;
	s1 =	sadd.s32 s1, s30  }
0xba: {  	s0 =	sor.u32 s3, s0;
	s1 =	sshll.u32 s1, $0x11  }
0xbb: {  	s0 =	sor.u32 s1, s0  }
0xbc: {  	s0 =	sadd.s32 $0x8F2B, s0  }
0xbd: {  	[sflag:s0] =	ssyncadd.remote.s32 $0x1  }
0xbe: {  	_ =	sfence.sel $0xFFFF  }
0xbf: {  	[dreg:$0x0] =	wrdreg $0xFFFFFFFF;
	(pc) =	sbr.abs _section_cstart, $3  }
0xc0: {  	[dreg:$0x1] =	wrdreg $0xFFFFFFFF  }
0xc1: {  	_ =	task.clear_ibuf [dreg:s7], $0x2FFFF;
	_ =	strace $0x9FFFFFFF  }
0xc2: {  	(tm) =	ssettm $0x7FFFFFFF  }
0xc3: {  	_ =	shalt  }
tec
execute0_lowered:
.L_overlay_start_1:
0x0: {  	(tag) =	ssettag $0x1  }
0x1: {  	s0 =	rddreg [dreg:$0x0]  }
0x2: {  	s5 =	rddreg [dreg:$0x1];
	s3 =	srdreg.scid  }
0x3: {  	s2 =	simm.s32 $0x0;
	s1 =	stileid.u32;
	s26 =	simm.s32 $0x880  }
0x4: {  	s10 =	simm.s32 $0x1880;
	s11 =	simm.s32 $0x2080;
	s12 =	simm.s32 $0x2880  }
0x5: {  	s13 =	simm.s32 $0x3080;
	s14 =	simm.s32 $0x3880;
	s15 =	simm.s32 $0x4080  }
0x6: {  	s16 =	simm.s32 $0x4880;
	s17 =	simm.s32 $0x5080;
	s18 =	simm.s32 $0x5880  }
0x7: {  	s19 =	simm.s32 $0x6080;
	s20 =	simm.s32 $0x6880;
	s21 =	simm.s32 $0x7080  }
0x8: {  	s22 =	simm.s32 $0x7880;
	s28 =	simm.s32 $0xA080;
	s29 =	simm.s32 $0xA880  }
0x9: {  	s30 =	simm.s32 $0xB080;
	s31 =	simm.s32 $0xB880;
	s3 =	sand.u32 $0x1, s3  }
0xa: {  	[smem:$0x7FF] =	sst s2;
	s4 =	sshll.u32 s1, $0x4;
	s6 =	sshll.u32 s3, $0x3  }
0xb: {  	_ =	strace $0x8000004D;
	s23 =	ssub.s32 $0x2, s3;
	s3 =	sadd.s32 $0x2C00, s0  }
0xc: {  	[dreg:$0x5] =	wrdreg s26;
	s26 =	simm.s32 $0x9880;
	s4 =	sor.u32 s6, s4  }
0xd: {  	s8 =	sshrl.u32 s23, $0x1;
	s7 =	sadd.s32 s4, s0;
	s9 =	smul.u32 $0x300, s4  }
0xe: {  	s6 =	ssub.s32 s23, s8;
	s4 =	sadd.s32 $0x2D00, s0;
	s8 =	simm.s32 $0x80  }
0xf: {  	s23 =	simm.s32 $0x8080;
	s24 =	sadd.s32 $0x33200, s7;
	s6 =	smax.u32 s6, $0x1  }
0x10: {  	v2 =	vlaneseq.u32;
	s7 =	simm.s32 $0x2;
	[dreg:$0x3] =	wrdreg s24;
	s25 =	sadd.s32 s5, s9  }
0x11: {  	vm0 =	vmmov $0xffff;
	v1 =	vshrl.u32 v2, $0x3;
	s5 =	sadd.s32 $0x2E00, s0;
	s9 =	simm.s32 $0x1080;
	s24 =	simm.s32 $0x8880  }
0x12: {  	v0 =	vand.u32 $0x7, v2;
	v2 =	vor.u32 $0x8, v2;
	v1 =	vmul.u32 $0x8, v1;
	s0 =	simm.s32 $0x1;
	[dreg:$0x4] =	wrdreg s25;
	s25 =	simm.s32 $0x9080  }
.LBB2_1:
0x13: {  	s1 =	rddreg [dreg:$0x3]  }
0x14: {  	[tilespmem:s2], [sflag:$0x2] =	stream.linear.gather [hbm4b:s1+s2], $0x40, $0x38;
	[tilespmem:$0xC080] =	vst v63  }
0x15: {  	_ =	swait.ge [sflag:s7], $0x40  }
0x16: {  	[sflag:s7] =	ssyncset.done $0x0  }
0x17: {  	[sflag:s7] =	ssyncadd.s32 $0xFFFFFFC0  }
0x18: {  	v3 =	vld [tilespmem:$0x0];
	_ =	sdelay $0x4  }
0x19: {  	v4 =	vshrl.u32 v3, $0x3  }
0x1a: {  	v4 =	vmul.u32 $0x30, v4  }
0x1b: {  	v3 =	vand.u32 $0x7, v3  }
0x1c: {  	v3 =	vor.u32 v3, v4  }
0x1d: {  	v4 =	vperm.xlane v3, v0;
	_ =	sdelay $0x1  }
0x1e: {  	v4 =	vadd.s32 v1, v4;
	_ =	sdelay $0x3  }
0x1f: {  	v3 =	vperm.xlane v3, v2  }
0x20: {  	[tilespmem:s8], [sflag:$0x1] =	stream.indirect_vreg.gather [hbm4b:s3+s2], $0x80, v4, vm0, $0xb8;
	[tilespmem:$0xC080] =	vst v63  }
0x21: {  	s1 =	rddreg [dreg:$0x5];
	v3 =	vadd.s32 v1, v3  }
0x22: {  	[tilespmem:s1], [sflag:$0x1] =	stream.indirect_vreg.gather [hbm4b:s4+s2], $0x80, v4, vm0, $0xb8;
	[tilespmem:$0xC080] =	vst v63  }
0x23: {  	_ = 	snop  }
0x24: {  	[tilespmem:s9], [sflag:$0x1] =	stream.indirect_vreg.gather [hbm4b:s5+s2], $0x80, v4, vm0, $0xb8;
	[tilespmem:$0xC080] =	vst v63  }
0x25: {  	_ = 	snop  }
0x26: {  	[tilespmem:s10], [sflag:$0x1] =	stream.indirect_vreg.gather [hbm4b:s3+s2], $0x80, v3, vm0, $0xb8;
	[tilespmem:$0xC080] =	vst v63  }
0x27: {  	_ = 	snop  }
0x28: {  	[tilespmem:s11], [sflag:$0x1] =	stream.indirect_vreg.gather [hbm4b:s4+s2], $0x80, v3, vm0, $0xb8;
	[tilespmem:$0xC080] =	vst v63  }
0x29: {  	_ = 	snop  }
0x2a: {  	[tilespmem:s12], [sflag:$0x1] =	stream.indirect_vreg.gather [hbm4b:s5+s2], $0x80, v3, vm0, $0xb8;
	[tilespmem:$0xC080] =	vst v63  }
0x2b: {  	v3 =	vld [tilespmem:$0x10];
	_ =	sdelay $0x4  }
0x2c: {  	v61 =	vshrl.u32 v3, $0x3  }
0x2d: {  	v4 =	vmul.u32 $0x30, v61  }
0x2e: {  	v3 =	vand.u32 $0x7, v3  }
0x2f: {  	v3 =	vor.u32 v3, v4  }
0x30: {  	v4 =	vperm.xlane v3, v0;
	_ =	sdelay $0x1  }
0x31: {  	v4 =	vadd.s32 v1, v4;
	_ =	sdelay $0x3  }
0x32: {  	v3 =	vperm.xlane v3, v2  }
0x33: {  	[tilespmem:s13], [sflag:$0x1] =	stream.indirect_vreg.gather [hbm4b:s3+s2], $0x80, v4, vm0, $0xb8;
	[tilespmem:$0xC080] =	vst v63  }
0x34: {  	v3 =	vadd.s32 v1, v3  }
0x35: {  	[tilespmem:s14], [sflag:$0x1] =	stream.indirect_vreg.gather [hbm4b:s4+s2], $0x80, v4, vm0, $0xb8;
	[tilespmem:$0xC080] =	vst v63  }
0x36: {  	_ = 	snop  }
0x37: {  	[tilespmem:s15], [sflag:$0x1] =	stream.indirect_vreg.gather [hbm4b:s5+s2], $0x80, v4, vm0, $0xb8;
	[tilespmem:$0xC080] =	vst v63  }
0x38: {  	_ = 	snop  }
0x39: {  	[tilespmem:s16], [sflag:$0x1] =	stream.indirect_vreg.gather [hbm4b:s3+s2], $0x80, v3, vm0, $0xb8;
	[tilespmem:$0xC080] =	vst v63  }
0x3a: {  	_ = 	snop  }
0x3b: {  	[tilespmem:s17], [sflag:$0x1] =	stream.indirect_vreg.gather [hbm4b:s4+s2], $0x80, v3, vm0, $0xb8;
	[tilespmem:$0xC080] =	vst v63  }
0x3c: {  	_ = 	snop  }
0x3d: {  	[tilespmem:s18], [sflag:$0x1] =	stream.indirect_vreg.gather [hbm4b:s5+s2], $0x80, v3, vm0, $0xb8;
	[tilespmem:$0xC080] =	vst v63  }
0x3e: {  	v3 =	vld [tilespmem:$0x20];
	_ =	sdelay $0x4  }
0x3f: {  	v62 =	vshrl.u32 v3, $0x3  }
0x40: {  	v4 =	vmul.u32 $0x30, v62  }
0x41: {  	v3 =	vand.u32 $0x7, v3  }
0x42: {  	v3 =	vor.u32 v3, v4  }
0x43: {  	v4 =	vperm.xlane v3, v0;
	_ =	sdelay $0x1  }
0x44: {  	v4 =	vadd.s32 v1, v4;
	_ =	sdelay $0x3  }
0x45: {  	v3 =	vperm.xlane v3, v2  }
0x46: {  	[tilespmem:s19], [sflag:$0x1] =	stream.indirect_vreg.gather [hbm4b:s3+s2], $0x80, v4, vm0, $0xb8;
	[tilespmem:$0xC080] =	vst v63  }
0x47: {  	v3 =	vadd.s32 v1, v3  }
0x48: {  	[tilespmem:s20], [sflag:$0x1] =	stream.indirect_vreg.gather [hbm4b:s4+s2], $0x80, v4, vm0, $0xb8;
	[tilespmem:$0xC080] =	vst v63  }
0x49: {  	_ = 	snop  }
0x4a: {  	[tilespmem:s21], [sflag:$0x1] =	stream.indirect_vreg.gather [hbm4b:s5+s2], $0x80, v4, vm0, $0xb8;
	[tilespmem:$0xC080] =	vst v63  }
0x4b: {  	_ = 	snop  }
0x4c: {  	[tilespmem:s22], [sflag:$0x1] =	stream.indirect_vreg.gather [hbm4b:s3+s2], $0x80, v3, vm0, $0xb8;
	[tilespmem:$0xC080] =	vst v63  }
0x4d: {  	_ = 	snop  }
0x4e: {  	[tilespmem:s23], [sflag:$0x1] =	stream.indirect_vreg.gather [hbm4b:s4+s2], $0x80, v3, vm0, $0xb8;
	[tilespmem:$0xC080] =	vst v63  }
0x4f: {  	_ = 	snop  }
0x50: {  	[tilespmem:s24], [sflag:$0x1] =	stream.indirect_vreg.gather [hbm4b:s5+s2], $0x80, v3, vm0, $0xb8;
	[tilespmem:$0xC080] =	vst v63  }
0x51: {  	v3 =	vld [tilespmem:$0x30];
	_ =	sdelay $0x4  }
0x52: {  	v63 =	vshrl.u32 v3, $0x3  }
0x53: {  	v4 =	vmul.u32 $0x30, v63  }
0x54: {  	v3 =	vand.u32 $0x7, v3  }
0x55: {  	v3 =	vor.u32 v3, v4  }
0x56: {  	v4 =	vperm.xlane v3, v0;
	_ =	sdelay $0x1  }
0x57: {  	v4 =	vadd.s32 v1, v4;
	_ =	sdelay $0x3  }
0x58: {  	v3 =	vperm.xlane v3, v2  }
0x59: {  	[tilespmem:s25], [sflag:$0x1] =	stream.indirect_vreg.gather [hbm4b:s3+s2], $0x80, v4, vm0, $0xb8;
	[tilespmem:$0xC080] =	vst v63  }
0x5a: {  	v3 =	vadd.s32 v1, v3  }
0x5b: {  	[tilespmem:s26], [sflag:$0x1] =	stream.indirect_vreg.gather [hbm4b:s4+s2], $0x80, v4, vm0, $0xb8;
	[tilespmem:$0xC080] =	vst v63  }
0x5c: {  	_ = 	snop  }
0x5d: {  	[tilespmem:s28], [sflag:$0x1] =	stream.indirect_vreg.gather [hbm4b:s5+s2], $0x80, v4, vm0, $0xb8;
	[tilespmem:$0xC080] =	vst v63  }
0x5e: {  	_ = 	snop  }
0x5f: {  	[tilespmem:s29], [sflag:$0x1] =	stream.indirect_vreg.gather [hbm4b:s3+s2], $0x80, v3, vm0, $0xb8;
	[tilespmem:$0xC080] =	vst v63  }
0x60: {  	_ = 	snop  }
0x61: {  	[tilespmem:s30], [sflag:$0x1] =	stream.indirect_vreg.gather [hbm4b:s4+s2], $0x80, v3, vm0, $0xb8;
	[tilespmem:$0xC080] =	vst v63  }
0x62: {  	_ = 	snop  }
0x63: {  	[tilespmem:s31], [sflag:$0x1] =	stream.indirect_vreg.gather [hbm4b:s5+s2], $0x80, v3, vm0, $0xb8;
	[tilespmem:$0xC080] =	vst v63  }
0x64: {  	_ =	swait.ge [sflag:s0], $0xC000  }
0x65: {  	p0 =	sne.s32 s6, $0x1;
	[sflag:s0] =	ssyncset.done $0x0  }
.Ltmp0:
0x66: {  	s1 =	rddreg [dreg:$0x4];
	[sflag:s0] =	ssyncadd.s32 $0xFFFF4000;
	(pc) =	sbr.rel @p0 .LBB2_1-.Ltmp0, $4  }
0x67: {  	[hbm4b:s1+s2] =	stream.linear.scatter [tilespmem:s8], [sflag:$0x2], $0xC000, $0x38;
	[tilespmem:$0xC080] =	vst v63  }
0x68: {  	_ =	swait.ge [sflag:s7], $0xC000  }
0x69: {  	[sflag:s7] =	ssyncset.done $0x0  }
0x6a: {  	s6 =	sadd.s32 $0xFFFFFFFF, s6;
	[sflag:s7] =	ssyncadd.s32 $0xFFFF4000  }
0x6b: {  	_ =	sfence.sel $0x180000  }
0x6c: {  	[bflag:$0x0] =	sbarrier.arrive $0xFFFF  }
0x6d: {  	_ =	strace $0x9000004D  }
0x6e: {  	s0 =	stileid.u32;
	[bflag:$0x2] =	sbarrier.arrive $0xFFFF  }
0x6f: {  	p0 =	sne.s32 s0, $0x0;
	s0 =	rddreg [dreg:$0x2]  }
0x70: {  	s0 =	sadd.s32 @!p0 $0x100000, s0  }
0x71: {  	[sflag:s0] =	ssyncadd.tile.s32 @!p0 $0x1;
	_ =	shalt  }
.Lfunc_end2:
_tile_overlayer_lowered:
.L_overlay_start_2:
0x72: {  	(tag) =	ssettag $0x2  }
0x73: {  	s0 =	rddreg [dreg:$0x0];
	s2 =	stileid.u32  }
0x74: {  	s1 =	rddreg [dreg:$0x1];
	p0 =	sne.s32 s2, $0x0  }
0x75: {  	s3 =	rddreg [dreg:$0x2];
	[bflag:$0x3] =	sbarrier.arrive $0xFFFF;
	s2 =	simm.s32 @!p0 $0x1C02  }
0x76: {  	[timem:s3], [sflag:s2] =	dma.local @!p0 [hbm:s0], s1  }
0x77: {  	s0 =	simm.s32 @!p0 $0x2  }
0x78: {  	_ =	swait.ge @!p0 [sflag:s0], s1  }
0x79: {  	s1 =	ssub.s32 @!p0 $0x0, s1;
	[sflag:s0] =	ssyncset.done @!p0 $0x0  }
0x7a: {  	[sflag:s0] =	ssyncadd.s32 @!p0 s1  }
0x7b: {  	[bflag:$0x3] =	sbarrier.arrive $0xFFFF  }
0x7c: {  	_ =	shalt  }

</sc_bundles>
